<compile_context>
chip_gen: v7x
topology: tpu7x:2x2x1
jax: 0.10.2.dev20260603
libtpu: 0.0.44.dev20260713+nightly
codegen_flags: <defaults>
</compile_context>

<pallas_src>
import functools

import jax
import jax.numpy as jnp
from jax import lax
from jax.experimental import pallas as pl
from jax.experimental.pallas import tpu as pltpu
from jax.experimental.pallas import tpu_sc as plsc

N = 10000
E = 320000
DIN = 128
HID = 8
HEADS = 8
OUT = 16
G = 64

C = 64
NCHUNK = E // C
NW = 32
KMAX = (NCHUNK + NW - 1) // NW
RPT = 624
RPT_LAST = N - 15 * RPT


def _tile_rows_copy(sid, src_at, dst_at):
    @pl.when(sid < 15)
    def _():
        pltpu.sync_copy(src_at(sid * RPT, RPT), dst_at(sid * RPT, RPT))

    @pl.when(sid == 15)
    def _():
        pltpu.sync_copy(src_at(15 * RPT, RPT_LAST), dst_at(15 * RPT, RPT_LAST))

_f32 = jnp.float32



def _sc_body_wide(src_h, dst_h, hs_h, ed_h, out_h,
                  is0, is1, id0, id1, ic0, ic1, rows0, rows1, edr0, edr1,
                  outr0, outr1, si0, si1, sg0, sg1, ss0, ss1, acc_sh):
    cid = lax.axis_index("c")
    sid = lax.axis_index("s")
    wid = sid * 2 + cid

    isv = (is0, is1)
    idv = (id0, id1)
    idsc = (ic0, ic1)
    rows = (rows0, rows1)
    edr = (edr0, edr1)
    outr = (outr0, outr1)
    si = (si0, si1)
    ss = (ss0, ss1)

    def zrow(r, c):
        for q in range(8):
            outr0[r, pl.ds(16 * q, 16)] = jnp.zeros((16,), _f32)
        return c

    lax.fori_loop(0, C, zrow, 0)

    @pl.when(sid < 15)
    def _():
        for j in range(RPT // C):
            pltpu.sync_copy(outr0, acc_sh.at[pl.ds(sid * RPT + C * j, C)])
        rem = RPT % C
        pltpu.sync_copy(outr0.at[pl.ds(0, rem)],
                        acc_sh.at[pl.ds(sid * RPT + RPT - rem, rem)])

    @pl.when(sid == 15)
    def _():
        for j in range(RPT_LAST // C):
            pltpu.sync_copy(outr0, acc_sh.at[pl.ds(15 * RPT + C * j, C)])

    plsc.subcore_barrier()

    def cbase(k):
        return jnp.minimum(wid + NW * k, NCHUNK - 1) * C

    def fire_idx(k, b):
        base = cbase(k)
        pltpu.async_copy(src_h.at[pl.ds(base, C)], isv[b], si[b])
        pltpu.async_copy(dst_h.at[pl.ds(base, C)], idv[b], si[b])

    def wait_idx(b):
        pltpu.make_async_copy(src_h.at[pl.ds(0, C)], isv[b], si[b]).wait()
        pltpu.make_async_copy(dst_h.at[pl.ds(0, C)], idv[b], si[b]).wait()

    def wait_scat(b):
        pltpu.make_async_copy(outr[b], acc_sh.at[idsc[b]], ss[b]).wait()

    fire_idx(0, 0)
    fire_idx(1, 1)
    wait_idx(0)
    g1 = pltpu.async_copy(hs_h.at[is0], rows0, sg0)
    g2 = pltpu.async_copy(ed_h.at[id0], edr0, sg0)
    g1.wait()
    g2.wait()

    def half(k, b):
        bn = 1 - b

        @pl.when(k < KMAX)
        def _():
            wait_idx(bn)
            cg1 = pltpu.async_copy(hs_h.at[isv[bn]], rows[bn], sg1 if bn else sg0)
            cg2 = pltpu.async_copy(ed_h.at[idv[bn]], edr[bn], sg1 if bn else sg0)

            @pl.when(k >= 2)
            def _():
                wait_scat(b)

            def edge(e, c2):
                for blk in range(4):
                    ev = (rows[b][e, pl.ds(64 + 16 * blk, 16)]
                          + edr[b][e, pl.ds(16 * blk, 16)])
                    p = jnp.exp(jnp.maximum(ev, 0.2 * ev))
                    outr[b][e, pl.ds(16 * blk, 16)] = (
                        rows[b][e, pl.ds(16 * blk, 16)] * p)
                    outr[b][e, pl.ds(64 + 16 * blk, 16)] = p
                return c2

            lax.fori_loop(0, C, edge, 0)

            for q in range(C // 16):
                idsc[b][pl.ds(16 * q, 16)] = idv[b][pl.ds(16 * q, 16)]

            @pl.when(wid + NW * k < NCHUNK)
            def _():
                pltpu.async_copy(outr[b], acc_sh.at[idsc[b]], ss[b], add=True)

            @pl.when(k < KMAX - 1)
            def _():
                fire_idx(k + 2, b)

            cg1.wait()
            cg2.wait()

    def pair(k2, carry):
        half(2 * k2, 0)
        half(2 * k2 + 1, 1)
        return carry

    lax.fori_loop(0, (KMAX + 1) // 2, pair, 0)
    wait_scat((KMAX - 2) % 2)

    @pl.when(wid + NW * (KMAX - 1) < NCHUNK)
    def _():
        wait_scat((KMAX - 1) % 2)

    plsc.subcore_barrier()
    _tile_rows_copy(sid,
                    lambda o, n: acc_sh.at[pl.ds(o, n)],
                    lambda o, n: out_h.at[pl.ds(cid * N + o, n)])


def _make_sc_edge(width_hs, width_ed, body):
    mesh = plsc.VectorSubcoreMesh(core_axis_name="c", subcore_axis_name="s")
    return pl.kernel(
        body,
        out_type=jax.ShapeDtypeStruct((2 * N, width_hs), _f32),
        mesh=mesh,
        scratch_types=(
            [pltpu.VMEM((C,), jnp.int32)] * 6
            + [pltpu.VMEM((C, width_hs), _f32)] * 2
            + [pltpu.VMEM((C, width_ed), _f32)] * 2
            + [pltpu.VMEM((C, width_hs), _f32)] * 2
            + [pltpu.SemaphoreType.DMA] * 6
            + [pltpu.VMEM_SHARED((N, width_hs), _f32)]
        ),
    )


@functools.lru_cache(maxsize=None)
def _sc_kernel():
    return _make_sc_edge(128, 128, _sc_body_wide)



def _t1_body(x_ref, w_ref, hs_ref, ed_ref):
    y = jnp.dot(x_ref[...], w_ref[...], preferred_element_type=_f32)
    hs_ref[...] = y[:, :128]
    ed_ref[...] = y[:, 128:256]


def _t2_body(a0_ref, a1_ref, b_ref, w_ref, hs_ref, ed_ref):
    s = a0_ref[...] + a1_ref[...]
    g = s[:, :64] / (s[:, 64:128] + 1e-16) + b_ref[...]
    g = jnp.where(g > 0, g, jnp.exp(jnp.minimum(g, 0.0)) - 1.0)
    y = jnp.dot(g, w_ref[...], preferred_element_type=_f32)
    hs_ref[...] = y[:, :128]
    ed_ref[...] = y[:, 128:256]


def _t4_body(a0_ref, a1_ref, batch_ref, b3_ref, wc_ref, bc_ref, out_ref):
    s = a0_ref[...] + a1_ref[...]
    h = s[:, :8] / (s[:, 64:72] + 1e-16) + b3_ref[...]
    gid = lax.broadcasted_iota(jnp.int32, (N, G), 1)
    oh = (batch_ref[...] == gid).astype(_f32)
    sums = lax.dot_general(oh, h, (((0,), (0,)), ((), ())),
                           preferred_element_type=_f32)
    ones = jnp.ones((N, 1), _f32)
    cnt = lax.dot_general(oh, ones, (((0,), (0,)), ((), ())),
                          preferred_element_type=_f32)
    pooled = sums / jnp.maximum(cnt, 1.0)
    logits = jnp.dot(pooled, wc_ref[...], preferred_element_type=_f32) + bc_ref[...]
    mx = jnp.max(logits, axis=1, keepdims=True)
    lse = mx + jnp.log(jnp.sum(jnp.exp(logits - mx), axis=1, keepdims=True))
    out_ref[...] = logits - lse


_RB = 1000
_NB = N // _RB


def _full(shape):
    return pl.BlockSpec(shape, lambda i: tuple(0 for _ in shape))


def _rows(width):
    return pl.BlockSpec((_RB, width), lambda i: (i, 0))


_pair_out = dict(
    out_specs=[_rows(128), _rows(128)],
    out_shape=[jax.ShapeDtypeStruct((N, 128), _f32),
               jax.ShapeDtypeStruct((N, 128), _f32)],
)

_t1 = pl.pallas_call(
    _t1_body,
    grid=(_NB,),
    in_specs=[_rows(128), _full((128, 256))],
    **_pair_out,
)

_rows_hi = pl.BlockSpec((_RB, 128), lambda i: (i + _NB, 0))

_t2 = pl.pallas_call(
    _t2_body,
    grid=(_NB,),
    in_specs=[_rows(128), _rows_hi, _full((1, 64)), _full((64, 256))],
    **_pair_out,
)

_t4 = pl.pallas_call(
    _t4_body,
    grid=(1,),
    in_specs=[pl.BlockSpec((N, 128), lambda i: (0, 0)),
              pl.BlockSpec((N, 128), lambda i: (1, 0)),
              _full((N, 1)),
              _full((1, 8)), _full((8, 16)), _full((1, 16))],
    out_specs=_full((G, OUT)),
    out_shape=jax.ShapeDtypeStruct((G, OUT), _f32),
)



def _compact_mat(a):
    hh = a.shape[0] * a.shape[1]
    hid = a.shape[1]
    ii = jnp.arange(hh)
    jj = jnp.arange(a.shape[0])
    mask = (ii[:, None] // hid) == jj[None, :]
    return mask.astype(_f32) * a.reshape(hh)[:, None]


def _expand_mat(a):
    hh = a.shape[0] * a.shape[1]
    hid = a.shape[1]
    ii = jnp.arange(hh)
    mask = (ii[:, None] // hid) == (ii[None, :] // hid)
    return mask.astype(_f32) * a.reshape(hh)[:, None]


def kernel(x, edge_index, batch, W1, a_s1, a_d1, b1, W2, a_s2, a_d2, b2,
           W3, a_s3, a_d3, b3, Wc, bc):
    src = edge_index[0]
    dst = edge_index[1]

    z64 = jnp.zeros((64, 64), _f32)
    w1c = jnp.concatenate(
        [W1, W1 @ _expand_mat(a_s1), W1 @ _expand_mat(a_d1),
         jnp.zeros((DIN, 64), _f32)], axis=1)
    w2c = jnp.concatenate(
        [W2, W2 @ _expand_mat(a_s2), W2 @ _expand_mat(a_d2), z64], axis=1)
    es3 = a_s3.reshape(HID, 1) @ jnp.ones((1, 64), _f32)
    ed3 = a_d3.reshape(HID, 1) @ jnp.ones((1, 64), _f32)
    w3c = jnp.concatenate(
        [jnp.tile(W3, (1, HEADS)), W3 @ es3, W3 @ ed3, z64], axis=1)

    sc_edge = _sc_kernel()

    hs1, ed1 = _t1(x, w1c)
    acc1 = sc_edge(src, dst, hs1, ed1)
    hs2, ed2 = _t2(acc1, acc1, b1.reshape(1, 64), w2c)
    acc2 = sc_edge(src, dst, hs2, ed2)
    hs3, ed3t = _t2(acc2, acc2, b2.reshape(1, 64), w3c)
    acc3 = sc_edge(src, dst, hs3, ed3t)
    out = _t4(acc3, acc3, batch.reshape(N, 1), b3.reshape(1, 8),
              Wc, bc.reshape(1, OUT))
    return out

# --- scband reference (transcript-rebuilt; emitter-appended) ---
"""Pipeline reference for scband-fe-gan-77292231458959 (READ-ONLY COPY).

The authoritative reference and input builder live on the scoring server;
editing this copy changes nothing except your own understanding.
"""

import jax, jax.numpy as jnp
import numpy as np

N = 10000
E = 320000
DIN = 128
HID = 8
HEADS = 8
OUT = 16
G = 64


def setup_inputs(seed: int = 0) -> dict:
    key = jax.random.key(seed)
    ks = jax.random.split(key, 20)
    s = 0.1
    inp = {}
    inp["x"] = jax.random.normal(ks[0], (N, DIN), dtype=jnp.float32)
    inp["edge_index"] = jax.random.randint(ks[1], (2, E), 0, N, dtype=jnp.int32)
    inp["batch"] = jnp.sort(jax.random.randint(ks[2], (N,), 0, G, dtype=jnp.int32))
    # GAT layer 1: in=128 -> heads=8, out=8, concat -> 64
    inp["W1"] = jax.random.normal(ks[3], (DIN, HEADS * HID), dtype=jnp.float32) * s
    inp["a_s1"] = jax.random.normal(ks[4], (HEADS, HID), dtype=jnp.float32) * s
    inp["a_d1"] = jax.random.normal(ks[5], (HEADS, HID), dtype=jnp.float32) * s
    inp["b1"] = jnp.zeros((HEADS * HID,), dtype=jnp.float32)
    # GAT layer 2: in=64 -> heads=8, out=8, concat -> 64
    inp["W2"] = jax.random.normal(ks[6], (HEADS * HID, HEADS * HID), dtype=jnp.float32) * s
    inp["a_s2"] = jax.random.normal(ks[7], (HEADS, HID), dtype=jnp.float32) * s
    inp["a_d2"] = jax.random.normal(ks[8], (HEADS, HID), dtype=jnp.float32) * s
    inp["b2"] = jnp.zeros((HEADS * HID,), dtype=jnp.float32)
    # GAT layer 3: in=64 -> heads=1, out=8, no concat (mean) -> 8
    inp["W3"] = jax.random.normal(ks[9], (HEADS * HID, 1 * HID), dtype=jnp.float32) * s
    inp["a_s3"] = jax.random.normal(ks[10], (1, HID), dtype=jnp.float32) * s
    inp["a_d3"] = jax.random.normal(ks[11], (1, HID), dtype=jnp.float32) * s
    inp["b3"] = jnp.zeros((HID,), dtype=jnp.float32)
    # classifier: 8 -> 16
    inp["Wc"] = jax.random.normal(ks[12], (HID, OUT), dtype=jnp.float32) * s
    inp["bc"] = jnp.zeros((OUT,), dtype=jnp.float32)
    return inp


def _gat(x, src, dst, W, a_s, a_d, b, heads, out_dim, concat):
    n = x.shape[0]
    h = (x @ W).reshape(n, heads, out_dim)
    e_src = jnp.sum(h * a_s, axis=-1)  # [n, heads]
    e_dst = jnp.sum(h * a_d, axis=-1)  # [n, heads]
    e = jax.nn.leaky_relu(e_src[src] + e_dst[dst], 0.2)  # [E, heads]
    m = jax.lax.stop_gradient(jax.ops.segment_max(e, dst, num_segments=n))
    m = jnp.where(jnp.isfinite(m), m, 0.0)
    p = jnp.exp(e - m[dst])
    den = jax.ops.segment_sum(p, dst, num_segments=n)
    alpha = p / (den[dst] + 1e-16)  # softmax over incoming edges per dst
    msg = h[src] * alpha[:, :, None]
    out = jax.ops.segment_sum(msg, dst, num_segments=n)
    if concat:
        out = out.reshape(n, heads * out_dim)
    else:
        out = jnp.mean(out, axis=1)
    return out + b


def reference(x, edge_index, batch, W1, a_s1, a_d1, b1, W2, a_s2, a_d2, b2, W3, a_s3, a_d3, b3, Wc, bc):
    # eval mode: dropout layers are identity
    src = edge_index[0]
    dst = edge_index[1]
    h = jax.nn.elu(_gat(x, src, dst, W1, a_s1, a_d1, b1, HEADS, HID, True))
    h = jax.nn.elu(_gat(h, src, dst, W2, a_s2, a_d2, b2, HEADS, HID, True))
    h = _gat(h, src, dst, W3, a_s3, a_d3, b3, 1, HID, False)
    # global mean pool over graphs
    sums = jax.ops.segment_sum(h, batch, num_segments=G)
    cnt = jax.ops.segment_sum(jnp.ones((h.shape[0], 1), dtype=h.dtype), batch, num_segments=G)
    pooled = sums / jnp.maximum(cnt, 1.0)
    logits = pooled @ Wc + bc
    return jax.nn.log_softmax(logits, axis=1)

if __name__ == "__main__":
    import jax
    _d = setup_inputs()
    print(jax.jit(kernel)(*tuple(_d.values())))

</pallas_src>

<mosaic_0001>
#map = affine_map<(d0, d1) -> (0)>
#map1 = affine_map<(d0, d1) -> (0, 0)>
module attributes {stable_mosaic.version = 14 : i64} {
  func.func @_sc_body_wide(%arg0: i32, %arg1: i32, %arg2: memref<320000xi32, #tpu.memory_space<hbm>>, %arg3: memref<320000xi32, #tpu.memory_space<hbm>>, %arg4: memref<10000x128xf32, #tpu.memory_space<hbm>>, %arg5: memref<10000x128xf32, #tpu.memory_space<hbm>>, %arg6: memref<20000x128xf32, #tpu.memory_space<hbm>>, %arg7: memref<64xi32, #tpu.memory_space<vmem>>, %arg8: memref<64xi32, #tpu.memory_space<vmem>>, %arg9: memref<64xi32, #tpu.memory_space<vmem>>, %arg10: memref<64xi32, #tpu.memory_space<vmem>>, %arg11: memref<64xi32, #tpu.memory_space<vmem>>, %arg12: memref<64xi32, #tpu.memory_space<vmem>>, %arg13: memref<64x128xf32, #tpu.memory_space<vmem>>, %arg14: memref<64x128xf32, #tpu.memory_space<vmem>>, %arg15: memref<64x128xf32, #tpu.memory_space<vmem>>, %arg16: memref<64x128xf32, #tpu.memory_space<vmem>>, %arg17: memref<64x128xf32, #tpu.memory_space<vmem>>, %arg18: memref<64x128xf32, #tpu.memory_space<vmem>>, %arg19: memref<!tpu.dma_semaphore, #tpu.memory_space<semaphore_mem>>, %arg20: memref<!tpu.dma_semaphore, #tpu.memory_space<semaphore_mem>>, %arg21: memref<!tpu.dma_semaphore, #tpu.memory_space<semaphore_mem>>, %arg22: memref<!tpu.dma_semaphore, #tpu.memory_space<semaphore_mem>>, %arg23: memref<!tpu.dma_semaphore, #tpu.memory_space<semaphore_mem>>, %arg24: memref<!tpu.dma_semaphore, #tpu.memory_space<semaphore_mem>>, %arg25: memref<10000x128xf32, #tpu.memory_space<vmem_shared>>) attributes {dimension_semantics = [#tpu.dimension_semantics<core_parallel>, #tpu.dimension_semantics<subcore_parallel>], iteration_bounds = array<i64: 2, 16>, scalar_prefetch = 0 : i64, scratch_operands = 19 : i64, tpu.core_type = #tpu.core_type<sc_vector_subcore>, window_params = [{transform_indices = #map}, {transform_indices = #map}, {transform_indices = #map1}, {transform_indices = #map1}, {transform_indices = #map1}]} {
    %mul3A = arith.constant 2 : i32
    %mul3A_0 = arith.muli %arg1, %mul3A : i32
    %add3A = arith.addi %mul3A_0, %arg0 : i32
    %scan3A = arith.constant 0 : i32
    %scan3A_1 = arith.constant 0 : i32
    %scan3A_2 = arith.constant 64 : i32
    %scan3A_3 = arith.addi %scan3A_1, %scan3A_2 : i32
    %scan3A_4 = arith.constant 1 : i32
    scf.for %scan3A_76 = %scan3A_1 to %scan3A_3 step %scan3A_4  : i32 {
      %broadcast_in_dim3A = arith.constant 0.000000e+00 : f32
      %broadcast_in_dim3A_77 = vector.broadcast %broadcast_in_dim3A : f32 to vector<16xf32>
      %swap3A = arith.index_cast %scan3A_76 : i32 to index
      %swap3A_78 = arith.constant 0 : index
      %swap3A_79 = tpu.vector_load %arg17[%swap3A, %swap3A_78] {strides = array<i32>} : memref<64x128xf32, #tpu.memory_space<vmem>>, vector<1x16xf32>,
      %swap3A_80 = vector.shape_cast %swap3A_79 : vector<1x16xf32> to vector<16xf32>
      %swap3A_81 = vector.shape_cast %broadcast_in_dim3A_77 : vector<16xf32> to vector<1x16xf32>
      tpu.vector_store %arg17[%swap3A, %swap3A_78], %swap3A_81 {strides = array<i32>} : memref<64x128xf32, #tpu.memory_space<vmem>>, vector<1x16xf32>,
      %broadcast_in_dim3A_82 = arith.constant 0.000000e+00 : f32
      %broadcast_in_dim3A_83 = vector.broadcast %broadcast_in_dim3A_82 : f32 to vector<16xf32>
      %swap3A_84 = arith.index_cast %scan3A_76 : i32 to index
      %swap3A_85 = arith.constant 16 : index
      %swap3A_86 = tpu.vector_load %arg17[%swap3A_84, %swap3A_85] {strides = array<i32>} : memref<64x128xf32, #tpu.memory_space<vmem>>, vector<1x16xf32>,
      %swap3A_87 = vector.shape_cast %swap3A_86 : vector<1x16xf32> to vector<16xf32>
      %swap3A_88 = vector.shape_cast %broadcast_in_dim3A_83 : vector<16xf32> to vector<1x16xf32>
      tpu.vector_store %arg17[%swap3A_84, %swap3A_85], %swap3A_88 {strides = array<i32>} : memref<64x128xf32, #tpu.memory_space<vmem>>, vector<1x16xf32>,
      %broadcast_in_dim3A_89 = arith.constant 0.000000e+00 : f32
      %broadcast_in_dim3A_90 = vector.broadcast %broadcast_in_dim3A_89 : f32 to vector<16xf32>
      %swap3A_91 = arith.index_cast %scan3A_76 : i32 to index
      %swap3A_92 = arith.constant 32 : index
      %swap3A_93 = tpu.vector_load %arg17[%swap3A_91, %swap3A_92] {strides = array<i32>} : memref<64x128xf32, #tpu.memory_space<vmem>>, vector<1x16xf32>,
      %swap3A_94 = vector.shape_cast %swap3A_93 : vector<1x16xf32> to vector<16xf32>
      %swap3A_95 = vector.shape_cast %broadcast_in_dim3A_90 : vector<16xf32> to vector<1x16xf32>
      tpu.vector_store %arg17[%swap3A_91, %swap3A_92], %swap3A_95 {strides = array<i32>} : memref<64x128xf32, #tpu.memory_space<vmem>>, vector<1x16xf32>,
      %broadcast_in_dim3A_96 = arith.constant 0.000000e+00 : f32
      %broadcast_in_dim3A_97 = vector.broadcast %broadcast_in_dim3A_96 : f32 to vector<16xf32>
      %swap3A_98 = arith.index_cast %scan3A_76 : i32 to index
      %swap3A_99 = arith.constant 48 : index
      %swap3A_100 = tpu.vector_load %arg17[%swap3A_98, %swap3A_99] {strides = array<i32>} : memref<64x128xf32, #tpu.memory_space<vmem>>, vector<1x16xf32>,
      %swap3A_101 = vector.shape_cast %swap3A_100 : vector<1x16xf32> to vector<16xf32>
      %swap3A_102 = vector.shape_cast %broadcast_in_dim3A_97 : vector<16xf32> to vector<1x16xf32>
      tpu.vector_store %arg17[%swap3A_98, %swap3A_99], %swap3A_102 {strides = array<i32>} : memref<64x128xf32, #tpu.memory_space<vmem>>, vector<1x16xf32>,
      %broadcast_in_dim3A_103 = arith.constant 0.000000e+00 : f32
      %broadcast_in_dim3A_104 = vector.broadcast %broadcast_in_dim3A_103 : f32 to vector<16xf32>
      %swap3A_105 = arith.index_cast %scan3A_76 : i32 to index
      %swap3A_106 = arith.constant 64 : index
      %swap3A_107 = tpu.vector_load %arg17[%swap3A_105, %swap3A_106] {strides = array<i32>} : memref<64x128xf32, #tpu.memory_space<vmem>>, vector<1x16xf32>,
      %swap3A_108 = vector.shape_cast %swap3A_107 : vector<1x16xf32> to vector<16xf32>
      %swap3A_109 = vector.shape_cast %broadcast_in_dim3A_104 : vector<16xf32> to vector<1x16xf32>
      tpu.vector_store %arg17[%swap3A_105, %swap3A_106], %swap3A_109 {strides = array<i32>} : memref<64x128xf32, #tpu.memory_space<vmem>>, vector<1x16xf32>,
      %broadcast_in_dim3A_110 = arith.constant 0.000000e+00 : f32
      %broadcast_in_dim3A_111 = vector.broadcast %broadcast_in_dim3A_110 : f32 to vector<16xf32>
      %swap3A_112 = arith.index_cast %scan3A_76 : i32 to index
      %swap3A_113 = arith.constant 80 : index
      %swap3A_114 = tpu.vector_load %arg17[%swap3A_112, %swap3A_113] {strides = array<i32>} : memref<64x128xf32, #tpu.memory_space<vmem>>, vector<1x16xf32>,
      %swap3A_115 = vector.shape_cast %swap3A_114 : vector<1x16xf32> to vector<16xf32>
      %swap3A_116 = vector.shape_cast %broadcast_in_dim3A_111 : vector<16xf32> to vector<1x16xf32>
      tpu.vector_store %arg17[%swap3A_112, %swap3A_113], %swap3A_116 {strides = array<i32>} : memref<64x128xf32, #tpu.memory_space<vmem>>, vector<1x16xf32>,
      %broadcast_in_dim3A_117 = arith.constant 0.000000e+00 : f32
      %broadcast_in_dim3A_118 = vector.broadcast %broadcast_in_dim3A_117 : f32 to vector<16xf32>
      %swap3A_119 = arith.index_cast %scan3A_76 : i32 to index
      %swap3A_120 = arith.constant 96 : index
      %swap3A_121 = tpu.vector_load %arg17[%swap3A_119, %swap3A_120] {strides = array<i32>} : memref<64x128xf32, #tpu.memory_space<vmem>>, vector<1x16xf32>,
      %swap3A_122 = vector.shape_cast %swap3A_121 : vector<1x16xf32> to vector<16xf32>
      %swap3A_123 = vector.shape_cast %broadcast_in_dim3A_118 : vector<16xf32> to vector<1x16xf32>
      tpu.vector_store %arg17[%swap3A_119, %swap3A_120], %swap3A_123 {strides = array<i32>} : memref<64x128xf32, #tpu.memory_space<vmem>>, vector<1x16xf32>,
      %broadcast_in_dim3A_124 = arith.constant 0.000000e+00 : f32
      %broadcast_in_dim3A_125 = vector.broadcast %broadcast_in_dim3A_124 : f32 to vector<16xf32>
      %swap3A_126 = arith.index_cast %scan3A_76 : i32 to index
      %swap3A_127 = arith.constant 112 : index
      %swap3A_128 = tpu.vector_load %arg17[%swap3A_126, %swap3A_127] {strides = array<i32>} : memref<64x128xf32, #tpu.memory_space<vmem>>, vector<1x16xf32>,
      %swap3A_129 = vector.shape_cast %swap3A_128 : vector<1x16xf32> to vector<16xf32>
      %swap3A_130 = vector.shape_cast %broadcast_in_dim3A_125 : vector<16xf32> to vector<1x16xf32>
      tpu.vector_store %arg17[%swap3A_126, %swap3A_127], %swap3A_130 {strides = array<i32>} : memref<64x128xf32, #tpu.memory_space<vmem>>, vector<1x16xf32>,
    }
    %scan3A_5 = arith.constant 64 : i32
    %lt3A = arith.constant 15 : i32
    %lt3A_6 = arith.cmpi slt, %arg1, %lt3A : i32
    %convert_element_type3A = arith.extui %lt3A_6 : i1 to i32
    %cond3A = arith.constant 0 : i32
    %cond3A_7 = arith.cmpi ne, %convert_element_type3A, %cond3A : i32
    scf.if %cond3A_7 {
      %mul3A_76 = arith.constant 624 : i32
      %mul3A_77 = arith.muli %arg1, %mul3A_76 : i32
      %add3A_78 = arith.constant 0 : i32
      %add3A_79 = arith.addi %mul3A_77, %add3A_78 : i32
      "tpu.region"() ({
        %run_scoped3A = tpu.sem_alloc : memref<!tpu.dma_semaphore, #tpu.memory_space<semaphore_mem>>
        %dma_start3A_117 = arith.constant 0 : i32
        %dma_start3A_118 = tpu.memref_slice %arg25[%add3A_79, %dma_start3A_117] : memref<10000x128xf32, #tpu.memory_space<vmem_shared>> -> memref<64x128xf32, #tpu.memory_space<vmem_shared>>
        %dma_start3A_119 = arith.constant 0 : i32
        %dma_start3A_120 = tpu.memref_slice %arg25[%add3A_79, %dma_start3A_119] : memref<10000x128xf32, #tpu.memory_space<vmem_shared>> -> memref<64x128xf32, #tpu.memory_space<vmem_shared>>
        tpu.enqueue_dma source(%arg17 : memref<64x128xf32, #tpu.memory_space<vmem>>) target(%dma_start3A_120 : memref<64x128xf32, #tpu.memory_space<vmem_shared>>) target_semaphore(%run_scoped3A : memref<!tpu.dma_semaphore, #tpu.memory_space<semaphore_mem>>)
        %dma_wait3A_121 = arith.constant 0 : i32
        %dma_wait3A_122 = tpu.memref_slice %arg25[%add3A_79, %dma_wait3A_121] : memref<10000x128xf32, #tpu.memory_space<vmem_shared>> -> memref<64x128xf32, #tpu.memory_space<vmem_shared>>
        %dma_wait3A_123 = arith.constant 0 : i32
        %dma_wait3A_124 = tpu.memref_slice %arg25[%add3A_79, %dma_wait3A_123] : memref<10000x128xf32, #tpu.memory_space<vmem_shared>> -> memref<64x128xf32, #tpu.memory_space<vmem_shared>>
        tpu.wait_dma2 semaphore(%run_scoped3A : memref<!tpu.dma_semaphore, #tpu.memory_space<semaphore_mem>>) src(%arg17 : memref<64x128xf32, #tpu.memory_space<vmem>>) dst(%dma_wait3A_124 : memref<64x128xf32, #tpu.memory_space<vmem_shared>>)
        tpu.yield
      }) : () -> ()
      %mul3A_80 = arith.constant 624 : i32
      %mul3A_81 = arith.muli %arg1, %mul3A_80 : i32
      %add3A_82 = arith.constant 64 : i32
      %add3A_83 = arith.addi %mul3A_81, %add3A_82 : i32
      "tpu.region"() ({
        %run_scoped3A = tpu.sem_alloc : memref<!tpu.dma_semaphore, #tpu.memory_space<semaphore_mem>>
        %dma_start3A_117 = arith.constant 0 : i32
        %dma_start3A_118 = tpu.memref_slice %arg25[%add3A_83, %dma_start3A_117] : memref<10000x128xf32, #tpu.memory_space<vmem_shared>> -> memref<64x128xf32, #tpu.memory_space<vmem_shared>>
        %dma_start3A_119 = arith.constant 0 : i32
        %dma_start3A_120 = tpu.memref_slice %arg25[%add3A_83, %dma_start3A_119] : memref<10000x128xf32, #tpu.memory_space<vmem_shared>> -> memref<64x128xf32, #tpu.memory_space<vmem_shared>>
        tpu.enqueue_dma source(%arg17 : memref<64x128xf32, #tpu.memory_space<vmem>>) target(%dma_start3A_120 : memref<64x128xf32, #tpu.memory_space<vmem_shared>>) target_semaphore(%run_scoped3A : memref<!tpu.dma_semaphore, #tpu.memory_space<semaphore_mem>>)
        %dma_wait3A_121 = arith.constant 0 : i32
        %dma_wait3A_122 = tpu.memref_slice %arg25[%add3A_83, %dma_wait3A_121] : memref<10000x128xf32, #tpu.memory_space<vmem_shared>> -> memref<64x128xf32, #tpu.memory_space<vmem_shared>>
        %dma_wait3A_123 = arith.constant 0 : i32
        %dma_wait3A_124 = tpu.memref_slice %arg25[%add3A_83, %dma_wait3A_123] : memref<10000x128xf32, #tpu.memory_space<vmem_shared>> -> memref<64x128xf32, #tpu.memory_space<vmem_shared>>
        tpu.wait_dma2 semaphore(%run_scoped3A : memref<!tpu.dma_semaphore, #tpu.memory_space<semaphore_mem>>) src(%arg17 : memref<64x128xf32, #tpu.memory_space<vmem>>) dst(%dma_wait3A_124 : memref<64x128xf32, #tpu.memory_space<vmem_shared>>)
        tpu.yield
      }) : () -> ()
      %mul3A_84 = arith.constant 624 : i32
      %mul3A_85 = arith.muli %arg1, %mul3A_84 : i32
      %add3A_86 = arith.constant 128 : i32
      %add3A_87 = arith.addi %mul3A_85, %add3A_86 : i32
      "tpu.region"() ({
        %run_scoped3A = tpu.sem_alloc : memref<!tpu.dma_semaphore, #tpu.memory_space<semaphore_mem>>
        %dma_start3A_117 = arith.constant 0 : i32
        %dma_start3A_118 = tpu.memref_slice %arg25[%add3A_87, %dma_start3A_117] : memref<10000x128xf32, #tpu.memory_space<vmem_shared>> -> memref<64x128xf32, #tpu.memory_space<vmem_shared>>
        %dma_start3A_119 = arith.constant 0 : i32
        %dma_start3A_120 = tpu.memref_slice %arg25[%add3A_87, %dma_start3A_119] : memref<10000x128xf32, #tpu.memory_space<vmem_shared>> -> memref<64x128xf32, #tpu.memory_space<vmem_shared>>
        tpu.enqueue_dma source(%arg17 : memref<64x128xf32, #tpu.memory_space<vmem>>) target(%dma_start3A_120 : memref<64x128xf32, #tpu.memory_space<vmem_shared>>) target_semaphore(%run_scoped3A : memref<!tpu.dma_semaphore, #tpu.memory_space<semaphore_mem>>)
        %dma_wait3A_121 = arith.constant 0 : i32
        %dma_wait3A_122 = tpu.memref_slice %arg25[%add3A_87, %dma_wait3A_121] : memref<10000x128xf32, #tpu.memory_space<vmem_shared>> -> memref<64x128xf32, #tpu.memory_space<vmem_shared>>
        %dma_wait3A_123 = arith.constant 0 : i32
        %dma_wait3A_124 = tpu.memref_slice %arg25[%add3A_87, %dma_wait3A_123] : memref<10000x128xf32, #tpu.memory_space<vmem_shared>> -> memref<64x128xf32, #tpu.memory_space<vmem_shared>>
        tpu.wait_dma2 semaphore(%run_scoped3A : memref<!tpu.dma_semaphore, #tpu.memory_space<semaphore_mem>>) src(%arg17 : memref<64x128xf32, #tpu.memory_space<vmem>>) dst(%dma_wait3A_124 : memref<64x128xf32, #tpu.memory_space<vmem_shared>>)
        tpu.yield
      }) : () -> ()
      %mul3A_88 = arith.constant 624 : i32
      %mul3A_89 = arith.muli %arg1, %mul3A_88 : i32
      %add3A_90 = arith.constant 192 : i32
      %add3A_91 = arith.addi %mul3A_89, %add3A_90 : i32
      "tpu.region"() ({
        %run_scoped3A = tpu.sem_alloc : memref<!tpu.dma_semaphore, #tpu.memory_space<semaphore_mem>>
        %dma_start3A_117 = arith.constant 0 : i32
        %dma_start3A_118 = tpu.memref_slice %arg25[%add3A_91, %dma_start3A_117] : memref<10000x128xf32, #tpu.memory_space<vmem_shared>> -> memref<64x128xf32, #tpu.memory_space<vmem_shared>>
        %dma_start3A_119 = arith.constant 0 : i32
        %dma_start3A_120 = tpu.memref_slice %arg25[%add3A_91, %dma_start3A_119] : memref<10000x128xf32, #tpu.memory_space<vmem_shared>> -> memref<64x128xf32, #tpu.memory_space<vmem_shared>>
        tpu.enqueue_dma source(%arg17 : memref<64x128xf32, #tpu.memory_space<vmem>>) target(%dma_start3A_120 : memref<64x128xf32, #tpu.memory_space<vmem_shared>>) target_semaphore(%run_scoped3A : memref<!tpu.dma_semaphore, #tpu.memory_space<semaphore_mem>>)
        %dma_wait3A_121 = arith.constant 0 : i32
        %dma_wait3A_122 = tpu.memref_slice %arg25[%add3A_91, %dma_wait3A_121] : memref<10000x128xf32, #tpu.memory_space<vmem_shared>> -> memref<64x128xf32, #tpu.memory_space<vmem_shared>>
        %dma_wait3A_123 = arith.constant 0 : i32
        %dma_wait3A_124 = tpu.memref_slice %arg25[%add3A_91, %dma_wait3A_123] : memref<10000x128xf32, #tpu.memory_space<vmem_shared>> -> memref<64x128xf32, #tpu.memory_space<vmem_shared>>
        tpu.wait_dma2 semaphore(%run_scoped3A : memref<!tpu.dma_semaphore, #tpu.memory_space<semaphore_mem>>) src(%arg17 : memref<64x128xf32, #tpu.memory_space<vmem>>) dst(%dma_wait3A_124 : memref<64x128xf32, #tpu.memory_space<vmem_shared>>)
        tpu.yield
      }) : () -> ()
      %mul3A_92 = arith.constant 624 : i32
      %mul3A_93 = arith.muli %arg1, %mul3A_92 : i32
      %add3A_94 = arith.constant 256 : i32
      %add3A_95 = arith.addi %mul3A_93, %add3A_94 : i32
      "tpu.region"() ({
        %run_scoped3A = tpu.sem_alloc : memref<!tpu.dma_semaphore, #tpu.memory_space<semaphore_mem>>
        %dma_start3A_117 = arith.constant 0 : i32
        %dma_start3A_118 = tpu.memref_slice %arg25[%add3A_95, %dma_start3A_117] : memref<10000x128xf32, #tpu.memory_space<vmem_shared>> -> memref<64x128xf32, #tpu.memory_space<vmem_shared>>
        %dma_start3A_119 = arith.constant 0 : i32
        %dma_start3A_120 = tpu.memref_slice %arg25[%add3A_95, %dma_start3A_119] : memref<10000x128xf32, #tpu.memory_space<vmem_shared>> -> memref<64x128xf32, #tpu.memory_space<vmem_shared>>
        tpu.enqueue_dma source(%arg17 : memref<64x128xf32, #tpu.memory_space<vmem>>) target(%dma_start3A_120 : memref<64x128xf32, #tpu.memory_space<vmem_shared>>) target_semaphore(%run_scoped3A : memref<!tpu.dma_semaphore, #tpu.memory_space<semaphore_mem>>)
        %dma_wait3A_121 = arith.constant 0 : i32
        %dma_wait3A_122 = tpu.memref_slice %arg25[%add3A_95, %dma_wait3A_121] : memref<10000x128xf32, #tpu.memory_space<vmem_shared>> -> memref<64x128xf32, #tpu.memory_space<vmem_shared>>
        %dma_wait3A_123 = arith.constant 0 : i32
        %dma_wait3A_124 = tpu.memref_slice %arg25[%add3A_95, %dma_wait3A_123] : memref<10000x128xf32, #tpu.memory_space<vmem_shared>> -> memref<64x128xf32, #tpu.memory_space<vmem_shared>>
        tpu.wait_dma2 semaphore(%run_scoped3A : memref<!tpu.dma_semaphore, #tpu.memory_space<semaphore_mem>>) src(%arg17 : memref<64x128xf32, #tpu.memory_space<vmem>>) dst(%dma_wait3A_124 : memref<64x128xf32, #tpu.memory_space<vmem_shared>>)
        tpu.yield
      }) : () -> ()
      %mul3A_96 = arith.constant 624 : i32
      %mul3A_97 = arith.muli %arg1, %mul3A_96 : i32
      %add3A_98 = arith.constant 320 : i32
      %add3A_99 = arith.addi %mul3A_97, %add3A_98 : i32
      "tpu.region"() ({
        %run_scoped3A = tpu.sem_alloc : memref<!tpu.dma_semaphore, #tpu.memory_space<semaphore_mem>>
        %dma_start3A_117 = arith.constant 0 : i32
        %dma_start3A_118 = tpu.memref_slice %arg25[%add3A_99, %dma_start3A_117] : memref<10000x128xf32, #tpu.memory_space<vmem_shared>> -> memref<64x128xf32, #tpu.memory_space<vmem_shared>>
        %dma_start3A_119 = arith.constant 0 : i32
        %dma_start3A_120 = tpu.memref_slice %arg25[%add3A_99, %dma_start3A_119] : memref<10000x128xf32, #tpu.memory_space<vmem_shared>> -> memref<64x128xf32, #tpu.memory_space<vmem_shared>>
        tpu.enqueue_dma source(%arg17 : memref<64x128xf32, #tpu.memory_space<vmem>>) target(%dma_start3A_120 : memref<64x128xf32, #tpu.memory_space<vmem_shared>>) target_semaphore(%run_scoped3A : memref<!tpu.dma_semaphore, #tpu.memory_space<semaphore_mem>>)
        %dma_wait3A_121 = arith.constant 0 : i32
        %dma_wait3A_122 = tpu.memref_slice %arg25[%add3A_99, %dma_wait3A_121] : memref<10000x128xf32, #tpu.memory_space<vmem_shared>> -> memref<64x128xf32, #tpu.memory_space<vmem_shared>>
        %dma_wait3A_123 = arith.constant 0 : i32
        %dma_wait3A_124 = tpu.memref_slice %arg25[%add3A_99, %dma_wait3A_123] : memref<10000x128xf32, #tpu.memory_space<vmem_shared>> -> memref<64x128xf32, #tpu.memory_space<vmem_shared>>
        tpu.wait_dma2 semaphore(%run_scoped3A : memref<!tpu.dma_semaphore, #tpu.memory_space<semaphore_mem>>) src(%arg17 : memref<64x128xf32, #tpu.memory_space<vmem>>) dst(%dma_wait3A_124 : memref<64x128xf32, #tpu.memory_space<vmem_shared>>)
        tpu.yield
      }) : () -> ()
      %mul3A_100 = arith.constant 624 : i32
      %mul3A_101 = arith.muli %arg1, %mul3A_100 : i32
      %add3A_102 = arith.constant 384 : i32
      %add3A_103 = arith.addi %mul3A_101, %add3A_102 : i32
      "tpu.region"() ({
        %run_scoped3A = tpu.sem_alloc : memref<!tpu.dma_semaphore, #tpu.memory_space<semaphore_mem>>
        %dma_start3A_117 = arith.constant 0 : i32
        %dma_start3A_118 = tpu.memref_slice %arg25[%add3A_103, %dma_start3A_117] : memref<10000x128xf32, #tpu.memory_space<vmem_shared>> -> memref<64x128xf32, #tpu.memory_space<vmem_shared>>
        %dma_start3A_119 = arith.constant 0 : i32
        %dma_start3A_120 = tpu.memref_slice %arg25[%add3A_103, %dma_start3A_119] : memref<10000x128xf32, #tpu.memory_space<vmem_shared>> -> memref<64x128xf32, #tpu.memory_space<vmem_shared>>
        tpu.enqueue_dma source(%arg17 : memref<64x128xf32, #tpu.memory_space<vmem>>) target(%dma_start3A_120 : memref<64x128xf32, #tpu.memory_space<vmem_shared>>) target_semaphore(%run_scoped3A : memref<!tpu.dma_semaphore, #tpu.memory_space<semaphore_mem>>)
        %dma_wait3A_121 = arith.constant 0 : i32
        %dma_wait3A_122 = tpu.memref_slice %arg25[%add3A_103, %dma_wait3A_121] : memref<10000x128xf32, #tpu.memory_space<vmem_shared>> -> memref<64x128xf32, #tpu.memory_space<vmem_shared>>
        %dma_wait3A_123 = arith.constant 0 : i32
        %dma_wait3A_124 = tpu.memref_slice %arg25[%add3A_103, %dma_wait3A_123] : memref<10000x128xf32, #tpu.memory_space<vmem_shared>> -> memref<64x128xf32, #tpu.memory_space<vmem_shared>>
        tpu.wait_dma2 semaphore(%run_scoped3A : memref<!tpu.dma_semaphore, #tpu.memory_space<semaphore_mem>>) src(%arg17 : memref<64x128xf32, #tpu.memory_space<vmem>>) dst(%dma_wait3A_124 : memref<64x128xf32, #tpu.memory_space<vmem_shared>>)
        tpu.yield
      }) : () -> ()
      %mul3A_104 = arith.constant 624 : i32
      %mul3A_105 = arith.muli %arg1, %mul3A_104 : i32
      %add3A_106 = arith.constant 448 : i32
      %add3A_107 = arith.addi %mul3A_105, %add3A_106 : i32
      "tpu.region"() ({
        %run_scoped3A = tpu.sem_alloc : memref<!tpu.dma_semaphore, #tpu.memory_space<semaphore_mem>>
        %dma_start3A_117 = arith.constant 0 : i32
        %dma_start3A_118 = tpu.memref_slice %arg25[%add3A_107, %dma_start3A_117] : memref<10000x128xf32, #tpu.memory_space<vmem_shared>> -> memref<64x128xf32, #tpu.memory_space<vmem_shared>>
        %dma_start3A_119 = arith.constant 0 : i32
        %dma_start3A_120 = tpu.memref_slice %arg25[%add3A_107, %dma_start3A_119] : memref<10000x128xf32, #tpu.memory_space<vmem_shared>> -> memref<64x128xf32, #tpu.memory_space<vmem_shared>>
        tpu.enqueue_dma source(%arg17 : memref<64x128xf32, #tpu.memory_space<vmem>>) target(%dma_start3A_120 : memref<64x128xf32, #tpu.memory_space<vmem_shared>>) target_semaphore(%run_scoped3A : memref<!tpu.dma_semaphore, #tpu.memory_space<semaphore_mem>>)
        %dma_wait3A_121 = arith.constant 0 : i32
        %dma_wait3A_122 = tpu.memref_slice %arg25[%add3A_107, %dma_wait3A_121] : memref<10000x128xf32, #tpu.memory_space<vmem_shared>> -> memref<64x128xf32, #tpu.memory_space<vmem_shared>>
        %dma_wait3A_123 = arith.constant 0 : i32
        %dma_wait3A_124 = tpu.memref_slice %arg25[%add3A_107, %dma_wait3A_123] : memref<10000x128xf32, #tpu.memory_space<vmem_shared>> -> memref<64x128xf32, #tpu.memory_space<vmem_shared>>
        tpu.wait_dma2 semaphore(%run_scoped3A : memref<!tpu.dma_semaphore, #tpu.memory_space<semaphore_mem>>) src(%arg17 : memref<64x128xf32, #tpu.memory_space<vmem>>) dst(%dma_wait3A_124 : memref<64x128xf32, #tpu.memory_space<vmem_shared>>)
        tpu.yield
      }) : () -> ()
      %mul3A_108 = arith.constant 624 : i32
      %mul3A_109 = arith.muli %arg1, %mul3A_108 : i32
      %add3A_110 = arith.constant 512 : i32
      %add3A_111 = arith.addi %mul3A_109, %add3A_110 : i32
      "tpu.region"() ({
        %run_scoped3A = tpu.sem_alloc : memref<!tpu.dma_semaphore, #tpu.memory_space<semaphore_mem>>
        %dma_start3A_117 = arith.constant 0 : i32
        %dma_start3A_118 = tpu.memref_slice %arg25[%add3A_111, %dma_start3A_117] : memref<10000x128xf32, #tpu.memory_space<vmem_shared>> -> memref<64x128xf32, #tpu.memory_space<vmem_shared>>
        %dma_start3A_119 = arith.constant 0 : i32
        %dma_start3A_120 = tpu.memref_slice %arg25[%add3A_111, %dma_start3A_119] : memref<10000x128xf32, #tpu.memory_space<vmem_shared>> -> memref<64x128xf32, #tpu.memory_space<vmem_shared>>
        tpu.enqueue_dma source(%arg17 : memref<64x128xf32, #tpu.memory_space<vmem>>) target(%dma_start3A_120 : memref<64x128xf32, #tpu.memory_space<vmem_shared>>) target_semaphore(%run_scoped3A : memref<!tpu.dma_semaphore, #tpu.memory_space<semaphore_mem>>)
        %dma_wait3A_121 = arith.constant 0 : i32
        %dma_wait3A_122 = tpu.memref_slice %arg25[%add3A_111, %dma_wait3A_121] : memref<10000x128xf32, #tpu.memory_space<vmem_shared>> -> memref<64x128xf32, #tpu.memory_space<vmem_shared>>
        %dma_wait3A_123 = arith.constant 0 : i32
        %dma_wait3A_124 = tpu.memref_slice %arg25[%add3A_111, %dma_wait3A_123] : memref<10000x128xf32, #tpu.memory_space<vmem_shared>> -> memref<64x128xf32, #tpu.memory_space<vmem_shared>>
        tpu.wait_dma2 semaphore(%run_scoped3A : memref<!tpu.dma_semaphore, #tpu.memory_space<semaphore_mem>>) src(%arg17 : memref<64x128xf32, #tpu.memory_space<vmem>>) dst(%dma_wait3A_124 : memref<64x128xf32, #tpu.memory_space<vmem_shared>>)
        tpu.yield
      }) : () -> ()
      %mul3A_112 = arith.constant 624 : i32
      %mul3A_113 = arith.muli %arg1, %mul3A_112 : i32
      %add3A_114 = arith.constant 624 : i32
      %add3A_115 = arith.addi %mul3A_113, %add3A_114 : i32
      %sub3A = arith.constant 48 : i32
      %sub3A_116 = arith.subi %add3A_115, %sub3A : i32
      "tpu.region"() ({
        %run_scoped3A = tpu.sem_alloc : memref<!tpu.dma_semaphore, #tpu.memory_space<semaphore_mem>>
        %dma_start3A_117 = arith.constant 0 : i32
        %dma_start3A_118 = arith.constant 0 : i32
        %dma_start3A_119 = tpu.memref_slice %arg17[%dma_start3A_117, %dma_start3A_118] : memref<64x128xf32, #tpu.memory_space<vmem>> -> memref<48x128xf32, #tpu.memory_space<vmem>>
        %dma_start3A_120 = arith.constant 0 : i32
        %dma_start3A_121 = tpu.memref_slice %arg25[%sub3A_116, %dma_start3A_120] : memref<10000x128xf32, #tpu.memory_space<vmem_shared>> -> memref<48x128xf32, #tpu.memory_space<vmem_shared>>
        %dma_start3A_122 = arith.constant 0 : i32
        %dma_start3A_123 = tpu.memref_slice %arg25[%sub3A_116, %dma_start3A_122] : memref<10000x128xf32, #tpu.memory_space<vmem_shared>> -> memref<48x128xf32, #tpu.memory_space<vmem_shared>>
        %dma_start3A_124 = arith.constant 0 : i32
        %dma_start3A_125 = arith.constant 0 : i32
        %dma_start3A_126 = tpu.memref_slice %arg17[%dma_start3A_124, %dma_start3A_125] : memref<64x128xf32, #tpu.memory_space<vmem>> -> memref<48x128xf32, #tpu.memory_space<vmem>>
        tpu.enqueue_dma source(%dma_start3A_126 : memref<48x128xf32, #tpu.memory_space<vmem>>) target(%dma_start3A_123 : memref<48x128xf32, #tpu.memory_space<vmem_shared>>) target_semaphore(%run_scoped3A : memref<!tpu.dma_semaphore, #tpu.memory_space<semaphore_mem>>)
        %dma_wait3A_127 = arith.constant 0 : i32
        %dma_wait3A_128 = arith.constant 0 : i32
        %dma_wait3A_129 = tpu.memref_slice %arg17[%dma_wait3A_127, %dma_wait3A_128] : memref<64x128xf32, #tpu.memory_space<vmem>> -> memref<48x128xf32, #tpu.memory_space<vmem>>
        %dma_wait3A_130 = arith.constant 0 : i32
        %dma_wait3A_131 = tpu.memref_slice %arg25[%sub3A_116, %dma_wait3A_130] : memref<10000x128xf32, #tpu.memory_space<vmem_shared>> -> memref<48x128xf32, #tpu.memory_space<vmem_shared>>
        %dma_wait3A_132 = arith.constant 0 : i32
        %dma_wait3A_133 = tpu.memref_slice %arg25[%sub3A_116, %dma_wait3A_132] : memref<10000x128xf32, #tpu.memory_space<vmem_shared>> -> memref<48x128xf32, #tpu.memory_space<vmem_shared>>
        %dma_wait3A_134 = arith.constant 0 : i32
        %dma_wait3A_135 = arith.constant 0 : i32
        %dma_wait3A_136 = tpu.memref_slice %arg17[%dma_wait3A_134, %dma_wait3A_135] : memref<64x128xf32, #tpu.memory_space<vmem>> -> memref<48x128xf32, #tpu.memory_space<vmem>>
        tpu.wait_dma2 semaphore(%run_scoped3A : memref<!tpu.dma_semaphore, #tpu.memory_space<semaphore_mem>>) src(%dma_wait3A_136 : memref<48x128xf32, #tpu.memory_space<vmem>>) dst(%dma_wait3A_133 : memref<48x128xf32, #tpu.memory_space<vmem_shared>>)
        tpu.yield
      }) : () -> ()
    } else {
    }
    %eq3A = arith.constant 15 : i32
    %eq3A_8 = arith.cmpi eq, %arg1, %eq3A : i32
    %convert_element_type3A_9 = arith.extui %eq3A_8 : i1 to i32
    %cond3A_10 = arith.constant 0 : i32
    %cond3A_11 = arith.cmpi ne, %convert_element_type3A_9, %cond3A_10 : i32
    scf.if %cond3A_11 {
      "tpu.region"() ({
        %run_scoped3A = tpu.sem_alloc : memref<!tpu.dma_semaphore, #tpu.memory_space<semaphore_mem>>
        %dma_start3A_76 = arith.constant 9360 : i32
        %dma_start3A_77 = arith.constant 0 : i32
        %dma_start3A_78 = tpu.memref_slice %arg25[%dma_start3A_76, %dma_start3A_77] : memref<10000x128xf32, #tpu.memory_space<vmem_shared>> -> memref<64x128xf32, #tpu.memory_space<vmem_shared>>
        %dma_start3A_79 = arith.constant 9360 : i32
        %dma_start3A_80 = arith.constant 0 : i32
        %dma_start3A_81 = tpu.memref_slice %arg25[%dma_start3A_79, %dma_start3A_80] : memref<10000x128xf32, #tpu.memory_space<vmem_shared>> -> memref<64x128xf32, #tpu.memory_space<vmem_shared>>
        tpu.enqueue_dma source(%arg17 : memref<64x128xf32, #tpu.memory_space<vmem>>) target(%dma_start3A_81 : memref<64x128xf32, #tpu.memory_space<vmem_shared>>) target_semaphore(%run_scoped3A : memref<!tpu.dma_semaphore, #tpu.memory_space<semaphore_mem>>)
        %dma_wait3A_82 = arith.constant 9360 : i32
        %dma_wait3A_83 = arith.constant 0 : i32
        %dma_wait3A_84 = tpu.memref_slice %arg25[%dma_wait3A_82, %dma_wait3A_83] : memref<10000x128xf32, #tpu.memory_space<vmem_shared>> -> memref<64x128xf32, #tpu.memory_space<vmem_shared>>
        %dma_wait3A_85 = arith.constant 9360 : i32
        %dma_wait3A_86 = arith.constant 0 : i32
        %dma_wait3A_87 = tpu.memref_slice %arg25[%dma_wait3A_85, %dma_wait3A_86] : memref<10000x128xf32, #tpu.memory_space<vmem_shared>> -> memref<64x128xf32, #tpu.memory_space<vmem_shared>>
        tpu.wait_dma2 semaphore(%run_scoped3A : memref<!tpu.dma_semaphore, #tpu.memory_space<semaphore_mem>>) src(%arg17 : memref<64x128xf32, #tpu.memory_space<vmem>>) dst(%dma_wait3A_87 : memref<64x128xf32, #tpu.memory_space<vmem_shared>>)
        tpu.yield
      }) : () -> ()
      "tpu.region"() ({
        %run_scoped3A = tpu.sem_alloc : memref<!tpu.dma_semaphore, #tpu.memory_space<semaphore_mem>>
        %dma_start3A_76 = arith.constant 9424 : i32
        %dma_start3A_77 = arith.constant 0 : i32
        %dma_start3A_78 = tpu.memref_slice %arg25[%dma_start3A_76, %dma_start3A_77] : memref<10000x128xf32, #tpu.memory_space<vmem_shared>> -> memref<64x128xf32, #tpu.memory_space<vmem_shared>>
        %dma_start3A_79 = arith.constant 9424 : i32
        %dma_start3A_80 = arith.constant 0 : i32
        %dma_start3A_81 = tpu.memref_slice %arg25[%dma_start3A_79, %dma_start3A_80] : memref<10000x128xf32, #tpu.memory_space<vmem_shared>> -> memref<64x128xf32, #tpu.memory_space<vmem_shared>>
        tpu.enqueue_dma source(%arg17 : memref<64x128xf32, #tpu.memory_space<vmem>>) target(%dma_start3A_81 : memref<64x128xf32, #tpu.memory_space<vmem_shared>>) target_semaphore(%run_scoped3A : memref<!tpu.dma_semaphore, #tpu.memory_space<semaphore_mem>>)
        %dma_wait3A_82 = arith.constant 9424 : i32
        %dma_wait3A_83 = arith.constant 0 : i32
        %dma_wait3A_84 = tpu.memref_slice %arg25[%dma_wait3A_82, %dma_wait3A_83] : memref<10000x128xf32, #tpu.memory_space<vmem_shared>> -> memref<64x128xf32, #tpu.memory_space<vmem_shared>>
        %dma_wait3A_85 = arith.constant 9424 : i32
        %dma_wait3A_86 = arith.constant 0 : i32
        %dma_wait3A_87 = tpu.memref_slice %arg25[%dma_wait3A_85, %dma_wait3A_86] : memref<10000x128xf32, #tpu.memory_space<vmem_shared>> -> memref<64x128xf32, #tpu.memory_space<vmem_shared>>
        tpu.wait_dma2 semaphore(%run_scoped3A : memref<!tpu.dma_semaphore, #tpu.memory_space<semaphore_mem>>) src(%arg17 : memref<64x128xf32, #tpu.memory_space<vmem>>) dst(%dma_wait3A_87 : memref<64x128xf32, #tpu.memory_space<vmem_shared>>)
        tpu.yield
      }) : () -> ()
      "tpu.region"() ({
        %run_scoped3A = tpu.sem_alloc : memref<!tpu.dma_semaphore, #tpu.memory_space<semaphore_mem>>
        %dma_start3A_76 = arith.constant 9488 : i32
        %dma_start3A_77 = arith.constant 0 : i32
        %dma_start3A_78 = tpu.memref_slice %arg25[%dma_start3A_76, %dma_start3A_77] : memref<10000x128xf32, #tpu.memory_space<vmem_shared>> -> memref<64x128xf32, #tpu.memory_space<vmem_shared>>
        %dma_start3A_79 = arith.constant 9488 : i32
        %dma_start3A_80 = arith.constant 0 : i32
        %dma_start3A_81 = tpu.memref_slice %arg25[%dma_start3A_79, %dma_start3A_80] : memref<10000x128xf32, #tpu.memory_space<vmem_shared>> -> memref<64x128xf32, #tpu.memory_space<vmem_shared>>
        tpu.enqueue_dma source(%arg17 : memref<64x128xf32, #tpu.memory_space<vmem>>) target(%dma_start3A_81 : memref<64x128xf32, #tpu.memory_space<vmem_shared>>) target_semaphore(%run_scoped3A : memref<!tpu.dma_semaphore, #tpu.memory_space<semaphore_mem>>)
        %dma_wait3A_82 = arith.constant 9488 : i32
        %dma_wait3A_83 = arith.constant 0 : i32
        %dma_wait3A_84 = tpu.memref_slice %arg25[%dma_wait3A_82, %dma_wait3A_83] : memref<10000x128xf32, #tpu.memory_space<vmem_shared>> -> memref<64x128xf32, #tpu.memory_space<vmem_shared>>
        %dma_wait3A_85 = arith.constant 9488 : i32
        %dma_wait3A_86 = arith.constant 0 : i32
        %dma_wait3A_87 = tpu.memref_slice %arg25[%dma_wait3A_85, %dma_wait3A_86] : memref<10000x128xf32, #tpu.memory_space<vmem_shared>> -> memref<64x128xf32, #tpu.memory_space<vmem_shared>>
        tpu.wait_dma2 semaphore(%run_scoped3A : memref<!tpu.dma_semaphore, #tpu.memory_space<semaphore_mem>>) src(%arg17 : memref<64x128xf32, #tpu.memory_space<vmem>>) dst(%dma_wait3A_87 : memref<64x128xf32, #tpu.memory_space<vmem_shared>>)
        tpu.yield
      }) : () -> ()
      "tpu.region"() ({
        %run_scoped3A = tpu.sem_alloc : memref<!tpu.dma_semaphore, #tpu.memory_space<semaphore_mem>>
        %dma_start3A_76 = arith.constant 9552 : i32
        %dma_start3A_77 = arith.constant 0 : i32
        %dma_start3A_78 = tpu.memref_slice %arg25[%dma_start3A_76, %dma_start3A_77] : memref<10000x128xf32, #tpu.memory_space<vmem_shared>> -> memref<64x128xf32, #tpu.memory_space<vmem_shared>>
        %dma_start3A_79 = arith.constant 9552 : i32
        %dma_start3A_80 = arith.constant 0 : i32
        %dma_start3A_81 = tpu.memref_slice %arg25[%dma_start3A_79, %dma_start3A_80] : memref<10000x128xf32, #tpu.memory_space<vmem_shared>> -> memref<64x128xf32, #tpu.memory_space<vmem_shared>>
        tpu.enqueue_dma source(%arg17 : memref<64x128xf32, #tpu.memory_space<vmem>>) target(%dma_start3A_81 : memref<64x128xf32, #tpu.memory_space<vmem_shared>>) target_semaphore(%run_scoped3A : memref<!tpu.dma_semaphore, #tpu.memory_space<semaphore_mem>>)
        %dma_wait3A_82 = arith.constant 9552 : i32
        %dma_wait3A_83 = arith.constant 0 : i32
        %dma_wait3A_84 = tpu.memref_slice %arg25[%dma_wait3A_82, %dma_wait3A_83] : memref<10000x128xf32, #tpu.memory_space<vmem_shared>> -> memref<64x128xf32, #tpu.memory_space<vmem_shared>>
        %dma_wait3A_85 = arith.constant 9552 : i32
        %dma_wait3A_86 = arith.constant 0 : i32
        %dma_wait3A_87 = tpu.memref_slice %arg25[%dma_wait3A_85, %dma_wait3A_86] : memref<10000x128xf32, #tpu.memory_space<vmem_shared>> -> memref<64x128xf32, #tpu.memory_space<vmem_shared>>
        tpu.wait_dma2 semaphore(%run_scoped3A : memref<!tpu.dma_semaphore, #tpu.memory_space<semaphore_mem>>) src(%arg17 : memref<64x128xf32, #tpu.memory_space<vmem>>) dst(%dma_wait3A_87 : memref<64x128xf32, #tpu.memory_space<vmem_shared>>)
        tpu.yield
      }) : () -> ()
      "tpu.region"() ({
        %run_scoped3A = tpu.sem_alloc : memref<!tpu.dma_semaphore, #tpu.memory_space<semaphore_mem>>
        %dma_start3A_76 = arith.constant 9616 : i32
        %dma_start3A_77 = arith.constant 0 : i32
        %dma_start3A_78 = tpu.memref_slice %arg25[%dma_start3A_76, %dma_start3A_77] : memref<10000x128xf32, #tpu.memory_space<vmem_shared>> -> memref<64x128xf32, #tpu.memory_space<vmem_shared>>
        %dma_start3A_79 = arith.constant 9616 : i32
        %dma_start3A_80 = arith.constant 0 : i32
        %dma_start3A_81 = tpu.memref_slice %arg25[%dma_start3A_79, %dma_start3A_80] : memref<10000x128xf32, #tpu.memory_space<vmem_shared>> -> memref<64x128xf32, #tpu.memory_space<vmem_shared>>
        tpu.enqueue_dma source(%arg17 : memref<64x128xf32, #tpu.memory_space<vmem>>) target(%dma_start3A_81 : memref<64x128xf32, #tpu.memory_space<vmem_shared>>) target_semaphore(%run_scoped3A : memref<!tpu.dma_semaphore, #tpu.memory_space<semaphore_mem>>)
        %dma_wait3A_82 = arith.constant 9616 : i32
        %dma_wait3A_83 = arith.constant 0 : i32
        %dma_wait3A_84 = tpu.memref_slice %arg25[%dma_wait3A_82, %dma_wait3A_83] : memref<10000x128xf32, #tpu.memory_space<vmem_shared>> -> memref<64x128xf32, #tpu.memory_space<vmem_shared>>
        %dma_wait3A_85 = arith.constant 9616 : i32
        %dma_wait3A_86 = arith.constant 0 : i32
        %dma_wait3A_87 = tpu.memref_slice %arg25[%dma_wait3A_85, %dma_wait3A_86] : memref<10000x128xf32, #tpu.memory_space<vmem_shared>> -> memref<64x128xf32, #tpu.memory_space<vmem_shared>>
        tpu.wait_dma2 semaphore(%run_scoped3A : memref<!tpu.dma_semaphore, #tpu.memory_space<semaphore_mem>>) src(%arg17 : memref<64x128xf32, #tpu.memory_space<vmem>>) dst(%dma_wait3A_87 : memref<64x128xf32, #tpu.memory_space<vmem_shared>>)
        tpu.yield
      }) : () -> ()
      "tpu.region"() ({
        %run_scoped3A = tpu.sem_alloc : memref<!tpu.dma_semaphore, #tpu.memory_space<semaphore_mem>>
        %dma_start3A_76 = arith.constant 9680 : i32
        %dma_start3A_77 = arith.constant 0 : i32
        %dma_start3A_78 = tpu.memref_slice %arg25[%dma_start3A_76, %dma_start3A_77] : memref<10000x128xf32, #tpu.memory_space<vmem_shared>> -> memref<64x128xf32, #tpu.memory_space<vmem_shared>>
        %dma_start3A_79 = arith.constant 9680 : i32
        %dma_start3A_80 = arith.constant 0 : i32
        %dma_start3A_81 = tpu.memref_slice %arg25[%dma_start3A_79, %dma_start3A_80] : memref<10000x128xf32, #tpu.memory_space<vmem_shared>> -> memref<64x128xf32, #tpu.memory_space<vmem_shared>>
        tpu.enqueue_dma source(%arg17 : memref<64x128xf32, #tpu.memory_space<vmem>>) target(%dma_start3A_81 : memref<64x128xf32, #tpu.memory_space<vmem_shared>>) target_semaphore(%run_scoped3A : memref<!tpu.dma_semaphore, #tpu.memory_space<semaphore_mem>>)
        %dma_wait3A_82 = arith.constant 9680 : i32
        %dma_wait3A_83 = arith.constant 0 : i32
        %dma_wait3A_84 = tpu.memref_slice %arg25[%dma_wait3A_82, %dma_wait3A_83] : memref<10000x128xf32, #tpu.memory_space<vmem_shared>> -> memref<64x128xf32, #tpu.memory_space<vmem_shared>>
        %dma_wait3A_85 = arith.constant 9680 : i32
        %dma_wait3A_86 = arith.constant 0 : i32
        %dma_wait3A_87 = tpu.memref_slice %arg25[%dma_wait3A_85, %dma_wait3A_86] : memref<10000x128xf32, #tpu.memory_space<vmem_shared>> -> memref<64x128xf32, #tpu.memory_space<vmem_shared>>
        tpu.wait_dma2 semaphore(%run_scoped3A : memref<!tpu.dma_semaphore, #tpu.memory_space<semaphore_mem>>) src(%arg17 : memref<64x128xf32, #tpu.memory_space<vmem>>) dst(%dma_wait3A_87 : memref<64x128xf32, #tpu.memory_space<vmem_shared>>)
        tpu.yield
      }) : () -> ()
      "tpu.region"() ({
        %run_scoped3A = tpu.sem_alloc : memref<!tpu.dma_semaphore, #tpu.memory_space<semaphore_mem>>
        %dma_start3A_76 = arith.constant 9744 : i32
        %dma_start3A_77 = arith.constant 0 : i32
        %dma_start3A_78 = tpu.memref_slice %arg25[%dma_start3A_76, %dma_start3A_77] : memref<10000x128xf32, #tpu.memory_space<vmem_shared>> -> memref<64x128xf32, #tpu.memory_space<vmem_shared>>
        %dma_start3A_79 = arith.constant 9744 : i32
        %dma_start3A_80 = arith.constant 0 : i32
        %dma_start3A_81 = tpu.memref_slice %arg25[%dma_start3A_79, %dma_start3A_80] : memref<10000x128xf32, #tpu.memory_space<vmem_shared>> -> memref<64x128xf32, #tpu.memory_space<vmem_shared>>
        tpu.enqueue_dma source(%arg17 : memref<64x128xf32, #tpu.memory_space<vmem>>) target(%dma_start3A_81 : memref<64x128xf32, #tpu.memory_space<vmem_shared>>) target_semaphore(%run_scoped3A : memref<!tpu.dma_semaphore, #tpu.memory_space<semaphore_mem>>)
        %dma_wait3A_82 = arith.constant 9744 : i32
        %dma_wait3A_83 = arith.constant 0 : i32
        %dma_wait3A_84 = tpu.memref_slice %arg25[%dma_wait3A_82, %dma_wait3A_83] : memref<10000x128xf32, #tpu.memory_space<vmem_shared>> -> memref<64x128xf32, #tpu.memory_space<vmem_shared>>
        %dma_wait3A_85 = arith.constant 9744 : i32
        %dma_wait3A_86 = arith.constant 0 : i32
        %dma_wait3A_87 = tpu.memref_slice %arg25[%dma_wait3A_85, %dma_wait3A_86] : memref<10000x128xf32, #tpu.memory_space<vmem_shared>> -> memref<64x128xf32, #tpu.memory_space<vmem_shared>>
        tpu.wait_dma2 semaphore(%run_scoped3A : memref<!tpu.dma_semaphore, #tpu.memory_space<semaphore_mem>>) src(%arg17 : memref<64x128xf32, #tpu.memory_space<vmem>>) dst(%dma_wait3A_87 : memref<64x128xf32, #tpu.memory_space<vmem_shared>>)
        tpu.yield
      }) : () -> ()
      "tpu.region"() ({
        %run_scoped3A = tpu.sem_alloc : memref<!tpu.dma_semaphore, #tpu.memory_space<semaphore_mem>>
        %dma_start3A_76 = arith.constant 9808 : i32
        %dma_start3A_77 = arith.constant 0 : i32
        %dma_start3A_78 = tpu.memref_slice %arg25[%dma_start3A_76, %dma_start3A_77] : memref<10000x128xf32, #tpu.memory_space<vmem_shared>> -> memref<64x128xf32, #tpu.memory_space<vmem_shared>>
        %dma_start3A_79 = arith.constant 9808 : i32
        %dma_start3A_80 = arith.constant 0 : i32
        %dma_start3A_81 = tpu.memref_slice %arg25[%dma_start3A_79, %dma_start3A_80] : memref<10000x128xf32, #tpu.memory_space<vmem_shared>> -> memref<64x128xf32, #tpu.memory_space<vmem_shared>>
        tpu.enqueue_dma source(%arg17 : memref<64x128xf32, #tpu.memory_space<vmem>>) target(%dma_start3A_81 : memref<64x128xf32, #tpu.memory_space<vmem_shared>>) target_semaphore(%run_scoped3A : memref<!tpu.dma_semaphore, #tpu.memory_space<semaphore_mem>>)
        %dma_wait3A_82 = arith.constant 9808 : i32
        %dma_wait3A_83 = arith.constant 0 : i32
        %dma_wait3A_84 = tpu.memref_slice %arg25[%dma_wait3A_82, %dma_wait3A_83] : memref<10000x128xf32, #tpu.memory_space<vmem_shared>> -> memref<64x128xf32, #tpu.memory_space<vmem_shared>>
        %dma_wait3A_85 = arith.constant 9808 : i32
        %dma_wait3A_86 = arith.constant 0 : i32
        %dma_wait3A_87 = tpu.memref_slice %arg25[%dma_wait3A_85, %dma_wait3A_86] : memref<10000x128xf32, #tpu.memory_space<vmem_shared>> -> memref<64x128xf32, #tpu.memory_space<vmem_shared>>
        tpu.wait_dma2 semaphore(%run_scoped3A : memref<!tpu.dma_semaphore, #tpu.memory_space<semaphore_mem>>) src(%arg17 : memref<64x128xf32, #tpu.memory_space<vmem>>) dst(%dma_wait3A_87 : memref<64x128xf32, #tpu.memory_space<vmem_shared>>)
        tpu.yield
      }) : () -> ()
      "tpu.region"() ({
        %run_scoped3A = tpu.sem_alloc : memref<!tpu.dma_semaphore, #tpu.memory_space<semaphore_mem>>
        %dma_start3A_76 = arith.constant 9872 : i32
        %dma_start3A_77 = arith.constant 0 : i32
        %dma_start3A_78 = tpu.memref_slice %arg25[%dma_start3A_76, %dma_start3A_77] : memref<10000x128xf32, #tpu.memory_space<vmem_shared>> -> memref<64x128xf32, #tpu.memory_space<vmem_shared>>
        %dma_start3A_79 = arith.constant 9872 : i32
        %dma_start3A_80 = arith.constant 0 : i32
        %dma_start3A_81 = tpu.memref_slice %arg25[%dma_start3A_79, %dma_start3A_80] : memref<10000x128xf32, #tpu.memory_space<vmem_shared>> -> memref<64x128xf32, #tpu.memory_space<vmem_shared>>
        tpu.enqueue_dma source(%arg17 : memref<64x128xf32, #tpu.memory_space<vmem>>) target(%dma_start3A_81 : memref<64x128xf32, #tpu.memory_space<vmem_shared>>) target_semaphore(%run_scoped3A : memref<!tpu.dma_semaphore, #tpu.memory_space<semaphore_mem>>)
        %dma_wait3A_82 = arith.constant 9872 : i32
        %dma_wait3A_83 = arith.constant 0 : i32
        %dma_wait3A_84 = tpu.memref_slice %arg25[%dma_wait3A_82, %dma_wait3A_83] : memref<10000x128xf32, #tpu.memory_space<vmem_shared>> -> memref<64x128xf32, #tpu.memory_space<vmem_shared>>
        %dma_wait3A_85 = arith.constant 9872 : i32
        %dma_wait3A_86 = arith.constant 0 : i32
        %dma_wait3A_87 = tpu.memref_slice %arg25[%dma_wait3A_85, %dma_wait3A_86] : memref<10000x128xf32, #tpu.memory_space<vmem_shared>> -> memref<64x128xf32, #tpu.memory_space<vmem_shared>>
        tpu.wait_dma2 semaphore(%run_scoped3A : memref<!tpu.dma_semaphore, #tpu.memory_space<semaphore_mem>>) src(%arg17 : memref<64x128xf32, #tpu.memory_space<vmem>>) dst(%dma_wait3A_87 : memref<64x128xf32, #tpu.memory_space<vmem_shared>>)
        tpu.yield
      }) : () -> ()
      "tpu.region"() ({
        %run_scoped3A = tpu.sem_alloc : memref<!tpu.dma_semaphore, #tpu.memory_space<semaphore_mem>>
        %dma_start3A_76 = arith.constant 9936 : i32
        %dma_start3A_77 = arith.constant 0 : i32
        %dma_start3A_78 = tpu.memref_slice %arg25[%dma_start3A_76, %dma_start3A_77] : memref<10000x128xf32, #tpu.memory_space<vmem_shared>> -> memref<64x128xf32, #tpu.memory_space<vmem_shared>>
        %dma_start3A_79 = arith.constant 9936 : i32
        %dma_start3A_80 = arith.constant 0 : i32
        %dma_start3A_81 = tpu.memref_slice %arg25[%dma_start3A_79, %dma_start3A_80] : memref<10000x128xf32, #tpu.memory_space<vmem_shared>> -> memref<64x128xf32, #tpu.memory_space<vmem_shared>>
        tpu.enqueue_dma source(%arg17 : memref<64x128xf32, #tpu.memory_space<vmem>>) target(%dma_start3A_81 : memref<64x128xf32, #tpu.memory_space<vmem_shared>>) target_semaphore(%run_scoped3A : memref<!tpu.dma_semaphore, #tpu.memory_space<semaphore_mem>>)
        %dma_wait3A_82 = arith.constant 9936 : i32
        %dma_wait3A_83 = arith.constant 0 : i32
        %dma_wait3A_84 = tpu.memref_slice %arg25[%dma_wait3A_82, %dma_wait3A_83] : memref<10000x128xf32, #tpu.memory_space<vmem_shared>> -> memref<64x128xf32, #tpu.memory_space<vmem_shared>>
        %dma_wait3A_85 = arith.constant 9936 : i32
        %dma_wait3A_86 = arith.constant 0 : i32
        %dma_wait3A_87 = tpu.memref_slice %arg25[%dma_wait3A_85, %dma_wait3A_86] : memref<10000x128xf32, #tpu.memory_space<vmem_shared>> -> memref<64x128xf32, #tpu.memory_space<vmem_shared>>
        tpu.wait_dma2 semaphore(%run_scoped3A : memref<!tpu.dma_semaphore, #tpu.memory_space<semaphore_mem>>) src(%arg17 : memref<64x128xf32, #tpu.memory_space<vmem>>) dst(%dma_wait3A_87 : memref<64x128xf32, #tpu.memory_space<vmem_shared>>)
        tpu.yield
      }) : () -> ()
    } else {
    }
    %barrier3A = arith.constant 0 : index
    tpu.barrier barrier_id(%barrier3A)
    %add3A_12 = arith.constant 0 : i32
    %add3A_13 = arith.addi %add3A, %add3A_12 : i32
    %min3A = arith.constant 4999 : i32
    %min3A_14 = arith.minsi %add3A_13, %min3A : i32
    %mul3A_15 = arith.constant 64 : i32
    %mul3A_16 = arith.muli %min3A_14, %mul3A_15 : i32
    %dma_start3A = tpu.memref_slice %arg2[%mul3A_16] : memref<320000xi32, #tpu.memory_space<hbm>> -> memref<64xi32, #tpu.memory_space<hbm>>
    %dma_start3A_17 = tpu.memref_slice %arg2[%mul3A_16] : memref<320000xi32, #tpu.memory_space<hbm>> -> memref<64xi32, #tpu.memory_space<hbm>>
    tpu.enqueue_dma source(%dma_start3A_17 : memref<64xi32, #tpu.memory_space<hbm>>) target(%arg7 : memref<64xi32, #tpu.memory_space<vmem>>) target_semaphore(%arg19 : memref<!tpu.dma_semaphore, #tpu.memory_space<semaphore_mem>>)
    %dma_start3A_18 = tpu.memref_slice %arg3[%mul3A_16] : memref<320000xi32, #tpu.memory_space<hbm>> -> memref<64xi32, #tpu.memory_space<hbm>>
    %dma_start3A_19 = tpu.memref_slice %arg3[%mul3A_16] : memref<320000xi32, #tpu.memory_space<hbm>> -> memref<64xi32, #tpu.memory_space<hbm>>
    tpu.enqueue_dma source(%dma_start3A_19 : memref<64xi32, #tpu.memory_space<hbm>>) target(%arg9 : memref<64xi32, #tpu.memory_space<vmem>>) target_semaphore(%arg19 : memref<!tpu.dma_semaphore, #tpu.memory_space<semaphore_mem>>)
    %add3A_20 = arith.constant 32 : i32
    %add3A_21 = arith.addi %add3A, %add3A_20 : i32
    %min3A_22 = arith.constant 4999 : i32
    %min3A_23 = arith.minsi %add3A_21, %min3A_22 : i32
    %mul3A_24 = arith.constant 64 : i32
    %mul3A_25 = arith.muli %min3A_23, %mul3A_24 : i32
    %dma_start3A_26 = tpu.memref_slice %arg2[%mul3A_25] : memref<320000xi32, #tpu.memory_space<hbm>> -> memref<64xi32, #tpu.memory_space<hbm>>
    %dma_start3A_27 = tpu.memref_slice %arg2[%mul3A_25] : memref<320000xi32, #tpu.memory_space<hbm>> -> memref<64xi32, #tpu.memory_space<hbm>>
    tpu.enqueue_dma source(%dma_start3A_27 : memref<64xi32, #tpu.memory_space<hbm>>) target(%arg8 : memref<64xi32, #tpu.memory_space<vmem>>) target_semaphore(%arg20 : memref<!tpu.dma_semaphore, #tpu.memory_space<semaphore_mem>>)
    %dma_start3A_28 = tpu.memref_slice %arg3[%mul3A_25] : memref<320000xi32, #tpu.memory_space<hbm>> -> memref<64xi32, #tpu.memory_space<hbm>>
    %dma_start3A_29 = tpu.memref_slice %arg3[%mul3A_25] : memref<320000xi32, #tpu.memory_space<hbm>> -> memref<64xi32, #tpu.memory_space<hbm>>
    tpu.enqueue_dma source(%dma_start3A_29 : memref<64xi32, #tpu.memory_space<hbm>>) target(%arg10 : memref<64xi32, #tpu.memory_space<vmem>>) target_semaphore(%arg20 : memref<!tpu.dma_semaphore, #tpu.memory_space<semaphore_mem>>)
    %dma_wait3A = arith.constant 0 : i32
    %dma_wait3A_30 = tpu.memref_slice %arg2[%dma_wait3A] : memref<320000xi32, #tpu.memory_space<hbm>> -> memref<64xi32, #tpu.memory_space<hbm>>
    %dma_wait3A_31 = arith.constant 0 : i32
    %dma_wait3A_32 = tpu.memref_slice %arg2[%dma_wait3A_31] : memref<320000xi32, #tpu.memory_space<hbm>> -> memref<64xi32, #tpu.memory_space<hbm>>
    tpu.wait_dma2 semaphore(%arg19 : memref<!tpu.dma_semaphore, #tpu.memory_space<semaphore_mem>>) src(%dma_wait3A_32 : memref<64xi32, #tpu.memory_space<hbm>>) dst(%arg7 : memref<64xi32, #tpu.memory_space<vmem>>)
    %dma_wait3A_33 = arith.constant 0 : i32
    %dma_wait3A_34 = tpu.memref_slice %arg3[%dma_wait3A_33] : memref<320000xi32, #tpu.memory_space<hbm>> -> memref<64xi32, #tpu.memory_space<hbm>>
    %dma_wait3A_35 = arith.constant 0 : i32
    %dma_wait3A_36 = tpu.memref_slice %arg3[%dma_wait3A_35] : memref<320000xi32, #tpu.memory_space<hbm>> -> memref<64xi32, #tpu.memory_space<hbm>>
    tpu.wait_dma2 semaphore(%arg19 : memref<!tpu.dma_semaphore, #tpu.memory_space<semaphore_mem>>) src(%dma_wait3A_36 : memref<64xi32, #tpu.memory_space<hbm>>) dst(%arg9 : memref<64xi32, #tpu.memory_space<vmem>>)
    %dma_start3A_37 = arith.constant 0 : i32
    %dma_start3A_38 = arith.constant 0 : i32
    %dma_start3A_39 = tpu.memref_slice %arg4[%dma_start3A_37, %dma_start3A_38] : memref<10000x128xf32, #tpu.memory_space<hbm>> -> memref<10000x128xf32, #tpu.memory_space<hbm>>
    tpu.enqueue_indirect_dma source(%dma_start3A_39 : memref<10000x128xf32, #tpu.memory_space<hbm>>) target(%arg13 : memref<64x128xf32, #tpu.memory_space<vmem>>) offsets(%arg7 : memref<64xi32, #tpu.memory_space<vmem>>) semaphore(%arg21 : memref<!tpu.dma_semaphore, #tpu.memory_space<semaphore_mem>>)
    %dma_start3A_40 = arith.constant 0 : i32
    %dma_start3A_41 = arith.constant 0 : i32
    %dma_start3A_42 = tpu.memref_slice %arg5[%dma_start3A_40, %dma_start3A_41] : memref<10000x128xf32, #tpu.memory_space<hbm>> -> memref<10000x128xf32, #tpu.memory_space<hbm>>
    tpu.enqueue_indirect_dma source(%dma_start3A_42 : memref<10000x128xf32, #tpu.memory_space<hbm>>) target(%arg15 : memref<64x128xf32, #tpu.memory_space<vmem>>) offsets(%arg9 : memref<64xi32, #tpu.memory_space<vmem>>) semaphore(%arg21 : memref<!tpu.dma_semaphore, #tpu.memory_space<semaphore_mem>>)
    %dma_wait3A_43 = arith.constant 0 : i32
    %dma_wait3A_44 = arith.constant 0 : i32
    %dma_wait3A_45 = tpu.memref_slice %arg4[%dma_wait3A_43, %dma_wait3A_44] : memref<10000x128xf32, #tpu.memory_space<hbm>> -> memref<10000x128xf32, #tpu.memory_space<hbm>>
    tpu.wait_indirect_dma semaphore(%arg21 : memref<!tpu.dma_semaphore, #tpu.memory_space<semaphore_mem>>) src(%dma_wait3A_45 : memref<10000x128xf32, #tpu.memory_space<hbm>>) dst(%arg13 : memref<64x128xf32, #tpu.memory_space<vmem>>)
    %dma_wait3A_46 = arith.constant 0 : i32
    %dma_wait3A_47 = arith.constant 0 : i32
    %dma_wait3A_48 = tpu.memref_slice %arg5[%dma_wait3A_46, %dma_wait3A_47] : memref<10000x128xf32, #tpu.memory_space<hbm>> -> memref<10000x128xf32, #tpu.memory_space<hbm>>
    tpu.wait_indirect_dma semaphore(%arg21 : memref<!tpu.dma_semaphore, #tpu.memory_space<semaphore_mem>>) src(%dma_wait3A_48 : memref<10000x128xf32, #tpu.memory_space<hbm>>) dst(%arg15 : memref<64x128xf32, #tpu.memory_space<vmem>>)
    %scan3A_49 = arith.constant 0 : i32
    %scan3A_50 = arith.constant 0 : i32
    %scan3A_51 = arith.constant 79 : i32
    %scan3A_52 = arith.addi %scan3A_50, %scan3A_51 : i32
    %scan3A_53 = arith.constant 1 : i32
    scf.for %scan3A_76 = %scan3A_50 to %scan3A_52 step %scan3A_53  : i32 {
      %mul3A_77 = arith.constant 2 : i32
      %mul3A_78 = arith.muli %mul3A_77, %scan3A_76 : i32
      %lt3A_79 = arith.constant 157 : i32
      %lt3A_80 = arith.cmpi slt, %mul3A_78, %lt3A_79 : i32
      %convert_element_type3A_81 = arith.extui %lt3A_80 : i1 to i32
      %cond3A_82 = arith.constant 0 : i32
      %cond3A_83 = arith.cmpi ne, %convert_element_type3A_81, %cond3A_82 : i32
      scf.if %cond3A_83 {
        %dma_wait3A_93 = arith.constant 0 : i32
        %dma_wait3A_94 = tpu.memref_slice %arg2[%dma_wait3A_93] : memref<320000xi32, #tpu.memory_space<hbm>> -> memref<64xi32, #tpu.memory_space<hbm>>
        %dma_wait3A_95 = arith.constant 0 : i32
        %dma_wait3A_96 = tpu.memref_slice %arg2[%dma_wait3A_95] : memref<320000xi32, #tpu.memory_space<hbm>> -> memref<64xi32, #tpu.memory_space<hbm>>
        tpu.wait_dma2 semaphore(%arg20 : memref<!tpu.dma_semaphore, #tpu.memory_space<semaphore_mem>>) src(%dma_wait3A_96 : memref<64xi32, #tpu.memory_space<hbm>>) dst(%arg8 : memref<64xi32, #tpu.memory_space<vmem>>)
        %dma_wait3A_97 = arith.constant 0 : i32
        %dma_wait3A_98 = tpu.memref_slice %arg3[%dma_wait3A_97] : memref<320000xi32, #tpu.memory_space<hbm>> -> memref<64xi32, #tpu.memory_space<hbm>>
        %dma_wait3A_99 = arith.constant 0 : i32
        %dma_wait3A_100 = tpu.memref_slice %arg3[%dma_wait3A_99] : memref<320000xi32, #tpu.memory_space<hbm>> -> memref<64xi32, #tpu.memory_space<hbm>>
        tpu.wait_dma2 semaphore(%arg20 : memref<!tpu.dma_semaphore, #tpu.memory_space<semaphore_mem>>) src(%dma_wait3A_100 : memref<64xi32, #tpu.memory_space<hbm>>) dst(%arg10 : memref<64xi32, #tpu.memory_space<vmem>>)
        %dma_start3A_101 = arith.constant 0 : i32
        %dma_start3A_102 = arith.constant 0 : i32
        %dma_start3A_103 = tpu.memref_slice %arg4[%dma_start3A_101, %dma_start3A_102] : memref<10000x128xf32, #tpu.memory_space<hbm>> -> memref<10000x128xf32, #tpu.memory_space<hbm>>
        tpu.enqueue_indirect_dma source(%dma_start3A_103 : memref<10000x128xf32, #tpu.memory_space<hbm>>) target(%arg14 : memref<64x128xf32, #tpu.memory_space<vmem>>) offsets(%arg8 : memref<64xi32, #tpu.memory_space<vmem>>) semaphore(%arg22 : memref<!tpu.dma_semaphore, #tpu.memory_space<semaphore_mem>>)
        %dma_start3A_104 = arith.constant 0 : i32
        %dma_start3A_105 = arith.constant 0 : i32
        %dma_start3A_106 = tpu.memref_slice %arg5[%dma_start3A_104, %dma_start3A_105] : memref<10000x128xf32, #tpu.memory_space<hbm>> -> memref<10000x128xf32, #tpu.memory_space<hbm>>
        tpu.enqueue_indirect_dma source(%dma_start3A_106 : memref<10000x128xf32, #tpu.memory_space<hbm>>) target(%arg16 : memref<64x128xf32, #tpu.memory_space<vmem>>) offsets(%arg10 : memref<64xi32, #tpu.memory_space<vmem>>) semaphore(%arg22 : memref<!tpu.dma_semaphore, #tpu.memory_space<semaphore_mem>>)
        %ge3A = arith.constant 2 : i32
        %ge3A_107 = arith.cmpi sge, %mul3A_78, %ge3A : i32
        %convert_element_type3A_108 = arith.extui %ge3A_107 : i1 to i32
        %cond3A_109 = arith.constant 0 : i32
        %cond3A_110 = arith.cmpi ne, %convert_element_type3A_108, %cond3A_109 : i32
        scf.if %cond3A_110 {
          %dma_wait3A_162 = arith.constant 0 : i32
          %dma_wait3A_163 = arith.constant 0 : i32
          %dma_wait3A_164 = tpu.memref_slice %arg25[%dma_wait3A_162, %dma_wait3A_163] : memref<10000x128xf32, #tpu.memory_space<vmem_shared>> -> memref<10000x128xf32, #tpu.memory_space<vmem_shared>>
          tpu.wait_indirect_dma semaphore(%arg23 : memref<!tpu.dma_semaphore, #tpu.memory_space<semaphore_mem>>) src(%arg17 : memref<64x128xf32, #tpu.memory_space<vmem>>) dst(%dma_wait3A_164 : memref<10000x128xf32, #tpu.memory_space<vmem_shared>>)
        } else {
        }
        %scan3A_111 = arith.constant 0 : i32
        %scan3A_112 = arith.constant 0 : i32
        %scan3A_113 = arith.constant 64 : i32
        %scan3A_114 = arith.addi %scan3A_112, %scan3A_113 : i32
        %scan3A_115 = arith.constant 1 : i32
        scf.for %scan3A_162 = %scan3A_112 to %scan3A_114 step %scan3A_115  : i32 {
          %get3A_163 = arith.index_cast %scan3A_162 : i32 to index
          %get3A_164 = arith.constant 64 : index
          %get3A_165 = tpu.vector_load %arg13[%get3A_163, %get3A_164] {strides = array<i32>} : memref<64x128xf32, #tpu.memory_space<vmem>>, vector<1x16xf32>,
          %get3A_166 = vector.shape_cast %get3A_165 : vector<1x16xf32> to vector<16xf32>
          %get3A_167 = arith.index_cast %scan3A_162 : i32 to index
          %get3A_168 = arith.constant 0 : index
          %get3A_169 = tpu.vector_load %arg15[%get3A_167, %get3A_168] {strides = array<i32>} : memref<64x128xf32, #tpu.memory_space<vmem>>, vector<1x16xf32>,
          %get3A_170 = vector.shape_cast %get3A_169 : vector<1x16xf32> to vector<16xf32>
          %add3A_171 = arith.addf %get3A_166, %get3A_170 : vector<16xf32>
          %mul3A_172 = arith.constant 2.000000e-01 : f32
          %mul3A_173 = vector.broadcast %mul3A_172 : f32 to vector<16xf32>
          %mul3A_174 = arith.mulf %mul3A_173, %add3A_171 : vector<16xf32>
          %max3A = arith.maximumf %add3A_171, %mul3A_174 : vector<16xf32>
          %exp3A = math.exp %max3A : vector<16xf32>
          %get3A_175 = arith.index_cast %scan3A_162 : i32 to index
          %get3A_176 = arith.constant 0 : index
          %get3A_177 = tpu.vector_load %arg13[%get3A_175, %get3A_176] {strides = array<i32>} : memref<64x128xf32, #tpu.memory_space<vmem>>, vector<1x16xf32>,
          %get3A_178 = vector.shape_cast %get3A_177 : vector<1x16xf32> to vector<16xf32>
          %mul3A_179 = arith.mulf %get3A_178, %exp3A : vector<16xf32>
          %swap3A_180 = arith.index_cast %scan3A_162 : i32 to index
          %swap3A_181 = arith.constant 0 : index
          %swap3A_182 = tpu.vector_load %arg17[%swap3A_180, %swap3A_181] {strides = array<i32>} : memref<64x128xf32, #tpu.memory_space<vmem>>, vector<1x16xf32>,
          %swap3A_183 = vector.shape_cast %swap3A_182 : vector<1x16xf32> to vector<16xf32>
          %swap3A_184 = vector.shape_cast %mul3A_179 : vector<16xf32> to vector<1x16xf32>
          tpu.vector_store %arg17[%swap3A_180, %swap3A_181], %swap3A_184 {strides = array<i32>} : memref<64x128xf32, #tpu.memory_space<vmem>>, vector<1x16xf32>,
          %swap3A_185 = arith.index_cast %scan3A_162 : i32 to index
          %swap3A_186 = arith.constant 64 : index
          %swap3A_187 = tpu.vector_load %arg17[%swap3A_185, %swap3A_186] {strides = array<i32>} : memref<64x128xf32, #tpu.memory_space<vmem>>, vector<1x16xf32>,
          %swap3A_188 = vector.shape_cast %swap3A_187 : vector<1x16xf32> to vector<16xf32>
          %swap3A_189 = vector.shape_cast %exp3A : vector<16xf32> to vector<1x16xf32>
          tpu.vector_store %arg17[%swap3A_185, %swap3A_186], %swap3A_189 {strides = array<i32>} : memref<64x128xf32, #tpu.memory_space<vmem>>, vector<1x16xf32>,
          %get3A_190 = arith.index_cast %scan3A_162 : i32 to index
          %get3A_191 = arith.constant 80 : index
          %get3A_192 = tpu.vector_load %arg13[%get3A_190, %get3A_191] {strides = array<i32>} : memref<64x128xf32, #tpu.memory_space<vmem>>, vector<1x16xf32>,
          %get3A_193 = vector.shape_cast %get3A_192 : vector<1x16xf32> to vector<16xf32>
          %get3A_194 = arith.index_cast %scan3A_162 : i32 to index
          %get3A_195 = arith.constant 16 : index
          %get3A_196 = tpu.vector_load %arg15[%get3A_194, %get3A_195] {strides = array<i32>} : memref<64x128xf32, #tpu.memory_space<vmem>>, vector<1x16xf32>,
          %get3A_197 = vector.shape_cast %get3A_196 : vector<1x16xf32> to vector<16xf32>
          %add3A_198 = arith.addf %get3A_193, %get3A_197 : vector<16xf32>
          %mul3A_199 = arith.constant 2.000000e-01 : f32
          %mul3A_200 = vector.broadcast %mul3A_199 : f32 to vector<16xf32>
          %mul3A_201 = arith.mulf %mul3A_200, %add3A_198 : vector<16xf32>
          %max3A_202 = arith.maximumf %add3A_198, %mul3A_201 : vector<16xf32>
          %exp3A_203 = math.exp %max3A_202 : vector<16xf32>
          %get3A_204 = arith.index_cast %scan3A_162 : i32 to index
          %get3A_205 = arith.constant 16 : index
          %get3A_206 = tpu.vector_load %arg13[%get3A_204, %get3A_205] {strides = array<i32>} : memref<64x128xf32, #tpu.memory_space<vmem>>, vector<1x16xf32>,
          %get3A_207 = vector.shape_cast %get3A_206 : vector<1x16xf32> to vector<16xf32>
          %mul3A_208 = arith.mulf %get3A_207, %exp3A_203 : vector<16xf32>
          %swap3A_209 = arith.index_cast %scan3A_162 : i32 to index
          %swap3A_210 = arith.constant 16 : index
          %swap3A_211 = tpu.vector_load %arg17[%swap3A_209, %swap3A_210] {strides = array<i32>} : memref<64x128xf32, #tpu.memory_space<vmem>>, vector<1x16xf32>,
          %swap3A_212 = vector.shape_cast %swap3A_211 : vector<1x16xf32> to vector<16xf32>
          %swap3A_213 = vector.shape_cast %mul3A_208 : vector<16xf32> to vector<1x16xf32>
          tpu.vector_store %arg17[%swap3A_209, %swap3A_210], %swap3A_213 {strides = array<i32>} : memref<64x128xf32, #tpu.memory_space<vmem>>, vector<1x16xf32>,
          %swap3A_214 = arith.index_cast %scan3A_162 : i32 to index
          %swap3A_215 = arith.constant 80 : index
          %swap3A_216 = tpu.vector_load %arg17[%swap3A_214, %swap3A_215] {strides = array<i32>} : memref<64x128xf32, #tpu.memory_space<vmem>>, vector<1x16xf32>,
          %swap3A_217 = vector.shape_cast %swap3A_216 : vector<1x16xf32> to vector<16xf32>
          %swap3A_218 = vector.shape_cast %exp3A_203 : vector<16xf32> to vector<1x16xf32>
          tpu.vector_store %arg17[%swap3A_214, %swap3A_215], %swap3A_218 {strides = array<i32>} : memref<64x128xf32, #tpu.memory_space<vmem>>, vector<1x16xf32>,
          %get3A_219 = arith.index_cast %scan3A_162 : i32 to index
          %get3A_220 = arith.constant 96 : index
          %get3A_221 = tpu.vector_load %arg13[%get3A_219, %get3A_220] {strides = array<i32>} : memref<64x128xf32, #tpu.memory_space<vmem>>, vector<1x16xf32>,
          %get3A_222 = vector.shape_cast %get3A_221 : vector<1x16xf32> to vector<16xf32>
          %get3A_223 = arith.index_cast %scan3A_162 : i32 to index
          %get3A_224 = arith.constant 32 : index
          %get3A_225 = tpu.vector_load %arg15[%get3A_223, %get3A_224] {strides = array<i32>} : memref<64x128xf32, #tpu.memory_space<vmem>>, vector<1x16xf32>,
          %get3A_226 = vector.shape_cast %get3A_225 : vector<1x16xf32> to vector<16xf32>
          %add3A_227 = arith.addf %get3A_222, %get3A_226 : vector<16xf32>
          %mul3A_228 = arith.constant 2.000000e-01 : f32
          %mul3A_229 = vector.broadcast %mul3A_228 : f32 to vector<16xf32>
          %mul3A_230 = arith.mulf %mul3A_229, %add3A_227 : vector<16xf32>
          %max3A_231 = arith.maximumf %add3A_227, %mul3A_230 : vector<16xf32>
          %exp3A_232 = math.exp %max3A_231 : vector<16xf32>
          %get3A_233 = arith.index_cast %scan3A_162 : i32 to index
          %get3A_234 = arith.constant 32 : index
          %get3A_235 = tpu.vector_load %arg13[%get3A_233, %get3A_234] {strides = array<i32>} : memref<64x128xf32, #tpu.memory_space<vmem>>, vector<1x16xf32>,
          %get3A_236 = vector.shape_cast %get3A_235 : vector<1x16xf32> to vector<16xf32>
          %mul3A_237 = arith.mulf %get3A_236, %exp3A_232 : vector<16xf32>
          %swap3A_238 = arith.index_cast %scan3A_162 : i32 to index
          %swap3A_239 = arith.constant 32 : index
          %swap3A_240 = tpu.vector_load %arg17[%swap3A_238, %swap3A_239] {strides = array<i32>} : memref<64x128xf32, #tpu.memory_space<vmem>>, vector<1x16xf32>,
          %swap3A_241 = vector.shape_cast %swap3A_240 : vector<1x16xf32> to vector<16xf32>
          %swap3A_242 = vector.shape_cast %mul3A_237 : vector<16xf32> to vector<1x16xf32>
          tpu.vector_store %arg17[%swap3A_238, %swap3A_239], %swap3A_242 {strides = array<i32>} : memref<64x128xf32, #tpu.memory_space<vmem>>, vector<1x16xf32>,
          %swap3A_243 = arith.index_cast %scan3A_162 : i32 to index
          %swap3A_244 = arith.constant 96 : index
          %swap3A_245 = tpu.vector_load %arg17[%swap3A_243, %swap3A_244] {strides = array<i32>} : memref<64x128xf32, #tpu.memory_space<vmem>>, vector<1x16xf32>,
          %swap3A_246 = vector.shape_cast %swap3A_245 : vector<1x16xf32> to vector<16xf32>
          %swap3A_247 = vector.shape_cast %exp3A_232 : vector<16xf32> to vector<1x16xf32>
          tpu.vector_store %arg17[%swap3A_243, %swap3A_244], %swap3A_247 {strides = array<i32>} : memref<64x128xf32, #tpu.memory_space<vmem>>, vector<1x16xf32>,
          %get3A_248 = arith.index_cast %scan3A_162 : i32 to index
          %get3A_249 = arith.constant 112 : index
          %get3A_250 = tpu.vector_load %arg13[%get3A_248, %get3A_249] {strides = array<i32>} : memref<64x128xf32, #tpu.memory_space<vmem>>, vector<1x16xf32>,
          %get3A_251 = vector.shape_cast %get3A_250 : vector<1x16xf32> to vector<16xf32>
          %get3A_252 = arith.index_cast %scan3A_162 : i32 to index
          %get3A_253 = arith.constant 48 : index
          %get3A_254 = tpu.vector_load %arg15[%get3A_252, %get3A_253] {strides = array<i32>} : memref<64x128xf32, #tpu.memory_space<vmem>>, vector<1x16xf32>,
          %get3A_255 = vector.shape_cast %get3A_254 : vector<1x16xf32> to vector<16xf32>
          %add3A_256 = arith.addf %get3A_251, %get3A_255 : vector<16xf32>
          %mul3A_257 = arith.constant 2.000000e-01 : f32
          %mul3A_258 = vector.broadcast %mul3A_257 : f32 to vector<16xf32>
          %mul3A_259 = arith.mulf %mul3A_258, %add3A_256 : vector<16xf32>
          %max3A_260 = arith.maximumf %add3A_256, %mul3A_259 : vector<16xf32>
          %exp3A_261 = math.exp %max3A_260 : vector<16xf32>
          %get3A_262 = arith.index_cast %scan3A_162 : i32 to index
          %get3A_263 = arith.constant 48 : index
          %get3A_264 = tpu.vector_load %arg13[%get3A_262, %get3A_263] {strides = array<i32>} : memref<64x128xf32, #tpu.memory_space<vmem>>, vector<1x16xf32>,
          %get3A_265 = vector.shape_cast %get3A_264 : vector<1x16xf32> to vector<16xf32>
          %mul3A_266 = arith.mulf %get3A_265, %exp3A_261 : vector<16xf32>
          %swap3A_267 = arith.index_cast %scan3A_162 : i32 to index
          %swap3A_268 = arith.constant 48 : index
          %swap3A_269 = tpu.vector_load %arg17[%swap3A_267, %swap3A_268] {strides = array<i32>} : memref<64x128xf32, #tpu.memory_space<vmem>>, vector<1x16xf32>,
          %swap3A_270 = vector.shape_cast %swap3A_269 : vector<1x16xf32> to vector<16xf32>
          %swap3A_271 = vector.shape_cast %mul3A_266 : vector<16xf32> to vector<1x16xf32>
          tpu.vector_store %arg17[%swap3A_267, %swap3A_268], %swap3A_271 {strides = array<i32>} : memref<64x128xf32, #tpu.memory_space<vmem>>, vector<1x16xf32>,
          %swap3A_272 = arith.index_cast %scan3A_162 : i32 to index
          %swap3A_273 = arith.constant 112 : index
          %swap3A_274 = tpu.vector_load %arg17[%swap3A_272, %swap3A_273] {strides = array<i32>} : memref<64x128xf32, #tpu.memory_space<vmem>>, vector<1x16xf32>,
          %swap3A_275 = vector.shape_cast %swap3A_274 : vector<1x16xf32> to vector<16xf32>
          %swap3A_276 = vector.shape_cast %exp3A_261 : vector<16xf32> to vector<1x16xf32>
          tpu.vector_store %arg17[%swap3A_272, %swap3A_273], %swap3A_276 {strides = array<i32>} : memref<64x128xf32, #tpu.memory_space<vmem>>, vector<1x16xf32>,
        }
        %scan3A_116 = arith.constant 64 : i32
        %get3A = arith.constant 0 : index
        %get3A_117 = tpu.vector_load %arg9[%get3A] {strides = array<i32>} : memref<64xi32, #tpu.memory_space<vmem>>, vector<16xi32>,
        %get3A_118 = vector.shape_cast %get3A_117 : vector<16xi32> to vector<16xi32>
        %swap3A = arith.constant 0 : index
        %swap3A_119 = tpu.vector_load %arg11[%swap3A] {strides = array<i32>} : memref<64xi32, #tpu.memory_space<vmem>>, vector<16xi32>,
        %swap3A_120 = vector.shape_cast %swap3A_119 : vector<16xi32> to vector<16xi32>
        %swap3A_121 = vector.shape_cast %get3A_118 : vector<16xi32> to vector<16xi32>
        tpu.vector_store %arg11[%swap3A], %swap3A_121 {strides = array<i32>} : memref<64xi32, #tpu.memory_space<vmem>>, vector<16xi32>,
        %get3A_122 = arith.constant 16 : index
        %get3A_123 = tpu.vector_load %arg9[%get3A_122] {strides = array<i32>} : memref<64xi32, #tpu.memory_space<vmem>>, vector<16xi32>,
        %get3A_124 = vector.shape_cast %get3A_123 : vector<16xi32> to vector<16xi32>
        %swap3A_125 = arith.constant 16 : index
        %swap3A_126 = tpu.vector_load %arg11[%swap3A_125] {strides = array<i32>} : memref<64xi32, #tpu.memory_space<vmem>>, vector<16xi32>,
        %swap3A_127 = vector.shape_cast %swap3A_126 : vector<16xi32> to vector<16xi32>
        %swap3A_128 = vector.shape_cast %get3A_124 : vector<16xi32> to vector<16xi32>
        tpu.vector_store %arg11[%swap3A_125], %swap3A_128 {strides = array<i32>} : memref<64xi32, #tpu.memory_space<vmem>>, vector<16xi32>,
        %get3A_129 = arith.constant 32 : index
        %get3A_130 = tpu.vector_load %arg9[%get3A_129] {strides = array<i32>} : memref<64xi32, #tpu.memory_space<vmem>>, vector<16xi32>,
        %get3A_131 = vector.shape_cast %get3A_130 : vector<16xi32> to vector<16xi32>
        %swap3A_132 = arith.constant 32 : index
        %swap3A_133 = tpu.vector_load %arg11[%swap3A_132] {strides = array<i32>} : memref<64xi32, #tpu.memory_space<vmem>>, vector<16xi32>,
        %swap3A_134 = vector.shape_cast %swap3A_133 : vector<16xi32> to vector<16xi32>
        %swap3A_135 = vector.shape_cast %get3A_131 : vector<16xi32> to vector<16xi32>
        tpu.vector_store %arg11[%swap3A_132], %swap3A_135 {strides = array<i32>} : memref<64xi32, #tpu.memory_space<vmem>>, vector<16xi32>,
        %get3A_136 = arith.constant 48 : index
        %get3A_137 = tpu.vector_load %arg9[%get3A_136] {strides = array<i32>} : memref<64xi32, #tpu.memory_space<vmem>>, vector<16xi32>,
        %get3A_138 = vector.shape_cast %get3A_137 : vector<16xi32> to vector<16xi32>
        %swap3A_139 = arith.constant 48 : index
        %swap3A_140 = tpu.vector_load %arg11[%swap3A_139] {strides = array<i32>} : memref<64xi32, #tpu.memory_space<vmem>>, vector<16xi32>,
        %swap3A_141 = vector.shape_cast %swap3A_140 : vector<16xi32> to vector<16xi32>
        %swap3A_142 = vector.shape_cast %get3A_138 : vector<16xi32> to vector<16xi32>
        tpu.vector_store %arg11[%swap3A_139], %swap3A_142 {strides = array<i32>} : memref<64xi32, #tpu.memory_space<vmem>>, vector<16xi32>,
        %mul3A_143 = arith.constant 32 : i32
        %mul3A_144 = arith.muli %mul3A_143, %mul3A_78 : i32
        %add3A_145 = arith.addi %add3A, %mul3A_144 : i32
        %lt3A_146 = arith.constant 5000 : i32
        %lt3A_147 = arith.cmpi slt, %add3A_145, %lt3A_146 : i32
        %convert_element_type3A_148 = arith.extui %lt3A_147 : i1 to i32
        %cond3A_149 = arith.constant 0 : i32
        %cond3A_150 = arith.cmpi ne, %convert_element_type3A_148, %cond3A_149 : i32
        scf.if %cond3A_150 {
          %dma_start3A_162 = arith.constant 0 : i32
          %dma_start3A_163 = arith.constant 0 : i32
          %dma_start3A_164 = tpu.memref_slice %arg25[%dma_start3A_162, %dma_start3A_163] : memref<10000x128xf32, #tpu.memory_space<vmem_shared>> -> memref<10000x128xf32, #tpu.memory_space<vmem_shared>>
          tpu.enqueue_indirect_dma source(%arg17 : memref<64x128xf32, #tpu.memory_space<vmem>>) target(%dma_start3A_164 : memref<10000x128xf32, #tpu.memory_space<vmem_shared>>) offsets(%arg11 : memref<64xi32, #tpu.memory_space<vmem>>) semaphore(%arg23 : memref<!tpu.dma_semaphore, #tpu.memory_space<semaphore_mem>>) {add = true}
        } else {
        }
        %lt3A_151 = arith.constant 156 : i32
        %lt3A_152 = arith.cmpi slt, %mul3A_78, %lt3A_151 : i32
        %convert_element_type3A_153 = arith.extui %lt3A_152 : i1 to i32
        %cond3A_154 = arith.constant 0 : i32
        %cond3A_155 = arith.cmpi ne, %convert_element_type3A_153, %cond3A_154 : i32
        scf.if %cond3A_155 {
          %add3A_162 = arith.constant 2 : i32
          %add3A_163 = arith.addi %mul3A_78, %add3A_162 : i32
          %mul3A_164 = arith.constant 32 : i32
          %mul3A_165 = arith.muli %mul3A_164, %add3A_163 : i32
          %add3A_166 = arith.addi %add3A, %mul3A_165 : i32
          %min3A_167 = arith.constant 4999 : i32
          %min3A_168 = arith.minsi %add3A_166, %min3A_167 : i32
          %mul3A_169 = arith.constant 64 : i32
          %mul3A_170 = arith.muli %min3A_168, %mul3A_169 : i32
          %dma_start3A_171 = tpu.memref_slice %arg2[%mul3A_170] : memref<320000xi32, #tpu.memory_space<hbm>> -> memref<64xi32, #tpu.memory_space<hbm>>
          %dma_start3A_172 = tpu.memref_slice %arg2[%mul3A_170] : memref<320000xi32, #tpu.memory_space<hbm>> -> memref<64xi32, #tpu.memory_space<hbm>>
          tpu.enqueue_dma source(%dma_start3A_172 : memref<64xi32, #tpu.memory_space<hbm>>) target(%arg7 : memref<64xi32, #tpu.memory_space<vmem>>) target_semaphore(%arg19 : memref<!tpu.dma_semaphore, #tpu.memory_space<semaphore_mem>>)
          %dma_start3A_173 = tpu.memref_slice %arg3[%mul3A_170] : memref<320000xi32, #tpu.memory_space<hbm>> -> memref<64xi32, #tpu.memory_space<hbm>>
          %dma_start3A_174 = tpu.memref_slice %arg3[%mul3A_170] : memref<320000xi32, #tpu.memory_space<hbm>> -> memref<64xi32, #tpu.memory_space<hbm>>
          tpu.enqueue_dma source(%dma_start3A_174 : memref<64xi32, #tpu.memory_space<hbm>>) target(%arg9 : memref<64xi32, #tpu.memory_space<vmem>>) target_semaphore(%arg19 : memref<!tpu.dma_semaphore, #tpu.memory_space<semaphore_mem>>)
        } else {
        }
        %dma_wait3A_156 = arith.constant 0 : i32
        %dma_wait3A_157 = arith.constant 0 : i32
        %dma_wait3A_158 = tpu.memref_slice %arg4[%dma_wait3A_156, %dma_wait3A_157] : memref<10000x128xf32, #tpu.memory_space<hbm>> -> memref<10000x128xf32, #tpu.memory_space<hbm>>
        tpu.wait_indirect_dma semaphore(%arg22 : memref<!tpu.dma_semaphore, #tpu.memory_space<semaphore_mem>>) src(%dma_wait3A_158 : memref<10000x128xf32, #tpu.memory_space<hbm>>) dst(%arg14 : memref<64x128xf32, #tpu.memory_space<vmem>>)
        %dma_wait3A_159 = arith.constant 0 : i32
        %dma_wait3A_160 = arith.constant 0 : i32
        %dma_wait3A_161 = tpu.memref_slice %arg5[%dma_wait3A_159, %dma_wait3A_160] : memref<10000x128xf32, #tpu.memory_space<hbm>> -> memref<10000x128xf32, #tpu.memory_space<hbm>>
        tpu.wait_indirect_dma semaphore(%arg22 : memref<!tpu.dma_semaphore, #tpu.memory_space<semaphore_mem>>) src(%dma_wait3A_161 : memref<10000x128xf32, #tpu.memory_space<hbm>>) dst(%arg16 : memref<64x128xf32, #tpu.memory_space<vmem>>)
      } else {
      }
      %mul3A_84 = arith.constant 2 : i32
      %mul3A_85 = arith.muli %mul3A_84, %scan3A_76 : i32
      %add3A_86 = arith.constant 1 : i32
      %add3A_87 = arith.addi %mul3A_85, %add3A_86 : i32
      %lt3A_88 = arith.constant 157 : i32
      %lt3A_89 = arith.cmpi slt, %add3A_87, %lt3A_88 : i32
      %convert_element_type3A_90 = arith.extui %lt3A_89 : i1 to i32
      %cond3A_91 = arith.constant 0 : i32
      %cond3A_92 = arith.cmpi ne, %convert_element_type3A_90, %cond3A_91 : i32
      scf.if %cond3A_92 {
        %dma_wait3A_93 = arith.constant 0 : i32
        %dma_wait3A_94 = tpu.memref_slice %arg2[%dma_wait3A_93] : memref<320000xi32, #tpu.memory_space<hbm>> -> memref<64xi32, #tpu.memory_space<hbm>>
        %dma_wait3A_95 = arith.constant 0 : i32
        %dma_wait3A_96 = tpu.memref_slice %arg2[%dma_wait3A_95] : memref<320000xi32, #tpu.memory_space<hbm>> -> memref<64xi32, #tpu.memory_space<hbm>>
        tpu.wait_dma2 semaphore(%arg19 : memref<!tpu.dma_semaphore, #tpu.memory_space<semaphore_mem>>) src(%dma_wait3A_96 : memref<64xi32, #tpu.memory_space<hbm>>) dst(%arg7 : memref<64xi32, #tpu.memory_space<vmem>>)
        %dma_wait3A_97 = arith.constant 0 : i32
        %dma_wait3A_98 = tpu.memref_slice %arg3[%dma_wait3A_97] : memref<320000xi32, #tpu.memory_space<hbm>> -> memref<64xi32, #tpu.memory_space<hbm>>
        %dma_wait3A_99 = arith.constant 0 : i32
        %dma_wait3A_100 = tpu.memref_slice %arg3[%dma_wait3A_99] : memref<320000xi32, #tpu.memory_space<hbm>> -> memref<64xi32, #tpu.memory_space<hbm>>
        tpu.wait_dma2 semaphore(%arg19 : memref<!tpu.dma_semaphore, #tpu.memory_space<semaphore_mem>>) src(%dma_wait3A_100 : memref<64xi32, #tpu.memory_space<hbm>>) dst(%arg9 : memref<64xi32, #tpu.memory_space<vmem>>)
        %dma_start3A_101 = arith.constant 0 : i32
        %dma_start3A_102 = arith.constant 0 : i32
        %dma_start3A_103 = tpu.memref_slice %arg4[%dma_start3A_101, %dma_start3A_102] : memref<10000x128xf32, #tpu.memory_space<hbm>> -> memref<10000x128xf32, #tpu.memory_space<hbm>>
        tpu.enqueue_indirect_dma source(%dma_start3A_103 : memref<10000x128xf32, #tpu.memory_space<hbm>>) target(%arg13 : memref<64x128xf32, #tpu.memory_space<vmem>>) offsets(%arg7 : memref<64xi32, #tpu.memory_space<vmem>>) semaphore(%arg21 : memref<!tpu.dma_semaphore, #tpu.memory_space<semaphore_mem>>)
        %dma_start3A_104 = arith.constant 0 : i32
        %dma_start3A_105 = arith.constant 0 : i32
        %dma_start3A_106 = tpu.memref_slice %arg5[%dma_start3A_104, %dma_start3A_105] : memref<10000x128xf32, #tpu.memory_space<hbm>> -> memref<10000x128xf32, #tpu.memory_space<hbm>>
        tpu.enqueue_indirect_dma source(%dma_start3A_106 : memref<10000x128xf32, #tpu.memory_space<hbm>>) target(%arg15 : memref<64x128xf32, #tpu.memory_space<vmem>>) offsets(%arg9 : memref<64xi32, #tpu.memory_space<vmem>>) semaphore(%arg21 : memref<!tpu.dma_semaphore, #tpu.memory_space<semaphore_mem>>)
        %ge3A = arith.constant 2 : i32
        %ge3A_107 = arith.cmpi sge, %add3A_87, %ge3A : i32
        %convert_element_type3A_108 = arith.extui %ge3A_107 : i1 to i32
        %cond3A_109 = arith.constant 0 : i32
        %cond3A_110 = arith.cmpi ne, %convert_element_type3A_108, %cond3A_109 : i32
        scf.if %cond3A_110 {
          %dma_wait3A_162 = arith.constant 0 : i32
          %dma_wait3A_163 = arith.constant 0 : i32
          %dma_wait3A_164 = tpu.memref_slice %arg25[%dma_wait3A_162, %dma_wait3A_163] : memref<10000x128xf32, #tpu.memory_space<vmem_shared>> -> memref<10000x128xf32, #tpu.memory_space<vmem_shared>>
          tpu.wait_indirect_dma semaphore(%arg24 : memref<!tpu.dma_semaphore, #tpu.memory_space<semaphore_mem>>) src(%arg18 : memref<64x128xf32, #tpu.memory_space<vmem>>) dst(%dma_wait3A_164 : memref<10000x128xf32, #tpu.memory_space<vmem_shared>>)
        } else {
        }
        %scan3A_111 = arith.constant 0 : i32
        %scan3A_112 = arith.constant 0 : i32
        %scan3A_113 = arith.constant 64 : i32
        %scan3A_114 = arith.addi %scan3A_112, %scan3A_113 : i32
        %scan3A_115 = arith.constant 1 : i32
        scf.for %scan3A_162 = %scan3A_112 to %scan3A_114 step %scan3A_115  : i32 {
          %get3A_163 = arith.index_cast %scan3A_162 : i32 to index
          %get3A_164 = arith.constant 64 : index
          %get3A_165 = tpu.vector_load %arg14[%get3A_163, %get3A_164] {strides = array<i32>} : memref<64x128xf32, #tpu.memory_space<vmem>>, vector<1x16xf32>,
          %get3A_166 = vector.shape_cast %get3A_165 : vector<1x16xf32> to vector<16xf32>
          %get3A_167 = arith.index_cast %scan3A_162 : i32 to index
          %get3A_168 = arith.constant 0 : index
          %get3A_169 = tpu.vector_load %arg16[%get3A_167, %get3A_168] {strides = array<i32>} : memref<64x128xf32, #tpu.memory_space<vmem>>, vector<1x16xf32>,
          %get3A_170 = vector.shape_cast %get3A_169 : vector<1x16xf32> to vector<16xf32>
          %add3A_171 = arith.addf %get3A_166, %get3A_170 : vector<16xf32>
          %mul3A_172 = arith.constant 2.000000e-01 : f32
          %mul3A_173 = vector.broadcast %mul3A_172 : f32 to vector<16xf32>
          %mul3A_174 = arith.mulf %mul3A_173, %add3A_171 : vector<16xf32>
          %max3A = arith.maximumf %add3A_171, %mul3A_174 : vector<16xf32>
          %exp3A = math.exp %max3A : vector<16xf32>
          %get3A_175 = arith.index_cast %scan3A_162 : i32 to index
          %get3A_176 = arith.constant 0 : index
          %get3A_177 = tpu.vector_load %arg14[%get3A_175, %get3A_176] {strides = array<i32>} : memref<64x128xf32, #tpu.memory_space<vmem>>, vector<1x16xf32>,
          %get3A_178 = vector.shape_cast %get3A_177 : vector<1x16xf32> to vector<16xf32>
          %mul3A_179 = arith.mulf %get3A_178, %exp3A : vector<16xf32>
          %swap3A_180 = arith.index_cast %scan3A_162 : i32 to index
          %swap3A_181 = arith.constant 0 : index
          %swap3A_182 = tpu.vector_load %arg18[%swap3A_180, %swap3A_181] {strides = array<i32>} : memref<64x128xf32, #tpu.memory_space<vmem>>, vector<1x16xf32>,
          %swap3A_183 = vector.shape_cast %swap3A_182 : vector<1x16xf32> to vector<16xf32>
          %swap3A_184 = vector.shape_cast %mul3A_179 : vector<16xf32> to vector<1x16xf32>
          tpu.vector_store %arg18[%swap3A_180, %swap3A_181], %swap3A_184 {strides = array<i32>} : memref<64x128xf32, #tpu.memory_space<vmem>>, vector<1x16xf32>,
          %swap3A_185 = arith.index_cast %scan3A_162 : i32 to index
          %swap3A_186 = arith.constant 64 : index
          %swap3A_187 = tpu.vector_load %arg18[%swap3A_185, %swap3A_186] {strides = array<i32>} : memref<64x128xf32, #tpu.memory_space<vmem>>, vector<1x16xf32>,
          %swap3A_188 = vector.shape_cast %swap3A_187 : vector<1x16xf32> to vector<16xf32>
          %swap3A_189 = vector.shape_cast %exp3A : vector<16xf32> to vector<1x16xf32>
          tpu.vector_store %arg18[%swap3A_185, %swap3A_186], %swap3A_189 {strides = array<i32>} : memref<64x128xf32, #tpu.memory_space<vmem>>, vector<1x16xf32>,
          %get3A_190 = arith.index_cast %scan3A_162 : i32 to index
          %get3A_191 = arith.constant 80 : index
          %get3A_192 = tpu.vector_load %arg14[%get3A_190, %get3A_191] {strides = array<i32>} : memref<64x128xf32, #tpu.memory_space<vmem>>, vector<1x16xf32>,
          %get3A_193 = vector.shape_cast %get3A_192 : vector<1x16xf32> to vector<16xf32>
          %get3A_194 = arith.index_cast %scan3A_162 : i32 to index
          %get3A_195 = arith.constant 16 : index
          %get3A_196 = tpu.vector_load %arg16[%get3A_194, %get3A_195] {strides = array<i32>} : memref<64x128xf32, #tpu.memory_space<vmem>>, vector<1x16xf32>,
          %get3A_197 = vector.shape_cast %get3A_196 : vector<1x16xf32> to vector<16xf32>
          %add3A_198 = arith.addf %get3A_193, %get3A_197 : vector<16xf32>
          %mul3A_199 = arith.constant 2.000000e-01 : f32
          %mul3A_200 = vector.broadcast %mul3A_199 : f32 to vector<16xf32>
          %mul3A_201 = arith.mulf %mul3A_200, %add3A_198 : vector<16xf32>
          %max3A_202 = arith.maximumf %add3A_198, %mul3A_201 : vector<16xf32>
          %exp3A_203 = math.exp %max3A_202 : vector<16xf32>
          %get3A_204 = arith.index_cast %scan3A_162 : i32 to index
          %get3A_205 = arith.constant 16 : index
          %get3A_206 = tpu.vector_load %arg14[%get3A_204, %get3A_205] {strides = array<i32>} : memref<64x128xf32, #tpu.memory_space<vmem>>, vector<1x16xf32>,
          %get3A_207 = vector.shape_cast %get3A_206 : vector<1x16xf32> to vector<16xf32>
          %mul3A_208 = arith.mulf %get3A_207, %exp3A_203 : vector<16xf32>
          %swap3A_209 = arith.index_cast %scan3A_162 : i32 to index
          %swap3A_210 = arith.constant 16 : index
          %swap3A_211 = tpu.vector_load %arg18[%swap3A_209, %swap3A_210] {strides = array<i32>} : memref<64x128xf32, #tpu.memory_space<vmem>>, vector<1x16xf32>,
          %swap3A_212 = vector.shape_cast %swap3A_211 : vector<1x16xf32> to vector<16xf32>
          %swap3A_213 = vector.shape_cast %mul3A_208 : vector<16xf32> to vector<1x16xf32>
          tpu.vector_store %arg18[%swap3A_209, %swap3A_210], %swap3A_213 {strides = array<i32>} : memref<64x128xf32, #tpu.memory_space<vmem>>, vector<1x16xf32>,
          %swap3A_214 = arith.index_cast %scan3A_162 : i32 to index
          %swap3A_215 = arith.constant 80 : index
          %swap3A_216 = tpu.vector_load %arg18[%swap3A_214, %swap3A_215] {strides = array<i32>} : memref<64x128xf32, #tpu.memory_space<vmem>>, vector<1x16xf32>,
          %swap3A_217 = vector.shape_cast %swap3A_216 : vector<1x16xf32> to vector<16xf32>
          %swap3A_218 = vector.shape_cast %exp3A_203 : vector<16xf32> to vector<1x16xf32>
          tpu.vector_store %arg18[%swap3A_214, %swap3A_215], %swap3A_218 {strides = array<i32>} : memref<64x128xf32, #tpu.memory_space<vmem>>, vector<1x16xf32>,
          %get3A_219 = arith.index_cast %scan3A_162 : i32 to index
          %get3A_220 = arith.constant 96 : index
          %get3A_221 = tpu.vector_load %arg14[%get3A_219, %get3A_220] {strides = array<i32>} : memref<64x128xf32, #tpu.memory_space<vmem>>, vector<1x16xf32>,
          %get3A_222 = vector.shape_cast %get3A_221 : vector<1x16xf32> to vector<16xf32>
          %get3A_223 = arith.index_cast %scan3A_162 : i32 to index
          %get3A_224 = arith.constant 32 : index
          %get3A_225 = tpu.vector_load %arg16[%get3A_223, %get3A_224] {strides = array<i32>} : memref<64x128xf32, #tpu.memory_space<vmem>>, vector<1x16xf32>,
          %get3A_226 = vector.shape_cast %get3A_225 : vector<1x16xf32> to vector<16xf32>
          %add3A_227 = arith.addf %get3A_222, %get3A_226 : vector<16xf32>
          %mul3A_228 = arith.constant 2.000000e-01 : f32
          %mul3A_229 = vector.broadcast %mul3A_228 : f32 to vector<16xf32>
          %mul3A_230 = arith.mulf %mul3A_229, %add3A_227 : vector<16xf32>
          %max3A_231 = arith.maximumf %add3A_227, %mul3A_230 : vector<16xf32>
          %exp3A_232 = math.exp %max3A_231 : vector<16xf32>
          %get3A_233 = arith.index_cast %scan3A_162 : i32 to index
          %get3A_234 = arith.constant 32 : index
          %get3A_235 = tpu.vector_load %arg14[%get3A_233, %get3A_234] {strides = array<i32>} : memref<64x128xf32, #tpu.memory_space<vmem>>, vector<1x16xf32>,
          %get3A_236 = vector.shape_cast %get3A_235 : vector<1x16xf32> to vector<16xf32>
          %mul3A_237 = arith.mulf %get3A_236, %exp3A_232 : vector<16xf32>
          %swap3A_238 = arith.index_cast %scan3A_162 : i32 to index
          %swap3A_239 = arith.constant 32 : index
          %swap3A_240 = tpu.vector_load %arg18[%swap3A_238, %swap3A_239] {strides = array<i32>} : memref<64x128xf32, #tpu.memory_space<vmem>>, vector<1x16xf32>,
          %swap3A_241 = vector.shape_cast %swap3A_240 : vector<1x16xf32> to vector<16xf32>
          %swap3A_242 = vector.shape_cast %mul3A_237 : vector<16xf32> to vector<1x16xf32>
          tpu.vector_store %arg18[%swap3A_238, %swap3A_239], %swap3A_242 {strides = array<i32>} : memref<64x128xf32, #tpu.memory_space<vmem>>, vector<1x16xf32>,
          %swap3A_243 = arith.index_cast %scan3A_162 : i32 to index
          %swap3A_244 = arith.constant 96 : index
          %swap3A_245 = tpu.vector_load %arg18[%swap3A_243, %swap3A_244] {strides = array<i32>} : memref<64x128xf32, #tpu.memory_space<vmem>>, vector<1x16xf32>,
          %swap3A_246 = vector.shape_cast %swap3A_245 : vector<1x16xf32> to vector<16xf32>
          %swap3A_247 = vector.shape_cast %exp3A_232 : vector<16xf32> to vector<1x16xf32>
          tpu.vector_store %arg18[%swap3A_243, %swap3A_244], %swap3A_247 {strides = array<i32>} : memref<64x128xf32, #tpu.memory_space<vmem>>, vector<1x16xf32>,
          %get3A_248 = arith.index_cast %scan3A_162 : i32 to index
          %get3A_249 = arith.constant 112 : index
          %get3A_250 = tpu.vector_load %arg14[%get3A_248, %get3A_249] {strides = array<i32>} : memref<64x128xf32, #tpu.memory_space<vmem>>, vector<1x16xf32>,
          %get3A_251 = vector.shape_cast %get3A_250 : vector<1x16xf32> to vector<16xf32>
          %get3A_252 = arith.index_cast %scan3A_162 : i32 to index
          %get3A_253 = arith.constant 48 : index
          %get3A_254 = tpu.vector_load %arg16[%get3A_252, %get3A_253] {strides = array<i32>} : memref<64x128xf32, #tpu.memory_space<vmem>>, vector<1x16xf32>,
          %get3A_255 = vector.shape_cast %get3A_254 : vector<1x16xf32> to vector<16xf32>
          %add3A_256 = arith.addf %get3A_251, %get3A_255 : vector<16xf32>
          %mul3A_257 = arith.constant 2.000000e-01 : f32
          %mul3A_258 = vector.broadcast %mul3A_257 : f32 to vector<16xf32>
          %mul3A_259 = arith.mulf %mul3A_258, %add3A_256 : vector<16xf32>
          %max3A_260 = arith.maximumf %add3A_256, %mul3A_259 : vector<16xf32>
          %exp3A_261 = math.exp %max3A_260 : vector<16xf32>
          %get3A_262 = arith.index_cast %scan3A_162 : i32 to index
          %get3A_263 = arith.constant 48 : index
          %get3A_264 = tpu.vector_load %arg14[%get3A_262, %get3A_263] {strides = array<i32>} : memref<64x128xf32, #tpu.memory_space<vmem>>, vector<1x16xf32>,
          %get3A_265 = vector.shape_cast %get3A_264 : vector<1x16xf32> to vector<16xf32>
          %mul3A_266 = arith.mulf %get3A_265, %exp3A_261 : vector<16xf32>
          %swap3A_267 = arith.index_cast %scan3A_162 : i32 to index
          %swap3A_268 = arith.constant 48 : index
          %swap3A_269 = tpu.vector_load %arg18[%swap3A_267, %swap3A_268] {strides = array<i32>} : memref<64x128xf32, #tpu.memory_space<vmem>>, vector<1x16xf32>,
          %swap3A_270 = vector.shape_cast %swap3A_269 : vector<1x16xf32> to vector<16xf32>
          %swap3A_271 = vector.shape_cast %mul3A_266 : vector<16xf32> to vector<1x16xf32>
          tpu.vector_store %arg18[%swap3A_267, %swap3A_268], %swap3A_271 {strides = array<i32>} : memref<64x128xf32, #tpu.memory_space<vmem>>, vector<1x16xf32>,
          %swap3A_272 = arith.index_cast %scan3A_162 : i32 to index
          %swap3A_273 = arith.constant 112 : index
          %swap3A_274 = tpu.vector_load %arg18[%swap3A_272, %swap3A_273] {strides = array<i32>} : memref<64x128xf32, #tpu.memory_space<vmem>>, vector<1x16xf32>,
          %swap3A_275 = vector.shape_cast %swap3A_274 : vector<1x16xf32> to vector<16xf32>
          %swap3A_276 = vector.shape_cast %exp3A_261 : vector<16xf32> to vector<1x16xf32>
          tpu.vector_store %arg18[%swap3A_272, %swap3A_273], %swap3A_276 {strides = array<i32>} : memref<64x128xf32, #tpu.memory_space<vmem>>, vector<1x16xf32>,
        }
        %scan3A_116 = arith.constant 64 : i32
        %get3A = arith.constant 0 : index
        %get3A_117 = tpu.vector_load %arg10[%get3A] {strides = array<i32>} : memref<64xi32, #tpu.memory_space<vmem>>, vector<16xi32>,
        %get3A_118 = vector.shape_cast %get3A_117 : vector<16xi32> to vector<16xi32>
        %swap3A = arith.constant 0 : index
        %swap3A_119 = tpu.vector_load %arg12[%swap3A] {strides = array<i32>} : memref<64xi32, #tpu.memory_space<vmem>>, vector<16xi32>,
        %swap3A_120 = vector.shape_cast %swap3A_119 : vector<16xi32> to vector<16xi32>
        %swap3A_121 = vector.shape_cast %get3A_118 : vector<16xi32> to vector<16xi32>
        tpu.vector_store %arg12[%swap3A], %swap3A_121 {strides = array<i32>} : memref<64xi32, #tpu.memory_space<vmem>>, vector<16xi32>,
        %get3A_122 = arith.constant 16 : index
        %get3A_123 = tpu.vector_load %arg10[%get3A_122] {strides = array<i32>} : memref<64xi32, #tpu.memory_space<vmem>>, vector<16xi32>,
        %get3A_124 = vector.shape_cast %get3A_123 : vector<16xi32> to vector<16xi32>
        %swap3A_125 = arith.constant 16 : index
        %swap3A_126 = tpu.vector_load %arg12[%swap3A_125] {strides = array<i32>} : memref<64xi32, #tpu.memory_space<vmem>>, vector<16xi32>,
        %swap3A_127 = vector.shape_cast %swap3A_126 : vector<16xi32> to vector<16xi32>
        %swap3A_128 = vector.shape_cast %get3A_124 : vector<16xi32> to vector<16xi32>
        tpu.vector_store %arg12[%swap3A_125], %swap3A_128 {strides = array<i32>} : memref<64xi32, #tpu.memory_space<vmem>>, vector<16xi32>,
        %get3A_129 = arith.constant 32 : index
        %get3A_130 = tpu.vector_load %arg10[%get3A_129] {strides = array<i32>} : memref<64xi32, #tpu.memory_space<vmem>>, vector<16xi32>,
        %get3A_131 = vector.shape_cast %get3A_130 : vector<16xi32> to vector<16xi32>
        %swap3A_132 = arith.constant 32 : index
        %swap3A_133 = tpu.vector_load %arg12[%swap3A_132] {strides = array<i32>} : memref<64xi32, #tpu.memory_space<vmem>>, vector<16xi32>,
        %swap3A_134 = vector.shape_cast %swap3A_133 : vector<16xi32> to vector<16xi32>
        %swap3A_135 = vector.shape_cast %get3A_131 : vector<16xi32> to vector<16xi32>
        tpu.vector_store %arg12[%swap3A_132], %swap3A_135 {strides = array<i32>} : memref<64xi32, #tpu.memory_space<vmem>>, vector<16xi32>,
        %get3A_136 = arith.constant 48 : index
        %get3A_137 = tpu.vector_load %arg10[%get3A_136] {strides = array<i32>} : memref<64xi32, #tpu.memory_space<vmem>>, vector<16xi32>,
        %get3A_138 = vector.shape_cast %get3A_137 : vector<16xi32> to vector<16xi32>
        %swap3A_139 = arith.constant 48 : index
        %swap3A_140 = tpu.vector_load %arg12[%swap3A_139] {strides = array<i32>} : memref<64xi32, #tpu.memory_space<vmem>>, vector<16xi32>,
        %swap3A_141 = vector.shape_cast %swap3A_140 : vector<16xi32> to vector<16xi32>
        %swap3A_142 = vector.shape_cast %get3A_138 : vector<16xi32> to vector<16xi32>
        tpu.vector_store %arg12[%swap3A_139], %swap3A_142 {strides = array<i32>} : memref<64xi32, #tpu.memory_space<vmem>>, vector<16xi32>,
        %mul3A_143 = arith.constant 32 : i32
        %mul3A_144 = arith.muli %mul3A_143, %add3A_87 : i32
        %add3A_145 = arith.addi %add3A, %mul3A_144 : i32
        %lt3A_146 = arith.constant 5000 : i32
        %lt3A_147 = arith.cmpi slt, %add3A_145, %lt3A_146 : i32
        %convert_element_type3A_148 = arith.extui %lt3A_147 : i1 to i32
        %cond3A_149 = arith.constant 0 : i32
        %cond3A_150 = arith.cmpi ne, %convert_element_type3A_148, %cond3A_149 : i32
        scf.if %cond3A_150 {
          %dma_start3A_162 = arith.constant 0 : i32
          %dma_start3A_163 = arith.constant 0 : i32
          %dma_start3A_164 = tpu.memref_slice %arg25[%dma_start3A_162, %dma_start3A_163] : memref<10000x128xf32, #tpu.memory_space<vmem_shared>> -> memref<10000x128xf32, #tpu.memory_space<vmem_shared>>
          tpu.enqueue_indirect_dma source(%arg18 : memref<64x128xf32, #tpu.memory_space<vmem>>) target(%dma_start3A_164 : memref<10000x128xf32, #tpu.memory_space<vmem_shared>>) offsets(%arg12 : memref<64xi32, #tpu.memory_space<vmem>>) semaphore(%arg24 : memref<!tpu.dma_semaphore, #tpu.memory_space<semaphore_mem>>) {add = true}
        } else {
        }
        %lt3A_151 = arith.constant 156 : i32
        %lt3A_152 = arith.cmpi slt, %add3A_87, %lt3A_151 : i32
        %convert_element_type3A_153 = arith.extui %lt3A_152 : i1 to i32
        %cond3A_154 = arith.constant 0 : i32
        %cond3A_155 = arith.cmpi ne, %convert_element_type3A_153, %cond3A_154 : i32
        scf.if %cond3A_155 {
          %add3A_162 = arith.constant 2 : i32
          %add3A_163 = arith.addi %add3A_87, %add3A_162 : i32
          %mul3A_164 = arith.constant 32 : i32
          %mul3A_165 = arith.muli %mul3A_164, %add3A_163 : i32
          %add3A_166 = arith.addi %add3A, %mul3A_165 : i32
          %min3A_167 = arith.constant 4999 : i32
          %min3A_168 = arith.minsi %add3A_166, %min3A_167 : i32
          %mul3A_169 = arith.constant 64 : i32
          %mul3A_170 = arith.muli %min3A_168, %mul3A_169 : i32
          %dma_start3A_171 = tpu.memref_slice %arg2[%mul3A_170] : memref<320000xi32, #tpu.memory_space<hbm>> -> memref<64xi32, #tpu.memory_space<hbm>>
          %dma_start3A_172 = tpu.memref_slice %arg2[%mul3A_170] : memref<320000xi32, #tpu.memory_space<hbm>> -> memref<64xi32, #tpu.memory_space<hbm>>
          tpu.enqueue_dma source(%dma_start3A_172 : memref<64xi32, #tpu.memory_space<hbm>>) target(%arg8 : memref<64xi32, #tpu.memory_space<vmem>>) target_semaphore(%arg20 : memref<!tpu.dma_semaphore, #tpu.memory_space<semaphore_mem>>)
          %dma_start3A_173 = tpu.memref_slice %arg3[%mul3A_170] : memref<320000xi32, #tpu.memory_space<hbm>> -> memref<64xi32, #tpu.memory_space<hbm>>
          %dma_start3A_174 = tpu.memref_slice %arg3[%mul3A_170] : memref<320000xi32, #tpu.memory_space<hbm>> -> memref<64xi32, #tpu.memory_space<hbm>>
          tpu.enqueue_dma source(%dma_start3A_174 : memref<64xi32, #tpu.memory_space<hbm>>) target(%arg10 : memref<64xi32, #tpu.memory_space<vmem>>) target_semaphore(%arg20 : memref<!tpu.dma_semaphore, #tpu.memory_space<semaphore_mem>>)
        } else {
        }
        %dma_wait3A_156 = arith.constant 0 : i32
        %dma_wait3A_157 = arith.constant 0 : i32
        %dma_wait3A_158 = tpu.memref_slice %arg4[%dma_wait3A_156, %dma_wait3A_157] : memref<10000x128xf32, #tpu.memory_space<hbm>> -> memref<10000x128xf32, #tpu.memory_space<hbm>>
        tpu.wait_indirect_dma semaphore(%arg21 : memref<!tpu.dma_semaphore, #tpu.memory_space<semaphore_mem>>) src(%dma_wait3A_158 : memref<10000x128xf32, #tpu.memory_space<hbm>>) dst(%arg13 : memref<64x128xf32, #tpu.memory_space<vmem>>)
        %dma_wait3A_159 = arith.constant 0 : i32
        %dma_wait3A_160 = arith.constant 0 : i32
        %dma_wait3A_161 = tpu.memref_slice %arg5[%dma_wait3A_159, %dma_wait3A_160] : memref<10000x128xf32, #tpu.memory_space<hbm>> -> memref<10000x128xf32, #tpu.memory_space<hbm>>
        tpu.wait_indirect_dma semaphore(%arg21 : memref<!tpu.dma_semaphore, #tpu.memory_space<semaphore_mem>>) src(%dma_wait3A_161 : memref<10000x128xf32, #tpu.memory_space<hbm>>) dst(%arg15 : memref<64x128xf32, #tpu.memory_space<vmem>>)
      } else {
      }
    }
    %scan3A_54 = arith.constant 79 : i32
    %dma_wait3A_55 = arith.constant 0 : i32
    %dma_wait3A_56 = arith.constant 0 : i32
    %dma_wait3A_57 = tpu.memref_slice %arg25[%dma_wait3A_55, %dma_wait3A_56] : memref<10000x128xf32, #tpu.memory_space<vmem_shared>> -> memref<10000x128xf32, #tpu.memory_space<vmem_shared>>
    tpu.wait_indirect_dma semaphore(%arg24 : memref<!tpu.dma_semaphore, #tpu.memory_space<semaphore_mem>>) src(%arg18 : memref<64x128xf32, #tpu.memory_space<vmem>>) dst(%dma_wait3A_57 : memref<10000x128xf32, #tpu.memory_space<vmem_shared>>)
    %add3A_58 = arith.constant 4992 : i32
    %add3A_59 = arith.addi %add3A, %add3A_58 : i32
    %lt3A_60 = arith.constant 5000 : i32
    %lt3A_61 = arith.cmpi slt, %add3A_59, %lt3A_60 : i32
    %convert_element_type3A_62 = arith.extui %lt3A_61 : i1 to i32
    %cond3A_63 = arith.constant 0 : i32
    %cond3A_64 = arith.cmpi ne, %convert_element_type3A_62, %cond3A_63 : i32
    scf.if %cond3A_64 {
      %dma_wait3A_76 = arith.constant 0 : i32
      %dma_wait3A_77 = arith.constant 0 : i32
      %dma_wait3A_78 = tpu.memref_slice %arg25[%dma_wait3A_76, %dma_wait3A_77] : memref<10000x128xf32, #tpu.memory_space<vmem_shared>> -> memref<10000x128xf32, #tpu.memory_space<vmem_shared>>
      tpu.wait_indirect_dma semaphore(%arg23 : memref<!tpu.dma_semaphore, #tpu.memory_space<semaphore_mem>>) src(%arg17 : memref<64x128xf32, #tpu.memory_space<vmem>>) dst(%dma_wait3A_78 : memref<10000x128xf32, #tpu.memory_space<vmem_shared>>)
    } else {
    }
    %barrier3A_65 = arith.constant 0 : index
    tpu.barrier barrier_id(%barrier3A_65)
    %lt3A_66 = arith.constant 15 : i32
    %lt3A_67 = arith.cmpi slt, %arg1, %lt3A_66 : i32
    %convert_element_type3A_68 = arith.extui %lt3A_67 : i1 to i32
    %cond3A_69 = arith.constant 0 : i32
    %cond3A_70 = arith.cmpi ne, %convert_element_type3A_68, %cond3A_69 : i32
    scf.if %cond3A_70 {
      %mul3A_76 = arith.constant 624 : i32
      %mul3A_77 = arith.muli %arg1, %mul3A_76 : i32
      %mul3A_78 = arith.constant 624 : i32
      %mul3A_79 = arith.muli %arg1, %mul3A_78 : i32
      %mul3A_80 = arith.constant 10000 : i32
      %mul3A_81 = arith.muli %arg0, %mul3A_80 : i32
      %add3A_82 = arith.addi %mul3A_81, %mul3A_79 : i32
      "tpu.region"() ({
        %run_scoped3A = tpu.sem_alloc : memref<!tpu.dma_semaphore, #tpu.memory_space<semaphore_mem>>
        %dma_start3A_83 = arith.constant 0 : i32
        %dma_start3A_84 = tpu.memref_slice %arg6[%add3A_82, %dma_start3A_83] : memref<20000x128xf32, #tpu.memory_space<hbm>> -> memref<624x128xf32, #tpu.memory_space<hbm>>
        %dma_start3A_85 = arith.constant 0 : i32
        %dma_start3A_86 = tpu.memref_slice %arg25[%mul3A_77, %dma_start3A_85] : memref<10000x128xf32, #tpu.memory_space<vmem_shared>> -> memref<624x128xf32, #tpu.memory_space<vmem_shared>>
        tpu.enqueue_dma source(%dma_start3A_86 : memref<624x128xf32, #tpu.memory_space<vmem_shared>>) target(%dma_start3A_84 : memref<624x128xf32, #tpu.memory_space<hbm>>) target_semaphore(%run_scoped3A : memref<!tpu.dma_semaphore, #tpu.memory_space<semaphore_mem>>)
        %dma_wait3A_87 = arith.constant 0 : i32
        %dma_wait3A_88 = tpu.memref_slice %arg6[%add3A_82, %dma_wait3A_87] : memref<20000x128xf32, #tpu.memory_space<hbm>> -> memref<624x128xf32, #tpu.memory_space<hbm>>
        %dma_wait3A_89 = arith.constant 0 : i32
        %dma_wait3A_90 = tpu.memref_slice %arg25[%mul3A_77, %dma_wait3A_89] : memref<10000x128xf32, #tpu.memory_space<vmem_shared>> -> memref<624x128xf32, #tpu.memory_space<vmem_shared>>
        tpu.wait_dma2 semaphore(%run_scoped3A : memref<!tpu.dma_semaphore, #tpu.memory_space<semaphore_mem>>) src(%dma_wait3A_90 : memref<624x128xf32, #tpu.memory_space<vmem_shared>>) dst(%dma_wait3A_88 : memref<624x128xf32, #tpu.memory_space<hbm>>)
        tpu.yield
      }) : () -> ()
    } else {
    }
    %eq3A_71 = arith.constant 15 : i32
    %eq3A_72 = arith.cmpi eq, %arg1, %eq3A_71 : i32
    %convert_element_type3A_73 = arith.extui %eq3A_72 : i1 to i32
    %cond3A_74 = arith.constant 0 : i32
    %cond3A_75 = arith.cmpi ne, %convert_element_type3A_73, %cond3A_74 : i32
    scf.if %cond3A_75 {
      %mul3A_76 = arith.constant 10000 : i32
      %mul3A_77 = arith.muli %arg0, %mul3A_76 : i32
      %add3A_78 = arith.constant 9360 : i32
      %add3A_79 = arith.addi %mul3A_77, %add3A_78 : i32
      "tpu.region"() ({
        %run_scoped3A = tpu.sem_alloc : memref<!tpu.dma_semaphore, #tpu.memory_space<semaphore_mem>>
        %dma_start3A_80 = arith.constant 0 : i32
        %dma_start3A_81 = tpu.memref_slice %arg6[%add3A_79, %dma_start3A_80] : memref<20000x128xf32, #tpu.memory_space<hbm>> -> memref<640x128xf32, #tpu.memory_space<hbm>>
        %dma_start3A_82 = arith.constant 9360 : i32
        %dma_start3A_83 = arith.constant 0 : i32
        %dma_start3A_84 = tpu.memref_slice %arg25[%dma_start3A_82, %dma_start3A_83] : memref<10000x128xf32, #tpu.memory_space<vmem_shared>> -> memref<640x128xf32, #tpu.memory_space<vmem_shared>>
        tpu.enqueue_dma source(%dma_start3A_84 : memref<640x128xf32, #tpu.memory_space<vmem_shared>>) target(%dma_start3A_81 : memref<640x128xf32, #tpu.memory_space<hbm>>) target_semaphore(%run_scoped3A : memref<!tpu.dma_semaphore, #tpu.memory_space<semaphore_mem>>)
        %dma_wait3A_85 = arith.constant 0 : i32
        %dma_wait3A_86 = tpu.memref_slice %arg6[%add3A_79, %dma_wait3A_85] : memref<20000x128xf32, #tpu.memory_space<hbm>> -> memref<640x128xf32, #tpu.memory_space<hbm>>
        %dma_wait3A_87 = arith.constant 9360 : i32
        %dma_wait3A_88 = arith.constant 0 : i32
        %dma_wait3A_89 = tpu.memref_slice %arg25[%dma_wait3A_87, %dma_wait3A_88] : memref<10000x128xf32, #tpu.memory_space<vmem_shared>> -> memref<640x128xf32, #tpu.memory_space<vmem_shared>>
        tpu.wait_dma2 semaphore(%run_scoped3A : memref<!tpu.dma_semaphore, #tpu.memory_space<semaphore_mem>>) src(%dma_wait3A_89 : memref<640x128xf32, #tpu.memory_space<vmem_shared>>) dst(%dma_wait3A_86 : memref<640x128xf32, #tpu.memory_space<hbm>>)
        tpu.yield
      }) : () -> ()
    } else {
    }
    return
  }
}

#map = affine_map<(d0, d1) -> (0)>
#map1 = affine_map<(d0, d1) -> (0, 0)>
module attributes {stable_mosaic.version = 14 : i64} {
  func.func @_sc_body_wide(%arg0: i32, %arg1: i32, %arg2: memref<320000xi32, #tpu.memory_space<hbm>>, %arg3: memref<320000xi32, #tpu.memory_space<hbm>>, %arg4: memref<10000x128xf32, #tpu.memory_space<hbm>>, %arg5: memref<10000x128xf32, #tpu.memory_space<hbm>>, %arg6: memref<20000x128xf32, #tpu.memory_space<hbm>>, %arg7: memref<64xi32, #tpu.memory_space<vmem>>, %arg8: memref<64xi32, #tpu.memory_space<vmem>>, %arg9: memref<64xi32, #tpu.memory_space<vmem>>, %arg10: memref<64xi32, #tpu.memory_space<vmem>>, %arg11: memref<64xi32, #tpu.memory_space<vmem>>, %arg12: memref<64xi32, #tpu.memory_space<vmem>>, %arg13: memref<64x128xf32, #tpu.memory_space<vmem>>, %arg14: memref<64x128xf32, #tpu.memory_space<vmem>>, %arg15: memref<64x128xf32, #tpu.memory_space<vmem>>, %arg16: memref<64x128xf32, #tpu.memory_space<vmem>>, %arg17: memref<64x128xf32, #tpu.memory_space<vmem>>, %arg18: memref<64x128xf32, #tpu.memory_space<vmem>>, %arg19: memref<!tpu.dma_semaphore, #tpu.memory_space<semaphore_mem>>, %arg20: memref<!tpu.dma_semaphore, #tpu.memory_space<semaphore_mem>>, %arg21: memref<!tpu.dma_semaphore, #tpu.memory_space<semaphore_mem>>, %arg22: memref<!tpu.dma_semaphore, #tpu.memory_space<semaphore_mem>>, %arg23: memref<!tpu.dma_semaphore, #tpu.memory_space<semaphore_mem>>, %arg24: memref<!tpu.dma_semaphore, #tpu.memory_space<semaphore_mem>>, %arg25: memref<10000x128xf32, #tpu.memory_space<vmem_shared>>) attributes {dimension_semantics = [#tpu.dimension_semantics<core_parallel>, #tpu.dimension_semantics<subcore_parallel>], iteration_bounds = array<i64: 2, 16>, scalar_prefetch = 0 : i64, scratch_operands = 19 : i64, tpu.core_type = #tpu.core_type<sc_vector_subcore>, window_params = [{transform_indices = #map}, {transform_indices = #map}, {transform_indices = #map1}, {transform_indices = #map1}, {transform_indices = #map1}]} {
    %mul3A = arith.constant 2 : i32
    %mul3A_0 = arith.muli %arg1, %mul3A : i32
    %add3A = arith.addi %mul3A_0, %arg0 : i32
    %scan3A = arith.constant 0 : i32
    %scan3A_1 = arith.constant 0 : i32
    %scan3A_2 = arith.constant 64 : i32
    %scan3A_3 = arith.addi %scan3A_1, %scan3A_2 : i32
    %scan3A_4 = arith.constant 1 : i32
    scf.for %scan3A_76 = %scan3A_1 to %scan3A_3 step %scan3A_4  : i32 {
      %broadcast_in_dim3A = arith.constant 0.000000e+00 : f32
      %broadcast_in_dim3A_77 = vector.broadcast %broadcast_in_dim3A : f32 to vector<16xf32>
      %swap3A = arith.index_cast %scan3A_76 : i32 to index
      %swap3A_78 = arith.constant 0 : index
      %swap3A_79 = tpu.vector_load %arg17[%swap3A, %swap3A_78] {strides = array<i32>} : memref<64x128xf32, #tpu.memory_space<vmem>>, vector<1x16xf32>,
      %swap3A_80 = vector.shape_cast %swap3A_79 : vector<1x16xf32> to vector<16xf32>
      %swap3A_81 = vector.shape_cast %broadcast_in_dim3A_77 : vector<16xf32> to vector<1x16xf32>
      tpu.vector_store %arg17[%swap3A, %swap3A_78], %swap3A_81 {strides = array<i32>} : memref<64x128xf32, #tpu.memory_space<vmem>>, vector<1x16xf32>,
      %broadcast_in_dim3A_82 = arith.constant 0.000000e+00 : f32
      %broadcast_in_dim3A_83 = vector.broadcast %broadcast_in_dim3A_82 : f32 to vector<16xf32>
      %swap3A_84 = arith.index_cast %scan3A_76 : i32 to index
      %swap3A_85 = arith.constant 16 : index
      %swap3A_86 = tpu.vector_load %arg17[%swap3A_84, %swap3A_85] {strides = array<i32>} : memref<64x128xf32, #tpu.memory_space<vmem>>, vector<1x16xf32>,
      %swap3A_87 = vector.shape_cast %swap3A_86 : vector<1x16xf32> to vector<16xf32>
      %swap3A_88 = vector.shape_cast %broadcast_in_dim3A_83 : vector<16xf32> to vector<1x16xf32>
      tpu.vector_store %arg17[%swap3A_84, %swap3A_85], %swap3A_88 {strides = array<i32>} : memref<64x128xf32, #tpu.memory_space<vmem>>, vector<1x16xf32>,
      %broadcast_in_dim3A_89 = arith.constant 0.000000e+00 : f32
      %broadcast_in_dim3A_90 = vector.broadcast %broadcast_in_dim3A_89 : f32 to vector<16xf32>
      %swap3A_91 = arith.index_cast %scan3A_76 : i32 to index
      %swap3A_92 = arith.constant 32 : index
      %swap3A_93 = tpu.vector_load %arg17[%swap3A_91, %swap3A_92] {strides = array<i32>} : memref<64x128xf32, #tpu.memory_space<vmem>>, vector<1x16xf32>,
      %swap3A_94 = vector.shape_cast %swap3A_93 : vector<1x16xf32> to vector<16xf32>
      %swap3A_95 = vector.shape_cast %broadcast_in_dim3A_90 : vector<16xf32> to vector<1x16xf32>
      tpu.vector_store %arg17[%swap3A_91, %swap3A_92], %swap3A_95 {strides = array<i32>} : memref<64x128xf32, #tpu.memory_space<vmem>>, vector<1x16xf32>,
      %broadcast_in_dim3A_96 = arith.constant 0.000000e+00 : f32
      %broadcast_in_dim3A_97 = vector.broadcast %broadcast_in_dim3A_96 : f32 to vector<16xf32>
      %swap3A_98 = arith.index_cast %scan3A_76 : i32 to index
      %swap3A_99 = arith.constant 48 : index
      %swap3A_100 = tpu.vector_load %arg17[%swap3A_98, %swap3A_99] {strides = array<i32>} : memref<64x128xf32, #tpu.memory_space<vmem>>, vector<1x16xf32>,
      %swap3A_101 = vector.shape_cast %swap3A_100 : vector<1x16xf32> to vector<16xf32>
      %swap3A_102 = vector.shape_cast %broadcast_in_dim3A_97 : vector<16xf32> to vector<1x16xf32>
      tpu.vector_store %arg17[%swap3A_98, %swap3A_99], %swap3A_102 {strides = array<i32>} : memref<64x128xf32, #tpu.memory_space<vmem>>, vector<1x16xf32>,
      %broadcast_in_dim3A_103 = arith.constant 0.000000e+00 : f32
      %broadcast_in_dim3A_104 = vector.broadcast %broadcast_in_dim3A_103 : f32 to vector<16xf32>
      %swap3A_105 = arith.index_cast %scan3A_76 : i32 to index
      %swap3A_106 = arith.constant 64 : index
      %swap3A_107 = tpu.vector_load %arg17[%swap3A_105, %swap3A_106] {strides = array<i32>} : memref<64x128xf32, #tpu.memory_space<vmem>>, vector<1x16xf32>,
      %swap3A_108 = vector.shape_cast %swap3A_107 : vector<1x16xf32> to vector<16xf32>
      %swap3A_109 = vector.shape_cast %broadcast_in_dim3A_104 : vector<16xf32> to vector<1x16xf32>
      tpu.vector_store %arg17[%swap3A_105, %swap3A_106], %swap3A_109 {strides = array<i32>} : memref<64x128xf32, #tpu.memory_space<vmem>>, vector<1x16xf32>,
      %broadcast_in_dim3A_110 = arith.constant 0.000000e+00 : f32
      %broadcast_in_dim3A_111 = vector.broadcast %broadcast_in_dim3A_110 : f32 to vector<16xf32>
      %swap3A_112 = arith.index_cast %scan3A_76 : i32 to index
      %swap3A_113 = arith.constant 80 : index
      %swap3A_114 = tpu.vector_load %arg17[%swap3A_112, %swap3A_113] {strides = array<i32>} : memref<64x128xf32, #tpu.memory_space<vmem>>, vector<1x16xf32>,
      %swap3A_115 = vector.shape_cast %swap3A_114 : vector<1x16xf32> to vector<16xf32>
      %swap3A_116 = vector.shape_cast %broadcast_in_dim3A_111 : vector<16xf32> to vector<1x16xf32>
      tpu.vector_store %arg17[%swap3A_112, %swap3A_113], %swap3A_116 {strides = array<i32>} : memref<64x128xf32, #tpu.memory_space<vmem>>, vector<1x16xf32>,
      %broadcast_in_dim3A_117 = arith.constant 0.000000e+00 : f32
      %broadcast_in_dim3A_118 = vector.broadcast %broadcast_in_dim3A_117 : f32 to vector<16xf32>
      %swap3A_119 = arith.index_cast %scan3A_76 : i32 to index
      %swap3A_120 = arith.constant 96 : index
      %swap3A_121 = tpu.vector_load %arg17[%swap3A_119, %swap3A_120] {strides = array<i32>} : memref<64x128xf32, #tpu.memory_space<vmem>>, vector<1x16xf32>,
      %swap3A_122 = vector.shape_cast %swap3A_121 : vector<1x16xf32> to vector<16xf32>
      %swap3A_123 = vector.shape_cast %broadcast_in_dim3A_118 : vector<16xf32> to vector<1x16xf32>
      tpu.vector_store %arg17[%swap3A_119, %swap3A_120], %swap3A_123 {strides = array<i32>} : memref<64x128xf32, #tpu.memory_space<vmem>>, vector<1x16xf32>,
      %broadcast_in_dim3A_124 = arith.constant 0.000000e+00 : f32
      %broadcast_in_dim3A_125 = vector.broadcast %broadcast_in_dim3A_124 : f32 to vector<16xf32>
      %swap3A_126 = arith.index_cast %scan3A_76 : i32 to index
      %swap3A_127 = arith.constant 112 : index
      %swap3A_128 = tpu.vector_load %arg17[%swap3A_126, %swap3A_127] {strides = array<i32>} : memref<64x128xf32, #tpu.memory_space<vmem>>, vector<1x16xf32>,
      %swap3A_129 = vector.shape_cast %swap3A_128 : vector<1x16xf32> to vector<16xf32>
      %swap3A_130 = vector.shape_cast %broadcast_in_dim3A_125 : vector<16xf32> to vector<1x16xf32>
      tpu.vector_store %arg17[%swap3A_126, %swap3A_127], %swap3A_130 {strides = array<i32>} : memref<64x128xf32, #tpu.memory_space<vmem>>, vector<1x16xf32>,
    }
    %scan3A_5 = arith.constant 64 : i32
    %lt3A = arith.constant 15 : i32
    %lt3A_6 = arith.cmpi slt, %arg1, %lt3A : i32
    %convert_element_type3A = arith.extui %lt3A_6 : i1 to i32
    %cond3A = arith.constant 0 : i32
    %cond3A_7 = arith.cmpi ne, %convert_element_type3A, %cond3A : i32
    scf.if %cond3A_7 {
      %mul3A_76 = arith.constant 624 : i32
      %mul3A_77 = arith.muli %arg1, %mul3A_76 : i32
      %add3A_78 = arith.constant 0 : i32
      %add3A_79 = arith.addi %mul3A_77, %add3A_78 : i32
      "tpu.region"() ({
        %run_scoped3A = tpu.sem_alloc : memref<!tpu.dma_semaphore, #tpu.memory_space<semaphore_mem>>
        %dma_start3A_117 = arith.constant 0 : i32
        %dma_start3A_118 = tpu.memref_slice %arg25[%add3A_79, %dma_start3A_117] : memref<10000x128xf32, #tpu.memory_space<vmem_shared>> -> memref<64x128xf32, #tpu.memory_space<vmem_shared>>
        %dma_start3A_119 = arith.constant 0 : i32
        %dma_start3A_120 = tpu.memref_slice %arg25[%add3A_79, %dma_start3A_119] : memref<10000x128xf32, #tpu.memory_space<vmem_shared>> -> memref<64x128xf32, #tpu.memory_space<vmem_shared>>
        tpu.enqueue_dma source(%arg17 : memref<64x128xf32, #tpu.memory_space<vmem>>) target(%dma_start3A_120 : memref<64x128xf32, #tpu.memory_space<vmem_shared>>) target_semaphore(%run_scoped3A : memref<!tpu.dma_semaphore, #tpu.memory_space<semaphore_mem>>)
        %dma_wait3A_121 = arith.constant 0 : i32
        %dma_wait3A_122 = tpu.memref_slice %arg25[%add3A_79, %dma_wait3A_121] : memref<10000x128xf32, #tpu.memory_space<vmem_shared>> -> memref<64x128xf32, #tpu.memory_space<vmem_shared>>
        %dma_wait3A_123 = arith.constant 0 : i32
        %dma_wait3A_124 = tpu.memref_slice %arg25[%add3A_79, %dma_wait3A_123] : memref<10000x128xf32, #tpu.memory_space<vmem_shared>> -> memref<64x128xf32, #tpu.memory_space<vmem_shared>>
        tpu.wait_dma2 semaphore(%run_scoped3A : memref<!tpu.dma_semaphore, #tpu.memory_space<semaphore_mem>>) src(%arg17 : memref<64x128xf32, #tpu.memory_space<vmem>>) dst(%dma_wait3A_124 : memref<64x128xf32, #tpu.memory_space<vmem_shared>>)
        tpu.yield
      }) : () -> ()
      %mul3A_80 = arith.constant 624 : i32
      %mul3A_81 = arith.muli %arg1, %mul3A_80 : i32
      %add3A_82 = arith.constant 64 : i32
      %add3A_83 = arith.addi %mul3A_81, %add3A_82 : i32
      "tpu.region"() ({
        %run_scoped3A = tpu.sem_alloc : memref<!tpu.dma_semaphore, #tpu.memory_space<semaphore_mem>>
        %dma_start3A_117 = arith.constant 0 : i32
        %dma_start3A_118 = tpu.memref_slice %arg25[%add3A_83, %dma_start3A_117] : memref<10000x128xf32, #tpu.memory_space<vmem_shared>> -> memref<64x128xf32, #tpu.memory_space<vmem_shared>>
        %dma_start3A_119 = arith.constant 0 : i32
        %dma_start3A_120 = tpu.memref_slice %arg25[%add3A_83, %dma_start3A_119] : memref<10000x128xf32, #tpu.memory_space<vmem_shared>> -> memref<64x128xf32, #tpu.memory_space<vmem_shared>>
        tpu.enqueue_dma source(%arg17 : memref<64x128xf32, #tpu.memory_space<vmem>>) target(%dma_start3A_120 : memref<64x128xf32, #tpu.memory_space<vmem_shared>>) target_semaphore(%run_scoped3A : memref<!tpu.dma_semaphore, #tpu.memory_space<semaphore_mem>>)
        %dma_wait3A_121 = arith.constant 0 : i32
        %dma_wait3A_122 = tpu.memref_slice %arg25[%add3A_83, %dma_wait3A_121] : memref<10000x128xf32, #tpu.memory_space<vmem_shared>> -> memref<64x128xf32, #tpu.memory_space<vmem_shared>>
        %dma_wait3A_123 = arith.constant 0 : i32
        %dma_wait3A_124 = tpu.memref_slice %arg25[%add3A_83, %dma_wait3A_123] : memref<10000x128xf32, #tpu.memory_space<vmem_shared>> -> memref<64x128xf32, #tpu.memory_space<vmem_shared>>
        tpu.wait_dma2 semaphore(%run_scoped3A : memref<!tpu.dma_semaphore, #tpu.memory_space<semaphore_mem>>) src(%arg17 : memref<64x128xf32, #tpu.memory_space<vmem>>) dst(%dma_wait3A_124 : memref<64x128xf32, #tpu.memory_space<vmem_shared>>)
        tpu.yield
      }) : () -> ()
      %mul3A_84 = arith.constant 624 : i32
      %mul3A_85 = arith.muli %arg1, %mul3A_84 : i32
      %add3A_86 = arith.constant 128 : i32
      %add3A_87 = arith.addi %mul3A_85, %add3A_86 : i32
      "tpu.region"() ({
        %run_scoped3A = tpu.sem_alloc : memref<!tpu.dma_semaphore, #tpu.memory_space<semaphore_mem>>
        %dma_start3A_117 = arith.constant 0 : i32
        %dma_start3A_118 = tpu.memref_slice %arg25[%add3A_87, %dma_start3A_117] : memref<10000x128xf32, #tpu.memory_space<vmem_shared>> -> memref<64x128xf32, #tpu.memory_space<vmem_shared>>
        %dma_start3A_119 = arith.constant 0 : i32
        %dma_start3A_120 = tpu.memref_slice %arg25[%add3A_87, %dma_start3A_119] : memref<10000x128xf32, #tpu.memory_space<vmem_shared>> -> memref<64x128xf32, #tpu.memory_space<vmem_shared>>
        tpu.enqueue_dma source(%arg17 : memref<64x128xf32, #tpu.memory_space<vmem>>) target(%dma_start3A_120 : memref<64x128xf32, #tpu.memory_space<vmem_shared>>) target_semaphore(%run_scoped3A : memref<!tpu.dma_semaphore, #tpu.memory_space<semaphore_mem>>)
        %dma_wait3A_121 = arith.constant 0 : i32
        %dma_wait3A_122 = tpu.memref_slice %arg25[%add3A_87, %dma_wait3A_121] : memref<10000x128xf32, #tpu.memory_space<vmem_shared>> -> memref<64x128xf32, #tpu.memory_space<vmem_shared>>
        %dma_wait3A_123 = arith.constant 0 : i32
        %dma_wait3A_124 = tpu.memref_slice %arg25[%add3A_87, %dma_wait3A_123] : memref<10000x128xf32, #tpu.memory_space<vmem_shared>> -> memref<64x128xf32, #tpu.memory_space<vmem_shared>>
        tpu.wait_dma2 semaphore(%run_scoped3A : memref<!tpu.dma_semaphore, #tpu.memory_space<semaphore_mem>>) src(%arg17 : memref<64x128xf32, #tpu.memory_space<vmem>>) dst(%dma_wait3A_124 : memref<64x128xf32, #tpu.memory_space<vmem_shared>>)
        tpu.yield
      }) : () -> ()
      %mul3A_88 = arith.constant 624 : i32
      %mul3A_89 = arith.muli %arg1, %mul3A_88 : i32
      %add3A_90 = arith.constant 192 : i32
      %add3A_91 = arith.addi %mul3A_89, %add3A_90 : i32
      "tpu.region"() ({
        %run_scoped3A = tpu.sem_alloc : memref<!tpu.dma_semaphore, #tpu.memory_space<semaphore_mem>>
        %dma_start3A_117 = arith.constant 0 : i32
        %dma_start3A_118 = tpu.memref_slice %arg25[%add3A_91, %dma_start3A_117] : memref<10000x128xf32, #tpu.memory_space<vmem_shared>> -> memref<64x128xf32, #tpu.memory_space<vmem_shared>>
        %dma_start3A_119 = arith.constant 0 : i32
        %dma_start3A_120 = tpu.memref_slice %arg25[%add3A_91, %dma_start3A_119] : memref<10000x128xf32, #tpu.memory_space<vmem_shared>> -> memref<64x128xf32, #tpu.memory_space<vmem_shared>>
        tpu.enqueue_dma source(%arg17 : memref<64x128xf32, #tpu.memory_space<vmem>>) target(%dma_start3A_120 : memref<64x128xf32, #tpu.memory_space<vmem_shared>>) target_semaphore(%run_scoped3A : memref<!tpu.dma_semaphore, #tpu.memory_space<semaphore_mem>>)
        %dma_wait3A_121 = arith.constant 0 : i32
        %dma_wait3A_122 = tpu.memref_slice %arg25[%add3A_91, %dma_wait3A_121] : memref<10000x128xf32, #tpu.memory_space<vmem_shared>> -> memref<64x128xf32, #tpu.memory_space<vmem_shared>>
        %dma_wait3A_123 = arith.constant 0 : i32
        %dma_wait3A_124 = tpu.memref_slice %arg25[%add3A_91, %dma_wait3A_123] : memref<10000x128xf32, #tpu.memory_space<vmem_shared>> -> memref<64x128xf32, #tpu.memory_space<vmem_shared>>
        tpu.wait_dma2 semaphore(%run_scoped3A : memref<!tpu.dma_semaphore, #tpu.memory_space<semaphore_mem>>) src(%arg17 : memref<64x128xf32, #tpu.memory_space<vmem>>) dst(%dma_wait3A_124 : memref<64x128xf32, #tpu.memory_space<vmem_shared>>)
        tpu.yield
      }) : () -> ()
      %mul3A_92 = arith.constant 624 : i32
      %mul3A_93 = arith.muli %arg1, %mul3A_92 : i32
      %add3A_94 = arith.constant 256 : i32
      %add3A_95 = arith.addi %mul3A_93, %add3A_94 : i32
      "tpu.region"() ({
        %run_scoped3A = tpu.sem_alloc : memref<!tpu.dma_semaphore, #tpu.memory_space<semaphore_mem>>
        %dma_start3A_117 = arith.constant 0 : i32
        %dma_start3A_118 = tpu.memref_slice %arg25[%add3A_95, %dma_start3A_117] : memref<10000x128xf32, #tpu.memory_space<vmem_shared>> -> memref<64x128xf32, #tpu.memory_space<vmem_shared>>
        %dma_start3A_119 = arith.constant 0 : i32
        %dma_start3A_120 = tpu.memref_slice %arg25[%add3A_95, %dma_start3A_119] : memref<10000x128xf32, #tpu.memory_space<vmem_shared>> -> memref<64x128xf32, #tpu.memory_space<vmem_shared>>
        tpu.enqueue_dma source(%arg17 : memref<64x128xf32, #tpu.memory_space<vmem>>) target(%dma_start3A_120 : memref<64x128xf32, #tpu.memory_space<vmem_shared>>) target_semaphore(%run_scoped3A : memref<!tpu.dma_semaphore, #tpu.memory_space<semaphore_mem>>)
        %dma_wait3A_121 = arith.constant 0 : i32
        %dma_wait3A_122 = tpu.memref_slice %arg25[%add3A_95, %dma_wait3A_121] : memref<10000x128xf32, #tpu.memory_space<vmem_shared>> -> memref<64x128xf32, #tpu.memory_space<vmem_shared>>
        %dma_wait3A_123 = arith.constant 0 : i32
        %dma_wait3A_124 = tpu.memref_slice %arg25[%add3A_95, %dma_wait3A_123] : memref<10000x128xf32, #tpu.memory_space<vmem_shared>> -> memref<64x128xf32, #tpu.memory_space<vmem_shared>>
        tpu.wait_dma2 semaphore(%run_scoped3A : memref<!tpu.dma_semaphore, #tpu.memory_space<semaphore_mem>>) src(%arg17 : memref<64x128xf32, #tpu.memory_space<vmem>>) dst(%dma_wait3A_124 : memref<64x128xf32, #tpu.memory_space<vmem_shared>>)
        tpu.yield
      }) : () -> ()
      %mul3A_96 = arith.constant 624 : i32
      %mul3A_97 = arith.muli %arg1, %mul3A_96 : i32
      %add3A_98 = arith.constant 320 : i32
      %add3A_99 = arith.addi %mul3A_97, %add3A_98 : i32
      "tpu.region"() ({
        %run_scoped3A = tpu.sem_alloc : memref<!tpu.dma_semaphore, #tpu.memory_space<semaphore_mem>>
        %dma_start3A_117 = arith.constant 0 : i32
        %dma_start3A_118 = tpu.memref_slice %arg25[%add3A_99, %dma_start3A_117] : memref<10000x128xf32, #tpu.memory_space<vmem_shared>> -> memref<64x128xf32, #tpu.memory_space<vmem_shared>>
        %dma_start3A_119 = arith.constant 0 : i32
        %dma_start3A_120 = tpu.memref_slice %arg25[%add3A_99, %dma_start3A_119] : memref<10000x128xf32, #tpu.memory_space<vmem_shared>> -> memref<64x128xf32, #tpu.memory_space<vmem_shared>>
        tpu.enqueue_dma source(%arg17 : memref<64x128xf32, #tpu.memory_space<vmem>>) target(%dma_start3A_120 : memref<64x128xf32, #tpu.memory_space<vmem_shared>>) target_semaphore(%run_scoped3A : memref<!tpu.dma_semaphore, #tpu.memory_space<semaphore_mem>>)
        %dma_wait3A_121 = arith.constant 0 : i32
        %dma_wait3A_122 = tpu.memref_slice %arg25[%add3A_99, %dma_wait3A_121] : memref<10000x128xf32, #tpu.memory_space<vmem_shared>> -> memref<64x128xf32, #tpu.memory_space<vmem_shared>>
        %dma_wait3A_123 = arith.constant 0 : i32
        %dma_wait3A_124 = tpu.memref_slice %arg25[%add3A_99, %dma_wait3A_123] : memref<10000x128xf32, #tpu.memory_space<vmem_shared>> -> memref<64x128xf32, #tpu.memory_space<vmem_shared>>
        tpu.wait_dma2 semaphore(%run_scoped3A : memref<!tpu.dma_semaphore, #tpu.memory_space<semaphore_mem>>) src(%arg17 : memref<64x128xf32, #tpu.memory_space<vmem>>) dst(%dma_wait3A_124 : memref<64x128xf32, #tpu.memory_space<vmem_shared>>)
        tpu.yield
      }) : () -> ()
      %mul3A_100 = arith.constant 624 : i32
      %mul3A_101 = arith.muli %arg1, %mul3A_100 : i32
      %add3A_102 = arith.constant 384 : i32
      %add3A_103 = arith.addi %mul3A_101, %add3A_102 : i32
      "tpu.region"() ({
        %run_scoped3A = tpu.sem_alloc : memref<!tpu.dma_semaphore, #tpu.memory_space<semaphore_mem>>
        %dma_start3A_117 = arith.constant 0 : i32
        %dma_start3A_118 = tpu.memref_slice %arg25[%add3A_103, %dma_start3A_117] : memref<10000x128xf32, #tpu.memory_space<vmem_shared>> -> memref<64x128xf32, #tpu.memory_space<vmem_shared>>
        %dma_start3A_119 = arith.constant 0 : i32
        %dma_start3A_120 = tpu.memref_slice %arg25[%add3A_103, %dma_start3A_119] : memref<10000x128xf32, #tpu.memory_space<vmem_shared>> -> memref<64x128xf32, #tpu.memory_space<vmem_shared>>
        tpu.enqueue_dma source(%arg17 : memref<64x128xf32, #tpu.memory_space<vmem>>) target(%dma_start3A_120 : memref<64x128xf32, #tpu.memory_space<vmem_shared>>) target_semaphore(%run_scoped3A : memref<!tpu.dma_semaphore, #tpu.memory_space<semaphore_mem>>)
        %dma_wait3A_121 = arith.constant 0 : i32
        %dma_wait3A_122 = tpu.memref_slice %arg25[%add3A_103, %dma_wait3A_121] : memref<10000x128xf32, #tpu.memory_space<vmem_shared>> -> memref<64x128xf32, #tpu.memory_space<vmem_shared>>
        %dma_wait3A_123 = arith.constant 0 : i32
        %dma_wait3A_124 = tpu.memref_slice %arg25[%add3A_103, %dma_wait3A_123] : memref<10000x128xf32, #tpu.memory_space<vmem_shared>> -> memref<64x128xf32, #tpu.memory_space<vmem_shared>>
        tpu.wait_dma2 semaphore(%run_scoped3A : memref<!tpu.dma_semaphore, #tpu.memory_space<semaphore_mem>>) src(%arg17 : memref<64x128xf32, #tpu.memory_space<vmem>>) dst(%dma_wait3A_124 : memref<64x128xf32, #tpu.memory_space<vmem_shared>>)
        tpu.yield
      }) : () -> ()
      %mul3A_104 = arith.constant 624 : i32
      %mul3A_105 = arith.muli %arg1, %mul3A_104 : i32
      %add3A_106 = arith.constant 448 : i32
      %add3A_107 = arith.addi %mul3A_105, %add3A_106 : i32
      "tpu.region"() ({
        %run_scoped3A = tpu.sem_alloc : memref<!tpu.dma_semaphore, #tpu.memory_space<semaphore_mem>>
        %dma_start3A_117 = arith.constant 0 : i32
        %dma_start3A_118 = tpu.memref_slice %arg25[%add3A_107, %dma_start3A_117] : memref<10000x128xf32, #tpu.memory_space<vmem_shared>> -> memref<64x128xf32, #tpu.memory_space<vmem_shared>>
        %dma_start3A_119 = arith.constant 0 : i32
        %dma_start3A_120 = tpu.memref_slice %arg25[%add3A_107, %dma_start3A_119] : memref<10000x128xf32, #tpu.memory_space<vmem_shared>> -> memref<64x128xf32, #tpu.memory_space<vmem_shared>>
        tpu.enqueue_dma source(%arg17 : memref<64x128xf32, #tpu.memory_space<vmem>>) target(%dma_start3A_120 : memref<64x128xf32, #tpu.memory_space<vmem_shared>>) target_semaphore(%run_scoped3A : memref<!tpu.dma_semaphore, #tpu.memory_space<semaphore_mem>>)
        %dma_wait3A_121 = arith.constant 0 : i32
        %dma_wait3A_122 = tpu.memref_slice %arg25[%add3A_107, %dma_wait3A_121] : memref<10000x128xf32, #tpu.memory_space<vmem_shared>> -> memref<64x128xf32, #tpu.memory_space<vmem_shared>>
        %dma_wait3A_123 = arith.constant 0 : i32
        %dma_wait3A_124 = tpu.memref_slice %arg25[%add3A_107, %dma_wait3A_123] : memref<10000x128xf32, #tpu.memory_space<vmem_shared>> -> memref<64x128xf32, #tpu.memory_space<vmem_shared>>
        tpu.wait_dma2 semaphore(%run_scoped3A : memref<!tpu.dma_semaphore, #tpu.memory_space<semaphore_mem>>) src(%arg17 : memref<64x128xf32, #tpu.memory_space<vmem>>) dst(%dma_wait3A_124 : memref<64x128xf32, #tpu.memory_space<vmem_shared>>)
        tpu.yield
      }) : () -> ()
      %mul3A_108 = arith.constant 624 : i32
      %mul3A_109 = arith.muli %arg1, %mul3A_108 : i32
      %add3A_110 = arith.constant 512 : i32
      %add3A_111 = arith.addi %mul3A_109, %add3A_110 : i32
      "tpu.region"() ({
        %run_scoped3A = tpu.sem_alloc : memref<!tpu.dma_semaphore, #tpu.memory_space<semaphore_mem>>
        %dma_start3A_117 = arith.constant 0 : i32
        %dma_start3A_118 = tpu.memref_slice %arg25[%add3A_111, %dma_start3A_117] : memref<10000x128xf32, #tpu.memory_space<vmem_shared>> -> memref<64x128xf32, #tpu.memory_space<vmem_shared>>
        %dma_start3A_119 = arith.constant 0 : i32
        %dma_start3A_120 = tpu.memref_slice %arg25[%add3A_111, %dma_start3A_119] : memref<10000x128xf32, #tpu.memory_space<vmem_shared>> -> memref<64x128xf32, #tpu.memory_space<vmem_shared>>
        tpu.enqueue_dma source(%arg17 : memref<64x128xf32, #tpu.memory_space<vmem>>) target(%dma_start3A_120 : memref<64x128xf32, #tpu.memory_space<vmem_shared>>) target_semaphore(%run_scoped3A : memref<!tpu.dma_semaphore, #tpu.memory_space<semaphore_mem>>)
        %dma_wait3A_121 = arith.constant 0 : i32
        %dma_wait3A_122 = tpu.memref_slice %arg25[%add3A_111, %dma_wait3A_121] : memref<10000x128xf32, #tpu.memory_space<vmem_shared>> -> memref<64x128xf32, #tpu.memory_space<vmem_shared>>
        %dma_wait3A_123 = arith.constant 0 : i32
        %dma_wait3A_124 = tpu.memref_slice %arg25[%add3A_111, %dma_wait3A_123] : memref<10000x128xf32, #tpu.memory_space<vmem_shared>> -> memref<64x128xf32, #tpu.memory_space<vmem_shared>>
        tpu.wait_dma2 semaphore(%run_scoped3A : memref<!tpu.dma_semaphore, #tpu.memory_space<semaphore_mem>>) src(%arg17 : memref<64x128xf32, #tpu.memory_space<vmem>>) dst(%dma_wait3A_124 : memref<64x128xf32, #tpu.memory_space<vmem_shared>>)
        tpu.yield
      }) : () -> ()
      %mul3A_112 = arith.constant 624 : i32
      %mul3A_113 = arith.muli %arg1, %mul3A_112 : i32
      %add3A_114 = arith.constant 624 : i32
      %add3A_115 = arith.addi %mul3A_113, %add3A_114 : i32
      %sub3A = arith.constant 48 : i32
      %sub3A_116 = arith.subi %add3A_115, %sub3A : i32
      "tpu.region"() ({
        %run_scoped3A = tpu.sem_alloc : memref<!tpu.dma_semaphore, #tpu.memory_space<semaphore_mem>>
        %dma_start3A_117 = arith.constant 0 : i32
        %dma_start3A_118 = arith.constant 0 : i32
        %dma_start3A_119 = tpu.memref_slice %arg17[%dma_start3A_117, %dma_start3A_118] : memref<64x128xf32, #tpu.memory_space<vmem>> -> memref<48x128xf32, #tpu.memory_space<vmem>>
        %dma_start3A_120 = arith.constant 0 : i32
        %dma_start3A_121 = tpu.memref_slice %arg25[%sub3A_116, %dma_start3A_120] : memref<10000x128xf32, #tpu.memory_space<vmem_shared>> -> memref<48x128xf32, #tpu.memory_space<vmem_shared>>
        %dma_start3A_122 = arith.constant 0 : i32
        %dma_start3A_123 = tpu.memref_slice %arg25[%sub3A_116, %dma_start3A_122] : memref<10000x128xf32, #tpu.memory_space<vmem_shared>> -> memref<48x128xf32, #tpu.memory_space<vmem_shared>>
        %dma_start3A_124 = arith.constant 0 : i32
        %dma_start3A_125 = arith.constant 0 : i32
        %dma_start3A_126 = tpu.memref_slice %arg17[%dma_start3A_124, %dma_start3A_125] : memref<64x128xf32, #tpu.memory_space<vmem>> -> memref<48x128xf32, #tpu.memory_space<vmem>>
        tpu.enqueue_dma source(%dma_start3A_126 : memref<48x128xf32, #tpu.memory_space<vmem>>) target(%dma_start3A_123 : memref<48x128xf32, #tpu.memory_space<vmem_shared>>) target_semaphore(%run_scoped3A : memref<!tpu.dma_semaphore, #tpu.memory_space<semaphore_mem>>)
        %dma_wait3A_127 = arith.constant 0 : i32
        %dma_wait3A_128 = arith.constant 0 : i32
        %dma_wait3A_129 = tpu.memref_slice %arg17[%dma_wait3A_127, %dma_wait3A_128] : memref<64x128xf32, #tpu.memory_space<vmem>> -> memref<48x128xf32, #tpu.memory_space<vmem>>
        %dma_wait3A_130 = arith.constant 0 : i32
        %dma_wait3A_131 = tpu.memref_slice %arg25[%sub3A_116, %dma_wait3A_130] : memref<10000x128xf32, #tpu.memory_space<vmem_shared>> -> memref<48x128xf32, #tpu.memory_space<vmem_shared>>
        %dma_wait3A_132 = arith.constant 0 : i32
        %dma_wait3A_133 = tpu.memref_slice %arg25[%sub3A_116, %dma_wait3A_132] : memref<10000x128xf32, #tpu.memory_space<vmem_shared>> -> memref<48x128xf32, #tpu.memory_space<vmem_shared>>
        %dma_wait3A_134 = arith.constant 0 : i32
        %dma_wait3A_135 = arith.constant 0 : i32
        %dma_wait3A_136 = tpu.memref_slice %arg17[%dma_wait3A_134, %dma_wait3A_135] : memref<64x128xf32, #tpu.memory_space<vmem>> -> memref<48x128xf32, #tpu.memory_space<vmem>>
        tpu.wait_dma2 semaphore(%run_scoped3A : memref<!tpu.dma_semaphore, #tpu.memory_space<semaphore_mem>>) src(%dma_wait3A_136 : memref<48x128xf32, #tpu.memory_space<vmem>>) dst(%dma_wait3A_133 : memref<48x128xf32, #tpu.memory_space<vmem_shared>>)
        tpu.yield
      }) : () -> ()
    } else {
    }
    %eq3A = arith.constant 15 : i32
    %eq3A_8 = arith.cmpi eq, %arg1, %eq3A : i32
    %convert_element_type3A_9 = arith.extui %eq3A_8 : i1 to i32
    %cond3A_10 = arith.constant 0 : i32
    %cond3A_11 = arith.cmpi ne, %convert_element_type3A_9, %cond3A_10 : i32
    scf.if %cond3A_11 {
      "tpu.region"() ({
        %run_scoped3A = tpu.sem_alloc : memref<!tpu.dma_semaphore, #tpu.memory_space<semaphore_mem>>
        %dma_start3A_76 = arith.constant 9360 : i32
        %dma_start3A_77 = arith.constant 0 : i32
        %dma_start3A_78 = tpu.memref_slice %arg25[%dma_start3A_76, %dma_start3A_77] : memref<10000x128xf32, #tpu.memory_space<vmem_shared>> -> memref<64x128xf32, #tpu.memory_space<vmem_shared>>
        %dma_start3A_79 = arith.constant 9360 : i32
        %dma_start3A_80 = arith.constant 0 : i32
        %dma_start3A_81 = tpu.memref_slice %arg25[%dma_start3A_79, %dma_start3A_80] : memref<10000x128xf32, #tpu.memory_space<vmem_shared>> -> memref<64x128xf32, #tpu.memory_space<vmem_shared>>
        tpu.enqueue_dma source(%arg17 : memref<64x128xf32, #tpu.memory_space<vmem>>) target(%dma_start3A_81 : memref<64x128xf32, #tpu.memory_space<vmem_shared>>) target_semaphore(%run_scoped3A : memref<!tpu.dma_semaphore, #tpu.memory_space<semaphore_mem>>)
        %dma_wait3A_82 = arith.constant 9360 : i32
        %dma_wait3A_83 = arith.constant 0 : i32
        %dma_wait3A_84 = tpu.memref_slice %arg25[%dma_wait3A_82, %dma_wait3A_83] : memref<10000x128xf32, #tpu.memory_space<vmem_shared>> -> memref<64x128xf32, #tpu.memory_space<vmem_shared>>
        %dma_wait3A_85 = arith.constant 9360 : i32
        %dma_wait3A_86 = arith.constant 0 : i32
        %dma_wait3A_87 = tpu.memref_slice %arg25[%dma_wait3A_85, %dma_wait3A_86] : memref<10000x128xf32, #tpu.memory_space<vmem_shared>> -> memref<64x128xf32, #tpu.memory_space<vmem_shared>>
        tpu.wait_dma2 semaphore(%run_scoped3A : memref<!tpu.dma_semaphore, #tpu.memory_space<semaphore_mem>>) src(%arg17 : memref<64x128xf32, #tpu.memory_space<vmem>>) dst(%dma_wait3A_87 : memref<64x128xf32, #tpu.memory_space<vmem_shared>>)
        tpu.yield
      }) : () -> ()
      "tpu.region"() ({
        %run_scoped3A = tpu.sem_alloc : memref<!tpu.dma_semaphore, #tpu.memory_space<semaphore_mem>>
        %dma_start3A_76 = arith.constant 9424 : i32
        %dma_start3A_77 = arith.constant 0 : i32
        %dma_start3A_78 = tpu.memref_slice %arg25[%dma_start3A_76, %dma_start3A_77] : memref<10000x128xf32, #tpu.memory_space<vmem_shared>> -> memref<64x128xf32, #tpu.memory_space<vmem_shared>>
        %dma_start3A_79 = arith.constant 9424 : i32
        %dma_start3A_80 = arith.constant 0 : i32
        %dma_start3A_81 = tpu.memref_slice %arg25[%dma_start3A_79, %dma_start3A_80] : memref<10000x128xf32, #tpu.memory_space<vmem_shared>> -> memref<64x128xf32, #tpu.memory_space<vmem_shared>>
        tpu.enqueue_dma source(%arg17 : memref<64x128xf32, #tpu.memory_space<vmem>>) target(%dma_start3A_81 : memref<64x128xf32, #tpu.memory_space<vmem_shared>>) target_semaphore(%run_scoped3A : memref<!tpu.dma_semaphore, #tpu.memory_space<semaphore_mem>>)
        %dma_wait3A_82 = arith.constant 9424 : i32
        %dma_wait3A_83 = arith.constant 0 : i32
        %dma_wait3A_84 = tpu.memref_slice %arg25[%dma_wait3A_82, %dma_wait3A_83] : memref<10000x128xf32, #tpu.memory_space<vmem_shared>> -> memref<64x128xf32, #tpu.memory_space<vmem_shared>>
        %dma_wait3A_85 = arith.constant 9424 : i32
        %dma_wait3A_86 = arith.constant 0 : i32
        %dma_wait3A_87 = tpu.memref_slice %arg25[%dma_wait3A_85, %dma_wait3A_86] : memref<10000x128xf32, #tpu.memory_space<vmem_shared>> -> memref<64x128xf32, #tpu.memory_space<vmem_shared>>
        tpu.wait_dma2 semaphore(%run_scoped3A : memref<!tpu.dma_semaphore, #tpu.memory_space<semaphore_mem>>) src(%arg17 : memref<64x128xf32, #tpu.memory_space<vmem>>) dst(%dma_wait3A_87 : memref<64x128xf32, #tpu.memory_space<vmem_shared>>)
        tpu.yield
      }) : () -> ()
      "tpu.region"() ({
        %run_scoped3A = tpu.sem_alloc : memref<!tpu.dma_semaphore, #tpu.memory_space<semaphore_mem>>
        %dma_start3A_76 = arith.constant 9488 : i32
        %dma_start3A_77 = arith.constant 0 : i32
        %dma_start3A_78 = tpu.memref_slice %arg25[%dma_start3A_76, %dma_start3A_77] : memref<10000x128xf32, #tpu.memory_space<vmem_shared>> -> memref<64x128xf32, #tpu.memory_space<vmem_shared>>
        %dma_start3A_79 = arith.constant 9488 : i32
        %dma_start3A_80 = arith.constant 0 : i32
        %dma_start3A_81 = tpu.memref_slice %arg25[%dma_start3A_79, %dma_start3A_80] : memref<10000x128xf32, #tpu.memory_space<vmem_shared>> -> memref<64x128xf32, #tpu.memory_space<vmem_shared>>
        tpu.enqueue_dma source(%arg17 : memref<64x128xf32, #tpu.memory_space<vmem>>) target(%dma_start3A_81 : memref<64x128xf32, #tpu.memory_space<vmem_shared>>) target_semaphore(%run_scoped3A : memref<!tpu.dma_semaphore, #tpu.memory_space<semaphore_mem>>)
        %dma_wait3A_82 = arith.constant 9488 : i32
        %dma_wait3A_83 = arith.constant 0 : i32
        %dma_wait3A_84 = tpu.memref_slice %arg25[%dma_wait3A_82, %dma_wait3A_83] : memref<10000x128xf32, #tpu.memory_space<vmem_shared>> -> memref<64x128xf32, #tpu.memory_space<vmem_shared>>
        %dma_wait3A_85 = arith.constant 9488 : i32
        %dma_wait3A_86 = arith.constant 0 : i32
        %dma_wait3A_87 = tpu.memref_slice %arg25[%dma_wait3A_85, %dma_wait3A_86] : memref<10000x128xf32, #tpu.memory_space<vmem_shared>> -> memref<64x128xf32, #tpu.memory_space<vmem_shared>>
        tpu.wait_dma2 semaphore(%run_scoped3A : memref<!tpu.dma_semaphore, #tpu.memory_space<semaphore_mem>>) src(%arg17 : memref<64x128xf32, #tpu.memory_space<vmem>>) dst(%dma_wait3A_87 : memref<64x128xf32, #tpu.memory_space<vmem_shared>>)
        tpu.yield
      }) : () -> ()
      "tpu.region"() ({
        %run_scoped3A = tpu.sem_alloc : memref<!tpu.dma_semaphore, #tpu.memory_space<semaphore_mem>>
        %dma_start3A_76 = arith.constant 9552 : i32
        %dma_start3A_77 = arith.constant 0 : i32
        %dma_start3A_78 = tpu.memref_slice %arg25[%dma_start3A_76, %dma_start3A_77] : memref<10000x128xf32, #tpu.memory_space<vmem_shared>> -> memref<64x128xf32, #tpu.memory_space<vmem_shared>>
        %dma_start3A_79 = arith.constant 9552 : i32
        %dma_start3A_80 = arith.constant 0 : i32
        %dma_start3A_81 = tpu.memref_slice %arg25[%dma_start3A_79, %dma_start3A_80] : memref<10000x128xf32, #tpu.memory_space<vmem_shared>> -> memref<64x128xf32, #tpu.memory_space<vmem_shared>>
        tpu.enqueue_dma source(%arg17 : memref<64x128xf32, #tpu.memory_space<vmem>>) target(%dma_start3A_81 : memref<64x128xf32, #tpu.memory_space<vmem_shared>>) target_semaphore(%run_scoped3A : memref<!tpu.dma_semaphore, #tpu.memory_space<semaphore_mem>>)
        %dma_wait3A_82 = arith.constant 9552 : i32
        %dma_wait3A_83 = arith.constant 0 : i32
        %dma_wait3A_84 = tpu.memref_slice %arg25[%dma_wait3A_82, %dma_wait3A_83] : memref<10000x128xf32, #tpu.memory_space<vmem_shared>> -> memref<64x128xf32, #tpu.memory_space<vmem_shared>>
        %dma_wait3A_85 = arith.constant 9552 : i32
        %dma_wait3A_86 = arith.constant 0 : i32
        %dma_wait3A_87 = tpu.memref_slice %arg25[%dma_wait3A_85, %dma_wait3A_86] : memref<10000x128xf32, #tpu.memory_space<vmem_shared>> -> memref<64x128xf32, #tpu.memory_space<vmem_shared>>
        tpu.wait_dma2 semaphore(%run_scoped3A : memref<!tpu.dma_semaphore, #tpu.memory_space<semaphore_mem>>) src(%arg17 : memref<64x128xf32, #tpu.memory_space<vmem>>) dst(%dma_wait3A_87 : memref<64x128xf32, #tpu.memory_space<vmem_shared>>)
        tpu.yield
      }) : () -> ()
      "tpu.region"() ({
        %run_scoped3A = tpu.sem_alloc : memref<!tpu.dma_semaphore, #tpu.memory_space<semaphore_mem>>
        %dma_start3A_76 = arith.constant 9616 : i32
        %dma_start3A_77 = arith.constant 0 : i32
        %dma_start3A_78 = tpu.memref_slice %arg25[%dma_start3A_76, %dma_start3A_77] : memref<10000x128xf32, #tpu.memory_space<vmem_shared>> -> memref<64x128xf32, #tpu.memory_space<vmem_shared>>
        %dma_start3A_79 = arith.constant 9616 : i32
        %dma_start3A_80 = arith.constant 0 : i32
        %dma_start3A_81 = tpu.memref_slice %arg25[%dma_start3A_79, %dma_start3A_80] : memref<10000x128xf32, #tpu.memory_space<vmem_shared>> -> memref<64x128xf32, #tpu.memory_space<vmem_shared>>
        tpu.enqueue_dma source(%arg17 : memref<64x128xf32, #tpu.memory_space<vmem>>) target(%dma_start3A_81 : memref<64x128xf32, #tpu.memory_space<vmem_shared>>) target_semaphore(%run_scoped3A : memref<!tpu.dma_semaphore, #tpu.memory_space<semaphore_mem>>)
        %dma_wait3A_82 = arith.constant 9616 : i32
        %dma_wait3A_83 = arith.constant 0 : i32
        %dma_wait3A_84 = tpu.memref_slice %arg25[%dma_wait3A_82, %dma_wait3A_83] : memref<10000x128xf32, #tpu.memory_space<vmem_shared>> -> memref<64x128xf32, #tpu.memory_space<vmem_shared>>
        %dma_wait3A_85 = arith.constant 9616 : i32
        %dma_wait3A_86 = arith.constant 0 : i32
        %dma_wait3A_87 = tpu.memref_slice %arg25[%dma_wait3A_85, %dma_wait3A_86] : memref<10000x128xf32, #tpu.memory_space<vmem_shared>> -> memref<64x128xf32, #tpu.memory_space<vmem_shared>>
        tpu.wait_dma2 semaphore(%run_scoped3A : memref<!tpu.dma_semaphore, #tpu.memory_space<semaphore_mem>>) src(%arg17 : memref<64x128xf32, #tpu.memory_space<vmem>>) dst(%dma_wait3A_87 : memref<64x128xf32, #tpu.memory_space<vmem_shared>>)
        tpu.yield
      }) : () -> ()
      "tpu.region"() ({
        %run_scoped3A = tpu.sem_alloc : memref<!tpu.dma_semaphore, #tpu.memory_space<semaphore_mem>>
        %dma_start3A_76 = arith.constant 9680 : i32
        %dma_start3A_77 = arith.constant 0 : i32
        %dma_start3A_78 = tpu.memref_slice %arg25[%dma_start3A_76, %dma_start3A_77] : memref<10000x128xf32, #tpu.memory_space<vmem_shared>> -> memref<64x128xf32, #tpu.memory_space<vmem_shared>>
        %dma_start3A_79 = arith.constant 9680 : i32
        %dma_start3A_80 = arith.constant 0 : i32
        %dma_start3A_81 = tpu.memref_slice %arg25[%dma_start3A_79, %dma_start3A_80] : memref<10000x128xf32, #tpu.memory_space<vmem_shared>> -> memref<64x128xf32, #tpu.memory_space<vmem_shared>>
        tpu.enqueue_dma source(%arg17 : memref<64x128xf32, #tpu.memory_space<vmem>>) target(%dma_start3A_81 : memref<64x128xf32, #tpu.memory_space<vmem_shared>>) target_semaphore(%run_scoped3A : memref<!tpu.dma_semaphore, #tpu.memory_space<semaphore_mem>>)
        %dma_wait3A_82 = arith.constant 9680 : i32
        %dma_wait3A_83 = arith.constant 0 : i32
        %dma_wait3A_84 = tpu.memref_slice %arg25[%dma_wait3A_82, %dma_wait3A_83] : memref<10000x128xf32, #tpu.memory_space<vmem_shared>> -> memref<64x128xf32, #tpu.memory_space<vmem_shared>>
        %dma_wait3A_85 = arith.constant 9680 : i32
        %dma_wait3A_86 = arith.constant 0 : i32
        %dma_wait3A_87 = tpu.memref_slice %arg25[%dma_wait3A_85, %dma_wait3A_86] : memref<10000x128xf32, #tpu.memory_space<vmem_shared>> -> memref<64x128xf32, #tpu.memory_space<vmem_shared>>
        tpu.wait_dma2 semaphore(%run_scoped3A : memref<!tpu.dma_semaphore, #tpu.memory_space<semaphore_mem>>) src(%arg17 : memref<64x128xf32, #tpu.memory_space<vmem>>) dst(%dma_wait3A_87 : memref<64x128xf32, #tpu.memory_space<vmem_shared>>)
        tpu.yield
      }) : () -> ()
      "tpu.region"() ({
        %run_scoped3A = tpu.sem_alloc : memref<!tpu.dma_semaphore, #tpu.memory_space<semaphore_mem>>
        %dma_start3A_76 = arith.constant 9744 : i32
        %dma_start3A_77 = arith.constant 0 : i32
        %dma_start3A_78 = tpu.memref_slice %arg25[%dma_start3A_76, %dma_start3A_77] : memref<10000x128xf32, #tpu.memory_space<vmem_shared>> -> memref<64x128xf32, #tpu.memory_space<vmem_shared>>
        %dma_start3A_79 = arith.constant 9744 : i32
        %dma_start3A_80 = arith.constant 0 : i32
        %dma_start3A_81 = tpu.memref_slice %arg25[%dma_start3A_79, %dma_start3A_80] : memref<10000x128xf32, #tpu.memory_space<vmem_shared>> -> memref<64x128xf32, #tpu.memory_space<vmem_shared>>
        tpu.enqueue_dma source(%arg17 : memref<64x128xf32, #tpu.memory_space<vmem>>) target(%dma_start3A_81 : memref<64x128xf32, #tpu.memory_space<vmem_shared>>) target_semaphore(%run_scoped3A : memref<!tpu.dma_semaphore, #tpu.memory_space<semaphore_mem>>)
        %dma_wait3A_82 = arith.constant 9744 : i32
        %dma_wait3A_83 = arith.constant 0 : i32
        %dma_wait3A_84 = tpu.memref_slice %arg25[%dma_wait3A_82, %dma_wait3A_83] : memref<10000x128xf32, #tpu.memory_space<vmem_shared>> -> memref<64x128xf32, #tpu.memory_space<vmem_shared>>
        %dma_wait3A_85 = arith.constant 9744 : i32
        %dma_wait3A_86 = arith.constant 0 : i32
        %dma_wait3A_87 = tpu.memref_slice %arg25[%dma_wait3A_85, %dma_wait3A_86] : memref<10000x128xf32, #tpu.memory_space<vmem_shared>> -> memref<64x128xf32, #tpu.memory_space<vmem_shared>>
        tpu.wait_dma2 semaphore(%run_scoped3A : memref<!tpu.dma_semaphore, #tpu.memory_space<semaphore_mem>>) src(%arg17 : memref<64x128xf32, #tpu.memory_space<vmem>>) dst(%dma_wait3A_87 : memref<64x128xf32, #tpu.memory_space<vmem_shared>>)
        tpu.yield
      }) : () -> ()
      "tpu.region"() ({
        %run_scoped3A = tpu.sem_alloc : memref<!tpu.dma_semaphore, #tpu.memory_space<semaphore_mem>>
        %dma_start3A_76 = arith.constant 9808 : i32
        %dma_start3A_77 = arith.constant 0 : i32
        %dma_start3A_78 = tpu.memref_slice %arg25[%dma_start3A_76, %dma_start3A_77] : memref<10000x128xf32, #tpu.memory_space<vmem_shared>> -> memref<64x128xf32, #tpu.memory_space<vmem_shared>>
        %dma_start3A_79 = arith.constant 9808 : i32
        %dma_start3A_80 = arith.constant 0 : i32
        %dma_start3A_81 = tpu.memref_slice %arg25[%dma_start3A_79, %dma_start3A_80] : memref<10000x128xf32, #tpu.memory_space<vmem_shared>> -> memref<64x128xf32, #tpu.memory_space<vmem_shared>>
        tpu.enqueue_dma source(%arg17 : memref<64x128xf32, #tpu.memory_space<vmem>>) target(%dma_start3A_81 : memref<64x128xf32, #tpu.memory_space<vmem_shared>>) target_semaphore(%run_scoped3A : memref<!tpu.dma_semaphore, #tpu.memory_space<semaphore_mem>>)
        %dma_wait3A_82 = arith.constant 9808 : i32
        %dma_wait3A_83 = arith.constant 0 : i32
        %dma_wait3A_84 = tpu.memref_slice %arg25[%dma_wait3A_82, %dma_wait3A_83] : memref<10000x128xf32, #tpu.memory_space<vmem_shared>> -> memref<64x128xf32, #tpu.memory_space<vmem_shared>>
        %dma_wait3A_85 = arith.constant 9808 : i32
        %dma_wait3A_86 = arith.constant 0 : i32
        %dma_wait3A_87 = tpu.memref_slice %arg25[%dma_wait3A_85, %dma_wait3A_86] : memref<10000x128xf32, #tpu.memory_space<vmem_shared>> -> memref<64x128xf32, #tpu.memory_space<vmem_shared>>
        tpu.wait_dma2 semaphore(%run_scoped3A : memref<!tpu.dma_semaphore, #tpu.memory_space<semaphore_mem>>) src(%arg17 : memref<64x128xf32, #tpu.memory_space<vmem>>) dst(%dma_wait3A_87 : memref<64x128xf32, #tpu.memory_space<vmem_shared>>)
        tpu.yield
      }) : () -> ()
      "tpu.region"() ({
        %run_scoped3A = tpu.sem_alloc : memref<!tpu.dma_semaphore, #tpu.memory_space<semaphore_mem>>
        %dma_start3A_76 = arith.constant 9872 : i32
        %dma_start3A_77 = arith.constant 0 : i32
        %dma_start3A_78 = tpu.memref_slice %arg25[%dma_start3A_76, %dma_start3A_77] : memref<10000x128xf32, #tpu.memory_space<vmem_shared>> -> memref<64x128xf32, #tpu.memory_space<vmem_shared>>
        %dma_start3A_79 = arith.constant 9872 : i32
        %dma_start3A_80 = arith.constant 0 : i32
        %dma_start3A_81 = tpu.memref_slice %arg25[%dma_start3A_79, %dma_start3A_80] : memref<10000x128xf32, #tpu.memory_space<vmem_shared>> -> memref<64x128xf32, #tpu.memory_space<vmem_shared>>
        tpu.enqueue_dma source(%arg17 : memref<64x128xf32, #tpu.memory_space<vmem>>) target(%dma_start3A_81 : memref<64x128xf32, #tpu.memory_space<vmem_shared>>) target_semaphore(%run_scoped3A : memref<!tpu.dma_semaphore, #tpu.memory_space<semaphore_mem>>)
        %dma_wait3A_82 = arith.constant 9872 : i32
        %dma_wait3A_83 = arith.constant 0 : i32
        %dma_wait3A_84 = tpu.memref_slice %arg25[%dma_wait3A_82, %dma_wait3A_83] : memref<10000x128xf32, #tpu.memory_space<vmem_shared>> -> memref<64x128xf32, #tpu.memory_space<vmem_shared>>
        %dma_wait3A_85 = arith.constant 9872 : i32
        %dma_wait3A_86 = arith.constant 0 : i32
        %dma_wait3A_87 = tpu.memref_slice %arg25[%dma_wait3A_85, %dma_wait3A_86] : memref<10000x128xf32, #tpu.memory_space<vmem_shared>> -> memref<64x128xf32, #tpu.memory_space<vmem_shared>>
        tpu.wait_dma2 semaphore(%run_scoped3A : memref<!tpu.dma_semaphore, #tpu.memory_space<semaphore_mem>>) src(%arg17 : memref<64x128xf32, #tpu.memory_space<vmem>>) dst(%dma_wait3A_87 : memref<64x128xf32, #tpu.memory_space<vmem_shared>>)
        tpu.yield
      }) : () -> ()
      "tpu.region"() ({
        %run_scoped3A = tpu.sem_alloc : memref<!tpu.dma_semaphore, #tpu.memory_space<semaphore_mem>>
        %dma_start3A_76 = arith.constant 9936 : i32
        %dma_start3A_77 = arith.constant 0 : i32
        %dma_start3A_78 = tpu.memref_slice %arg25[%dma_start3A_76, %dma_start3A_77] : memref<10000x128xf32, #tpu.memory_space<vmem_shared>> -> memref<64x128xf32, #tpu.memory_space<vmem_shared>>
        %dma_start3A_79 = arith.constant 9936 : i32
        %dma_start3A_80 = arith.constant 0 : i32
        %dma_start3A_81 = tpu.memref_slice %arg25[%dma_start3A_79, %dma_start3A_80] : memref<10000x128xf32, #tpu.memory_space<vmem_shared>> -> memref<64x128xf32, #tpu.memory_space<vmem_shared>>
        tpu.enqueue_dma source(%arg17 : memref<64x128xf32, #tpu.memory_space<vmem>>) target(%dma_start3A_81 : memref<64x128xf32, #tpu.memory_space<vmem_shared>>) target_semaphore(%run_scoped3A : memref<!tpu.dma_semaphore, #tpu.memory_space<semaphore_mem>>)
        %dma_wait3A_82 = arith.constant 9936 : i32
        %dma_wait3A_83 = arith.constant 0 : i32
        %dma_wait3A_84 = tpu.memref_slice %arg25[%dma_wait3A_82, %dma_wait3A_83] : memref<10000x128xf32, #tpu.memory_space<vmem_shared>> -> memref<64x128xf32, #tpu.memory_space<vmem_shared>>
        %dma_wait3A_85 = arith.constant 9936 : i32
        %dma_wait3A_86 = arith.constant 0 : i32
        %dma_wait3A_87 = tpu.memref_slice %arg25[%dma_wait3A_85, %dma_wait3A_86] : memref<10000x128xf32, #tpu.memory_space<vmem_shared>> -> memref<64x128xf32, #tpu.memory_space<vmem_shared>>
        tpu.wait_dma2 semaphore(%run_scoped3A : memref<!tpu.dma_semaphore, #tpu.memory_space<semaphore_mem>>) src(%arg17 : memref<64x128xf32, #tpu.memory_space<vmem>>) dst(%dma_wait3A_87 : memref<64x128xf32, #tpu.memory_space<vmem_shared>>)
        tpu.yield
      }) : () -> ()
    } else {
    }
    %barrier3A = arith.constant 0 : index
    tpu.barrier barrier_id(%barrier3A)
    %add3A_12 = arith.constant 0 : i32
    %add3A_13 = arith.addi %add3A, %add3A_12 : i32
    %min3A = arith.constant 4999 : i32
    %min3A_14 = arith.minsi %add3A_13, %min3A : i32
    %mul3A_15 = arith.constant 64 : i32
    %mul3A_16 = arith.muli %min3A_14, %mul3A_15 : i32
    %dma_start3A = tpu.memref_slice %arg2[%mul3A_16] : memref<320000xi32, #tpu.memory_space<hbm>> -> memref<64xi32, #tpu.memory_space<hbm>>
    %dma_start3A_17 = tpu.memref_slice %arg2[%mul3A_16] : memref<320000xi32, #tpu.memory_space<hbm>> -> memref<64xi32, #tpu.memory_space<hbm>>
    tpu.enqueue_dma source(%dma_start3A_17 : memref<64xi32, #tpu.memory_space<hbm>>) target(%arg7 : memref<64xi32, #tpu.memory_space<vmem>>) target_semaphore(%arg19 : memref<!tpu.dma_semaphore, #tpu.memory_space<semaphore_mem>>)
    %dma_start3A_18 = tpu.memref_slice %arg3[%mul3A_16] : memref<320000xi32, #tpu.memory_space<hbm>> -> memref<64xi32, #tpu.memory_space<hbm>>
    %dma_start3A_19 = tpu.memref_slice %arg3[%mul3A_16] : memref<320000xi32, #tpu.memory_space<hbm>> -> memref<64xi32, #tpu.memory_space<hbm>>
    tpu.enqueue_dma source(%dma_start3A_19 : memref<64xi32, #tpu.memory_space<hbm>>) target(%arg9 : memref<64xi32, #tpu.memory_space<vmem>>) target_semaphore(%arg19 : memref<!tpu.dma_semaphore, #tpu.memory_space<semaphore_mem>>)
    %add3A_20 = arith.constant 32 : i32
    %add3A_21 = arith.addi %add3A, %add3A_20 : i32
    %min3A_22 = arith.constant 4999 : i32
    %min3A_23 = arith.minsi %add3A_21, %min3A_22 : i32
    %mul3A_24 = arith.constant 64 : i32
    %mul3A_25 = arith.muli %min3A_23, %mul3A_24 : i32
    %dma_start3A_26 = tpu.memref_slice %arg2[%mul3A_25] : memref<320000xi32, #tpu.memory_space<hbm>> -> memref<64xi32, #tpu.memory_space<hbm>>
    %dma_start3A_27 = tpu.memref_slice %arg2[%mul3A_25] : memref<320000xi32, #tpu.memory_space<hbm>> -> memref<64xi32, #tpu.memory_space<hbm>>
    tpu.enqueue_dma source(%dma_start3A_27 : memref<64xi32, #tpu.memory_space<hbm>>) target(%arg8 : memref<64xi32, #tpu.memory_space<vmem>>) target_semaphore(%arg20 : memref<!tpu.dma_semaphore, #tpu.memory_space<semaphore_mem>>)
    %dma_start3A_28 = tpu.memref_slice %arg3[%mul3A_25] : memref<320000xi32, #tpu.memory_space<hbm>> -> memref<64xi32, #tpu.memory_space<hbm>>
    %dma_start3A_29 = tpu.memref_slice %arg3[%mul3A_25] : memref<320000xi32, #tpu.memory_space<hbm>> -> memref<64xi32, #tpu.memory_space<hbm>>
    tpu.enqueue_dma source(%dma_start3A_29 : memref<64xi32, #tpu.memory_space<hbm>>) target(%arg10 : memref<64xi32, #tpu.memory_space<vmem>>) target_semaphore(%arg20 : memref<!tpu.dma_semaphore, #tpu.memory_space<semaphore_mem>>)
    %dma_wait3A = arith.constant 0 : i32
    %dma_wait3A_30 = tpu.memref_slice %arg2[%dma_wait3A] : memref<320000xi32, #tpu.memory_space<hbm>> -> memref<64xi32, #tpu.memory_space<hbm>>
    %dma_wait3A_31 = arith.constant 0 : i32
    %dma_wait3A_32 = tpu.memref_slice %arg2[%dma_wait3A_31] : memref<320000xi32, #tpu.memory_space<hbm>> -> memref<64xi32, #tpu.memory_space<hbm>>
    tpu.wait_dma2 semaphore(%arg19 : memref<!tpu.dma_semaphore, #tpu.memory_space<semaphore_mem>>) src(%dma_wait3A_32 : memref<64xi32, #tpu.memory_space<hbm>>) dst(%arg7 : memref<64xi32, #tpu.memory_space<vmem>>)
    %dma_wait3A_33 = arith.constant 0 : i32
    %dma_wait3A_34 = tpu.memref_slice %arg3[%dma_wait3A_33] : memref<320000xi32, #tpu.memory_space<hbm>> -> memref<64xi32, #tpu.memory_space<hbm>>
    %dma_wait3A_35 = arith.constant 0 : i32
    %dma_wait3A_36 = tpu.memref_slice %arg3[%dma_wait3A_35] : memref<320000xi32, #tpu.memory_space<hbm>> -> memref<64xi32, #tpu.memory_space<hbm>>
    tpu.wait_dma2 semaphore(%arg19 : memref<!tpu.dma_semaphore, #tpu.memory_space<semaphore_mem>>) src(%dma_wait3A_36 : memref<64xi32, #tpu.memory_space<hbm>>) dst(%arg9 : memref<64xi32, #tpu.memory_space<vmem>>)
    %dma_start3A_37 = arith.constant 0 : i32
    %dma_start3A_38 = arith.constant 0 : i32
    %dma_start3A_39 = tpu.memref_slice %arg4[%dma_start3A_37, %dma_start3A_38] : memref<10000x128xf32, #tpu.memory_space<hbm>> -> memref<10000x128xf32, #tpu.memory_space<hbm>>
    tpu.enqueue_indirect_dma source(%dma_start3A_39 : memref<10000x128xf32, #tpu.memory_space<hbm>>) target(%arg13 : memref<64x128xf32, #tpu.memory_space<vmem>>) offsets(%arg7 : memref<64xi32, #tpu.memory_space<vmem>>) semaphore(%arg21 : memref<!tpu.dma_semaphore, #tpu.memory_space<semaphore_mem>>)
    %dma_start3A_40 = arith.constant 0 : i32
    %dma_start3A_41 = arith.constant 0 : i32
    %dma_start3A_42 = tpu.memref_slice %arg5[%dma_start3A_40, %dma_start3A_41] : memref<10000x128xf32, #tpu.memory_space<hbm>> -> memref<10000x128xf32, #tpu.memory_space<hbm>>
    tpu.enqueue_indirect_dma source(%dma_start3A_42 : memref<10000x128xf32, #tpu.memory_space<hbm>>) target(%arg15 : memref<64x128xf32, #tpu.memory_space<vmem>>) offsets(%arg9 : memref<64xi32, #tpu.memory_space<vmem>>) semaphore(%arg21 : memref<!tpu.dma_semaphore, #tpu.memory_space<semaphore_mem>>)
    %dma_wait3A_43 = arith.constant 0 : i32
    %dma_wait3A_44 = arith.constant 0 : i32
    %dma_wait3A_45 = tpu.memref_slice %arg4[%dma_wait3A_43, %dma_wait3A_44] : memref<10000x128xf32, #tpu.memory_space<hbm>> -> memref<10000x128xf32, #tpu.memory_space<hbm>>
    tpu.wait_indirect_dma semaphore(%arg21 : memref<!tpu.dma_semaphore, #tpu.memory_space<semaphore_mem>>) src(%dma_wait3A_45 : memref<10000x128xf32, #tpu.memory_space<hbm>>) dst(%arg13 : memref<64x128xf32, #tpu.memory_space<vmem>>)
    %dma_wait3A_46 = arith.constant 0 : i32
    %dma_wait3A_47 = arith.constant 0 : i32
    %dma_wait3A_48 = tpu.memref_slice %arg5[%dma_wait3A_46, %dma_wait3A_47] : memref<10000x128xf32, #tpu.memory_space<hbm>> -> memref<10000x128xf32, #tpu.memory_space<hbm>>
    tpu.wait_indirect_dma semaphore(%arg21 : memref<!tpu.dma_semaphore, #tpu.memory_space<semaphore_mem>>) src(%dma_wait3A_48 : memref<10000x128xf32, #tpu.memory_space<hbm>>) dst(%arg15 : memref<64x128xf32, #tpu.memory_space<vmem>>)
    %scan3A_49 = arith.constant 0 : i32
    %scan3A_50 = arith.constant 0 : i32
    %scan3A_51 = arith.constant 79 : i32
    %scan3A_52 = arith.addi %scan3A_50, %scan3A_51 : i32
    %scan3A_53 = arith.constant 1 : i32
    scf.for %scan3A_76 = %scan3A_50 to %scan3A_52 step %scan3A_53  : i32 {
      %mul3A_77 = arith.constant 2 : i32
      %mul3A_78 = arith.muli %mul3A_77, %scan3A_76 : i32
      %lt3A_79 = arith.constant 157 : i32
      %lt3A_80 = arith.cmpi slt, %mul3A_78, %lt3A_79 : i32
      %convert_element_type3A_81 = arith.extui %lt3A_80 : i1 to i32
      %cond3A_82 = arith.constant 0 : i32
      %cond3A_83 = arith.cmpi ne, %convert_element_type3A_81, %cond3A_82 : i32
      scf.if %cond3A_83 {
        %dma_wait3A_93 = arith.constant 0 : i32
        %dma_wait3A_94 = tpu.memref_slice %arg2[%dma_wait3A_93] : memref<320000xi32, #tpu.memory_space<hbm>> -> memref<64xi32, #tpu.memory_space<hbm>>
        %dma_wait3A_95 = arith.constant 0 : i32
        %dma_wait3A_96 = tpu.memref_slice %arg2[%dma_wait3A_95] : memref<320000xi32, #tpu.memory_space<hbm>> -> memref<64xi32, #tpu.memory_space<hbm>>
        tpu.wait_dma2 semaphore(%arg20 : memref<!tpu.dma_semaphore, #tpu.memory_space<semaphore_mem>>) src(%dma_wait3A_96 : memref<64xi32, #tpu.memory_space<hbm>>) dst(%arg8 : memref<64xi32, #tpu.memory_space<vmem>>)
        %dma_wait3A_97 = arith.constant 0 : i32
        %dma_wait3A_98 = tpu.memref_slice %arg3[%dma_wait3A_97] : memref<320000xi32, #tpu.memory_space<hbm>> -> memref<64xi32, #tpu.memory_space<hbm>>
        %dma_wait3A_99 = arith.constant 0 : i32
        %dma_wait3A_100 = tpu.memref_slice %arg3[%dma_wait3A_99] : memref<320000xi32, #tpu.memory_space<hbm>> -> memref<64xi32, #tpu.memory_space<hbm>>
        tpu.wait_dma2 semaphore(%arg20 : memref<!tpu.dma_semaphore, #tpu.memory_space<semaphore_mem>>) src(%dma_wait3A_100 : memref<64xi32, #tpu.memory_space<hbm>>) dst(%arg10 : memref<64xi32, #tpu.memory_space<vmem>>)
        %dma_start3A_101 = arith.constant 0 : i32
        %dma_start3A_102 = arith.constant 0 : i32
        %dma_start3A_103 = tpu.memref_slice %arg4[%dma_start3A_101, %dma_start3A_102] : memref<10000x128xf32, #tpu.memory_space<hbm>> -> memref<10000x128xf32, #tpu.memory_space<hbm>>
        tpu.enqueue_indirect_dma source(%dma_start3A_103 : memref<10000x128xf32, #tpu.memory_space<hbm>>) target(%arg14 : memref<64x128xf32, #tpu.memory_space<vmem>>) offsets(%arg8 : memref<64xi32, #tpu.memory_space<vmem>>) semaphore(%arg22 : memref<!tpu.dma_semaphore, #tpu.memory_space<semaphore_mem>>)
        %dma_start3A_104 = arith.constant 0 : i32
        %dma_start3A_105 = arith.constant 0 : i32
        %dma_start3A_106 = tpu.memref_slice %arg5[%dma_start3A_104, %dma_start3A_105] : memref<10000x128xf32, #tpu.memory_space<hbm>> -> memref<10000x128xf32, #tpu.memory_space<hbm>>
        tpu.enqueue_indirect_dma source(%dma_start3A_106 : memref<10000x128xf32, #tpu.memory_space<hbm>>) target(%arg16 : memref<64x128xf32, #tpu.memory_space<vmem>>) offsets(%arg10 : memref<64xi32, #tpu.memory_space<vmem>>) semaphore(%arg22 : memref<!tpu.dma_semaphore, #tpu.memory_space<semaphore_mem>>)
        %ge3A = arith.constant 2 : i32
        %ge3A_107 = arith.cmpi sge, %mul3A_78, %ge3A : i32
        %convert_element_type3A_108 = arith.extui %ge3A_107 : i1 to i32
        %cond3A_109 = arith.constant 0 : i32
        %cond3A_110 = arith.cmpi ne, %convert_element_type3A_108, %cond3A_109 : i32
        scf.if %cond3A_110 {
          %dma_wait3A_162 = arith.constant 0 : i32
          %dma_wait3A_163 = arith.constant 0 : i32
          %dma_wait3A_164 = tpu.memref_slice %arg25[%dma_wait3A_162, %dma_wait3A_163] : memref<10000x128xf32, #tpu.memory_space<vmem_shared>> -> memref<10000x128xf32, #tpu.memory_space<vmem_shared>>
          tpu.wait_indirect_dma semaphore(%arg23 : memref<!tpu.dma_semaphore, #tpu.memory_space<semaphore_mem>>) src(%arg17 : memref<64x128xf32, #tpu.memory_space<vmem>>) dst(%dma_wait3A_164 : memref<10000x128xf32, #tpu.memory_space<vmem_shared>>)
        } else {
        }
        %scan3A_111 = arith.constant 0 : i32
        %scan3A_112 = arith.constant 0 : i32
        %scan3A_113 = arith.constant 64 : i32
        %scan3A_114 = arith.addi %scan3A_112, %scan3A_113 : i32
        %scan3A_115 = arith.constant 1 : i32
        scf.for %scan3A_162 = %scan3A_112 to %scan3A_114 step %scan3A_115  : i32 {
          %get3A_163 = arith.index_cast %scan3A_162 : i32 to index
          %get3A_164 = arith.constant 64 : index
          %get3A_165 = tpu.vector_load %arg13[%get3A_163, %get3A_164] {strides = array<i32>} : memref<64x128xf32, #tpu.memory_space<vmem>>, vector<1x16xf32>,
          %get3A_166 = vector.shape_cast %get3A_165 : vector<1x16xf32> to vector<16xf32>
          %get3A_167 = arith.index_cast %scan3A_162 : i32 to index
          %get3A_168 = arith.constant 0 : index
          %get3A_169 = tpu.vector_load %arg15[%get3A_167, %get3A_168] {strides = array<i32>} : memref<64x128xf32, #tpu.memory_space<vmem>>, vector<1x16xf32>,
          %get3A_170 = vector.shape_cast %get3A_169 : vector<1x16xf32> to vector<16xf32>
          %add3A_171 = arith.addf %get3A_166, %get3A_170 : vector<16xf32>
          %mul3A_172 = arith.constant 2.000000e-01 : f32
          %mul3A_173 = vector.broadcast %mul3A_172 : f32 to vector<16xf32>
          %mul3A_174 = arith.mulf %mul3A_173, %add3A_171 : vector<16xf32>
          %max3A = arith.maximumf %add3A_171, %mul3A_174 : vector<16xf32>
          %exp3A = math.exp %max3A : vector<16xf32>
          %get3A_175 = arith.index_cast %scan3A_162 : i32 to index
          %get3A_176 = arith.constant 0 : index
          %get3A_177 = tpu.vector_load %arg13[%get3A_175, %get3A_176] {strides = array<i32>} : memref<64x128xf32, #tpu.memory_space<vmem>>, vector<1x16xf32>,
          %get3A_178 = vector.shape_cast %get3A_177 : vector<1x16xf32> to vector<16xf32>
          %mul3A_179 = arith.mulf %get3A_178, %exp3A : vector<16xf32>
          %swap3A_180 = arith.index_cast %scan3A_162 : i32 to index
          %swap3A_181 = arith.constant 0 : index
          %swap3A_182 = tpu.vector_load %arg17[%swap3A_180, %swap3A_181] {strides = array<i32>} : memref<64x128xf32, #tpu.memory_space<vmem>>, vector<1x16xf32>,
          %swap3A_183 = vector.shape_cast %swap3A_182 : vector<1x16xf32> to vector<16xf32>
          %swap3A_184 = vector.shape_cast %mul3A_179 : vector<16xf32> to vector<1x16xf32>
          tpu.vector_store %arg17[%swap3A_180, %swap3A_181], %swap3A_184 {strides = array<i32>} : memref<64x128xf32, #tpu.memory_space<vmem>>, vector<1x16xf32>,
          %swap3A_185 = arith.index_cast %scan3A_162 : i32 to index
          %swap3A_186 = arith.constant 64 : index
          %swap3A_187 = tpu.vector_load %arg17[%swap3A_185, %swap3A_186] {strides = array<i32>} : memref<64x128xf32, #tpu.memory_space<vmem>>, vector<1x16xf32>,
          %swap3A_188 = vector.shape_cast %swap3A_187 : vector<1x16xf32> to vector<16xf32>
          %swap3A_189 = vector.shape_cast %exp3A : vector<16xf32> to vector<1x16xf32>
          tpu.vector_store %arg17[%swap3A_185, %swap3A_186], %swap3A_189 {strides = array<i32>} : memref<64x128xf32, #tpu.memory_space<vmem>>, vector<1x16xf32>,
          %get3A_190 = arith.index_cast %scan3A_162 : i32 to index
          %get3A_191 = arith.constant 80 : index
          %get3A_192 = tpu.vector_load %arg13[%get3A_190, %get3A_191] {strides = array<i32>} : memref<64x128xf32, #tpu.memory_space<vmem>>, vector<1x16xf32>,
          %get3A_193 = vector.shape_cast %get3A_192 : vector<1x16xf32> to vector<16xf32>
          %get3A_194 = arith.index_cast %scan3A_162 : i32 to index
          %get3A_195 = arith.constant 16 : index
          %get3A_196 = tpu.vector_load %arg15[%get3A_194, %get3A_195] {strides = array<i32>} : memref<64x128xf32, #tpu.memory_space<vmem>>, vector<1x16xf32>,
          %get3A_197 = vector.shape_cast %get3A_196 : vector<1x16xf32> to vector<16xf32>
          %add3A_198 = arith.addf %get3A_193, %get3A_197 : vector<16xf32>
          %mul3A_199 = arith.constant 2.000000e-01 : f32
          %mul3A_200 = vector.broadcast %mul3A_199 : f32 to vector<16xf32>
          %mul3A_201 = arith.mulf %mul3A_200, %add3A_198 : vector<16xf32>
          %max3A_202 = arith.maximumf %add3A_198, %mul3A_201 : vector<16xf32>
          %exp3A_203 = math.exp %max3A_202 : vector<16xf32>
          %get3A_204 = arith.index_cast %scan3A_162 : i32 to index
          %get3A_205 = arith.constant 16 : index
          %get3A_206 = tpu.vector_load %arg13[%get3A_204, %get3A_205] {strides = array<i32>} : memref<64x128xf32, #tpu.memory_space<vmem>>, vector<1x16xf32>,
          %get3A_207 = vector.shape_cast %get3A_206 : vector<1x16xf32> to vector<16xf32>
          %mul3A_208 = arith.mulf %get3A_207, %exp3A_203 : vector<16xf32>
          %swap3A_209 = arith.index_cast %scan3A_162 : i32 to index
          %swap3A_210 = arith.constant 16 : index
          %swap3A_211 = tpu.vector_load %arg17[%swap3A_209, %swap3A_210] {strides = array<i32>} : memref<64x128xf32, #tpu.memory_space<vmem>>, vector<1x16xf32>,
          %swap3A_212 = vector.shape_cast %swap3A_211 : vector<1x16xf32> to vector<16xf32>
          %swap3A_213 = vector.shape_cast %mul3A_208 : vector<16xf32> to vector<1x16xf32>
          tpu.vector_store %arg17[%swap3A_209, %swap3A_210], %swap3A_213 {strides = array<i32>} : memref<64x128xf32, #tpu.memory_space<vmem>>, vector<1x16xf32>,
          %swap3A_214 = arith.index_cast %scan3A_162 : i32 to index
          %swap3A_215 = arith.constant 80 : index
          %swap3A_216 = tpu.vector_load %arg17[%swap3A_214, %swap3A_215] {strides = array<i32>} : memref<64x128xf32, #tpu.memory_space<vmem>>, vector<1x16xf32>,
          %swap3A_217 = vector.shape_cast %swap3A_216 : vector<1x16xf32> to vector<16xf32>
          %swap3A_218 = vector.shape_cast %exp3A_203 : vector<16xf32> to vector<1x16xf32>
          tpu.vector_store %arg17[%swap3A_214, %swap3A_215], %swap3A_218 {strides = array<i32>} : memref<64x128xf32, #tpu.memory_space<vmem>>, vector<1x16xf32>,
          %get3A_219 = arith.index_cast %scan3A_162 : i32 to index
          %get3A_220 = arith.constant 96 : index
          %get3A_221 = tpu.vector_load %arg13[%get3A_219, %get3A_220] {strides = array<i32>} : memref<64x128xf32, #tpu.memory_space<vmem>>, vector<1x16xf32>,
          %get3A_222 = vector.shape_cast %get3A_221 : vector<1x16xf32> to vector<16xf32>
          %get3A_223 = arith.index_cast %scan3A_162 : i32 to index
          %get3A_224 = arith.constant 32 : index
          %get3A_225 = tpu.vector_load %arg15[%get3A_223, %get3A_224] {strides = array<i32>} : memref<64x128xf32, #tpu.memory_space<vmem>>, vector<1x16xf32>,
          %get3A_226 = vector.shape_cast %get3A_225 : vector<1x16xf32> to vector<16xf32>
          %add3A_227 = arith.addf %get3A_222, %get3A_226 : vector<16xf32>
          %mul3A_228 = arith.constant 2.000000e-01 : f32
          %mul3A_229 = vector.broadcast %mul3A_228 : f32 to vector<16xf32>
          %mul3A_230 = arith.mulf %mul3A_229, %add3A_227 : vector<16xf32>
          %max3A_231 = arith.maximumf %add3A_227, %mul3A_230 : vector<16xf32>
          %exp3A_232 = math.exp %max3A_231 : vector<16xf32>
          %get3A_233 = arith.index_cast %scan3A_162 : i32 to index
          %get3A_234 = arith.constant 32 : index
          %get3A_235 = tpu.vector_load %arg13[%get3A_233, %get3A_234] {strides = array<i32>} : memref<64x128xf32, #tpu.memory_space<vmem>>, vector<1x16xf32>,
          %get3A_236 = vector.shape_cast %get3A_235 : vector<1x16xf32> to vector<16xf32>
          %mul3A_237 = arith.mulf %get3A_236, %exp3A_232 : vector<16xf32>
          %swap3A_238 = arith.index_cast %scan3A_162 : i32 to index
          %swap3A_239 = arith.constant 32 : index
          %swap3A_240 = tpu.vector_load %arg17[%swap3A_238, %swap3A_239] {strides = array<i32>} : memref<64x128xf32, #tpu.memory_space<vmem>>, vector<1x16xf32>,
          %swap3A_241 = vector.shape_cast %swap3A_240 : vector<1x16xf32> to vector<16xf32>
          %swap3A_242 = vector.shape_cast %mul3A_237 : vector<16xf32> to vector<1x16xf32>
          tpu.vector_store %arg17[%swap3A_238, %swap3A_239], %swap3A_242 {strides = array<i32>} : memref<64x128xf32, #tpu.memory_space<vmem>>, vector<1x16xf32>,
          %swap3A_243 = arith.index_cast %scan3A_162 : i32 to index
          %swap3A_244 = arith.constant 96 : index
          %swap3A_245 = tpu.vector_load %arg17[%swap3A_243, %swap3A_244] {strides = array<i32>} : memref<64x128xf32, #tpu.memory_space<vmem>>, vector<1x16xf32>,
          %swap3A_246 = vector.shape_cast %swap3A_245 : vector<1x16xf32> to vector<16xf32>
          %swap3A_247 = vector.shape_cast %exp3A_232 : vector<16xf32> to vector<1x16xf32>
          tpu.vector_store %arg17[%swap3A_243, %swap3A_244], %swap3A_247 {strides = array<i32>} : memref<64x128xf32, #tpu.memory_space<vmem>>, vector<1x16xf32>,
          %get3A_248 = arith.index_cast %scan3A_162 : i32 to index
          %get3A_249 = arith.constant 112 : index
          %get3A_250 = tpu.vector_load %arg13[%get3A_248, %get3A_249] {strides = array<i32>} : memref<64x128xf32, #tpu.memory_space<vmem>>, vector<1x16xf32>,
          %get3A_251 = vector.shape_cast %get3A_250 : vector<1x16xf32> to vector<16xf32>
          %get3A_252 = arith.index_cast %scan3A_162 : i32 to index
          %get3A_253 = arith.constant 48 : index
          %get3A_254 = tpu.vector_load %arg15[%get3A_252, %get3A_253] {strides = array<i32>} : memref<64x128xf32, #tpu.memory_space<vmem>>, vector<1x16xf32>,
          %get3A_255 = vector.shape_cast %get3A_254 : vector<1x16xf32> to vector<16xf32>
          %add3A_256 = arith.addf %get3A_251, %get3A_255 : vector<16xf32>
          %mul3A_257 = arith.constant 2.000000e-01 : f32
          %mul3A_258 = vector.broadcast %mul3A_257 : f32 to vector<16xf32>
          %mul3A_259 = arith.mulf %mul3A_258, %add3A_256 : vector<16xf32>
          %max3A_260 = arith.maximumf %add3A_256, %mul3A_259 : vector<16xf32>
          %exp3A_261 = math.exp %max3A_260 : vector<16xf32>
          %get3A_262 = arith.index_cast %scan3A_162 : i32 to index
          %get3A_263 = arith.constant 48 : index
          %get3A_264 = tpu.vector_load %arg13[%get3A_262, %get3A_263] {strides = array<i32>} : memref<64x128xf32, #tpu.memory_space<vmem>>, vector<1x16xf32>,
          %get3A_265 = vector.shape_cast %get3A_264 : vector<1x16xf32> to vector<16xf32>
          %mul3A_266 = arith.mulf %get3A_265, %exp3A_261 : vector<16xf32>
          %swap3A_267 = arith.index_cast %scan3A_162 : i32 to index
          %swap3A_268 = arith.constant 48 : index
          %swap3A_269 = tpu.vector_load %arg17[%swap3A_267, %swap3A_268] {strides = array<i32>} : memref<64x128xf32, #tpu.memory_space<vmem>>, vector<1x16xf32>,
          %swap3A_270 = vector.shape_cast %swap3A_269 : vector<1x16xf32> to vector<16xf32>
          %swap3A_271 = vector.shape_cast %mul3A_266 : vector<16xf32> to vector<1x16xf32>
          tpu.vector_store %arg17[%swap3A_267, %swap3A_268], %swap3A_271 {strides = array<i32>} : memref<64x128xf32, #tpu.memory_space<vmem>>, vector<1x16xf32>,
          %swap3A_272 = arith.index_cast %scan3A_162 : i32 to index
          %swap3A_273 = arith.constant 112 : index
          %swap3A_274 = tpu.vector_load %arg17[%swap3A_272, %swap3A_273] {strides = array<i32>} : memref<64x128xf32, #tpu.memory_space<vmem>>, vector<1x16xf32>,
          %swap3A_275 = vector.shape_cast %swap3A_274 : vector<1x16xf32> to vector<16xf32>
          %swap3A_276 = vector.shape_cast %exp3A_261 : vector<16xf32> to vector<1x16xf32>
          tpu.vector_store %arg17[%swap3A_272, %swap3A_273], %swap3A_276 {strides = array<i32>} : memref<64x128xf32, #tpu.memory_space<vmem>>, vector<1x16xf32>,
        }
        %scan3A_116 = arith.constant 64 : i32
        %get3A = arith.constant 0 : index
        %get3A_117 = tpu.vector_load %arg9[%get3A] {strides = array<i32>} : memref<64xi32, #tpu.memory_space<vmem>>, vector<16xi32>,
        %get3A_118 = vector.shape_cast %get3A_117 : vector<16xi32> to vector<16xi32>
        %swap3A = arith.constant 0 : index
        %swap3A_119 = tpu.vector_load %arg11[%swap3A] {strides = array<i32>} : memref<64xi32, #tpu.memory_space<vmem>>, vector<16xi32>,
        %swap3A_120 = vector.shape_cast %swap3A_119 : vector<16xi32> to vector<16xi32>
        %swap3A_121 = vector.shape_cast %get3A_118 : vector<16xi32> to vector<16xi32>
        tpu.vector_store %arg11[%swap3A], %swap3A_121 {strides = array<i32>} : memref<64xi32, #tpu.memory_space<vmem>>, vector<16xi32>,
        %get3A_122 = arith.constant 16 : index
        %get3A_123 = tpu.vector_load %arg9[%get3A_122] {strides = array<i32>} : memref<64xi32, #tpu.memory_space<vmem>>, vector<16xi32>,
        %get3A_124 = vector.shape_cast %get3A_123 : vector<16xi32> to vector<16xi32>
        %swap3A_125 = arith.constant 16 : index
        %swap3A_126 = tpu.vector_load %arg11[%swap3A_125] {strides = array<i32>} : memref<64xi32, #tpu.memory_space<vmem>>, vector<16xi32>,
        %swap3A_127 = vector.shape_cast %swap3A_126 : vector<16xi32> to vector<16xi32>
        %swap3A_128 = vector.shape_cast %get3A_124 : vector<16xi32> to vector<16xi32>
        tpu.vector_store %arg11[%swap3A_125], %swap3A_128 {strides = array<i32>} : memref<64xi32, #tpu.memory_space<vmem>>, vector<16xi32>,
        %get3A_129 = arith.constant 32 : index
        %get3A_130 = tpu.vector_load %arg9[%get3A_129] {strides = array<i32>} : memref<64xi32, #tpu.memory_space<vmem>>, vector<16xi32>,
        %get3A_131 = vector.shape_cast %get3A_130 : vector<16xi32> to vector<16xi32>
        %swap3A_132 = arith.constant 32 : index
        %swap3A_133 = tpu.vector_load %arg11[%swap3A_132] {strides = array<i32>} : memref<64xi32, #tpu.memory_space<vmem>>, vector<16xi32>,
        %swap3A_134 = vector.shape_cast %swap3A_133 : vector<16xi32> to vector<16xi32>
        %swap3A_135 = vector.shape_cast %get3A_131 : vector<16xi32> to vector<16xi32>
        tpu.vector_store %arg11[%swap3A_132], %swap3A_135 {strides = array<i32>} : memref<64xi32, #tpu.memory_space<vmem>>, vector<16xi32>,
        %get3A_136 = arith.constant 48 : index
        %get3A_137 = tpu.vector_load %arg9[%get3A_136] {strides = array<i32>} : memref<64xi32, #tpu.memory_space<vmem>>, vector<16xi32>,
        %get3A_138 = vector.shape_cast %get3A_137 : vector<16xi32> to vector<16xi32>
        %swap3A_139 = arith.constant 48 : index
        %swap3A_140 = tpu.vector_load %arg11[%swap3A_139] {strides = array<i32>} : memref<64xi32, #tpu.memory_space<vmem>>, vector<16xi32>,
        %swap3A_141 = vector.shape_cast %swap3A_140 : vector<16xi32> to vector<16xi32>
        %swap3A_142 = vector.shape_cast %get3A_138 : vector<16xi32> to vector<16xi32>
        tpu.vector_store %arg11[%swap3A_139], %swap3A_142 {strides = array<i32>} : memref<64xi32, #tpu.memory_space<vmem>>, vector<16xi32>,
        %mul3A_143 = arith.constant 32 : i32
        %mul3A_144 = arith.muli %mul3A_143, %mul3A_78 : i32
        %add3A_145 = arith.addi %add3A, %mul3A_144 : i32
        %lt3A_146 = arith.constant 5000 : i32
        %lt3A_147 = arith.cmpi slt, %add3A_145, %lt3A_146 : i32
        %convert_element_type3A_148 = arith.extui %lt3A_147 : i1 to i32
        %cond3A_149 = arith.constant 0 : i32
        %cond3A_150 = arith.cmpi ne, %convert_element_type3A_148, %cond3A_149 : i32
        scf.if %cond3A_150 {
          %dma_start3A_162 = arith.constant 0 : i32
          %dma_start3A_163 = arith.constant 0 : i32
          %dma_start3A_164 = tpu.memref_slice %arg25[%dma_start3A_162, %dma_start3A_163] : memref<10000x128xf32, #tpu.memory_space<vmem_shared>> -> memref<10000x128xf32, #tpu.memory_space<vmem_shared>>
          tpu.enqueue_indirect_dma source(%arg17 : memref<64x128xf32, #tpu.memory_space<vmem>>) target(%dma_start3A_164 : memref<10000x128xf32, #tpu.memory_space<vmem_shared>>) offsets(%arg11 : memref<64xi32, #tpu.memory_space<vmem>>) semaphore(%arg23 : memref<!tpu.dma_semaphore, #tpu.memory_space<semaphore_mem>>) {add = true}
        } else {
        }
        %lt3A_151 = arith.constant 156 : i32
        %lt3A_152 = arith.cmpi slt, %mul3A_78, %lt3A_151 : i32
        %convert_element_type3A_153 = arith.extui %lt3A_152 : i1 to i32
        %cond3A_154 = arith.constant 0 : i32
        %cond3A_155 = arith.cmpi ne, %convert_element_type3A_153, %cond3A_154 : i32
        scf.if %cond3A_155 {
          %add3A_162 = arith.constant 2 : i32
          %add3A_163 = arith.addi %mul3A_78, %add3A_162 : i32
          %mul3A_164 = arith.constant 32 : i32
          %mul3A_165 = arith.muli %mul3A_164, %add3A_163 : i32
          %add3A_166 = arith.addi %add3A, %mul3A_165 : i32
          %min3A_167 = arith.constant 4999 : i32
          %min3A_168 = arith.minsi %add3A_166, %min3A_167 : i32
          %mul3A_169 = arith.constant 64 : i32
          %mul3A_170 = arith.muli %min3A_168, %mul3A_169 : i32
          %dma_start3A_171 = tpu.memref_slice %arg2[%mul3A_170] : memref<320000xi32, #tpu.memory_space<hbm>> -> memref<64xi32, #tpu.memory_space<hbm>>
          %dma_start3A_172 = tpu.memref_slice %arg2[%mul3A_170] : memref<320000xi32, #tpu.memory_space<hbm>> -> memref<64xi32, #tpu.memory_space<hbm>>
          tpu.enqueue_dma source(%dma_start3A_172 : memref<64xi32, #tpu.memory_space<hbm>>) target(%arg7 : memref<64xi32, #tpu.memory_space<vmem>>) target_semaphore(%arg19 : memref<!tpu.dma_semaphore, #tpu.memory_space<semaphore_mem>>)
          %dma_start3A_173 = tpu.memref_slice %arg3[%mul3A_170] : memref<320000xi32, #tpu.memory_space<hbm>> -> memref<64xi32, #tpu.memory_space<hbm>>
          %dma_start3A_174 = tpu.memref_slice %arg3[%mul3A_170] : memref<320000xi32, #tpu.memory_space<hbm>> -> memref<64xi32, #tpu.memory_space<hbm>>
          tpu.enqueue_dma source(%dma_start3A_174 : memref<64xi32, #tpu.memory_space<hbm>>) target(%arg9 : memref<64xi32, #tpu.memory_space<vmem>>) target_semaphore(%arg19 : memref<!tpu.dma_semaphore, #tpu.memory_space<semaphore_mem>>)
        } else {
        }
        %dma_wait3A_156 = arith.constant 0 : i32
        %dma_wait3A_157 = arith.constant 0 : i32
        %dma_wait3A_158 = tpu.memref_slice %arg4[%dma_wait3A_156, %dma_wait3A_157] : memref<10000x128xf32, #tpu.memory_space<hbm>> -> memref<10000x128xf32, #tpu.memory_space<hbm>>
        tpu.wait_indirect_dma semaphore(%arg22 : memref<!tpu.dma_semaphore, #tpu.memory_space<semaphore_mem>>) src(%dma_wait3A_158 : memref<10000x128xf32, #tpu.memory_space<hbm>>) dst(%arg14 : memref<64x128xf32, #tpu.memory_space<vmem>>)
        %dma_wait3A_159 = arith.constant 0 : i32
        %dma_wait3A_160 = arith.constant 0 : i32
        %dma_wait3A_161 = tpu.memref_slice %arg5[%dma_wait3A_159, %dma_wait3A_160] : memref<10000x128xf32, #tpu.memory_space<hbm>> -> memref<10000x128xf32, #tpu.memory_space<hbm>>
        tpu.wait_indirect_dma semaphore(%arg22 : memref<!tpu.dma_semaphore, #tpu.memory_space<semaphore_mem>>) src(%dma_wait3A_161 : memref<10000x128xf32, #tpu.memory_space<hbm>>) dst(%arg16 : memref<64x128xf32, #tpu.memory_space<vmem>>)
      } else {
      }
      %mul3A_84 = arith.constant 2 : i32
      %mul3A_85 = arith.muli %mul3A_84, %scan3A_76 : i32
      %add3A_86 = arith.constant 1 : i32
      %add3A_87 = arith.addi %mul3A_85, %add3A_86 : i32
      %lt3A_88 = arith.constant 157 : i32
      %lt3A_89 = arith.cmpi slt, %add3A_87, %lt3A_88 : i32
      %convert_element_type3A_90 = arith.extui %lt3A_89 : i1 to i32
      %cond3A_91 = arith.constant 0 : i32
      %cond3A_92 = arith.cmpi ne, %convert_element_type3A_90, %cond3A_91 : i32
      scf.if %cond3A_92 {
        %dma_wait3A_93 = arith.constant 0 : i32
        %dma_wait3A_94 = tpu.memref_slice %arg2[%dma_wait3A_93] : memref<320000xi32, #tpu.memory_space<hbm>> -> memref<64xi32, #tpu.memory_space<hbm>>
        %dma_wait3A_95 = arith.constant 0 : i32
        %dma_wait3A_96 = tpu.memref_slice %arg2[%dma_wait3A_95] : memref<320000xi32, #tpu.memory_space<hbm>> -> memref<64xi32, #tpu.memory_space<hbm>>
        tpu.wait_dma2 semaphore(%arg19 : memref<!tpu.dma_semaphore, #tpu.memory_space<semaphore_mem>>) src(%dma_wait3A_96 : memref<64xi32, #tpu.memory_space<hbm>>) dst(%arg7 : memref<64xi32, #tpu.memory_space<vmem>>)
        %dma_wait3A_97 = arith.constant 0 : i32
        %dma_wait3A_98 = tpu.memref_slice %arg3[%dma_wait3A_97] : memref<320000xi32, #tpu.memory_space<hbm>> -> memref<64xi32, #tpu.memory_space<hbm>>
        %dma_wait3A_99 = arith.constant 0 : i32
        %dma_wait3A_100 = tpu.memref_slice %arg3[%dma_wait3A_99] : memref<320000xi32, #tpu.memory_space<hbm>> -> memref<64xi32, #tpu.memory_space<hbm>>
        tpu.wait_dma2 semaphore(%arg19 : memref<!tpu.dma_semaphore, #tpu.memory_space<semaphore_mem>>) src(%dma_wait3A_100 : memref<64xi32, #tpu.memory_space<hbm>>) dst(%arg9 : memref<64xi32, #tpu.memory_space<vmem>>)
        %dma_start3A_101 = arith.constant 0 : i32
        %dma_start3A_102 = arith.constant 0 : i32
        %dma_start3A_103 = tpu.memref_slice %arg4[%dma_start3A_101, %dma_start3A_102] : memref<10000x128xf32, #tpu.memory_space<hbm>> -> memref<10000x128xf32, #tpu.memory_space<hbm>>
        tpu.enqueue_indirect_dma source(%dma_start3A_103 : memref<10000x128xf32, #tpu.memory_space<hbm>>) target(%arg13 : memref<64x128xf32, #tpu.memory_space<vmem>>) offsets(%arg7 : memref<64xi32, #tpu.memory_space<vmem>>) semaphore(%arg21 : memref<!tpu.dma_semaphore, #tpu.memory_space<semaphore_mem>>)
        %dma_start3A_104 = arith.constant 0 : i32
        %dma_start3A_105 = arith.constant 0 : i32
        %dma_start3A_106 = tpu.memref_slice %arg5[%dma_start3A_104, %dma_start3A_105] : memref<10000x128xf32, #tpu.memory_space<hbm>> -> memref<10000x128xf32, #tpu.memory_space<hbm>>
        tpu.enqueue_indirect_dma source(%dma_start3A_106 : memref<10000x128xf32, #tpu.memory_space<hbm>>) target(%arg15 : memref<64x128xf32, #tpu.memory_space<vmem>>) offsets(%arg9 : memref<64xi32, #tpu.memory_space<vmem>>) semaphore(%arg21 : memref<!tpu.dma_semaphore, #tpu.memory_space<semaphore_mem>>)
        %ge3A = arith.constant 2 : i32
        %ge3A_107 = arith.cmpi sge, %add3A_87, %ge3A : i32
        %convert_element_type3A_108 = arith.extui %ge3A_107 : i1 to i32
        %cond3A_109 = arith.constant 0 : i32
        %cond3A_110 = arith.cmpi ne, %convert_element_type3A_108, %cond3A_109 : i32
        scf.if %cond3A_110 {
          %dma_wait3A_162 = arith.constant 0 : i32
          %dma_wait3A_163 = arith.constant 0 : i32
          %dma_wait3A_164 = tpu.memref_slice %arg25[%dma_wait3A_162, %dma_wait3A_163] : memref<10000x128xf32, #tpu.memory_space<vmem_shared>> -> memref<10000x128xf32, #tpu.memory_space<vmem_shared>>
          tpu.wait_indirect_dma semaphore(%arg24 : memref<!tpu.dma_semaphore, #tpu.memory_space<semaphore_mem>>) src(%arg18 : memref<64x128xf32, #tpu.memory_space<vmem>>) dst(%dma_wait3A_164 : memref<10000x128xf32, #tpu.memory_space<vmem_shared>>)
        } else {
        }
        %scan3A_111 = arith.constant 0 : i32
        %scan3A_112 = arith.constant 0 : i32
        %scan3A_113 = arith.constant 64 : i32
        %scan3A_114 = arith.addi %scan3A_112, %scan3A_113 : i32
        %scan3A_115 = arith.constant 1 : i32
        scf.for %scan3A_162 = %scan3A_112 to %scan3A_114 step %scan3A_115  : i32 {
          %get3A_163 = arith.index_cast %scan3A_162 : i32 to index
          %get3A_164 = arith.constant 64 : index
          %get3A_165 = tpu.vector_load %arg14[%get3A_163, %get3A_164] {strides = array<i32>} : memref<64x128xf32, #tpu.memory_space<vmem>>, vector<1x16xf32>,
          %get3A_166 = vector.shape_cast %get3A_165 : vector<1x16xf32> to vector<16xf32>
          %get3A_167 = arith.index_cast %scan3A_162 : i32 to index
          %get3A_168 = arith.constant 0 : index
          %get3A_169 = tpu.vector_load %arg16[%get3A_167, %get3A_168] {strides = array<i32>} : memref<64x128xf32, #tpu.memory_space<vmem>>, vector<1x16xf32>,
          %get3A_170 = vector.shape_cast %get3A_169 : vector<1x16xf32> to vector<16xf32>
          %add3A_171 = arith.addf %get3A_166, %get3A_170 : vector<16xf32>
          %mul3A_172 = arith.constant 2.000000e-01 : f32
          %mul3A_173 = vector.broadcast %mul3A_172 : f32 to vector<16xf32>
          %mul3A_174 = arith.mulf %mul3A_173, %add3A_171 : vector<16xf32>
          %max3A = arith.maximumf %add3A_171, %mul3A_174 : vector<16xf32>
          %exp3A = math.exp %max3A : vector<16xf32>
          %get3A_175 = arith.index_cast %scan3A_162 : i32 to index
          %get3A_176 = arith.constant 0 : index
          %get3A_177 = tpu.vector_load %arg14[%get3A_175, %get3A_176] {strides = array<i32>} : memref<64x128xf32, #tpu.memory_space<vmem>>, vector<1x16xf32>,
          %get3A_178 = vector.shape_cast %get3A_177 : vector<1x16xf32> to vector<16xf32>
          %mul3A_179 = arith.mulf %get3A_178, %exp3A : vector<16xf32>
          %swap3A_180 = arith.index_cast %scan3A_162 : i32 to index
          %swap3A_181 = arith.constant 0 : index
          %swap3A_182 = tpu.vector_load %arg18[%swap3A_180, %swap3A_181] {strides = array<i32>} : memref<64x128xf32, #tpu.memory_space<vmem>>, vector<1x16xf32>,
          %swap3A_183 = vector.shape_cast %swap3A_182 : vector<1x16xf32> to vector<16xf32>
          %swap3A_184 = vector.shape_cast %mul3A_179 : vector<16xf32> to vector<1x16xf32>
          tpu.vector_store %arg18[%swap3A_180, %swap3A_181], %swap3A_184 {strides = array<i32>} : memref<64x128xf32, #tpu.memory_space<vmem>>, vector<1x16xf32>,
          %swap3A_185 = arith.index_cast %scan3A_162 : i32 to index
          %swap3A_186 = arith.constant 64 : index
          %swap3A_187 = tpu.vector_load %arg18[%swap3A_185, %swap3A_186] {strides = array<i32>} : memref<64x128xf32, #tpu.memory_space<vmem>>, vector<1x16xf32>,
          %swap3A_188 = vector.shape_cast %swap3A_187 : vector<1x16xf32> to vector<16xf32>
          %swap3A_189 = vector.shape_cast %exp3A : vector<16xf32> to vector<1x16xf32>
          tpu.vector_store %arg18[%swap3A_185, %swap3A_186], %swap3A_189 {strides = array<i32>} : memref<64x128xf32, #tpu.memory_space<vmem>>, vector<1x16xf32>,
          %get3A_190 = arith.index_cast %scan3A_162 : i32 to index
          %get3A_191 = arith.constant 80 : index
          %get3A_192 = tpu.vector_load %arg14[%get3A_190, %get3A_191] {strides = array<i32>} : memref<64x128xf32, #tpu.memory_space<vmem>>, vector<1x16xf32>,
          %get3A_193 = vector.shape_cast %get3A_192 : vector<1x16xf32> to vector<16xf32>
          %get3A_194 = arith.index_cast %scan3A_162 : i32 to index
          %get3A_195 = arith.constant 16 : index
          %get3A_196 = tpu.vector_load %arg16[%get3A_194, %get3A_195] {strides = array<i32>} : memref<64x128xf32, #tpu.memory_space<vmem>>, vector<1x16xf32>,
          %get3A_197 = vector.shape_cast %get3A_196 : vector<1x16xf32> to vector<16xf32>
          %add3A_198 = arith.addf %get3A_193, %get3A_197 : vector<16xf32>
          %mul3A_199 = arith.constant 2.000000e-01 : f32
          %mul3A_200 = vector.broadcast %mul3A_199 : f32 to vector<16xf32>
          %mul3A_201 = arith.mulf %mul3A_200, %add3A_198 : vector<16xf32>
          %max3A_202 = arith.maximumf %add3A_198, %mul3A_201 : vector<16xf32>
          %exp3A_203 = math.exp %max3A_202 : vector<16xf32>
          %get3A_204 = arith.index_cast %scan3A_162 : i32 to index
          %get3A_205 = arith.constant 16 : index
          %get3A_206 = tpu.vector_load %arg14[%get3A_204, %get3A_205] {strides = array<i32>} : memref<64x128xf32, #tpu.memory_space<vmem>>, vector<1x16xf32>,
          %get3A_207 = vector.shape_cast %get3A_206 : vector<1x16xf32> to vector<16xf32>
          %mul3A_208 = arith.mulf %get3A_207, %exp3A_203 : vector<16xf32>
          %swap3A_209 = arith.index_cast %scan3A_162 : i32 to index
          %swap3A_210 = arith.constant 16 : index
          %swap3A_211 = tpu.vector_load %arg18[%swap3A_209, %swap3A_210] {strides = array<i32>} : memref<64x128xf32, #tpu.memory_space<vmem>>, vector<1x16xf32>,
          %swap3A_212 = vector.shape_cast %swap3A_211 : vector<1x16xf32> to vector<16xf32>
          %swap3A_213 = vector.shape_cast %mul3A_208 : vector<16xf32> to vector<1x16xf32>
          tpu.vector_store %arg18[%swap3A_209, %swap3A_210], %swap3A_213 {strides = array<i32>} : memref<64x128xf32, #tpu.memory_space<vmem>>, vector<1x16xf32>,
          %swap3A_214 = arith.index_cast %scan3A_162 : i32 to index
          %swap3A_215 = arith.constant 80 : index
          %swap3A_216 = tpu.vector_load %arg18[%swap3A_214, %swap3A_215] {strides = array<i32>} : memref<64x128xf32, #tpu.memory_space<vmem>>, vector<1x16xf32>,
          %swap3A_217 = vector.shape_cast %swap3A_216 : vector<1x16xf32> to vector<16xf32>
          %swap3A_218 = vector.shape_cast %exp3A_203 : vector<16xf32> to vector<1x16xf32>
          tpu.vector_store %arg18[%swap3A_214, %swap3A_215], %swap3A_218 {strides = array<i32>} : memref<64x128xf32, #tpu.memory_space<vmem>>, vector<1x16xf32>,
          %get3A_219 = arith.index_cast %scan3A_162 : i32 to index
          %get3A_220 = arith.constant 96 : index
          %get3A_221 = tpu.vector_load %arg14[%get3A_219, %get3A_220] {strides = array<i32>} : memref<64x128xf32, #tpu.memory_space<vmem>>, vector<1x16xf32>,
          %get3A_222 = vector.shape_cast %get3A_221 : vector<1x16xf32> to vector<16xf32>
          %get3A_223 = arith.index_cast %scan3A_162 : i32 to index
          %get3A_224 = arith.constant 32 : index
          %get3A_225 = tpu.vector_load %arg16[%get3A_223, %get3A_224] {strides = array<i32>} : memref<64x128xf32, #tpu.memory_space<vmem>>, vector<1x16xf32>,
          %get3A_226 = vector.shape_cast %get3A_225 : vector<1x16xf32> to vector<16xf32>
          %add3A_227 = arith.addf %get3A_222, %get3A_226 : vector<16xf32>
          %mul3A_228 = arith.constant 2.000000e-01 : f32
          %mul3A_229 = vector.broadcast %mul3A_228 : f32 to vector<16xf32>
          %mul3A_230 = arith.mulf %mul3A_229, %add3A_227 : vector<16xf32>
          %max3A_231 = arith.maximumf %add3A_227, %mul3A_230 : vector<16xf32>
          %exp3A_232 = math.exp %max3A_231 : vector<16xf32>
          %get3A_233 = arith.index_cast %scan3A_162 : i32 to index
          %get3A_234 = arith.constant 32 : index
          %get3A_235 = tpu.vector_load %arg14[%get3A_233, %get3A_234] {strides = array<i32>} : memref<64x128xf32, #tpu.memory_space<vmem>>, vector<1x16xf32>,
          %get3A_236 = vector.shape_cast %get3A_235 : vector<1x16xf32> to vector<16xf32>
          %mul3A_237 = arith.mulf %get3A_236, %exp3A_232 : vector<16xf32>
          %swap3A_238 = arith.index_cast %scan3A_162 : i32 to index
          %swap3A_239 = arith.constant 32 : index
          %swap3A_240 = tpu.vector_load %arg18[%swap3A_238, %swap3A_239] {strides = array<i32>} : memref<64x128xf32, #tpu.memory_space<vmem>>, vector<1x16xf32>,
          %swap3A_241 = vector.shape_cast %swap3A_240 : vector<1x16xf32> to vector<16xf32>
          %swap3A_242 = vector.shape_cast %mul3A_237 : vector<16xf32> to vector<1x16xf32>
          tpu.vector_store %arg18[%swap3A_238, %swap3A_239], %swap3A_242 {strides = array<i32>} : memref<64x128xf32, #tpu.memory_space<vmem>>, vector<1x16xf32>,
          %swap3A_243 = arith.index_cast %scan3A_162 : i32 to index
          %swap3A_244 = arith.constant 96 : index
          %swap3A_245 = tpu.vector_load %arg18[%swap3A_243, %swap3A_244] {strides = array<i32>} : memref<64x128xf32, #tpu.memory_space<vmem>>, vector<1x16xf32>,
          %swap3A_246 = vector.shape_cast %swap3A_245 : vector<1x16xf32> to vector<16xf32>
          %swap3A_247 = vector.shape_cast %exp3A_232 : vector<16xf32> to vector<1x16xf32>
          tpu.vector_store %arg18[%swap3A_243, %swap3A_244], %swap3A_247 {strides = array<i32>} : memref<64x128xf32, #tpu.memory_space<vmem>>, vector<1x16xf32>,
          %get3A_248 = arith.index_cast %scan3A_162 : i32 to index
          %get3A_249 = arith.constant 112 : index
          %get3A_250 = tpu.vector_load %arg14[%get3A_248, %get3A_249] {strides = array<i32>} : memref<64x128xf32, #tpu.memory_space<vmem>>, vector<1x16xf32>,
          %get3A_251 = vector.shape_cast %get3A_250 : vector<1x16xf32> to vector<16xf32>
          %get3A_252 = arith.index_cast %scan3A_162 : i32 to index
          %get3A_253 = arith.constant 48 : index
          %get3A_254 = tpu.vector_load %arg16[%get3A_252, %get3A_253] {strides = array<i32>} : memref<64x128xf32, #tpu.memory_space<vmem>>, vector<1x16xf32>,
          %get3A_255 = vector.shape_cast %get3A_254 : vector<1x16xf32> to vector<16xf32>
          %add3A_256 = arith.addf %get3A_251, %get3A_255 : vector<16xf32>
          %mul3A_257 = arith.constant 2.000000e-01 : f32
          %mul3A_258 = vector.broadcast %mul3A_257 : f32 to vector<16xf32>
          %mul3A_259 = arith.mulf %mul3A_258, %add3A_256 : vector<16xf32>
          %max3A_260 = arith.maximumf %add3A_256, %mul3A_259 : vector<16xf32>
          %exp3A_261 = math.exp %max3A_260 : vector<16xf32>
          %get3A_262 = arith.index_cast %scan3A_162 : i32 to index
          %get3A_263 = arith.constant 48 : index
          %get3A_264 = tpu.vector_load %arg14[%get3A_262, %get3A_263] {strides = array<i32>} : memref<64x128xf32, #tpu.memory_space<vmem>>, vector<1x16xf32>,
          %get3A_265 = vector.shape_cast %get3A_264 : vector<1x16xf32> to vector<16xf32>
          %mul3A_266 = arith.mulf %get3A_265, %exp3A_261 : vector<16xf32>
          %swap3A_267 = arith.index_cast %scan3A_162 : i32 to index
          %swap3A_268 = arith.constant 48 : index
          %swap3A_269 = tpu.vector_load %arg18[%swap3A_267, %swap3A_268] {strides = array<i32>} : memref<64x128xf32, #tpu.memory_space<vmem>>, vector<1x16xf32>,
          %swap3A_270 = vector.shape_cast %swap3A_269 : vector<1x16xf32> to vector<16xf32>
          %swap3A_271 = vector.shape_cast %mul3A_266 : vector<16xf32> to vector<1x16xf32>
          tpu.vector_store %arg18[%swap3A_267, %swap3A_268], %swap3A_271 {strides = array<i32>} : memref<64x128xf32, #tpu.memory_space<vmem>>, vector<1x16xf32>,
          %swap3A_272 = arith.index_cast %scan3A_162 : i32 to index
          %swap3A_273 = arith.constant 112 : index
          %swap3A_274 = tpu.vector_load %arg18[%swap3A_272, %swap3A_273] {strides = array<i32>} : memref<64x128xf32, #tpu.memory_space<vmem>>, vector<1x16xf32>,
          %swap3A_275 = vector.shape_cast %swap3A_274 : vector<1x16xf32> to vector<16xf32>
          %swap3A_276 = vector.shape_cast %exp3A_261 : vector<16xf32> to vector<1x16xf32>
          tpu.vector_store %arg18[%swap3A_272, %swap3A_273], %swap3A_276 {strides = array<i32>} : memref<64x128xf32, #tpu.memory_space<vmem>>, vector<1x16xf32>,
        }
        %scan3A_116 = arith.constant 64 : i32
        %get3A = arith.constant 0 : index
        %get3A_117 = tpu.vector_load %arg10[%get3A] {strides = array<i32>} : memref<64xi32, #tpu.memory_space<vmem>>, vector<16xi32>,
        %get3A_118 = vector.shape_cast %get3A_117 : vector<16xi32> to vector<16xi32>
        %swap3A = arith.constant 0 : index
        %swap3A_119 = tpu.vector_load %arg12[%swap3A] {strides = array<i32>} : memref<64xi32, #tpu.memory_space<vmem>>, vector<16xi32>,
        %swap3A_120 = vector.shape_cast %swap3A_119 : vector<16xi32> to vector<16xi32>
        %swap3A_121 = vector.shape_cast %get3A_118 : vector<16xi32> to vector<16xi32>
        tpu.vector_store %arg12[%swap3A], %swap3A_121 {strides = array<i32>} : memref<64xi32, #tpu.memory_space<vmem>>, vector<16xi32>,
        %get3A_122 = arith.constant 16 : index
        %get3A_123 = tpu.vector_load %arg10[%get3A_122] {strides = array<i32>} : memref<64xi32, #tpu.memory_space<vmem>>, vector<16xi32>,
        %get3A_124 = vector.shape_cast %get3A_123 : vector<16xi32> to vector<16xi32>
        %swap3A_125 = arith.constant 16 : index
        %swap3A_126 = tpu.vector_load %arg12[%swap3A_125] {strides = array<i32>} : memref<64xi32, #tpu.memory_space<vmem>>, vector<16xi32>,
        %swap3A_127 = vector.shape_cast %swap3A_126 : vector<16xi32> to vector<16xi32>
        %swap3A_128 = vector.shape_cast %get3A_124 : vector<16xi32> to vector<16xi32>
        tpu.vector_store %arg12[%swap3A_125], %swap3A_128 {strides = array<i32>} : memref<64xi32, #tpu.memory_space<vmem>>, vector<16xi32>,
        %get3A_129 = arith.constant 32 : index
        %get3A_130 = tpu.vector_load %arg10[%get3A_129] {strides = array<i32>} : memref<64xi32, #tpu.memory_space<vmem>>, vector<16xi32>,
        %get3A_131 = vector.shape_cast %get3A_130 : vector<16xi32> to vector<16xi32>
        %swap3A_132 = arith.constant 32 : index
        %swap3A_133 = tpu.vector_load %arg12[%swap3A_132] {strides = array<i32>} : memref<64xi32, #tpu.memory_space<vmem>>, vector<16xi32>,
        %swap3A_134 = vector.shape_cast %swap3A_133 : vector<16xi32> to vector<16xi32>
        %swap3A_135 = vector.shape_cast %get3A_131 : vector<16xi32> to vector<16xi32>
        tpu.vector_store %arg12[%swap3A_132], %swap3A_135 {strides = array<i32>} : memref<64xi32, #tpu.memory_space<vmem>>, vector<16xi32>,
        %get3A_136 = arith.constant 48 : index
        %get3A_137 = tpu.vector_load %arg10[%get3A_136] {strides = array<i32>} : memref<64xi32, #tpu.memory_space<vmem>>, vector<16xi32>,
        %get3A_138 = vector.shape_cast %get3A_137 : vector<16xi32> to vector<16xi32>
        %swap3A_139 = arith.constant 48 : index
        %swap3A_140 = tpu.vector_load %arg12[%swap3A_139] {strides = array<i32>} : memref<64xi32, #tpu.memory_space<vmem>>, vector<16xi32>,
        %swap3A_141 = vector.shape_cast %swap3A_140 : vector<16xi32> to vector<16xi32>
        %swap3A_142 = vector.shape_cast %get3A_138 : vector<16xi32> to vector<16xi32>
        tpu.vector_store %arg12[%swap3A_139], %swap3A_142 {strides = array<i32>} : memref<64xi32, #tpu.memory_space<vmem>>, vector<16xi32>,
        %mul3A_143 = arith.constant 32 : i32
        %mul3A_144 = arith.muli %mul3A_143, %add3A_87 : i32
        %add3A_145 = arith.addi %add3A, %mul3A_144 : i32
        %lt3A_146 = arith.constant 5000 : i32
        %lt3A_147 = arith.cmpi slt, %add3A_145, %lt3A_146 : i32
        %convert_element_type3A_148 = arith.extui %lt3A_147 : i1 to i32
        %cond3A_149 = arith.constant 0 : i32
        %cond3A_150 = arith.cmpi ne, %convert_element_type3A_148, %cond3A_149 : i32
        scf.if %cond3A_150 {
          %dma_start3A_162 = arith.constant 0 : i32
          %dma_start3A_163 = arith.constant 0 : i32
          %dma_start3A_164 = tpu.memref_slice %arg25[%dma_start3A_162, %dma_start3A_163] : memref<10000x128xf32, #tpu.memory_space<vmem_shared>> -> memref<10000x128xf32, #tpu.memory_space<vmem_shared>>
          tpu.enqueue_indirect_dma source(%arg18 : memref<64x128xf32, #tpu.memory_space<vmem>>) target(%dma_start3A_164 : memref<10000x128xf32, #tpu.memory_space<vmem_shared>>) offsets(%arg12 : memref<64xi32, #tpu.memory_space<vmem>>) semaphore(%arg24 : memref<!tpu.dma_semaphore, #tpu.memory_space<semaphore_mem>>) {add = true}
        } else {
        }
        %lt3A_151 = arith.constant 156 : i32
        %lt3A_152 = arith.cmpi slt, %add3A_87, %lt3A_151 : i32
        %convert_element_type3A_153 = arith.extui %lt3A_152 : i1 to i32
        %cond3A_154 = arith.constant 0 : i32
        %cond3A_155 = arith.cmpi ne, %convert_element_type3A_153, %cond3A_154 : i32
        scf.if %cond3A_155 {
          %add3A_162 = arith.constant 2 : i32
          %add3A_163 = arith.addi %add3A_87, %add3A_162 : i32
          %mul3A_164 = arith.constant 32 : i32
          %mul3A_165 = arith.muli %mul3A_164, %add3A_163 : i32
          %add3A_166 = arith.addi %add3A, %mul3A_165 : i32
          %min3A_167 = arith.constant 4999 : i32
          %min3A_168 = arith.minsi %add3A_166, %min3A_167 : i32
          %mul3A_169 = arith.constant 64 : i32
          %mul3A_170 = arith.muli %min3A_168, %mul3A_169 : i32
          %dma_start3A_171 = tpu.memref_slice %arg2[%mul3A_170] : memref<320000xi32, #tpu.memory_space<hbm>> -> memref<64xi32, #tpu.memory_space<hbm>>
          %dma_start3A_172 = tpu.memref_slice %arg2[%mul3A_170] : memref<320000xi32, #tpu.memory_space<hbm>> -> memref<64xi32, #tpu.memory_space<hbm>>
          tpu.enqueue_dma source(%dma_start3A_172 : memref<64xi32, #tpu.memory_space<hbm>>) target(%arg8 : memref<64xi32, #tpu.memory_space<vmem>>) target_semaphore(%arg20 : memref<!tpu.dma_semaphore, #tpu.memory_space<semaphore_mem>>)
          %dma_start3A_173 = tpu.memref_slice %arg3[%mul3A_170] : memref<320000xi32, #tpu.memory_space<hbm>> -> memref<64xi32, #tpu.memory_space<hbm>>
          %dma_start3A_174 = tpu.memref_slice %arg3[%mul3A_170] : memref<320000xi32, #tpu.memory_space<hbm>> -> memref<64xi32, #tpu.memory_space<hbm>>
          tpu.enqueue_dma source(%dma_start3A_174 : memref<64xi32, #tpu.memory_space<hbm>>) target(%arg10 : memref<64xi32, #tpu.memory_space<vmem>>) target_semaphore(%arg20 : memref<!tpu.dma_semaphore, #tpu.memory_space<semaphore_mem>>)
        } else {
        }
        %dma_wait3A_156 = arith.constant 0 : i32
        %dma_wait3A_157 = arith.constant 0 : i32
        %dma_wait3A_158 = tpu.memref_slice %arg4[%dma_wait3A_156, %dma_wait3A_157] : memref<10000x128xf32, #tpu.memory_space<hbm>> -> memref<10000x128xf32, #tpu.memory_space<hbm>>
        tpu.wait_indirect_dma semaphore(%arg21 : memref<!tpu.dma_semaphore, #tpu.memory_space<semaphore_mem>>) src(%dma_wait3A_158 : memref<10000x128xf32, #tpu.memory_space<hbm>>) dst(%arg13 : memref<64x128xf32, #tpu.memory_space<vmem>>)
        %dma_wait3A_159 = arith.constant 0 : i32
        %dma_wait3A_160 = arith.constant 0 : i32
        %dma_wait3A_161 = tpu.memref_slice %arg5[%dma_wait3A_159, %dma_wait3A_160] : memref<10000x128xf32, #tpu.memory_space<hbm>> -> memref<10000x128xf32, #tpu.memory_space<hbm>>
        tpu.wait_indirect_dma semaphore(%arg21 : memref<!tpu.dma_semaphore, #tpu.memory_space<semaphore_mem>>) src(%dma_wait3A_161 : memref<10000x128xf32, #tpu.memory_space<hbm>>) dst(%arg15 : memref<64x128xf32, #tpu.memory_space<vmem>>)
      } else {
      }
    }
    %scan3A_54 = arith.constant 79 : i32
    %dma_wait3A_55 = arith.constant 0 : i32
    %dma_wait3A_56 = arith.constant 0 : i32
    %dma_wait3A_57 = tpu.memref_slice %arg25[%dma_wait3A_55, %dma_wait3A_56] : memref<10000x128xf32, #tpu.memory_space<vmem_shared>> -> memref<10000x128xf32, #tpu.memory_space<vmem_shared>>
    tpu.wait_indirect_dma semaphore(%arg24 : memref<!tpu.dma_semaphore, #tpu.memory_space<semaphore_mem>>) src(%arg18 : memref<64x128xf32, #tpu.memory_space<vmem>>) dst(%dma_wait3A_57 : memref<10000x128xf32, #tpu.memory_space<vmem_shared>>)
    %add3A_58 = arith.constant 4992 : i32
    %add3A_59 = arith.addi %add3A, %add3A_58 : i32
    %lt3A_60 = arith.constant 5000 : i32
    %lt3A_61 = arith.cmpi slt, %add3A_59, %lt3A_60 : i32
    %convert_element_type3A_62 = arith.extui %lt3A_61 : i1 to i32
    %cond3A_63 = arith.constant 0 : i32
    %cond3A_64 = arith.cmpi ne, %convert_element_type3A_62, %cond3A_63 : i32
    scf.if %cond3A_64 {
      %dma_wait3A_76 = arith.constant 0 : i32
      %dma_wait3A_77 = arith.constant 0 : i32
      %dma_wait3A_78 = tpu.memref_slice %arg25[%dma_wait3A_76, %dma_wait3A_77] : memref<10000x128xf32, #tpu.memory_space<vmem_shared>> -> memref<10000x128xf32, #tpu.memory_space<vmem_shared>>
      tpu.wait_indirect_dma semaphore(%arg23 : memref<!tpu.dma_semaphore, #tpu.memory_space<semaphore_mem>>) src(%arg17 : memref<64x128xf32, #tpu.memory_space<vmem>>) dst(%dma_wait3A_78 : memref<10000x128xf32, #tpu.memory_space<vmem_shared>>)
    } else {
    }
    %barrier3A_65 = arith.constant 0 : index
    tpu.barrier barrier_id(%barrier3A_65)
    %lt3A_66 = arith.constant 15 : i32
    %lt3A_67 = arith.cmpi slt, %arg1, %lt3A_66 : i32
    %convert_element_type3A_68 = arith.extui %lt3A_67 : i1 to i32
    %cond3A_69 = arith.constant 0 : i32
    %cond3A_70 = arith.cmpi ne, %convert_element_type3A_68, %cond3A_69 : i32
    scf.if %cond3A_70 {
      %mul3A_76 = arith.constant 624 : i32
      %mul3A_77 = arith.muli %arg1, %mul3A_76 : i32
      %mul3A_78 = arith.constant 624 : i32
      %mul3A_79 = arith.muli %arg1, %mul3A_78 : i32
      %mul3A_80 = arith.constant 10000 : i32
      %mul3A_81 = arith.muli %arg0, %mul3A_80 : i32
      %add3A_82 = arith.addi %mul3A_81, %mul3A_79 : i32
      "tpu.region"() ({
        %run_scoped3A = tpu.sem_alloc : memref<!tpu.dma_semaphore, #tpu.memory_space<semaphore_mem>>
        %dma_start3A_83 = arith.constant 0 : i32
        %dma_start3A_84 = tpu.memref_slice %arg6[%add3A_82, %dma_start3A_83] : memref<20000x128xf32, #tpu.memory_space<hbm>> -> memref<624x128xf32, #tpu.memory_space<hbm>>
        %dma_start3A_85 = arith.constant 0 : i32
        %dma_start3A_86 = tpu.memref_slice %arg25[%mul3A_77, %dma_start3A_85] : memref<10000x128xf32, #tpu.memory_space<vmem_shared>> -> memref<624x128xf32, #tpu.memory_space<vmem_shared>>
        tpu.enqueue_dma source(%dma_start3A_86 : memref<624x128xf32, #tpu.memory_space<vmem_shared>>) target(%dma_start3A_84 : memref<624x128xf32, #tpu.memory_space<hbm>>) target_semaphore(%run_scoped3A : memref<!tpu.dma_semaphore, #tpu.memory_space<semaphore_mem>>)
        %dma_wait3A_87 = arith.constant 0 : i32
        %dma_wait3A_88 = tpu.memref_slice %arg6[%add3A_82, %dma_wait3A_87] : memref<20000x128xf32, #tpu.memory_space<hbm>> -> memref<624x128xf32, #tpu.memory_space<hbm>>
        %dma_wait3A_89 = arith.constant 0 : i32
        %dma_wait3A_90 = tpu.memref_slice %arg25[%mul3A_77, %dma_wait3A_89] : memref<10000x128xf32, #tpu.memory_space<vmem_shared>> -> memref<624x128xf32, #tpu.memory_space<vmem_shared>>
        tpu.wait_dma2 semaphore(%run_scoped3A : memref<!tpu.dma_semaphore, #tpu.memory_space<semaphore_mem>>) src(%dma_wait3A_90 : memref<624x128xf32, #tpu.memory_space<vmem_shared>>) dst(%dma_wait3A_88 : memref<624x128xf32, #tpu.memory_space<hbm>>)
        tpu.yield
      }) : () -> ()
    } else {
    }
    %eq3A_71 = arith.constant 15 : i32
    %eq3A_72 = arith.cmpi eq, %arg1, %eq3A_71 : i32
    %convert_element_type3A_73 = arith.extui %eq3A_72 : i1 to i32
    %cond3A_74 = arith.constant 0 : i32
    %cond3A_75 = arith.cmpi ne, %convert_element_type3A_73, %cond3A_74 : i32
    scf.if %cond3A_75 {
      %mul3A_76 = arith.constant 10000 : i32
      %mul3A_77 = arith.muli %arg0, %mul3A_76 : i32
      %add3A_78 = arith.constant 9360 : i32
      %add3A_79 = arith.addi %mul3A_77, %add3A_78 : i32
      "tpu.region"() ({
        %run_scoped3A = tpu.sem_alloc : memref<!tpu.dma_semaphore, #tpu.memory_space<semaphore_mem>>
        %dma_start3A_80 = arith.constant 0 : i32
        %dma_start3A_81 = tpu.memref_slice %arg6[%add3A_79, %dma_start3A_80] : memref<20000x128xf32, #tpu.memory_space<hbm>> -> memref<640x128xf32, #tpu.memory_space<hbm>>
        %dma_start3A_82 = arith.constant 9360 : i32
        %dma_start3A_83 = arith.constant 0 : i32
        %dma_start3A_84 = tpu.memref_slice %arg25[%dma_start3A_82, %dma_start3A_83] : memref<10000x128xf32, #tpu.memory_space<vmem_shared>> -> memref<640x128xf32, #tpu.memory_space<vmem_shared>>
        tpu.enqueue_dma source(%dma_start3A_84 : memref<640x128xf32, #tpu.memory_space<vmem_shared>>) target(%dma_start3A_81 : memref<640x128xf32, #tpu.memory_space<hbm>>) target_semaphore(%run_scoped3A : memref<!tpu.dma_semaphore, #tpu.memory_space<semaphore_mem>>)
        %dma_wait3A_85 = arith.constant 0 : i32
        %dma_wait3A_86 = tpu.memref_slice %arg6[%add3A_79, %dma_wait3A_85] : memref<20000x128xf32, #tpu.memory_space<hbm>> -> memref<640x128xf32, #tpu.memory_space<hbm>>
        %dma_wait3A_87 = arith.constant 9360 : i32
        %dma_wait3A_88 = arith.constant 0 : i32
        %dma_wait3A_89 = tpu.memref_slice %arg25[%dma_wait3A_87, %dma_wait3A_88] : memref<10000x128xf32, #tpu.memory_space<vmem_shared>> -> memref<640x128xf32, #tpu.memory_space<vmem_shared>>
        tpu.wait_dma2 semaphore(%run_scoped3A : memref<!tpu.dma_semaphore, #tpu.memory_space<semaphore_mem>>) src(%dma_wait3A_89 : memref<640x128xf32, #tpu.memory_space<vmem_shared>>) dst(%dma_wait3A_86 : memref<640x128xf32, #tpu.memory_space<hbm>>)
        tpu.yield
      }) : () -> ()
    } else {
    }
    return
  }
}

#map = affine_map<(d0, d1) -> (0)>
#map1 = affine_map<(d0, d1) -> (0, 0)>
module attributes {stable_mosaic.version = 14 : i64} {
  func.func @_sc_body_wide(%arg0: i32, %arg1: i32, %arg2: memref<320000xi32, #tpu.memory_space<hbm>>, %arg3: memref<320000xi32, #tpu.memory_space<hbm>>, %arg4: memref<10000x128xf32, #tpu.memory_space<hbm>>, %arg5: memref<10000x128xf32, #tpu.memory_space<hbm>>, %arg6: memref<20000x128xf32, #tpu.memory_space<hbm>>, %arg7: memref<64xi32, #tpu.memory_space<vmem>>, %arg8: memref<64xi32, #tpu.memory_space<vmem>>, %arg9: memref<64xi32, #tpu.memory_space<vmem>>, %arg10: memref<64xi32, #tpu.memory_space<vmem>>, %arg11: memref<64xi32, #tpu.memory_space<vmem>>, %arg12: memref<64xi32, #tpu.memory_space<vmem>>, %arg13: memref<64x128xf32, #tpu.memory_space<vmem>>, %arg14: memref<64x128xf32, #tpu.memory_space<vmem>>, %arg15: memref<64x128xf32, #tpu.memory_space<vmem>>, %arg16: memref<64x128xf32, #tpu.memory_space<vmem>>, %arg17: memref<64x128xf32, #tpu.memory_space<vmem>>, %arg18: memref<64x128xf32, #tpu.memory_space<vmem>>, %arg19: memref<!tpu.dma_semaphore, #tpu.memory_space<semaphore_mem>>, %arg20: memref<!tpu.dma_semaphore, #tpu.memory_space<semaphore_mem>>, %arg21: memref<!tpu.dma_semaphore, #tpu.memory_space<semaphore_mem>>, %arg22: memref<!tpu.dma_semaphore, #tpu.memory_space<semaphore_mem>>, %arg23: memref<!tpu.dma_semaphore, #tpu.memory_space<semaphore_mem>>, %arg24: memref<!tpu.dma_semaphore, #tpu.memory_space<semaphore_mem>>, %arg25: memref<10000x128xf32, #tpu.memory_space<vmem_shared>>) attributes {dimension_semantics = [#tpu.dimension_semantics<core_parallel>, #tpu.dimension_semantics<subcore_parallel>], iteration_bounds = array<i64: 2, 16>, scalar_prefetch = 0 : i64, scratch_operands = 19 : i64, tpu.core_type = #tpu.core_type<sc_vector_subcore>, window_params = [{transform_indices = #map}, {transform_indices = #map}, {transform_indices = #map1}, {transform_indices = #map1}, {transform_indices = #map1}]} {
    %mul3A = arith.constant 2 : i32
    %mul3A_0 = arith.muli %arg1, %mul3A : i32
    %add3A = arith.addi %mul3A_0, %arg0 : i32
    %scan3A = arith.constant 0 : i32
    %scan3A_1 = arith.constant 0 : i32
    %scan3A_2 = arith.constant 64 : i32
    %scan3A_3 = arith.addi %scan3A_1, %scan3A_2 : i32
    %scan3A_4 = arith.constant 1 : i32
    scf.for %scan3A_76 = %scan3A_1 to %scan3A_3 step %scan3A_4  : i32 {
      %broadcast_in_dim3A = arith.constant 0.000000e+00 : f32
      %broadcast_in_dim3A_77 = vector.broadcast %broadcast_in_dim3A : f32 to vector<16xf32>
      %swap3A = arith.index_cast %scan3A_76 : i32 to index
      %swap3A_78 = arith.constant 0 : index
      %swap3A_79 = tpu.vector_load %arg17[%swap3A, %swap3A_78] {strides = array<i32>} : memref<64x128xf32, #tpu.memory_space<vmem>>, vector<1x16xf32>,
      %swap3A_80 = vector.shape_cast %swap3A_79 : vector<1x16xf32> to vector<16xf32>
      %swap3A_81 = vector.shape_cast %broadcast_in_dim3A_77 : vector<16xf32> to vector<1x16xf32>
      tpu.vector_store %arg17[%swap3A, %swap3A_78], %swap3A_81 {strides = array<i32>} : memref<64x128xf32, #tpu.memory_space<vmem>>, vector<1x16xf32>,
      %broadcast_in_dim3A_82 = arith.constant 0.000000e+00 : f32
      %broadcast_in_dim3A_83 = vector.broadcast %broadcast_in_dim3A_82 : f32 to vector<16xf32>
      %swap3A_84 = arith.index_cast %scan3A_76 : i32 to index
      %swap3A_85 = arith.constant 16 : index
      %swap3A_86 = tpu.vector_load %arg17[%swap3A_84, %swap3A_85] {strides = array<i32>} : memref<64x128xf32, #tpu.memory_space<vmem>>, vector<1x16xf32>,
      %swap3A_87 = vector.shape_cast %swap3A_86 : vector<1x16xf32> to vector<16xf32>
      %swap3A_88 = vector.shape_cast %broadcast_in_dim3A_83 : vector<16xf32> to vector<1x16xf32>
      tpu.vector_store %arg17[%swap3A_84, %swap3A_85], %swap3A_88 {strides = array<i32>} : memref<64x128xf32, #tpu.memory_space<vmem>>, vector<1x16xf32>,
      %broadcast_in_dim3A_89 = arith.constant 0.000000e+00 : f32
      %broadcast_in_dim3A_90 = vector.broadcast %broadcast_in_dim3A_89 : f32 to vector<16xf32>
      %swap3A_91 = arith.index_cast %scan3A_76 : i32 to index
      %swap3A_92 = arith.constant 32 : index
      %swap3A_93 = tpu.vector_load %arg17[%swap3A_91, %swap3A_92] {strides = array<i32>} : memref<64x128xf32, #tpu.memory_space<vmem>>, vector<1x16xf32>,
      %swap3A_94 = vector.shape_cast %swap3A_93 : vector<1x16xf32> to vector<16xf32>
      %swap3A_95 = vector.shape_cast %broadcast_in_dim3A_90 : vector<16xf32> to vector<1x16xf32>
      tpu.vector_store %arg17[%swap3A_91, %swap3A_92], %swap3A_95 {strides = array<i32>} : memref<64x128xf32, #tpu.memory_space<vmem>>, vector<1x16xf32>,
      %broadcast_in_dim3A_96 = arith.constant 0.000000e+00 : f32
      %broadcast_in_dim3A_97 = vector.broadcast %broadcast_in_dim3A_96 : f32 to vector<16xf32>
      %swap3A_98 = arith.index_cast %scan3A_76 : i32 to index
      %swap3A_99 = arith.constant 48 : index
      %swap3A_100 = tpu.vector_load %arg17[%swap3A_98, %swap3A_99] {strides = array<i32>} : memref<64x128xf32, #tpu.memory_space<vmem>>, vector<1x16xf32>,
      %swap3A_101 = vector.shape_cast %swap3A_100 : vector<1x16xf32> to vector<16xf32>
      %swap3A_102 = vector.shape_cast %broadcast_in_dim3A_97 : vector<16xf32> to vector<1x16xf32>
      tpu.vector_store %arg17[%swap3A_98, %swap3A_99], %swap3A_102 {strides = array<i32>} : memref<64x128xf32, #tpu.memory_space<vmem>>, vector<1x16xf32>,
      %broadcast_in_dim3A_103 = arith.constant 0.000000e+00 : f32
      %broadcast_in_dim3A_104 = vector.broadcast %broadcast_in_dim3A_103 : f32 to vector<16xf32>
      %swap3A_105 = arith.index_cast %scan3A_76 : i32 to index
      %swap3A_106 = arith.constant 64 : index
      %swap3A_107 = tpu.vector_load %arg17[%swap3A_105, %swap3A_106] {strides = array<i32>} : memref<64x128xf32, #tpu.memory_space<vmem>>, vector<1x16xf32>,
      %swap3A_108 = vector.shape_cast %swap3A_107 : vector<1x16xf32> to vector<16xf32>
      %swap3A_109 = vector.shape_cast %broadcast_in_dim3A_104 : vector<16xf32> to vector<1x16xf32>
      tpu.vector_store %arg17[%swap3A_105, %swap3A_106], %swap3A_109 {strides = array<i32>} : memref<64x128xf32, #tpu.memory_space<vmem>>, vector<1x16xf32>,
      %broadcast_in_dim3A_110 = arith.constant 0.000000e+00 : f32
      %broadcast_in_dim3A_111 = vector.broadcast %broadcast_in_dim3A_110 : f32 to vector<16xf32>
      %swap3A_112 = arith.index_cast %scan3A_76 : i32 to index
      %swap3A_113 = arith.constant 80 : index
      %swap3A_114 = tpu.vector_load %arg17[%swap3A_112, %swap3A_113] {strides = array<i32>} : memref<64x128xf32, #tpu.memory_space<vmem>>, vector<1x16xf32>,
      %swap3A_115 = vector.shape_cast %swap3A_114 : vector<1x16xf32> to vector<16xf32>
      %swap3A_116 = vector.shape_cast %broadcast_in_dim3A_111 : vector<16xf32> to vector<1x16xf32>
      tpu.vector_store %arg17[%swap3A_112, %swap3A_113], %swap3A_116 {strides = array<i32>} : memref<64x128xf32, #tpu.memory_space<vmem>>, vector<1x16xf32>,
      %broadcast_in_dim3A_117 = arith.constant 0.000000e+00 : f32
      %broadcast_in_dim3A_118 = vector.broadcast %broadcast_in_dim3A_117 : f32 to vector<16xf32>
      %swap3A_119 = arith.index_cast %scan3A_76 : i32 to index
      %swap3A_120 = arith.constant 96 : index
      %swap3A_121 = tpu.vector_load %arg17[%swap3A_119, %swap3A_120] {strides = array<i32>} : memref<64x128xf32, #tpu.memory_space<vmem>>, vector<1x16xf32>,
      %swap3A_122 = vector.shape_cast %swap3A_121 : vector<1x16xf32> to vector<16xf32>
      %swap3A_123 = vector.shape_cast %broadcast_in_dim3A_118 : vector<16xf32> to vector<1x16xf32>
      tpu.vector_store %arg17[%swap3A_119, %swap3A_120], %swap3A_123 {strides = array<i32>} : memref<64x128xf32, #tpu.memory_space<vmem>>, vector<1x16xf32>,
      %broadcast_in_dim3A_124 = arith.constant 0.000000e+00 : f32
      %broadcast_in_dim3A_125 = vector.broadcast %broadcast_in_dim3A_124 : f32 to vector<16xf32>
      %swap3A_126 = arith.index_cast %scan3A_76 : i32 to index
      %swap3A_127 = arith.constant 112 : index
      %swap3A_128 = tpu.vector_load %arg17[%swap3A_126, %swap3A_127] {strides = array<i32>} : memref<64x128xf32, #tpu.memory_space<vmem>>, vector<1x16xf32>,
      %swap3A_129 = vector.shape_cast %swap3A_128 : vector<1x16xf32> to vector<16xf32>
      %swap3A_130 = vector.shape_cast %broadcast_in_dim3A_125 : vector<16xf32> to vector<1x16xf32>
      tpu.vector_store %arg17[%swap3A_126, %swap3A_127], %swap3A_130 {strides = array<i32>} : memref<64x128xf32, #tpu.memory_space<vmem>>, vector<1x16xf32>,
    }
    %scan3A_5 = arith.constant 64 : i32
    %lt3A = arith.constant 15 : i32
    %lt3A_6 = arith.cmpi slt, %arg1, %lt3A : i32
    %convert_element_type3A = arith.extui %lt3A_6 : i1 to i32
    %cond3A = arith.constant 0 : i32
    %cond3A_7 = arith.cmpi ne, %convert_element_type3A, %cond3A : i32
    scf.if %cond3A_7 {
      %mul3A_76 = arith.constant 624 : i32
      %mul3A_77 = arith.muli %arg1, %mul3A_76 : i32
      %add3A_78 = arith.constant 0 : i32
      %add3A_79 = arith.addi %mul3A_77, %add3A_78 : i32
      "tpu.region"() ({
        %run_scoped3A = tpu.sem_alloc : memref<!tpu.dma_semaphore, #tpu.memory_space<semaphore_mem>>
        %dma_start3A_117 = arith.constant 0 : i32
        %dma_start3A_118 = tpu.memref_slice %arg25[%add3A_79, %dma_start3A_117] : memref<10000x128xf32, #tpu.memory_space<vmem_shared>> -> memref<64x128xf32, #tpu.memory_space<vmem_shared>>
        %dma_start3A_119 = arith.constant 0 : i32
        %dma_start3A_120 = tpu.memref_slice %arg25[%add3A_79, %dma_start3A_119] : memref<10000x128xf32, #tpu.memory_space<vmem_shared>> -> memref<64x128xf32, #tpu.memory_space<vmem_shared>>
        tpu.enqueue_dma source(%arg17 : memref<64x128xf32, #tpu.memory_space<vmem>>) target(%dma_start3A_120 : memref<64x128xf32, #tpu.memory_space<vmem_shared>>) target_semaphore(%run_scoped3A : memref<!tpu.dma_semaphore, #tpu.memory_space<semaphore_mem>>)
        %dma_wait3A_121 = arith.constant 0 : i32
        %dma_wait3A_122 = tpu.memref_slice %arg25[%add3A_79, %dma_wait3A_121] : memref<10000x128xf32, #tpu.memory_space<vmem_shared>> -> memref<64x128xf32, #tpu.memory_space<vmem_shared>>
        %dma_wait3A_123 = arith.constant 0 : i32
        %dma_wait3A_124 = tpu.memref_slice %arg25[%add3A_79, %dma_wait3A_123] : memref<10000x128xf32, #tpu.memory_space<vmem_shared>> -> memref<64x128xf32, #tpu.memory_space<vmem_shared>>
        tpu.wait_dma2 semaphore(%run_scoped3A : memref<!tpu.dma_semaphore, #tpu.memory_space<semaphore_mem>>) src(%arg17 : memref<64x128xf32, #tpu.memory_space<vmem>>) dst(%dma_wait3A_124 : memref<64x128xf32, #tpu.memory_space<vmem_shared>>)
        tpu.yield
      }) : () -> ()
      %mul3A_80 = arith.constant 624 : i32
      %mul3A_81 = arith.muli %arg1, %mul3A_80 : i32
      %add3A_82 = arith.constant 64 : i32
      %add3A_83 = arith.addi %mul3A_81, %add3A_82 : i32
      "tpu.region"() ({
        %run_scoped3A = tpu.sem_alloc : memref<!tpu.dma_semaphore, #tpu.memory_space<semaphore_mem>>
        %dma_start3A_117 = arith.constant 0 : i32
        %dma_start3A_118 = tpu.memref_slice %arg25[%add3A_83, %dma_start3A_117] : memref<10000x128xf32, #tpu.memory_space<vmem_shared>> -> memref<64x128xf32, #tpu.memory_space<vmem_shared>>
        %dma_start3A_119 = arith.constant 0 : i32
        %dma_start3A_120 = tpu.memref_slice %arg25[%add3A_83, %dma_start3A_119] : memref<10000x128xf32, #tpu.memory_space<vmem_shared>> -> memref<64x128xf32, #tpu.memory_space<vmem_shared>>
        tpu.enqueue_dma source(%arg17 : memref<64x128xf32, #tpu.memory_space<vmem>>) target(%dma_start3A_120 : memref<64x128xf32, #tpu.memory_space<vmem_shared>>) target_semaphore(%run_scoped3A : memref<!tpu.dma_semaphore, #tpu.memory_space<semaphore_mem>>)
        %dma_wait3A_121 = arith.constant 0 : i32
        %dma_wait3A_122 = tpu.memref_slice %arg25[%add3A_83, %dma_wait3A_121] : memref<10000x128xf32, #tpu.memory_space<vmem_shared>> -> memref<64x128xf32, #tpu.memory_space<vmem_shared>>
        %dma_wait3A_123 = arith.constant 0 : i32
        %dma_wait3A_124 = tpu.memref_slice %arg25[%add3A_83, %dma_wait3A_123] : memref<10000x128xf32, #tpu.memory_space<vmem_shared>> -> memref<64x128xf32, #tpu.memory_space<vmem_shared>>
        tpu.wait_dma2 semaphore(%run_scoped3A : memref<!tpu.dma_semaphore, #tpu.memory_space<semaphore_mem>>) src(%arg17 : memref<64x128xf32, #tpu.memory_space<vmem>>) dst(%dma_wait3A_124 : memref<64x128xf32, #tpu.memory_space<vmem_shared>>)
        tpu.yield
      }) : () -> ()
      %mul3A_84 = arith.constant 624 : i32
      %mul3A_85 = arith.muli %arg1, %mul3A_84 : i32
      %add3A_86 = arith.constant 128 : i32
      %add3A_87 = arith.addi %mul3A_85, %add3A_86 : i32
      "tpu.region"() ({
        %run_scoped3A = tpu.sem_alloc : memref<!tpu.dma_semaphore, #tpu.memory_space<semaphore_mem>>
        %dma_start3A_117 = arith.constant 0 : i32
        %dma_start3A_118 = tpu.memref_slice %arg25[%add3A_87, %dma_start3A_117] : memref<10000x128xf32, #tpu.memory_space<vmem_shared>> -> memref<64x128xf32, #tpu.memory_space<vmem_shared>>
        %dma_start3A_119 = arith.constant 0 : i32
        %dma_start3A_120 = tpu.memref_slice %arg25[%add3A_87, %dma_start3A_119] : memref<10000x128xf32, #tpu.memory_space<vmem_shared>> -> memref<64x128xf32, #tpu.memory_space<vmem_shared>>
        tpu.enqueue_dma source(%arg17 : memref<64x128xf32, #tpu.memory_space<vmem>>) target(%dma_start3A_120 : memref<64x128xf32, #tpu.memory_space<vmem_shared>>) target_semaphore(%run_scoped3A : memref<!tpu.dma_semaphore, #tpu.memory_space<semaphore_mem>>)
        %dma_wait3A_121 = arith.constant 0 : i32
        %dma_wait3A_122 = tpu.memref_slice %arg25[%add3A_87, %dma_wait3A_121] : memref<10000x128xf32, #tpu.memory_space<vmem_shared>> -> memref<64x128xf32, #tpu.memory_space<vmem_shared>>
        %dma_wait3A_123 = arith.constant 0 : i32
        %dma_wait3A_124 = tpu.memref_slice %arg25[%add3A_87, %dma_wait3A_123] : memref<10000x128xf32, #tpu.memory_space<vmem_shared>> -> memref<64x128xf32, #tpu.memory_space<vmem_shared>>
        tpu.wait_dma2 semaphore(%run_scoped3A : memref<!tpu.dma_semaphore, #tpu.memory_space<semaphore_mem>>) src(%arg17 : memref<64x128xf32, #tpu.memory_space<vmem>>) dst(%dma_wait3A_124 : memref<64x128xf32, #tpu.memory_space<vmem_shared>>)
        tpu.yield
      }) : () -> ()
      %mul3A_88 = arith.constant 624 : i32
      %mul3A_89 = arith.muli %arg1, %mul3A_88 : i32
      %add3A_90 = arith.constant 192 : i32
      %add3A_91 = arith.addi %mul3A_89, %add3A_90 : i32
      "tpu.region"() ({
        %run_scoped3A = tpu.sem_alloc : memref<!tpu.dma_semaphore, #tpu.memory_space<semaphore_mem>>
        %dma_start3A_117 = arith.constant 0 : i32
        %dma_start3A_118 = tpu.memref_slice %arg25[%add3A_91, %dma_start3A_117] : memref<10000x128xf32, #tpu.memory_space<vmem_shared>> -> memref<64x128xf32, #tpu.memory_space<vmem_shared>>
        %dma_start3A_119 = arith.constant 0 : i32
        %dma_start3A_120 = tpu.memref_slice %arg25[%add3A_91, %dma_start3A_119] : memref<10000x128xf32, #tpu.memory_space<vmem_shared>> -> memref<64x128xf32, #tpu.memory_space<vmem_shared>>
        tpu.enqueue_dma source(%arg17 : memref<64x128xf32, #tpu.memory_space<vmem>>) target(%dma_start3A_120 : memref<64x128xf32, #tpu.memory_space<vmem_shared>>) target_semaphore(%run_scoped3A : memref<!tpu.dma_semaphore, #tpu.memory_space<semaphore_mem>>)
        %dma_wait3A_121 = arith.constant 0 : i32
        %dma_wait3A_122 = tpu.memref_slice %arg25[%add3A_91, %dma_wait3A_121] : memref<10000x128xf32, #tpu.memory_space<vmem_shared>> -> memref<64x128xf32, #tpu.memory_space<vmem_shared>>
        %dma_wait3A_123 = arith.constant 0 : i32
        %dma_wait3A_124 = tpu.memref_slice %arg25[%add3A_91, %dma_wait3A_123] : memref<10000x128xf32, #tpu.memory_space<vmem_shared>> -> memref<64x128xf32, #tpu.memory_space<vmem_shared>>
        tpu.wait_dma2 semaphore(%run_scoped3A : memref<!tpu.dma_semaphore, #tpu.memory_space<semaphore_mem>>) src(%arg17 : memref<64x128xf32, #tpu.memory_space<vmem>>) dst(%dma_wait3A_124 : memref<64x128xf32, #tpu.memory_space<vmem_shared>>)
        tpu.yield
      }) : () -> ()
      %mul3A_92 = arith.constant 624 : i32
      %mul3A_93 = arith.muli %arg1, %mul3A_92 : i32
      %add3A_94 = arith.constant 256 : i32
      %add3A_95 = arith.addi %mul3A_93, %add3A_94 : i32
      "tpu.region"() ({
        %run_scoped3A = tpu.sem_alloc : memref<!tpu.dma_semaphore, #tpu.memory_space<semaphore_mem>>
        %dma_start3A_117 = arith.constant 0 : i32
        %dma_start3A_118 = tpu.memref_slice %arg25[%add3A_95, %dma_start3A_117] : memref<10000x128xf32, #tpu.memory_space<vmem_shared>> -> memref<64x128xf32, #tpu.memory_space<vmem_shared>>
        %dma_start3A_119 = arith.constant 0 : i32
        %dma_start3A_120 = tpu.memref_slice %arg25[%add3A_95, %dma_start3A_119] : memref<10000x128xf32, #tpu.memory_space<vmem_shared>> -> memref<64x128xf32, #tpu.memory_space<vmem_shared>>
        tpu.enqueue_dma source(%arg17 : memref<64x128xf32, #tpu.memory_space<vmem>>) target(%dma_start3A_120 : memref<64x128xf32, #tpu.memory_space<vmem_shared>>) target_semaphore(%run_scoped3A : memref<!tpu.dma_semaphore, #tpu.memory_space<semaphore_mem>>)
        %dma_wait3A_121 = arith.constant 0 : i32
        %dma_wait3A_122 = tpu.memref_slice %arg25[%add3A_95, %dma_wait3A_121] : memref<10000x128xf32, #tpu.memory_space<vmem_shared>> -> memref<64x128xf32, #tpu.memory_space<vmem_shared>>
        %dma_wait3A_123 = arith.constant 0 : i32
        %dma_wait3A_124 = tpu.memref_slice %arg25[%add3A_95, %dma_wait3A_123] : memref<10000x128xf32, #tpu.memory_space<vmem_shared>> -> memref<64x128xf32, #tpu.memory_space<vmem_shared>>
        tpu.wait_dma2 semaphore(%run_scoped3A : memref<!tpu.dma_semaphore, #tpu.memory_space<semaphore_mem>>) src(%arg17 : memref<64x128xf32, #tpu.memory_space<vmem>>) dst(%dma_wait3A_124 : memref<64x128xf32, #tpu.memory_space<vmem_shared>>)
        tpu.yield
      }) : () -> ()
      %mul3A_96 = arith.constant 624 : i32
      %mul3A_97 = arith.muli %arg1, %mul3A_96 : i32
      %add3A_98 = arith.constant 320 : i32
      %add3A_99 = arith.addi %mul3A_97, %add3A_98 : i32
      "tpu.region"() ({
        %run_scoped3A = tpu.sem_alloc : memref<!tpu.dma_semaphore, #tpu.memory_space<semaphore_mem>>
        %dma_start3A_117 = arith.constant 0 : i32
        %dma_start3A_118 = tpu.memref_slice %arg25[%add3A_99, %dma_start3A_117] : memref<10000x128xf32, #tpu.memory_space<vmem_shared>> -> memref<64x128xf32, #tpu.memory_space<vmem_shared>>
        %dma_start3A_119 = arith.constant 0 : i32
        %dma_start3A_120 = tpu.memref_slice %arg25[%add3A_99, %dma_start3A_119] : memref<10000x128xf32, #tpu.memory_space<vmem_shared>> -> memref<64x128xf32, #tpu.memory_space<vmem_shared>>
        tpu.enqueue_dma source(%arg17 : memref<64x128xf32, #tpu.memory_space<vmem>>) target(%dma_start3A_120 : memref<64x128xf32, #tpu.memory_space<vmem_shared>>) target_semaphore(%run_scoped3A : memref<!tpu.dma_semaphore, #tpu.memory_space<semaphore_mem>>)
        %dma_wait3A_121 = arith.constant 0 : i32
        %dma_wait3A_122 = tpu.memref_slice %arg25[%add3A_99, %dma_wait3A_121] : memref<10000x128xf32, #tpu.memory_space<vmem_shared>> -> memref<64x128xf32, #tpu.memory_space<vmem_shared>>
        %dma_wait3A_123 = arith.constant 0 : i32
        %dma_wait3A_124 = tpu.memref_slice %arg25[%add3A_99, %dma_wait3A_123] : memref<10000x128xf32, #tpu.memory_space<vmem_shared>> -> memref<64x128xf32, #tpu.memory_space<vmem_shared>>
        tpu.wait_dma2 semaphore(%run_scoped3A : memref<!tpu.dma_semaphore, #tpu.memory_space<semaphore_mem>>) src(%arg17 : memref<64x128xf32, #tpu.memory_space<vmem>>) dst(%dma_wait3A_124 : memref<64x128xf32, #tpu.memory_space<vmem_shared>>)
        tpu.yield
      }) : () -> ()
      %mul3A_100 = arith.constant 624 : i32
      %mul3A_101 = arith.muli %arg1, %mul3A_100 : i32
      %add3A_102 = arith.constant 384 : i32
      %add3A_103 = arith.addi %mul3A_101, %add3A_102 : i32
      "tpu.region"() ({
        %run_scoped3A = tpu.sem_alloc : memref<!tpu.dma_semaphore, #tpu.memory_space<semaphore_mem>>
        %dma_start3A_117 = arith.constant 0 : i32
        %dma_start3A_118 = tpu.memref_slice %arg25[%add3A_103, %dma_start3A_117] : memref<10000x128xf32, #tpu.memory_space<vmem_shared>> -> memref<64x128xf32, #tpu.memory_space<vmem_shared>>
        %dma_start3A_119 = arith.constant 0 : i32
        %dma_start3A_120 = tpu.memref_slice %arg25[%add3A_103, %dma_start3A_119] : memref<10000x128xf32, #tpu.memory_space<vmem_shared>> -> memref<64x128xf32, #tpu.memory_space<vmem_shared>>
        tpu.enqueue_dma source(%arg17 : memref<64x128xf32, #tpu.memory_space<vmem>>) target(%dma_start3A_120 : memref<64x128xf32, #tpu.memory_space<vmem_shared>>) target_semaphore(%run_scoped3A : memref<!tpu.dma_semaphore, #tpu.memory_space<semaphore_mem>>)
        %dma_wait3A_121 = arith.constant 0 : i32
        %dma_wait3A_122 = tpu.memref_slice %arg25[%add3A_103, %dma_wait3A_121] : memref<10000x128xf32, #tpu.memory_space<vmem_shared>> -> memref<64x128xf32, #tpu.memory_space<vmem_shared>>
        %dma_wait3A_123 = arith.constant 0 : i32
        %dma_wait3A_124 = tpu.memref_slice %arg25[%add3A_103, %dma_wait3A_123] : memref<10000x128xf32, #tpu.memory_space<vmem_shared>> -> memref<64x128xf32, #tpu.memory_space<vmem_shared>>
        tpu.wait_dma2 semaphore(%run_scoped3A : memref<!tpu.dma_semaphore, #tpu.memory_space<semaphore_mem>>) src(%arg17 : memref<64x128xf32, #tpu.memory_space<vmem>>) dst(%dma_wait3A_124 : memref<64x128xf32, #tpu.memory_space<vmem_shared>>)
        tpu.yield
      }) : () -> ()
      %mul3A_104 = arith.constant 624 : i32
      %mul3A_105 = arith.muli %arg1, %mul3A_104 : i32
      %add3A_106 = arith.constant 448 : i32
      %add3A_107 = arith.addi %mul3A_105, %add3A_106 : i32
      "tpu.region"() ({
        %run_scoped3A = tpu.sem_alloc : memref<!tpu.dma_semaphore, #tpu.memory_space<semaphore_mem>>
        %dma_start3A_117 = arith.constant 0 : i32
        %dma_start3A_118 = tpu.memref_slice %arg25[%add3A_107, %dma_start3A_117] : memref<10000x128xf32, #tpu.memory_space<vmem_shared>> -> memref<64x128xf32, #tpu.memory_space<vmem_shared>>
        %dma_start3A_119 = arith.constant 0 : i32
        %dma_start3A_120 = tpu.memref_slice %arg25[%add3A_107, %dma_start3A_119] : memref<10000x128xf32, #tpu.memory_space<vmem_shared>> -> memref<64x128xf32, #tpu.memory_space<vmem_shared>>
        tpu.enqueue_dma source(%arg17 : memref<64x128xf32, #tpu.memory_space<vmem>>) target(%dma_start3A_120 : memref<64x128xf32, #tpu.memory_space<vmem_shared>>) target_semaphore(%run_scoped3A : memref<!tpu.dma_semaphore, #tpu.memory_space<semaphore_mem>>)
        %dma_wait3A_121 = arith.constant 0 : i32
        %dma_wait3A_122 = tpu.memref_slice %arg25[%add3A_107, %dma_wait3A_121] : memref<10000x128xf32, #tpu.memory_space<vmem_shared>> -> memref<64x128xf32, #tpu.memory_space<vmem_shared>>
        %dma_wait3A_123 = arith.constant 0 : i32
        %dma_wait3A_124 = tpu.memref_slice %arg25[%add3A_107, %dma_wait3A_123] : memref<10000x128xf32, #tpu.memory_space<vmem_shared>> -> memref<64x128xf32, #tpu.memory_space<vmem_shared>>
        tpu.wait_dma2 semaphore(%run_scoped3A : memref<!tpu.dma_semaphore, #tpu.memory_space<semaphore_mem>>) src(%arg17 : memref<64x128xf32, #tpu.memory_space<vmem>>) dst(%dma_wait3A_124 : memref<64x128xf32, #tpu.memory_space<vmem_shared>>)
        tpu.yield
      }) : () -> ()
      %mul3A_108 = arith.constant 624 : i32
      %mul3A_109 = arith.muli %arg1, %mul3A_108 : i32
      %add3A_110 = arith.constant 512 : i32
      %add3A_111 = arith.addi %mul3A_109, %add3A_110 : i32
      "tpu.region"() ({
        %run_scoped3A = tpu.sem_alloc : memref<!tpu.dma_semaphore, #tpu.memory_space<semaphore_mem>>
        %dma_start3A_117 = arith.constant 0 : i32
        %dma_start3A_118 = tpu.memref_slice %arg25[%add3A_111, %dma_start3A_117] : memref<10000x128xf32, #tpu.memory_space<vmem_shared>> -> memref<64x128xf32, #tpu.memory_space<vmem_shared>>
        %dma_start3A_119 = arith.constant 0 : i32
        %dma_start3A_120 = tpu.memref_slice %arg25[%add3A_111, %dma_start3A_119] : memref<10000x128xf32, #tpu.memory_space<vmem_shared>> -> memref<64x128xf32, #tpu.memory_space<vmem_shared>>
        tpu.enqueue_dma source(%arg17 : memref<64x128xf32, #tpu.memory_space<vmem>>) target(%dma_start3A_120 : memref<64x128xf32, #tpu.memory_space<vmem_shared>>) target_semaphore(%run_scoped3A : memref<!tpu.dma_semaphore, #tpu.memory_space<semaphore_mem>>)
        %dma_wait3A_121 = arith.constant 0 : i32
        %dma_wait3A_122 = tpu.memref_slice %arg25[%add3A_111, %dma_wait3A_121] : memref<10000x128xf32, #tpu.memory_space<vmem_shared>> -> memref<64x128xf32, #tpu.memory_space<vmem_shared>>
        %dma_wait3A_123 = arith.constant 0 : i32
        %dma_wait3A_124 = tpu.memref_slice %arg25[%add3A_111, %dma_wait3A_123] : memref<10000x128xf32, #tpu.memory_space<vmem_shared>> -> memref<64x128xf32, #tpu.memory_space<vmem_shared>>
        tpu.wait_dma2 semaphore(%run_scoped3A : memref<!tpu.dma_semaphore, #tpu.memory_space<semaphore_mem>>) src(%arg17 : memref<64x128xf32, #tpu.memory_space<vmem>>) dst(%dma_wait3A_124 : memref<64x128xf32, #tpu.memory_space<vmem_shared>>)
        tpu.yield
      }) : () -> ()
      %mul3A_112 = arith.constant 624 : i32
      %mul3A_113 = arith.muli %arg1, %mul3A_112 : i32
      %add3A_114 = arith.constant 624 : i32
      %add3A_115 = arith.addi %mul3A_113, %add3A_114 : i32
      %sub3A = arith.constant 48 : i32
      %sub3A_116 = arith.subi %add3A_115, %sub3A : i32
      "tpu.region"() ({
        %run_scoped3A = tpu.sem_alloc : memref<!tpu.dma_semaphore, #tpu.memory_space<semaphore_mem>>
        %dma_start3A_117 = arith.constant 0 : i32
        %dma_start3A_118 = arith.constant 0 : i32
        %dma_start3A_119 = tpu.memref_slice %arg17[%dma_start3A_117, %dma_start3A_118] : memref<64x128xf32, #tpu.memory_space<vmem>> -> memref<48x128xf32, #tpu.memory_space<vmem>>
        %dma_start3A_120 = arith.constant 0 : i32
        %dma_start3A_121 = tpu.memref_slice %arg25[%sub3A_116, %dma_start3A_120] : memref<10000x128xf32, #tpu.memory_space<vmem_shared>> -> memref<48x128xf32, #tpu.memory_space<vmem_shared>>
        %dma_start3A_122 = arith.constant 0 : i32
        %dma_start3A_123 = tpu.memref_slice %arg25[%sub3A_116, %dma_start3A_122] : memref<10000x128xf32, #tpu.memory_space<vmem_shared>> -> memref<48x128xf32, #tpu.memory_space<vmem_shared>>
        %dma_start3A_124 = arith.constant 0 : i32
        %dma_start3A_125 = arith.constant 0 : i32
        %dma_start3A_126 = tpu.memref_slice %arg17[%dma_start3A_124, %dma_start3A_125] : memref<64x128xf32, #tpu.memory_space<vmem>> -> memref<48x128xf32, #tpu.memory_space<vmem>>
        tpu.enqueue_dma source(%dma_start3A_126 : memref<48x128xf32, #tpu.memory_space<vmem>>) target(%dma_start3A_123 : memref<48x128xf32, #tpu.memory_space<vmem_shared>>) target_semaphore(%run_scoped3A : memref<!tpu.dma_semaphore, #tpu.memory_space<semaphore_mem>>)
        %dma_wait3A_127 = arith.constant 0 : i32
        %dma_wait3A_128 = arith.constant 0 : i32
        %dma_wait3A_129 = tpu.memref_slice %arg17[%dma_wait3A_127, %dma_wait3A_128] : memref<64x128xf32, #tpu.memory_space<vmem>> -> memref<48x128xf32, #tpu.memory_space<vmem>>
        %dma_wait3A_130 = arith.constant 0 : i32
        %dma_wait3A_131 = tpu.memref_slice %arg25[%sub3A_116, %dma_wait3A_130] : memref<10000x128xf32, #tpu.memory_space<vmem_shared>> -> memref<48x128xf32, #tpu.memory_space<vmem_shared>>
        %dma_wait3A_132 = arith.constant 0 : i32
        %dma_wait3A_133 = tpu.memref_slice %arg25[%sub3A_116, %dma_wait3A_132] : memref<10000x128xf32, #tpu.memory_space<vmem_shared>> -> memref<48x128xf32, #tpu.memory_space<vmem_shared>>
        %dma_wait3A_134 = arith.constant 0 : i32
        %dma_wait3A_135 = arith.constant 0 : i32
        %dma_wait3A_136 = tpu.memref_slice %arg17[%dma_wait3A_134, %dma_wait3A_135] : memref<64x128xf32, #tpu.memory_space<vmem>> -> memref<48x128xf32, #tpu.memory_space<vmem>>
        tpu.wait_dma2 semaphore(%run_scoped3A : memref<!tpu.dma_semaphore, #tpu.memory_space<semaphore_mem>>) src(%dma_wait3A_136 : memref<48x128xf32, #tpu.memory_space<vmem>>) dst(%dma_wait3A_133 : memref<48x128xf32, #tpu.memory_space<vmem_shared>>)
        tpu.yield
      }) : () -> ()
    } else {
    }
    %eq3A = arith.constant 15 : i32
    %eq3A_8 = arith.cmpi eq, %arg1, %eq3A : i32
    %convert_element_type3A_9 = arith.extui %eq3A_8 : i1 to i32
    %cond3A_10 = arith.constant 0 : i32
    %cond3A_11 = arith.cmpi ne, %convert_element_type3A_9, %cond3A_10 : i32
    scf.if %cond3A_11 {
      "tpu.region"() ({
        %run_scoped3A = tpu.sem_alloc : memref<!tpu.dma_semaphore, #tpu.memory_space<semaphore_mem>>
        %dma_start3A_76 = arith.constant 9360 : i32
        %dma_start3A_77 = arith.constant 0 : i32
        %dma_start3A_78 = tpu.memref_slice %arg25[%dma_start3A_76, %dma_start3A_77] : memref<10000x128xf32, #tpu.memory_space<vmem_shared>> -> memref<64x128xf32, #tpu.memory_space<vmem_shared>>
        %dma_start3A_79 = arith.constant 9360 : i32
        %dma_start3A_80 = arith.constant 0 : i32
        %dma_start3A_81 = tpu.memref_slice %arg25[%dma_start3A_79, %dma_start3A_80] : memref<10000x128xf32, #tpu.memory_space<vmem_shared>> -> memref<64x128xf32, #tpu.memory_space<vmem_shared>>
        tpu.enqueue_dma source(%arg17 : memref<64x128xf32, #tpu.memory_space<vmem>>) target(%dma_start3A_81 : memref<64x128xf32, #tpu.memory_space<vmem_shared>>) target_semaphore(%run_scoped3A : memref<!tpu.dma_semaphore, #tpu.memory_space<semaphore_mem>>)
        %dma_wait3A_82 = arith.constant 9360 : i32
        %dma_wait3A_83 = arith.constant 0 : i32
        %dma_wait3A_84 = tpu.memref_slice %arg25[%dma_wait3A_82, %dma_wait3A_83] : memref<10000x128xf32, #tpu.memory_space<vmem_shared>> -> memref<64x128xf32, #tpu.memory_space<vmem_shared>>
        %dma_wait3A_85 = arith.constant 9360 : i32
        %dma_wait3A_86 = arith.constant 0 : i32
        %dma_wait3A_87 = tpu.memref_slice %arg25[%dma_wait3A_85, %dma_wait3A_86] : memref<10000x128xf32, #tpu.memory_space<vmem_shared>> -> memref<64x128xf32, #tpu.memory_space<vmem_shared>>
        tpu.wait_dma2 semaphore(%run_scoped3A : memref<!tpu.dma_semaphore, #tpu.memory_space<semaphore_mem>>) src(%arg17 : memref<64x128xf32, #tpu.memory_space<vmem>>) dst(%dma_wait3A_87 : memref<64x128xf32, #tpu.memory_space<vmem_shared>>)
        tpu.yield
      }) : () -> ()
      "tpu.region"() ({
        %run_scoped3A = tpu.sem_alloc : memref<!tpu.dma_semaphore, #tpu.memory_space<semaphore_mem>>
        %dma_start3A_76 = arith.constant 9424 : i32
        %dma_start3A_77 = arith.constant 0 : i32
        %dma_start3A_78 = tpu.memref_slice %arg25[%dma_start3A_76, %dma_start3A_77] : memref<10000x128xf32, #tpu.memory_space<vmem_shared>> -> memref<64x128xf32, #tpu.memory_space<vmem_shared>>
        %dma_start3A_79 = arith.constant 9424 : i32
        %dma_start3A_80 = arith.constant 0 : i32
        %dma_start3A_81 = tpu.memref_slice %arg25[%dma_start3A_79, %dma_start3A_80] : memref<10000x128xf32, #tpu.memory_space<vmem_shared>> -> memref<64x128xf32, #tpu.memory_space<vmem_shared>>
        tpu.enqueue_dma source(%arg17 : memref<64x128xf32, #tpu.memory_space<vmem>>) target(%dma_start3A_81 : memref<64x128xf32, #tpu.memory_space<vmem_shared>>) target_semaphore(%run_scoped3A : memref<!tpu.dma_semaphore, #tpu.memory_space<semaphore_mem>>)
        %dma_wait3A_82 = arith.constant 9424 : i32
        %dma_wait3A_83 = arith.constant 0 : i32
        %dma_wait3A_84 = tpu.memref_slice %arg25[%dma_wait3A_82, %dma_wait3A_83] : memref<10000x128xf32, #tpu.memory_space<vmem_shared>> -> memref<64x128xf32, #tpu.memory_space<vmem_shared>>
        %dma_wait3A_85 = arith.constant 9424 : i32
        %dma_wait3A_86 = arith.constant 0 : i32
        %dma_wait3A_87 = tpu.memref_slice %arg25[%dma_wait3A_85, %dma_wait3A_86] : memref<10000x128xf32, #tpu.memory_space<vmem_shared>> -> memref<64x128xf32, #tpu.memory_space<vmem_shared>>
        tpu.wait_dma2 semaphore(%run_scoped3A : memref<!tpu.dma_semaphore, #tpu.memory_space<semaphore_mem>>) src(%arg17 : memref<64x128xf32, #tpu.memory_space<vmem>>) dst(%dma_wait3A_87 : memref<64x128xf32, #tpu.memory_space<vmem_shared>>)
        tpu.yield
      }) : () -> ()
      "tpu.region"() ({
        %run_scoped3A = tpu.sem_alloc : memref<!tpu.dma_semaphore, #tpu.memory_space<semaphore_mem>>
        %dma_start3A_76 = arith.constant 9488 : i32
        %dma_start3A_77 = arith.constant 0 : i32
        %dma_start3A_78 = tpu.memref_slice %arg25[%dma_start3A_76, %dma_start3A_77] : memref<10000x128xf32, #tpu.memory_space<vmem_shared>> -> memref<64x128xf32, #tpu.memory_space<vmem_shared>>
        %dma_start3A_79 = arith.constant 9488 : i32
        %dma_start3A_80 = arith.constant 0 : i32
        %dma_start3A_81 = tpu.memref_slice %arg25[%dma_start3A_79, %dma_start3A_80] : memref<10000x128xf32, #tpu.memory_space<vmem_shared>> -> memref<64x128xf32, #tpu.memory_space<vmem_shared>>
        tpu.enqueue_dma source(%arg17 : memref<64x128xf32, #tpu.memory_space<vmem>>) target(%dma_start3A_81 : memref<64x128xf32, #tpu.memory_space<vmem_shared>>) target_semaphore(%run_scoped3A : memref<!tpu.dma_semaphore, #tpu.memory_space<semaphore_mem>>)
        %dma_wait3A_82 = arith.constant 9488 : i32
        %dma_wait3A_83 = arith.constant 0 : i32
        %dma_wait3A_84 = tpu.memref_slice %arg25[%dma_wait3A_82, %dma_wait3A_83] : memref<10000x128xf32, #tpu.memory_space<vmem_shared>> -> memref<64x128xf32, #tpu.memory_space<vmem_shared>>
        %dma_wait3A_85 = arith.constant 9488 : i32
        %dma_wait3A_86 = arith.constant 0 : i32
        %dma_wait3A_87 = tpu.memref_slice %arg25[%dma_wait3A_85, %dma_wait3A_86] : memref<10000x128xf32, #tpu.memory_space<vmem_shared>> -> memref<64x128xf32, #tpu.memory_space<vmem_shared>>
        tpu.wait_dma2 semaphore(%run_scoped3A : memref<!tpu.dma_semaphore, #tpu.memory_space<semaphore_mem>>) src(%arg17 : memref<64x128xf32, #tpu.memory_space<vmem>>) dst(%dma_wait3A_87 : memref<64x128xf32, #tpu.memory_space<vmem_shared>>)
        tpu.yield
      }) : () -> ()
      "tpu.region"() ({
        %run_scoped3A = tpu.sem_alloc : memref<!tpu.dma_semaphore, #tpu.memory_space<semaphore_mem>>
        %dma_start3A_76 = arith.constant 9552 : i32
        %dma_start3A_77 = arith.constant 0 : i32
        %dma_start3A_78 = tpu.memref_slice %arg25[%dma_start3A_76, %dma_start3A_77] : memref<10000x128xf32, #tpu.memory_space<vmem_shared>> -> memref<64x128xf32, #tpu.memory_space<vmem_shared>>
        %dma_start3A_79 = arith.constant 9552 : i32
        %dma_start3A_80 = arith.constant 0 : i32
        %dma_start3A_81 = tpu.memref_slice %arg25[%dma_start3A_79, %dma_start3A_80] : memref<10000x128xf32, #tpu.memory_space<vmem_shared>> -> memref<64x128xf32, #tpu.memory_space<vmem_shared>>
        tpu.enqueue_dma source(%arg17 : memref<64x128xf32, #tpu.memory_space<vmem>>) target(%dma_start3A_81 : memref<64x128xf32, #tpu.memory_space<vmem_shared>>) target_semaphore(%run_scoped3A : memref<!tpu.dma_semaphore, #tpu.memory_space<semaphore_mem>>)
        %dma_wait3A_82 = arith.constant 9552 : i32
        %dma_wait3A_83 = arith.constant 0 : i32
        %dma_wait3A_84 = tpu.memref_slice %arg25[%dma_wait3A_82, %dma_wait3A_83] : memref<10000x128xf32, #tpu.memory_space<vmem_shared>> -> memref<64x128xf32, #tpu.memory_space<vmem_shared>>
        %dma_wait3A_85 = arith.constant 9552 : i32
        %dma_wait3A_86 = arith.constant 0 : i32
        %dma_wait3A_87 = tpu.memref_slice %arg25[%dma_wait3A_85, %dma_wait3A_86] : memref<10000x128xf32, #tpu.memory_space<vmem_shared>> -> memref<64x128xf32, #tpu.memory_space<vmem_shared>>
        tpu.wait_dma2 semaphore(%run_scoped3A : memref<!tpu.dma_semaphore, #tpu.memory_space<semaphore_mem>>) src(%arg17 : memref<64x128xf32, #tpu.memory_space<vmem>>) dst(%dma_wait3A_87 : memref<64x128xf32, #tpu.memory_space<vmem_shared>>)
        tpu.yield
      }) : () -> ()
      "tpu.region"() ({
        %run_scoped3A = tpu.sem_alloc : memref<!tpu.dma_semaphore, #tpu.memory_space<semaphore_mem>>
        %dma_start3A_76 = arith.constant 9616 : i32
        %dma_start3A_77 = arith.constant 0 : i32
        %dma_start3A_78 = tpu.memref_slice %arg25[%dma_start3A_76, %dma_start3A_77] : memref<10000x128xf32, #tpu.memory_space<vmem_shared>> -> memref<64x128xf32, #tpu.memory_space<vmem_shared>>
        %dma_start3A_79 = arith.constant 9616 : i32
        %dma_start3A_80 = arith.constant 0 : i32
        %dma_start3A_81 = tpu.memref_slice %arg25[%dma_start3A_79, %dma_start3A_80] : memref<10000x128xf32, #tpu.memory_space<vmem_shared>> -> memref<64x128xf32, #tpu.memory_space<vmem_shared>>
        tpu.enqueue_dma source(%arg17 : memref<64x128xf32, #tpu.memory_space<vmem>>) target(%dma_start3A_81 : memref<64x128xf32, #tpu.memory_space<vmem_shared>>) target_semaphore(%run_scoped3A : memref<!tpu.dma_semaphore, #tpu.memory_space<semaphore_mem>>)
        %dma_wait3A_82 = arith.constant 9616 : i32
        %dma_wait3A_83 = arith.constant 0 : i32
        %dma_wait3A_84 = tpu.memref_slice %arg25[%dma_wait3A_82, %dma_wait3A_83] : memref<10000x128xf32, #tpu.memory_space<vmem_shared>> -> memref<64x128xf32, #tpu.memory_space<vmem_shared>>
        %dma_wait3A_85 = arith.constant 9616 : i32
        %dma_wait3A_86 = arith.constant 0 : i32
        %dma_wait3A_87 = tpu.memref_slice %arg25[%dma_wait3A_85, %dma_wait3A_86] : memref<10000x128xf32, #tpu.memory_space<vmem_shared>> -> memref<64x128xf32, #tpu.memory_space<vmem_shared>>
        tpu.wait_dma2 semaphore(%run_scoped3A : memref<!tpu.dma_semaphore, #tpu.memory_space<semaphore_mem>>) src(%arg17 : memref<64x128xf32, #tpu.memory_space<vmem>>) dst(%dma_wait3A_87 : memref<64x128xf32, #tpu.memory_space<vmem_shared>>)
        tpu.yield
      }) : () -> ()
      "tpu.region"() ({
        %run_scoped3A = tpu.sem_alloc : memref<!tpu.dma_semaphore, #tpu.memory_space<semaphore_mem>>
        %dma_start3A_76 = arith.constant 9680 : i32
        %dma_start3A_77 = arith.constant 0 : i32
        %dma_start3A_78 = tpu.memref_slice %arg25[%dma_start3A_76, %dma_start3A_77] : memref<10000x128xf32, #tpu.memory_space<vmem_shared>> -> memref<64x128xf32, #tpu.memory_space<vmem_shared>>
        %dma_start3A_79 = arith.constant 9680 : i32
        %dma_start3A_80 = arith.constant 0 : i32
        %dma_start3A_81 = tpu.memref_slice %arg25[%dma_start3A_79, %dma_start3A_80] : memref<10000x128xf32, #tpu.memory_space<vmem_shared>> -> memref<64x128xf32, #tpu.memory_space<vmem_shared>>
        tpu.enqueue_dma source(%arg17 : memref<64x128xf32, #tpu.memory_space<vmem>>) target(%dma_start3A_81 : memref<64x128xf32, #tpu.memory_space<vmem_shared>>) target_semaphore(%run_scoped3A : memref<!tpu.dma_semaphore, #tpu.memory_space<semaphore_mem>>)
        %dma_wait3A_82 = arith.constant 9680 : i32
        %dma_wait3A_83 = arith.constant 0 : i32
        %dma_wait3A_84 = tpu.memref_slice %arg25[%dma_wait3A_82, %dma_wait3A_83] : memref<10000x128xf32, #tpu.memory_space<vmem_shared>> -> memref<64x128xf32, #tpu.memory_space<vmem_shared>>
        %dma_wait3A_85 = arith.constant 9680 : i32
        %dma_wait3A_86 = arith.constant 0 : i32
        %dma_wait3A_87 = tpu.memref_slice %arg25[%dma_wait3A_85, %dma_wait3A_86] : memref<10000x128xf32, #tpu.memory_space<vmem_shared>> -> memref<64x128xf32, #tpu.memory_space<vmem_shared>>
        tpu.wait_dma2 semaphore(%run_scoped3A : memref<!tpu.dma_semaphore, #tpu.memory_space<semaphore_mem>>) src(%arg17 : memref<64x128xf32, #tpu.memory_space<vmem>>) dst(%dma_wait3A_87 : memref<64x128xf32, #tpu.memory_space<vmem_shared>>)
        tpu.yield
      }) : () -> ()
      "tpu.region"() ({
        %run_scoped3A = tpu.sem_alloc : memref<!tpu.dma_semaphore, #tpu.memory_space<semaphore_mem>>
        %dma_start3A_76 = arith.constant 9744 : i32
        %dma_start3A_77 = arith.constant 0 : i32
        %dma_start3A_78 = tpu.memref_slice %arg25[%dma_start3A_76, %dma_start3A_77] : memref<10000x128xf32, #tpu.memory_space<vmem_shared>> -> memref<64x128xf32, #tpu.memory_space<vmem_shared>>
        %dma_start3A_79 = arith.constant 9744 : i32
        %dma_start3A_80 = arith.constant 0 : i32
        %dma_start3A_81 = tpu.memref_slice %arg25[%dma_start3A_79, %dma_start3A_80] : memref<10000x128xf32, #tpu.memory_space<vmem_shared>> -> memref<64x128xf32, #tpu.memory_space<vmem_shared>>
        tpu.enqueue_dma source(%arg17 : memref<64x128xf32, #tpu.memory_space<vmem>>) target(%dma_start3A_81 : memref<64x128xf32, #tpu.memory_space<vmem_shared>>) target_semaphore(%run_scoped3A : memref<!tpu.dma_semaphore, #tpu.memory_space<semaphore_mem>>)
        %dma_wait3A_82 = arith.constant 9744 : i32
        %dma_wait3A_83 = arith.constant 0 : i32
        %dma_wait3A_84 = tpu.memref_slice %arg25[%dma_wait3A_82, %dma_wait3A_83] : memref<10000x128xf32, #tpu.memory_space<vmem_shared>> -> memref<64x128xf32, #tpu.memory_space<vmem_shared>>
        %dma_wait3A_85 = arith.constant 9744 : i32
        %dma_wait3A_86 = arith.constant 0 : i32
        %dma_wait3A_87 = tpu.memref_slice %arg25[%dma_wait3A_85, %dma_wait3A_86] : memref<10000x128xf32, #tpu.memory_space<vmem_shared>> -> memref<64x128xf32, #tpu.memory_space<vmem_shared>>
        tpu.wait_dma2 semaphore(%run_scoped3A : memref<!tpu.dma_semaphore, #tpu.memory_space<semaphore_mem>>) src(%arg17 : memref<64x128xf32, #tpu.memory_space<vmem>>) dst(%dma_wait3A_87 : memref<64x128xf32, #tpu.memory_space<vmem_shared>>)
        tpu.yield
      }) : () -> ()
      "tpu.region"() ({
        %run_scoped3A = tpu.sem_alloc : memref<!tpu.dma_semaphore, #tpu.memory_space<semaphore_mem>>
        %dma_start3A_76 = arith.constant 9808 : i32
        %dma_start3A_77 = arith.constant 0 : i32
        %dma_start3A_78 = tpu.memref_slice %arg25[%dma_start3A_76, %dma_start3A_77] : memref<10000x128xf32, #tpu.memory_space<vmem_shared>> -> memref<64x128xf32, #tpu.memory_space<vmem_shared>>
        %dma_start3A_79 = arith.constant 9808 : i32
        %dma_start3A_80 = arith.constant 0 : i32
        %dma_start3A_81 = tpu.memref_slice %arg25[%dma_start3A_79, %dma_start3A_80] : memref<10000x128xf32, #tpu.memory_space<vmem_shared>> -> memref<64x128xf32, #tpu.memory_space<vmem_shared>>
        tpu.enqueue_dma source(%arg17 : memref<64x128xf32, #tpu.memory_space<vmem>>) target(%dma_start3A_81 : memref<64x128xf32, #tpu.memory_space<vmem_shared>>) target_semaphore(%run_scoped3A : memref<!tpu.dma_semaphore, #tpu.memory_space<semaphore_mem>>)
        %dma_wait3A_82 = arith.constant 9808 : i32
        %dma_wait3A_83 = arith.constant 0 : i32
        %dma_wait3A_84 = tpu.memref_slice %arg25[%dma_wait3A_82, %dma_wait3A_83] : memref<10000x128xf32, #tpu.memory_space<vmem_shared>> -> memref<64x128xf32, #tpu.memory_space<vmem_shared>>
        %dma_wait3A_85 = arith.constant 9808 : i32
        %dma_wait3A_86 = arith.constant 0 : i32
        %dma_wait3A_87 = tpu.memref_slice %arg25[%dma_wait3A_85, %dma_wait3A_86] : memref<10000x128xf32, #tpu.memory_space<vmem_shared>> -> memref<64x128xf32, #tpu.memory_space<vmem_shared>>
        tpu.wait_dma2 semaphore(%run_scoped3A : memref<!tpu.dma_semaphore, #tpu.memory_space<semaphore_mem>>) src(%arg17 : memref<64x128xf32, #tpu.memory_space<vmem>>) dst(%dma_wait3A_87 : memref<64x128xf32, #tpu.memory_space<vmem_shared>>)
        tpu.yield
      }) : () -> ()
      "tpu.region"() ({
        %run_scoped3A = tpu.sem_alloc : memref<!tpu.dma_semaphore, #tpu.memory_space<semaphore_mem>>
        %dma_start3A_76 = arith.constant 9872 : i32
        %dma_start3A_77 = arith.constant 0 : i32
        %dma_start3A_78 = tpu.memref_slice %arg25[%dma_start3A_76, %dma_start3A_77] : memref<10000x128xf32, #tpu.memory_space<vmem_shared>> -> memref<64x128xf32, #tpu.memory_space<vmem_shared>>
        %dma_start3A_79 = arith.constant 9872 : i32
        %dma_start3A_80 = arith.constant 0 : i32
        %dma_start3A_81 = tpu.memref_slice %arg25[%dma_start3A_79, %dma_start3A_80] : memref<10000x128xf32, #tpu.memory_space<vmem_shared>> -> memref<64x128xf32, #tpu.memory_space<vmem_shared>>
        tpu.enqueue_dma source(%arg17 : memref<64x128xf32, #tpu.memory_space<vmem>>) target(%dma_start3A_81 : memref<64x128xf32, #tpu.memory_space<vmem_shared>>) target_semaphore(%run_scoped3A : memref<!tpu.dma_semaphore, #tpu.memory_space<semaphore_mem>>)
        %dma_wait3A_82 = arith.constant 9872 : i32
        %dma_wait3A_83 = arith.constant 0 : i32
        %dma_wait3A_84 = tpu.memref_slice %arg25[%dma_wait3A_82, %dma_wait3A_83] : memref<10000x128xf32, #tpu.memory_space<vmem_shared>> -> memref<64x128xf32, #tpu.memory_space<vmem_shared>>
        %dma_wait3A_85 = arith.constant 9872 : i32
        %dma_wait3A_86 = arith.constant 0 : i32
        %dma_wait3A_87 = tpu.memref_slice %arg25[%dma_wait3A_85, %dma_wait3A_86] : memref<10000x128xf32, #tpu.memory_space<vmem_shared>> -> memref<64x128xf32, #tpu.memory_space<vmem_shared>>
        tpu.wait_dma2 semaphore(%run_scoped3A : memref<!tpu.dma_semaphore, #tpu.memory_space<semaphore_mem>>) src(%arg17 : memref<64x128xf32, #tpu.memory_space<vmem>>) dst(%dma_wait3A_87 : memref<64x128xf32, #tpu.memory_space<vmem_shared>>)
        tpu.yield
      }) : () -> ()
      "tpu.region"() ({
        %run_scoped3A = tpu.sem_alloc : memref<!tpu.dma_semaphore, #tpu.memory_space<semaphore_mem>>
        %dma_start3A_76 = arith.constant 9936 : i32
        %dma_start3A_77 = arith.constant 0 : i32
        %dma_start3A_78 = tpu.memref_slice %arg25[%dma_start3A_76, %dma_start3A_77] : memref<10000x128xf32, #tpu.memory_space<vmem_shared>> -> memref<64x128xf32, #tpu.memory_space<vmem_shared>>
        %dma_start3A_79 = arith.constant 9936 : i32
        %dma_start3A_80 = arith.constant 0 : i32
        %dma_start3A_81 = tpu.memref_slice %arg25[%dma_start3A_79, %dma_start3A_80] : memref<10000x128xf32, #tpu.memory_space<vmem_shared>> -> memref<64x128xf32, #tpu.memory_space<vmem_shared>>
        tpu.enqueue_dma source(%arg17 : memref<64x128xf32, #tpu.memory_space<vmem>>) target(%dma_start3A_81 : memref<64x128xf32, #tpu.memory_space<vmem_shared>>) target_semaphore(%run_scoped3A : memref<!tpu.dma_semaphore, #tpu.memory_space<semaphore_mem>>)
        %dma_wait3A_82 = arith.constant 9936 : i32
        %dma_wait3A_83 = arith.constant 0 : i32
        %dma_wait3A_84 = tpu.memref_slice %arg25[%dma_wait3A_82, %dma_wait3A_83] : memref<10000x128xf32, #tpu.memory_space<vmem_shared>> -> memref<64x128xf32, #tpu.memory_space<vmem_shared>>
        %dma_wait3A_85 = arith.constant 9936 : i32
        %dma_wait3A_86 = arith.constant 0 : i32
        %dma_wait3A_87 = tpu.memref_slice %arg25[%dma_wait3A_85, %dma_wait3A_86] : memref<10000x128xf32, #tpu.memory_space<vmem_shared>> -> memref<64x128xf32, #tpu.memory_space<vmem_shared>>
        tpu.wait_dma2 semaphore(%run_scoped3A : memref<!tpu.dma_semaphore, #tpu.memory_space<semaphore_mem>>) src(%arg17 : memref<64x128xf32, #tpu.memory_space<vmem>>) dst(%dma_wait3A_87 : memref<64x128xf32, #tpu.memory_space<vmem_shared>>)
        tpu.yield
      }) : () -> ()
    } else {
    }
    %barrier3A = arith.constant 0 : index
    tpu.barrier barrier_id(%barrier3A)
    %add3A_12 = arith.constant 0 : i32
    %add3A_13 = arith.addi %add3A, %add3A_12 : i32
    %min3A = arith.constant 4999 : i32
    %min3A_14 = arith.minsi %add3A_13, %min3A : i32
    %mul3A_15 = arith.constant 64 : i32
    %mul3A_16 = arith.muli %min3A_14, %mul3A_15 : i32
    %dma_start3A = tpu.memref_slice %arg2[%mul3A_16] : memref<320000xi32, #tpu.memory_space<hbm>> -> memref<64xi32, #tpu.memory_space<hbm>>
    %dma_start3A_17 = tpu.memref_slice %arg2[%mul3A_16] : memref<320000xi32, #tpu.memory_space<hbm>> -> memref<64xi32, #tpu.memory_space<hbm>>
    tpu.enqueue_dma source(%dma_start3A_17 : memref<64xi32, #tpu.memory_space<hbm>>) target(%arg7 : memref<64xi32, #tpu.memory_space<vmem>>) target_semaphore(%arg19 : memref<!tpu.dma_semaphore, #tpu.memory_space<semaphore_mem>>)
    %dma_start3A_18 = tpu.memref_slice %arg3[%mul3A_16] : memref<320000xi32, #tpu.memory_space<hbm>> -> memref<64xi32, #tpu.memory_space<hbm>>
    %dma_start3A_19 = tpu.memref_slice %arg3[%mul3A_16] : memref<320000xi32, #tpu.memory_space<hbm>> -> memref<64xi32, #tpu.memory_space<hbm>>
    tpu.enqueue_dma source(%dma_start3A_19 : memref<64xi32, #tpu.memory_space<hbm>>) target(%arg9 : memref<64xi32, #tpu.memory_space<vmem>>) target_semaphore(%arg19 : memref<!tpu.dma_semaphore, #tpu.memory_space<semaphore_mem>>)
    %add3A_20 = arith.constant 32 : i32
    %add3A_21 = arith.addi %add3A, %add3A_20 : i32
    %min3A_22 = arith.constant 4999 : i32
    %min3A_23 = arith.minsi %add3A_21, %min3A_22 : i32
    %mul3A_24 = arith.constant 64 : i32
    %mul3A_25 = arith.muli %min3A_23, %mul3A_24 : i32
    %dma_start3A_26 = tpu.memref_slice %arg2[%mul3A_25] : memref<320000xi32, #tpu.memory_space<hbm>> -> memref<64xi32, #tpu.memory_space<hbm>>
    %dma_start3A_27 = tpu.memref_slice %arg2[%mul3A_25] : memref<320000xi32, #tpu.memory_space<hbm>> -> memref<64xi32, #tpu.memory_space<hbm>>
    tpu.enqueue_dma source(%dma_start3A_27 : memref<64xi32, #tpu.memory_space<hbm>>) target(%arg8 : memref<64xi32, #tpu.memory_space<vmem>>) target_semaphore(%arg20 : memref<!tpu.dma_semaphore, #tpu.memory_space<semaphore_mem>>)
    %dma_start3A_28 = tpu.memref_slice %arg3[%mul3A_25] : memref<320000xi32, #tpu.memory_space<hbm>> -> memref<64xi32, #tpu.memory_space<hbm>>
    %dma_start3A_29 = tpu.memref_slice %arg3[%mul3A_25] : memref<320000xi32, #tpu.memory_space<hbm>> -> memref<64xi32, #tpu.memory_space<hbm>>
    tpu.enqueue_dma source(%dma_start3A_29 : memref<64xi32, #tpu.memory_space<hbm>>) target(%arg10 : memref<64xi32, #tpu.memory_space<vmem>>) target_semaphore(%arg20 : memref<!tpu.dma_semaphore, #tpu.memory_space<semaphore_mem>>)
    %dma_wait3A = arith.constant 0 : i32
    %dma_wait3A_30 = tpu.memref_slice %arg2[%dma_wait3A] : memref<320000xi32, #tpu.memory_space<hbm>> -> memref<64xi32, #tpu.memory_space<hbm>>
    %dma_wait3A_31 = arith.constant 0 : i32
    %dma_wait3A_32 = tpu.memref_slice %arg2[%dma_wait3A_31] : memref<320000xi32, #tpu.memory_space<hbm>> -> memref<64xi32, #tpu.memory_space<hbm>>
    tpu.wait_dma2 semaphore(%arg19 : memref<!tpu.dma_semaphore, #tpu.memory_space<semaphore_mem>>) src(%dma_wait3A_32 : memref<64xi32, #tpu.memory_space<hbm>>) dst(%arg7 : memref<64xi32, #tpu.memory_space<vmem>>)
    %dma_wait3A_33 = arith.constant 0 : i32
    %dma_wait3A_34 = tpu.memref_slice %arg3[%dma_wait3A_33] : memref<320000xi32, #tpu.memory_space<hbm>> -> memref<64xi32, #tpu.memory_space<hbm>>
    %dma_wait3A_35 = arith.constant 0 : i32
    %dma_wait3A_36 = tpu.memref_slice %arg3[%dma_wait3A_35] : memref<320000xi32, #tpu.memory_space<hbm>> -> memref<64xi32, #tpu.memory_space<hbm>>
    tpu.wait_dma2 semaphore(%arg19 : memref<!tpu.dma_semaphore, #tpu.memory_space<semaphore_mem>>) src(%dma_wait3A_36 : memref<64xi32, #tpu.memory_space<hbm>>) dst(%arg9 : memref<64xi32, #tpu.memory_space<vmem>>)
    %dma_start3A_37 = arith.constant 0 : i32
    %dma_start3A_38 = arith.constant 0 : i32
    %dma_start3A_39 = tpu.memref_slice %arg4[%dma_start3A_37, %dma_start3A_38] : memref<10000x128xf32, #tpu.memory_space<hbm>> -> memref<10000x128xf32, #tpu.memory_space<hbm>>
    tpu.enqueue_indirect_dma source(%dma_start3A_39 : memref<10000x128xf32, #tpu.memory_space<hbm>>) target(%arg13 : memref<64x128xf32, #tpu.memory_space<vmem>>) offsets(%arg7 : memref<64xi32, #tpu.memory_space<vmem>>) semaphore(%arg21 : memref<!tpu.dma_semaphore, #tpu.memory_space<semaphore_mem>>)
    %dma_start3A_40 = arith.constant 0 : i32
    %dma_start3A_41 = arith.constant 0 : i32
    %dma_start3A_42 = tpu.memref_slice %arg5[%dma_start3A_40, %dma_start3A_41] : memref<10000x128xf32, #tpu.memory_space<hbm>> -> memref<10000x128xf32, #tpu.memory_space<hbm>>
    tpu.enqueue_indirect_dma source(%dma_start3A_42 : memref<10000x128xf32, #tpu.memory_space<hbm>>) target(%arg15 : memref<64x128xf32, #tpu.memory_space<vmem>>) offsets(%arg9 : memref<64xi32, #tpu.memory_space<vmem>>) semaphore(%arg21 : memref<!tpu.dma_semaphore, #tpu.memory_space<semaphore_mem>>)
    %dma_wait3A_43 = arith.constant 0 : i32
    %dma_wait3A_44 = arith.constant 0 : i32
    %dma_wait3A_45 = tpu.memref_slice %arg4[%dma_wait3A_43, %dma_wait3A_44] : memref<10000x128xf32, #tpu.memory_space<hbm>> -> memref<10000x128xf32, #tpu.memory_space<hbm>>
    tpu.wait_indirect_dma semaphore(%arg21 : memref<!tpu.dma_semaphore, #tpu.memory_space<semaphore_mem>>) src(%dma_wait3A_45 : memref<10000x128xf32, #tpu.memory_space<hbm>>) dst(%arg13 : memref<64x128xf32, #tpu.memory_space<vmem>>)
    %dma_wait3A_46 = arith.constant 0 : i32
    %dma_wait3A_47 = arith.constant 0 : i32
    %dma_wait3A_48 = tpu.memref_slice %arg5[%dma_wait3A_46, %dma_wait3A_47] : memref<10000x128xf32, #tpu.memory_space<hbm>> -> memref<10000x128xf32, #tpu.memory_space<hbm>>
    tpu.wait_indirect_dma semaphore(%arg21 : memref<!tpu.dma_semaphore, #tpu.memory_space<semaphore_mem>>) src(%dma_wait3A_48 : memref<10000x128xf32, #tpu.memory_space<hbm>>) dst(%arg15 : memref<64x128xf32, #tpu.memory_space<vmem>>)
    %scan3A_49 = arith.constant 0 : i32
    %scan3A_50 = arith.constant 0 : i32
    %scan3A_51 = arith.constant 79 : i32
    %scan3A_52 = arith.addi %scan3A_50, %scan3A_51 : i32
    %scan3A_53 = arith.constant 1 : i32
    scf.for %scan3A_76 = %scan3A_50 to %scan3A_52 step %scan3A_53  : i32 {
      %mul3A_77 = arith.constant 2 : i32
      %mul3A_78 = arith.muli %mul3A_77, %scan3A_76 : i32
      %lt3A_79 = arith.constant 157 : i32
      %lt3A_80 = arith.cmpi slt, %mul3A_78, %lt3A_79 : i32
      %convert_element_type3A_81 = arith.extui %lt3A_80 : i1 to i32
      %cond3A_82 = arith.constant 0 : i32
      %cond3A_83 = arith.cmpi ne, %convert_element_type3A_81, %cond3A_82 : i32
      scf.if %cond3A_83 {
        %dma_wait3A_93 = arith.constant 0 : i32
        %dma_wait3A_94 = tpu.memref_slice %arg2[%dma_wait3A_93] : memref<320000xi32, #tpu.memory_space<hbm>> -> memref<64xi32, #tpu.memory_space<hbm>>
        %dma_wait3A_95 = arith.constant 0 : i32
        %dma_wait3A_96 = tpu.memref_slice %arg2[%dma_wait3A_95] : memref<320000xi32, #tpu.memory_space<hbm>> -> memref<64xi32, #tpu.memory_space<hbm>>
        tpu.wait_dma2 semaphore(%arg20 : memref<!tpu.dma_semaphore, #tpu.memory_space<semaphore_mem>>) src(%dma_wait3A_96 : memref<64xi32, #tpu.memory_space<hbm>>) dst(%arg8 : memref<64xi32, #tpu.memory_space<vmem>>)
        %dma_wait3A_97 = arith.constant 0 : i32
        %dma_wait3A_98 = tpu.memref_slice %arg3[%dma_wait3A_97] : memref<320000xi32, #tpu.memory_space<hbm>> -> memref<64xi32, #tpu.memory_space<hbm>>
        %dma_wait3A_99 = arith.constant 0 : i32
        %dma_wait3A_100 = tpu.memref_slice %arg3[%dma_wait3A_99] : memref<320000xi32, #tpu.memory_space<hbm>> -> memref<64xi32, #tpu.memory_space<hbm>>
        tpu.wait_dma2 semaphore(%arg20 : memref<!tpu.dma_semaphore, #tpu.memory_space<semaphore_mem>>) src(%dma_wait3A_100 : memref<64xi32, #tpu.memory_space<hbm>>) dst(%arg10 : memref<64xi32, #tpu.memory_space<vmem>>)
        %dma_start3A_101 = arith.constant 0 : i32
        %dma_start3A_102 = arith.constant 0 : i32
        %dma_start3A_103 = tpu.memref_slice %arg4[%dma_start3A_101, %dma_start3A_102] : memref<10000x128xf32, #tpu.memory_space<hbm>> -> memref<10000x128xf32, #tpu.memory_space<hbm>>
        tpu.enqueue_indirect_dma source(%dma_start3A_103 : memref<10000x128xf32, #tpu.memory_space<hbm>>) target(%arg14 : memref<64x128xf32, #tpu.memory_space<vmem>>) offsets(%arg8 : memref<64xi32, #tpu.memory_space<vmem>>) semaphore(%arg22 : memref<!tpu.dma_semaphore, #tpu.memory_space<semaphore_mem>>)
        %dma_start3A_104 = arith.constant 0 : i32
        %dma_start3A_105 = arith.constant 0 : i32
        %dma_start3A_106 = tpu.memref_slice %arg5[%dma_start3A_104, %dma_start3A_105] : memref<10000x128xf32, #tpu.memory_space<hbm>> -> memref<10000x128xf32, #tpu.memory_space<hbm>>
        tpu.enqueue_indirect_dma source(%dma_start3A_106 : memref<10000x128xf32, #tpu.memory_space<hbm>>) target(%arg16 : memref<64x128xf32, #tpu.memory_space<vmem>>) offsets(%arg10 : memref<64xi32, #tpu.memory_space<vmem>>) semaphore(%arg22 : memref<!tpu.dma_semaphore, #tpu.memory_space<semaphore_mem>>)
        %ge3A = arith.constant 2 : i32
        %ge3A_107 = arith.cmpi sge, %mul3A_78, %ge3A : i32
        %convert_element_type3A_108 = arith.extui %ge3A_107 : i1 to i32
        %cond3A_109 = arith.constant 0 : i32
        %cond3A_110 = arith.cmpi ne, %convert_element_type3A_108, %cond3A_109 : i32
        scf.if %cond3A_110 {
          %dma_wait3A_162 = arith.constant 0 : i32
          %dma_wait3A_163 = arith.constant 0 : i32
          %dma_wait3A_164 = tpu.memref_slice %arg25[%dma_wait3A_162, %dma_wait3A_163] : memref<10000x128xf32, #tpu.memory_space<vmem_shared>> -> memref<10000x128xf32, #tpu.memory_space<vmem_shared>>
          tpu.wait_indirect_dma semaphore(%arg23 : memref<!tpu.dma_semaphore, #tpu.memory_space<semaphore_mem>>) src(%arg17 : memref<64x128xf32, #tpu.memory_space<vmem>>) dst(%dma_wait3A_164 : memref<10000x128xf32, #tpu.memory_space<vmem_shared>>)
        } else {
        }
        %scan3A_111 = arith.constant 0 : i32
        %scan3A_112 = arith.constant 0 : i32
        %scan3A_113 = arith.constant 64 : i32
        %scan3A_114 = arith.addi %scan3A_112, %scan3A_113 : i32
        %scan3A_115 = arith.constant 1 : i32
        scf.for %scan3A_162 = %scan3A_112 to %scan3A_114 step %scan3A_115  : i32 {
          %get3A_163 = arith.index_cast %scan3A_162 : i32 to index
          %get3A_164 = arith.constant 64 : index
          %get3A_165 = tpu.vector_load %arg13[%get3A_163, %get3A_164] {strides = array<i32>} : memref<64x128xf32, #tpu.memory_space<vmem>>, vector<1x16xf32>,
          %get3A_166 = vector.shape_cast %get3A_165 : vector<1x16xf32> to vector<16xf32>
          %get3A_167 = arith.index_cast %scan3A_162 : i32 to index
          %get3A_168 = arith.constant 0 : index
          %get3A_169 = tpu.vector_load %arg15[%get3A_167, %get3A_168] {strides = array<i32>} : memref<64x128xf32, #tpu.memory_space<vmem>>, vector<1x16xf32>,
          %get3A_170 = vector.shape_cast %get3A_169 : vector<1x16xf32> to vector<16xf32>
          %add3A_171 = arith.addf %get3A_166, %get3A_170 : vector<16xf32>
          %mul3A_172 = arith.constant 2.000000e-01 : f32
          %mul3A_173 = vector.broadcast %mul3A_172 : f32 to vector<16xf32>
          %mul3A_174 = arith.mulf %mul3A_173, %add3A_171 : vector<16xf32>
          %max3A = arith.maximumf %add3A_171, %mul3A_174 : vector<16xf32>
          %exp3A = math.exp %max3A : vector<16xf32>
          %get3A_175 = arith.index_cast %scan3A_162 : i32 to index
          %get3A_176 = arith.constant 0 : index
          %get3A_177 = tpu.vector_load %arg13[%get3A_175, %get3A_176] {strides = array<i32>} : memref<64x128xf32, #tpu.memory_space<vmem>>, vector<1x16xf32>,
          %get3A_178 = vector.shape_cast %get3A_177 : vector<1x16xf32> to vector<16xf32>
          %mul3A_179 = arith.mulf %get3A_178, %exp3A : vector<16xf32>
          %swap3A_180 = arith.index_cast %scan3A_162 : i32 to index
          %swap3A_181 = arith.constant 0 : index
          %swap3A_182 = tpu.vector_load %arg17[%swap3A_180, %swap3A_181] {strides = array<i32>} : memref<64x128xf32, #tpu.memory_space<vmem>>, vector<1x16xf32>,
          %swap3A_183 = vector.shape_cast %swap3A_182 : vector<1x16xf32> to vector<16xf32>
          %swap3A_184 = vector.shape_cast %mul3A_179 : vector<16xf32> to vector<1x16xf32>
          tpu.vector_store %arg17[%swap3A_180, %swap3A_181], %swap3A_184 {strides = array<i32>} : memref<64x128xf32, #tpu.memory_space<vmem>>, vector<1x16xf32>,
          %swap3A_185 = arith.index_cast %scan3A_162 : i32 to index
          %swap3A_186 = arith.constant 64 : index
          %swap3A_187 = tpu.vector_load %arg17[%swap3A_185, %swap3A_186] {strides = array<i32>} : memref<64x128xf32, #tpu.memory_space<vmem>>, vector<1x16xf32>,
          %swap3A_188 = vector.shape_cast %swap3A_187 : vector<1x16xf32> to vector<16xf32>
          %swap3A_189 = vector.shape_cast %exp3A : vector<16xf32> to vector<1x16xf32>
          tpu.vector_store %arg17[%swap3A_185, %swap3A_186], %swap3A_189 {strides = array<i32>} : memref<64x128xf32, #tpu.memory_space<vmem>>, vector<1x16xf32>,
          %get3A_190 = arith.index_cast %scan3A_162 : i32 to index
          %get3A_191 = arith.constant 80 : index
          %get3A_192 = tpu.vector_load %arg13[%get3A_190, %get3A_191] {strides = array<i32>} : memref<64x128xf32, #tpu.memory_space<vmem>>, vector<1x16xf32>,
          %get3A_193 = vector.shape_cast %get3A_192 : vector<1x16xf32> to vector<16xf32>
          %get3A_194 = arith.index_cast %scan3A_162 : i32 to index
          %get3A_195 = arith.constant 16 : index
          %get3A_196 = tpu.vector_load %arg15[%get3A_194, %get3A_195] {strides = array<i32>} : memref<64x128xf32, #tpu.memory_space<vmem>>, vector<1x16xf32>,
          %get3A_197 = vector.shape_cast %get3A_196 : vector<1x16xf32> to vector<16xf32>
          %add3A_198 = arith.addf %get3A_193, %get3A_197 : vector<16xf32>
          %mul3A_199 = arith.constant 2.000000e-01 : f32
          %mul3A_200 = vector.broadcast %mul3A_199 : f32 to vector<16xf32>
          %mul3A_201 = arith.mulf %mul3A_200, %add3A_198 : vector<16xf32>
          %max3A_202 = arith.maximumf %add3A_198, %mul3A_201 : vector<16xf32>
          %exp3A_203 = math.exp %max3A_202 : vector<16xf32>
          %get3A_204 = arith.index_cast %scan3A_162 : i32 to index
          %get3A_205 = arith.constant 16 : index
          %get3A_206 = tpu.vector_load %arg13[%get3A_204, %get3A_205] {strides = array<i32>} : memref<64x128xf32, #tpu.memory_space<vmem>>, vector<1x16xf32>,
          %get3A_207 = vector.shape_cast %get3A_206 : vector<1x16xf32> to vector<16xf32>
          %mul3A_208 = arith.mulf %get3A_207, %exp3A_203 : vector<16xf32>
          %swap3A_209 = arith.index_cast %scan3A_162 : i32 to index
          %swap3A_210 = arith.constant 16 : index
          %swap3A_211 = tpu.vector_load %arg17[%swap3A_209, %swap3A_210] {strides = array<i32>} : memref<64x128xf32, #tpu.memory_space<vmem>>, vector<1x16xf32>,
          %swap3A_212 = vector.shape_cast %swap3A_211 : vector<1x16xf32> to vector<16xf32>
          %swap3A_213 = vector.shape_cast %mul3A_208 : vector<16xf32> to vector<1x16xf32>
          tpu.vector_store %arg17[%swap3A_209, %swap3A_210], %swap3A_213 {strides = array<i32>} : memref<64x128xf32, #tpu.memory_space<vmem>>, vector<1x16xf32>,
          %swap3A_214 = arith.index_cast %scan3A_162 : i32 to index
          %swap3A_215 = arith.constant 80 : index
          %swap3A_216 = tpu.vector_load %arg17[%swap3A_214, %swap3A_215] {strides = array<i32>} : memref<64x128xf32, #tpu.memory_space<vmem>>, vector<1x16xf32>,
          %swap3A_217 = vector.shape_cast %swap3A_216 : vector<1x16xf32> to vector<16xf32>
          %swap3A_218 = vector.shape_cast %exp3A_203 : vector<16xf32> to vector<1x16xf32>
          tpu.vector_store %arg17[%swap3A_214, %swap3A_215], %swap3A_218 {strides = array<i32>} : memref<64x128xf32, #tpu.memory_space<vmem>>, vector<1x16xf32>,
          %get3A_219 = arith.index_cast %scan3A_162 : i32 to index
          %get3A_220 = arith.constant 96 : index
          %get3A_221 = tpu.vector_load %arg13[%get3A_219, %get3A_220] {strides = array<i32>} : memref<64x128xf32, #tpu.memory_space<vmem>>, vector<1x16xf32>,
          %get3A_222 = vector.shape_cast %get3A_221 : vector<1x16xf32> to vector<16xf32>
          %get3A_223 = arith.index_cast %scan3A_162 : i32 to index
          %get3A_224 = arith.constant 32 : index
          %get3A_225 = tpu.vector_load %arg15[%get3A_223, %get3A_224] {strides = array<i32>} : memref<64x128xf32, #tpu.memory_space<vmem>>, vector<1x16xf32>,
          %get3A_226 = vector.shape_cast %get3A_225 : vector<1x16xf32> to vector<16xf32>
          %add3A_227 = arith.addf %get3A_222, %get3A_226 : vector<16xf32>
          %mul3A_228 = arith.constant 2.000000e-01 : f32
          %mul3A_229 = vector.broadcast %mul3A_228 : f32 to vector<16xf32>
          %mul3A_230 = arith.mulf %mul3A_229, %add3A_227 : vector<16xf32>
          %max3A_231 = arith.maximumf %add3A_227, %mul3A_230 : vector<16xf32>
          %exp3A_232 = math.exp %max3A_231 : vector<16xf32>
          %get3A_233 = arith.index_cast %scan3A_162 : i32 to index
          %get3A_234 = arith.constant 32 : index
          %get3A_235 = tpu.vector_load %arg13[%get3A_233, %get3A_234] {strides = array<i32>} : memref<64x128xf32, #tpu.memory_space<vmem>>, vector<1x16xf32>,
          %get3A_236 = vector.shape_cast %get3A_235 : vector<1x16xf32> to vector<16xf32>
          %mul3A_237 = arith.mulf %get3A_236, %exp3A_232 : vector<16xf32>
          %swap3A_238 = arith.index_cast %scan3A_162 : i32 to index
          %swap3A_239 = arith.constant 32 : index
          %swap3A_240 = tpu.vector_load %arg17[%swap3A_238, %swap3A_239] {strides = array<i32>} : memref<64x128xf32, #tpu.memory_space<vmem>>, vector<1x16xf32>,
          %swap3A_241 = vector.shape_cast %swap3A_240 : vector<1x16xf32> to vector<16xf32>
          %swap3A_242 = vector.shape_cast %mul3A_237 : vector<16xf32> to vector<1x16xf32>
          tpu.vector_store %arg17[%swap3A_238, %swap3A_239], %swap3A_242 {strides = array<i32>} : memref<64x128xf32, #tpu.memory_space<vmem>>, vector<1x16xf32>,
          %swap3A_243 = arith.index_cast %scan3A_162 : i32 to index
          %swap3A_244 = arith.constant 96 : index
          %swap3A_245 = tpu.vector_load %arg17[%swap3A_243, %swap3A_244] {strides = array<i32>} : memref<64x128xf32, #tpu.memory_space<vmem>>, vector<1x16xf32>,
          %swap3A_246 = vector.shape_cast %swap3A_245 : vector<1x16xf32> to vector<16xf32>
          %swap3A_247 = vector.shape_cast %exp3A_232 : vector<16xf32> to vector<1x16xf32>
          tpu.vector_store %arg17[%swap3A_243, %swap3A_244], %swap3A_247 {strides = array<i32>} : memref<64x128xf32, #tpu.memory_space<vmem>>, vector<1x16xf32>,
          %get3A_248 = arith.index_cast %scan3A_162 : i32 to index
          %get3A_249 = arith.constant 112 : index
          %get3A_250 = tpu.vector_load %arg13[%get3A_248, %get3A_249] {strides = array<i32>} : memref<64x128xf32, #tpu.memory_space<vmem>>, vector<1x16xf32>,
          %get3A_251 = vector.shape_cast %get3A_250 : vector<1x16xf32> to vector<16xf32>
          %get3A_252 = arith.index_cast %scan3A_162 : i32 to index
          %get3A_253 = arith.constant 48 : index
          %get3A_254 = tpu.vector_load %arg15[%get3A_252, %get3A_253] {strides = array<i32>} : memref<64x128xf32, #tpu.memory_space<vmem>>, vector<1x16xf32>,
          %get3A_255 = vector.shape_cast %get3A_254 : vector<1x16xf32> to vector<16xf32>
          %add3A_256 = arith.addf %get3A_251, %get3A_255 : vector<16xf32>
          %mul3A_257 = arith.constant 2.000000e-01 : f32
          %mul3A_258 = vector.broadcast %mul3A_257 : f32 to vector<16xf32>
          %mul3A_259 = arith.mulf %mul3A_258, %add3A_256 : vector<16xf32>
          %max3A_260 = arith.maximumf %add3A_256, %mul3A_259 : vector<16xf32>
          %exp3A_261 = math.exp %max3A_260 : vector<16xf32>
          %get3A_262 = arith.index_cast %scan3A_162 : i32 to index
          %get3A_263 = arith.constant 48 : index
          %get3A_264 = tpu.vector_load %arg13[%get3A_262, %get3A_263] {strides = array<i32>} : memref<64x128xf32, #tpu.memory_space<vmem>>, vector<1x16xf32>,
          %get3A_265 = vector.shape_cast %get3A_264 : vector<1x16xf32> to vector<16xf32>
          %mul3A_266 = arith.mulf %get3A_265, %exp3A_261 : vector<16xf32>
          %swap3A_267 = arith.index_cast %scan3A_162 : i32 to index
          %swap3A_268 = arith.constant 48 : index
          %swap3A_269 = tpu.vector_load %arg17[%swap3A_267, %swap3A_268] {strides = array<i32>} : memref<64x128xf32, #tpu.memory_space<vmem>>, vector<1x16xf32>,
          %swap3A_270 = vector.shape_cast %swap3A_269 : vector<1x16xf32> to vector<16xf32>
          %swap3A_271 = vector.shape_cast %mul3A_266 : vector<16xf32> to vector<1x16xf32>
          tpu.vector_store %arg17[%swap3A_267, %swap3A_268], %swap3A_271 {strides = array<i32>} : memref<64x128xf32, #tpu.memory_space<vmem>>, vector<1x16xf32>,
          %swap3A_272 = arith.index_cast %scan3A_162 : i32 to index
          %swap3A_273 = arith.constant 112 : index
          %swap3A_274 = tpu.vector_load %arg17[%swap3A_272, %swap3A_273] {strides = array<i32>} : memref<64x128xf32, #tpu.memory_space<vmem>>, vector<1x16xf32>,
          %swap3A_275 = vector.shape_cast %swap3A_274 : vector<1x16xf32> to vector<16xf32>
          %swap3A_276 = vector.shape_cast %exp3A_261 : vector<16xf32> to vector<1x16xf32>
          tpu.vector_store %arg17[%swap3A_272, %swap3A_273], %swap3A_276 {strides = array<i32>} : memref<64x128xf32, #tpu.memory_space<vmem>>, vector<1x16xf32>,
        }
        %scan3A_116 = arith.constant 64 : i32
        %get3A = arith.constant 0 : index
        %get3A_117 = tpu.vector_load %arg9[%get3A] {strides = array<i32>} : memref<64xi32, #tpu.memory_space<vmem>>, vector<16xi32>,
        %get3A_118 = vector.shape_cast %get3A_117 : vector<16xi32> to vector<16xi32>
        %swap3A = arith.constant 0 : index
        %swap3A_119 = tpu.vector_load %arg11[%swap3A] {strides = array<i32>} : memref<64xi32, #tpu.memory_space<vmem>>, vector<16xi32>,
        %swap3A_120 = vector.shape_cast %swap3A_119 : vector<16xi32> to vector<16xi32>
        %swap3A_121 = vector.shape_cast %get3A_118 : vector<16xi32> to vector<16xi32>
        tpu.vector_store %arg11[%swap3A], %swap3A_121 {strides = array<i32>} : memref<64xi32, #tpu.memory_space<vmem>>, vector<16xi32>,
        %get3A_122 = arith.constant 16 : index
        %get3A_123 = tpu.vector_load %arg9[%get3A_122] {strides = array<i32>} : memref<64xi32, #tpu.memory_space<vmem>>, vector<16xi32>,
        %get3A_124 = vector.shape_cast %get3A_123 : vector<16xi32> to vector<16xi32>
        %swap3A_125 = arith.constant 16 : index
        %swap3A_126 = tpu.vector_load %arg11[%swap3A_125] {strides = array<i32>} : memref<64xi32, #tpu.memory_space<vmem>>, vector<16xi32>,
        %swap3A_127 = vector.shape_cast %swap3A_126 : vector<16xi32> to vector<16xi32>
        %swap3A_128 = vector.shape_cast %get3A_124 : vector<16xi32> to vector<16xi32>
        tpu.vector_store %arg11[%swap3A_125], %swap3A_128 {strides = array<i32>} : memref<64xi32, #tpu.memory_space<vmem>>, vector<16xi32>,
        %get3A_129 = arith.constant 32 : index
        %get3A_130 = tpu.vector_load %arg9[%get3A_129] {strides = array<i32>} : memref<64xi32, #tpu.memory_space<vmem>>, vector<16xi32>,
        %get3A_131 = vector.shape_cast %get3A_130 : vector<16xi32> to vector<16xi32>
        %swap3A_132 = arith.constant 32 : index
        %swap3A_133 = tpu.vector_load %arg11[%swap3A_132] {strides = array<i32>} : memref<64xi32, #tpu.memory_space<vmem>>, vector<16xi32>,
        %swap3A_134 = vector.shape_cast %swap3A_133 : vector<16xi32> to vector<16xi32>
        %swap3A_135 = vector.shape_cast %get3A_131 : vector<16xi32> to vector<16xi32>
        tpu.vector_store %arg11[%swap3A_132], %swap3A_135 {strides = array<i32>} : memref<64xi32, #tpu.memory_space<vmem>>, vector<16xi32>,
        %get3A_136 = arith.constant 48 : index
        %get3A_137 = tpu.vector_load %arg9[%get3A_136] {strides = array<i32>} : memref<64xi32, #tpu.memory_space<vmem>>, vector<16xi32>,
        %get3A_138 = vector.shape_cast %get3A_137 : vector<16xi32> to vector<16xi32>
        %swap3A_139 = arith.constant 48 : index
        %swap3A_140 = tpu.vector_load %arg11[%swap3A_139] {strides = array<i32>} : memref<64xi32, #tpu.memory_space<vmem>>, vector<16xi32>,
        %swap3A_141 = vector.shape_cast %swap3A_140 : vector<16xi32> to vector<16xi32>
        %swap3A_142 = vector.shape_cast %get3A_138 : vector<16xi32> to vector<16xi32>
        tpu.vector_store %arg11[%swap3A_139], %swap3A_142 {strides = array<i32>} : memref<64xi32, #tpu.memory_space<vmem>>, vector<16xi32>,
        %mul3A_143 = arith.constant 32 : i32
        %mul3A_144 = arith.muli %mul3A_143, %mul3A_78 : i32
        %add3A_145 = arith.addi %add3A, %mul3A_144 : i32
        %lt3A_146 = arith.constant 5000 : i32
        %lt3A_147 = arith.cmpi slt, %add3A_145, %lt3A_146 : i32
        %convert_element_type3A_148 = arith.extui %lt3A_147 : i1 to i32
        %cond3A_149 = arith.constant 0 : i32
        %cond3A_150 = arith.cmpi ne, %convert_element_type3A_148, %cond3A_149 : i32
        scf.if %cond3A_150 {
          %dma_start3A_162 = arith.constant 0 : i32
          %dma_start3A_163 = arith.constant 0 : i32
          %dma_start3A_164 = tpu.memref_slice %arg25[%dma_start3A_162, %dma_start3A_163] : memref<10000x128xf32, #tpu.memory_space<vmem_shared>> -> memref<10000x128xf32, #tpu.memory_space<vmem_shared>>
          tpu.enqueue_indirect_dma source(%arg17 : memref<64x128xf32, #tpu.memory_space<vmem>>) target(%dma_start3A_164 : memref<10000x128xf32, #tpu.memory_space<vmem_shared>>) offsets(%arg11 : memref<64xi32, #tpu.memory_space<vmem>>) semaphore(%arg23 : memref<!tpu.dma_semaphore, #tpu.memory_space<semaphore_mem>>) {add = true}
        } else {
        }
        %lt3A_151 = arith.constant 156 : i32
        %lt3A_152 = arith.cmpi slt, %mul3A_78, %lt3A_151 : i32
        %convert_element_type3A_153 = arith.extui %lt3A_152 : i1 to i32
        %cond3A_154 = arith.constant 0 : i32
        %cond3A_155 = arith.cmpi ne, %convert_element_type3A_153, %cond3A_154 : i32
        scf.if %cond3A_155 {
          %add3A_162 = arith.constant 2 : i32
          %add3A_163 = arith.addi %mul3A_78, %add3A_162 : i32
          %mul3A_164 = arith.constant 32 : i32
          %mul3A_165 = arith.muli %mul3A_164, %add3A_163 : i32
          %add3A_166 = arith.addi %add3A, %mul3A_165 : i32
          %min3A_167 = arith.constant 4999 : i32
          %min3A_168 = arith.minsi %add3A_166, %min3A_167 : i32
          %mul3A_169 = arith.constant 64 : i32
          %mul3A_170 = arith.muli %min3A_168, %mul3A_169 : i32
          %dma_start3A_171 = tpu.memref_slice %arg2[%mul3A_170] : memref<320000xi32, #tpu.memory_space<hbm>> -> memref<64xi32, #tpu.memory_space<hbm>>
          %dma_start3A_172 = tpu.memref_slice %arg2[%mul3A_170] : memref<320000xi32, #tpu.memory_space<hbm>> -> memref<64xi32, #tpu.memory_space<hbm>>
          tpu.enqueue_dma source(%dma_start3A_172 : memref<64xi32, #tpu.memory_space<hbm>>) target(%arg7 : memref<64xi32, #tpu.memory_space<vmem>>) target_semaphore(%arg19 : memref<!tpu.dma_semaphore, #tpu.memory_space<semaphore_mem>>)
          %dma_start3A_173 = tpu.memref_slice %arg3[%mul3A_170] : memref<320000xi32, #tpu.memory_space<hbm>> -> memref<64xi32, #tpu.memory_space<hbm>>
          %dma_start3A_174 = tpu.memref_slice %arg3[%mul3A_170] : memref<320000xi32, #tpu.memory_space<hbm>> -> memref<64xi32, #tpu.memory_space<hbm>>
          tpu.enqueue_dma source(%dma_start3A_174 : memref<64xi32, #tpu.memory_space<hbm>>) target(%arg9 : memref<64xi32, #tpu.memory_space<vmem>>) target_semaphore(%arg19 : memref<!tpu.dma_semaphore, #tpu.memory_space<semaphore_mem>>)
        } else {
        }
        %dma_wait3A_156 = arith.constant 0 : i32
        %dma_wait3A_157 = arith.constant 0 : i32
        %dma_wait3A_158 = tpu.memref_slice %arg4[%dma_wait3A_156, %dma_wait3A_157] : memref<10000x128xf32, #tpu.memory_space<hbm>> -> memref<10000x128xf32, #tpu.memory_space<hbm>>
        tpu.wait_indirect_dma semaphore(%arg22 : memref<!tpu.dma_semaphore, #tpu.memory_space<semaphore_mem>>) src(%dma_wait3A_158 : memref<10000x128xf32, #tpu.memory_space<hbm>>) dst(%arg14 : memref<64x128xf32, #tpu.memory_space<vmem>>)
        %dma_wait3A_159 = arith.constant 0 : i32
        %dma_wait3A_160 = arith.constant 0 : i32
        %dma_wait3A_161 = tpu.memref_slice %arg5[%dma_wait3A_159, %dma_wait3A_160] : memref<10000x128xf32, #tpu.memory_space<hbm>> -> memref<10000x128xf32, #tpu.memory_space<hbm>>
        tpu.wait_indirect_dma semaphore(%arg22 : memref<!tpu.dma_semaphore, #tpu.memory_space<semaphore_mem>>) src(%dma_wait3A_161 : memref<10000x128xf32, #tpu.memory_space<hbm>>) dst(%arg16 : memref<64x128xf32, #tpu.memory_space<vmem>>)
      } else {
      }
      %mul3A_84 = arith.constant 2 : i32
      %mul3A_85 = arith.muli %mul3A_84, %scan3A_76 : i32
      %add3A_86 = arith.constant 1 : i32
      %add3A_87 = arith.addi %mul3A_85, %add3A_86 : i32
      %lt3A_88 = arith.constant 157 : i32
      %lt3A_89 = arith.cmpi slt, %add3A_87, %lt3A_88 : i32
      %convert_element_type3A_90 = arith.extui %lt3A_89 : i1 to i32
      %cond3A_91 = arith.constant 0 : i32
      %cond3A_92 = arith.cmpi ne, %convert_element_type3A_90, %cond3A_91 : i32
      scf.if %cond3A_92 {
        %dma_wait3A_93 = arith.constant 0 : i32
        %dma_wait3A_94 = tpu.memref_slice %arg2[%dma_wait3A_93] : memref<320000xi32, #tpu.memory_space<hbm>> -> memref<64xi32, #tpu.memory_space<hbm>>
        %dma_wait3A_95 = arith.constant 0 : i32
        %dma_wait3A_96 = tpu.memref_slice %arg2[%dma_wait3A_95] : memref<320000xi32, #tpu.memory_space<hbm>> -> memref<64xi32, #tpu.memory_space<hbm>>
        tpu.wait_dma2 semaphore(%arg19 : memref<!tpu.dma_semaphore, #tpu.memory_space<semaphore_mem>>) src(%dma_wait3A_96 : memref<64xi32, #tpu.memory_space<hbm>>) dst(%arg7 : memref<64xi32, #tpu.memory_space<vmem>>)
        %dma_wait3A_97 = arith.constant 0 : i32
        %dma_wait3A_98 = tpu.memref_slice %arg3[%dma_wait3A_97] : memref<320000xi32, #tpu.memory_space<hbm>> -> memref<64xi32, #tpu.memory_space<hbm>>
        %dma_wait3A_99 = arith.constant 0 : i32
        %dma_wait3A_100 = tpu.memref_slice %arg3[%dma_wait3A_99] : memref<320000xi32, #tpu.memory_space<hbm>> -> memref<64xi32, #tpu.memory_space<hbm>>
        tpu.wait_dma2 semaphore(%arg19 : memref<!tpu.dma_semaphore, #tpu.memory_space<semaphore_mem>>) src(%dma_wait3A_100 : memref<64xi32, #tpu.memory_space<hbm>>) dst(%arg9 : memref<64xi32, #tpu.memory_space<vmem>>)
        %dma_start3A_101 = arith.constant 0 : i32
        %dma_start3A_102 = arith.constant 0 : i32
        %dma_start3A_103 = tpu.memref_slice %arg4[%dma_start3A_101, %dma_start3A_102] : memref<10000x128xf32, #tpu.memory_space<hbm>> -> memref<10000x128xf32, #tpu.memory_space<hbm>>
        tpu.enqueue_indirect_dma source(%dma_start3A_103 : memref<10000x128xf32, #tpu.memory_space<hbm>>) target(%arg13 : memref<64x128xf32, #tpu.memory_space<vmem>>) offsets(%arg7 : memref<64xi32, #tpu.memory_space<vmem>>) semaphore(%arg21 : memref<!tpu.dma_semaphore, #tpu.memory_space<semaphore_mem>>)
        %dma_start3A_104 = arith.constant 0 : i32
        %dma_start3A_105 = arith.constant 0 : i32
        %dma_start3A_106 = tpu.memref_slice %arg5[%dma_start3A_104, %dma_start3A_105] : memref<10000x128xf32, #tpu.memory_space<hbm>> -> memref<10000x128xf32, #tpu.memory_space<hbm>>
        tpu.enqueue_indirect_dma source(%dma_start3A_106 : memref<10000x128xf32, #tpu.memory_space<hbm>>) target(%arg15 : memref<64x128xf32, #tpu.memory_space<vmem>>) offsets(%arg9 : memref<64xi32, #tpu.memory_space<vmem>>) semaphore(%arg21 : memref<!tpu.dma_semaphore, #tpu.memory_space<semaphore_mem>>)
        %ge3A = arith.constant 2 : i32
        %ge3A_107 = arith.cmpi sge, %add3A_87, %ge3A : i32
        %convert_element_type3A_108 = arith.extui %ge3A_107 : i1 to i32
        %cond3A_109 = arith.constant 0 : i32
        %cond3A_110 = arith.cmpi ne, %convert_element_type3A_108, %cond3A_109 : i32
        scf.if %cond3A_110 {
          %dma_wait3A_162 = arith.constant 0 : i32
          %dma_wait3A_163 = arith.constant 0 : i32
          %dma_wait3A_164 = tpu.memref_slice %arg25[%dma_wait3A_162, %dma_wait3A_163] : memref<10000x128xf32, #tpu.memory_space<vmem_shared>> -> memref<10000x128xf32, #tpu.memory_space<vmem_shared>>
          tpu.wait_indirect_dma semaphore(%arg24 : memref<!tpu.dma_semaphore, #tpu.memory_space<semaphore_mem>>) src(%arg18 : memref<64x128xf32, #tpu.memory_space<vmem>>) dst(%dma_wait3A_164 : memref<10000x128xf32, #tpu.memory_space<vmem_shared>>)
        } else {
        }
        %scan3A_111 = arith.constant 0 : i32
        %scan3A_112 = arith.constant 0 : i32
        %scan3A_113 = arith.constant 64 : i32
        %scan3A_114 = arith.addi %scan3A_112, %scan3A_113 : i32
        %scan3A_115 = arith.constant 1 : i32
        scf.for %scan3A_162 = %scan3A_112 to %scan3A_114 step %scan3A_115  : i32 {
          %get3A_163 = arith.index_cast %scan3A_162 : i32 to index
          %get3A_164 = arith.constant 64 : index
          %get3A_165 = tpu.vector_load %arg14[%get3A_163, %get3A_164] {strides = array<i32>} : memref<64x128xf32, #tpu.memory_space<vmem>>, vector<1x16xf32>,
          %get3A_166 = vector.shape_cast %get3A_165 : vector<1x16xf32> to vector<16xf32>
          %get3A_167 = arith.index_cast %scan3A_162 : i32 to index
          %get3A_168 = arith.constant 0 : index
          %get3A_169 = tpu.vector_load %arg16[%get3A_167, %get3A_168] {strides = array<i32>} : memref<64x128xf32, #tpu.memory_space<vmem>>, vector<1x16xf32>,
          %get3A_170 = vector.shape_cast %get3A_169 : vector<1x16xf32> to vector<16xf32>
          %add3A_171 = arith.addf %get3A_166, %get3A_170 : vector<16xf32>
          %mul3A_172 = arith.constant 2.000000e-01 : f32
          %mul3A_173 = vector.broadcast %mul3A_172 : f32 to vector<16xf32>
          %mul3A_174 = arith.mulf %mul3A_173, %add3A_171 : vector<16xf32>
          %max3A = arith.maximumf %add3A_171, %mul3A_174 : vector<16xf32>
          %exp3A = math.exp %max3A : vector<16xf32>
          %get3A_175 = arith.index_cast %scan3A_162 : i32 to index
          %get3A_176 = arith.constant 0 : index
          %get3A_177 = tpu.vector_load %arg14[%get3A_175, %get3A_176] {strides = array<i32>} : memref<64x128xf32, #tpu.memory_space<vmem>>, vector<1x16xf32>,
          %get3A_178 = vector.shape_cast %get3A_177 : vector<1x16xf32> to vector<16xf32>
          %mul3A_179 = arith.mulf %get3A_178, %exp3A : vector<16xf32>
          %swap3A_180 = arith.index_cast %scan3A_162 : i32 to index
          %swap3A_181 = arith.constant 0 : index
          %swap3A_182 = tpu.vector_load %arg18[%swap3A_180, %swap3A_181] {strides = array<i32>} : memref<64x128xf32, #tpu.memory_space<vmem>>, vector<1x16xf32>,
          %swap3A_183 = vector.shape_cast %swap3A_182 : vector<1x16xf32> to vector<16xf32>
          %swap3A_184 = vector.shape_cast %mul3A_179 : vector<16xf32> to vector<1x16xf32>
          tpu.vector_store %arg18[%swap3A_180, %swap3A_181], %swap3A_184 {strides = array<i32>} : memref<64x128xf32, #tpu.memory_space<vmem>>, vector<1x16xf32>,
          %swap3A_185 = arith.index_cast %scan3A_162 : i32 to index
          %swap3A_186 = arith.constant 64 : index
          %swap3A_187 = tpu.vector_load %arg18[%swap3A_185, %swap3A_186] {strides = array<i32>} : memref<64x128xf32, #tpu.memory_space<vmem>>, vector<1x16xf32>,
          %swap3A_188 = vector.shape_cast %swap3A_187 : vector<1x16xf32> to vector<16xf32>
          %swap3A_189 = vector.shape_cast %exp3A : vector<16xf32> to vector<1x16xf32>
          tpu.vector_store %arg18[%swap3A_185, %swap3A_186], %swap3A_189 {strides = array<i32>} : memref<64x128xf32, #tpu.memory_space<vmem>>, vector<1x16xf32>,
          %get3A_190 = arith.index_cast %scan3A_162 : i32 to index
          %get3A_191 = arith.constant 80 : index
          %get3A_192 = tpu.vector_load %arg14[%get3A_190, %get3A_191] {strides = array<i32>} : memref<64x128xf32, #tpu.memory_space<vmem>>, vector<1x16xf32>,
          %get3A_193 = vector.shape_cast %get3A_192 : vector<1x16xf32> to vector<16xf32>
          %get3A_194 = arith.index_cast %scan3A_162 : i32 to index
          %get3A_195 = arith.constant 16 : index
          %get3A_196 = tpu.vector_load %arg16[%get3A_194, %get3A_195] {strides = array<i32>} : memref<64x128xf32, #tpu.memory_space<vmem>>, vector<1x16xf32>,
          %get3A_197 = vector.shape_cast %get3A_196 : vector<1x16xf32> to vector<16xf32>
          %add3A_198 = arith.addf %get3A_193, %get3A_197 : vector<16xf32>
          %mul3A_199 = arith.constant 2.000000e-01 : f32
          %mul3A_200 = vector.broadcast %mul3A_199 : f32 to vector<16xf32>
          %mul3A_201 = arith.mulf %mul3A_200, %add3A_198 : vector<16xf32>
          %max3A_202 = arith.maximumf %add3A_198, %mul3A_201 : vector<16xf32>
          %exp3A_203 = math.exp %max3A_202 : vector<16xf32>
          %get3A_204 = arith.index_cast %scan3A_162 : i32 to index
          %get3A_205 = arith.constant 16 : index
          %get3A_206 = tpu.vector_load %arg14[%get3A_204, %get3A_205] {strides = array<i32>} : memref<64x128xf32, #tpu.memory_space<vmem>>, vector<1x16xf32>,
          %get3A_207 = vector.shape_cast %get3A_206 : vector<1x16xf32> to vector<16xf32>
          %mul3A_208 = arith.mulf %get3A_207, %exp3A_203 : vector<16xf32>
          %swap3A_209 = arith.index_cast %scan3A_162 : i32 to index
          %swap3A_210 = arith.constant 16 : index
          %swap3A_211 = tpu.vector_load %arg18[%swap3A_209, %swap3A_210] {strides = array<i32>} : memref<64x128xf32, #tpu.memory_space<vmem>>, vector<1x16xf32>,
          %swap3A_212 = vector.shape_cast %swap3A_211 : vector<1x16xf32> to vector<16xf32>
          %swap3A_213 = vector.shape_cast %mul3A_208 : vector<16xf32> to vector<1x16xf32>
          tpu.vector_store %arg18[%swap3A_209, %swap3A_210], %swap3A_213 {strides = array<i32>} : memref<64x128xf32, #tpu.memory_space<vmem>>, vector<1x16xf32>,
          %swap3A_214 = arith.index_cast %scan3A_162 : i32 to index
          %swap3A_215 = arith.constant 80 : index
          %swap3A_216 = tpu.vector_load %arg18[%swap3A_214, %swap3A_215] {strides = array<i32>} : memref<64x128xf32, #tpu.memory_space<vmem>>, vector<1x16xf32>,
          %swap3A_217 = vector.shape_cast %swap3A_216 : vector<1x16xf32> to vector<16xf32>
          %swap3A_218 = vector.shape_cast %exp3A_203 : vector<16xf32> to vector<1x16xf32>
          tpu.vector_store %arg18[%swap3A_214, %swap3A_215], %swap3A_218 {strides = array<i32>} : memref<64x128xf32, #tpu.memory_space<vmem>>, vector<1x16xf32>,
          %get3A_219 = arith.index_cast %scan3A_162 : i32 to index
          %get3A_220 = arith.constant 96 : index
          %get3A_221 = tpu.vector_load %arg14[%get3A_219, %get3A_220] {strides = array<i32>} : memref<64x128xf32, #tpu.memory_space<vmem>>, vector<1x16xf32>,
          %get3A_222 = vector.shape_cast %get3A_221 : vector<1x16xf32> to vector<16xf32>
          %get3A_223 = arith.index_cast %scan3A_162 : i32 to index
          %get3A_224 = arith.constant 32 : index
          %get3A_225 = tpu.vector_load %arg16[%get3A_223, %get3A_224] {strides = array<i32>} : memref<64x128xf32, #tpu.memory_space<vmem>>, vector<1x16xf32>,
          %get3A_226 = vector.shape_cast %get3A_225 : vector<1x16xf32> to vector<16xf32>
          %add3A_227 = arith.addf %get3A_222, %get3A_226 : vector<16xf32>
          %mul3A_228 = arith.constant 2.000000e-01 : f32
          %mul3A_229 = vector.broadcast %mul3A_228 : f32 to vector<16xf32>
          %mul3A_230 = arith.mulf %mul3A_229, %add3A_227 : vector<16xf32>
          %max3A_231 = arith.maximumf %add3A_227, %mul3A_230 : vector<16xf32>
          %exp3A_232 = math.exp %max3A_231 : vector<16xf32>
          %get3A_233 = arith.index_cast %scan3A_162 : i32 to index
          %get3A_234 = arith.constant 32 : index
          %get3A_235 = tpu.vector_load %arg14[%get3A_233, %get3A_234] {strides = array<i32>} : memref<64x128xf32, #tpu.memory_space<vmem>>, vector<1x16xf32>,
          %get3A_236 = vector.shape_cast %get3A_235 : vector<1x16xf32> to vector<16xf32>
          %mul3A_237 = arith.mulf %get3A_236, %exp3A_232 : vector<16xf32>
          %swap3A_238 = arith.index_cast %scan3A_162 : i32 to index
          %swap3A_239 = arith.constant 32 : index
          %swap3A_240 = tpu.vector_load %arg18[%swap3A_238, %swap3A_239] {strides = array<i32>} : memref<64x128xf32, #tpu.memory_space<vmem>>, vector<1x16xf32>,
          %swap3A_241 = vector.shape_cast %swap3A_240 : vector<1x16xf32> to vector<16xf32>
          %swap3A_242 = vector.shape_cast %mul3A_237 : vector<16xf32> to vector<1x16xf32>
          tpu.vector_store %arg18[%swap3A_238, %swap3A_239], %swap3A_242 {strides = array<i32>} : memref<64x128xf32, #tpu.memory_space<vmem>>, vector<1x16xf32>,
          %swap3A_243 = arith.index_cast %scan3A_162 : i32 to index
          %swap3A_244 = arith.constant 96 : index
          %swap3A_245 = tpu.vector_load %arg18[%swap3A_243, %swap3A_244] {strides = array<i32>} : memref<64x128xf32, #tpu.memory_space<vmem>>, vector<1x16xf32>,
          %swap3A_246 = vector.shape_cast %swap3A_245 : vector<1x16xf32> to vector<16xf32>
          %swap3A_247 = vector.shape_cast %exp3A_232 : vector<16xf32> to vector<1x16xf32>
          tpu.vector_store %arg18[%swap3A_243, %swap3A_244], %swap3A_247 {strides = array<i32>} : memref<64x128xf32, #tpu.memory_space<vmem>>, vector<1x16xf32>,
          %get3A_248 = arith.index_cast %scan3A_162 : i32 to index
          %get3A_249 = arith.constant 112 : index
          %get3A_250 = tpu.vector_load %arg14[%get3A_248, %get3A_249] {strides = array<i32>} : memref<64x128xf32, #tpu.memory_space<vmem>>, vector<1x16xf32>,
          %get3A_251 = vector.shape_cast %get3A_250 : vector<1x16xf32> to vector<16xf32>
          %get3A_252 = arith.index_cast %scan3A_162 : i32 to index
          %get3A_253 = arith.constant 48 : index
          %get3A_254 = tpu.vector_load %arg16[%get3A_252, %get3A_253] {strides = array<i32>} : memref<64x128xf32, #tpu.memory_space<vmem>>, vector<1x16xf32>,
          %get3A_255 = vector.shape_cast %get3A_254 : vector<1x16xf32> to vector<16xf32>
          %add3A_256 = arith.addf %get3A_251, %get3A_255 : vector<16xf32>
          %mul3A_257 = arith.constant 2.000000e-01 : f32
          %mul3A_258 = vector.broadcast %mul3A_257 : f32 to vector<16xf32>
          %mul3A_259 = arith.mulf %mul3A_258, %add3A_256 : vector<16xf32>
          %max3A_260 = arith.maximumf %add3A_256, %mul3A_259 : vector<16xf32>
          %exp3A_261 = math.exp %max3A_260 : vector<16xf32>
          %get3A_262 = arith.index_cast %scan3A_162 : i32 to index
          %get3A_263 = arith.constant 48 : index
          %get3A_264 = tpu.vector_load %arg14[%get3A_262, %get3A_263] {strides = array<i32>} : memref<64x128xf32, #tpu.memory_space<vmem>>, vector<1x16xf32>,
          %get3A_265 = vector.shape_cast %get3A_264 : vector<1x16xf32> to vector<16xf32>
          %mul3A_266 = arith.mulf %get3A_265, %exp3A_261 : vector<16xf32>
          %swap3A_267 = arith.index_cast %scan3A_162 : i32 to index
          %swap3A_268 = arith.constant 48 : index
          %swap3A_269 = tpu.vector_load %arg18[%swap3A_267, %swap3A_268] {strides = array<i32>} : memref<64x128xf32, #tpu.memory_space<vmem>>, vector<1x16xf32>,
          %swap3A_270 = vector.shape_cast %swap3A_269 : vector<1x16xf32> to vector<16xf32>
          %swap3A_271 = vector.shape_cast %mul3A_266 : vector<16xf32> to vector<1x16xf32>
          tpu.vector_store %arg18[%swap3A_267, %swap3A_268], %swap3A_271 {strides = array<i32>} : memref<64x128xf32, #tpu.memory_space<vmem>>, vector<1x16xf32>,
          %swap3A_272 = arith.index_cast %scan3A_162 : i32 to index
          %swap3A_273 = arith.constant 112 : index
          %swap3A_274 = tpu.vector_load %arg18[%swap3A_272, %swap3A_273] {strides = array<i32>} : memref<64x128xf32, #tpu.memory_space<vmem>>, vector<1x16xf32>,
          %swap3A_275 = vector.shape_cast %swap3A_274 : vector<1x16xf32> to vector<16xf32>
          %swap3A_276 = vector.shape_cast %exp3A_261 : vector<16xf32> to vector<1x16xf32>
          tpu.vector_store %arg18[%swap3A_272, %swap3A_273], %swap3A_276 {strides = array<i32>} : memref<64x128xf32, #tpu.memory_space<vmem>>, vector<1x16xf32>,
        }
        %scan3A_116 = arith.constant 64 : i32
        %get3A = arith.constant 0 : index
        %get3A_117 = tpu.vector_load %arg10[%get3A] {strides = array<i32>} : memref<64xi32, #tpu.memory_space<vmem>>, vector<16xi32>,
        %get3A_118 = vector.shape_cast %get3A_117 : vector<16xi32> to vector<16xi32>
        %swap3A = arith.constant 0 : index
        %swap3A_119 = tpu.vector_load %arg12[%swap3A] {strides = array<i32>} : memref<64xi32, #tpu.memory_space<vmem>>, vector<16xi32>,
        %swap3A_120 = vector.shape_cast %swap3A_119 : vector<16xi32> to vector<16xi32>
        %swap3A_121 = vector.shape_cast %get3A_118 : vector<16xi32> to vector<16xi32>
        tpu.vector_store %arg12[%swap3A], %swap3A_121 {strides = array<i32>} : memref<64xi32, #tpu.memory_space<vmem>>, vector<16xi32>,
        %get3A_122 = arith.constant 16 : index
        %get3A_123 = tpu.vector_load %arg10[%get3A_122] {strides = array<i32>} : memref<64xi32, #tpu.memory_space<vmem>>, vector<16xi32>,
        %get3A_124 = vector.shape_cast %get3A_123 : vector<16xi32> to vector<16xi32>
        %swap3A_125 = arith.constant 16 : index
        %swap3A_126 = tpu.vector_load %arg12[%swap3A_125] {strides = array<i32>} : memref<64xi32, #tpu.memory_space<vmem>>, vector<16xi32>,
        %swap3A_127 = vector.shape_cast %swap3A_126 : vector<16xi32> to vector<16xi32>
        %swap3A_128 = vector.shape_cast %get3A_124 : vector<16xi32> to vector<16xi32>
        tpu.vector_store %arg12[%swap3A_125], %swap3A_128 {strides = array<i32>} : memref<64xi32, #tpu.memory_space<vmem>>, vector<16xi32>,
        %get3A_129 = arith.constant 32 : index
        %get3A_130 = tpu.vector_load %arg10[%get3A_129] {strides = array<i32>} : memref<64xi32, #tpu.memory_space<vmem>>, vector<16xi32>,
        %get3A_131 = vector.shape_cast %get3A_130 : vector<16xi32> to vector<16xi32>
        %swap3A_132 = arith.constant 32 : index
        %swap3A_133 = tpu.vector_load %arg12[%swap3A_132] {strides = array<i32>} : memref<64xi32, #tpu.memory_space<vmem>>, vector<16xi32>,
        %swap3A_134 = vector.shape_cast %swap3A_133 : vector<16xi32> to vector<16xi32>
        %swap3A_135 = vector.shape_cast %get3A_131 : vector<16xi32> to vector<16xi32>
        tpu.vector_store %arg12[%swap3A_132], %swap3A_135 {strides = array<i32>} : memref<64xi32, #tpu.memory_space<vmem>>, vector<16xi32>,
        %get3A_136 = arith.constant 48 : index
        %get3A_137 = tpu.vector_load %arg10[%get3A_136] {strides = array<i32>} : memref<64xi32, #tpu.memory_space<vmem>>, vector<16xi32>,
        %get3A_138 = vector.shape_cast %get3A_137 : vector<16xi32> to vector<16xi32>
        %swap3A_139 = arith.constant 48 : index
        %swap3A_140 = tpu.vector_load %arg12[%swap3A_139] {strides = array<i32>} : memref<64xi32, #tpu.memory_space<vmem>>, vector<16xi32>,
        %swap3A_141 = vector.shape_cast %swap3A_140 : vector<16xi32> to vector<16xi32>
        %swap3A_142 = vector.shape_cast %get3A_138 : vector<16xi32> to vector<16xi32>
        tpu.vector_store %arg12[%swap3A_139], %swap3A_142 {strides = array<i32>} : memref<64xi32, #tpu.memory_space<vmem>>, vector<16xi32>,
        %mul3A_143 = arith.constant 32 : i32
        %mul3A_144 = arith.muli %mul3A_143, %add3A_87 : i32
        %add3A_145 = arith.addi %add3A, %mul3A_144 : i32
        %lt3A_146 = arith.constant 5000 : i32
        %lt3A_147 = arith.cmpi slt, %add3A_145, %lt3A_146 : i32
        %convert_element_type3A_148 = arith.extui %lt3A_147 : i1 to i32
        %cond3A_149 = arith.constant 0 : i32
        %cond3A_150 = arith.cmpi ne, %convert_element_type3A_148, %cond3A_149 : i32
        scf.if %cond3A_150 {
          %dma_start3A_162 = arith.constant 0 : i32
          %dma_start3A_163 = arith.constant 0 : i32
          %dma_start3A_164 = tpu.memref_slice %arg25[%dma_start3A_162, %dma_start3A_163] : memref<10000x128xf32, #tpu.memory_space<vmem_shared>> -> memref<10000x128xf32, #tpu.memory_space<vmem_shared>>
          tpu.enqueue_indirect_dma source(%arg18 : memref<64x128xf32, #tpu.memory_space<vmem>>) target(%dma_start3A_164 : memref<10000x128xf32, #tpu.memory_space<vmem_shared>>) offsets(%arg12 : memref<64xi32, #tpu.memory_space<vmem>>) semaphore(%arg24 : memref<!tpu.dma_semaphore, #tpu.memory_space<semaphore_mem>>) {add = true}
        } else {
        }
        %lt3A_151 = arith.constant 156 : i32
        %lt3A_152 = arith.cmpi slt, %add3A_87, %lt3A_151 : i32
        %convert_element_type3A_153 = arith.extui %lt3A_152 : i1 to i32
        %cond3A_154 = arith.constant 0 : i32
        %cond3A_155 = arith.cmpi ne, %convert_element_type3A_153, %cond3A_154 : i32
        scf.if %cond3A_155 {
          %add3A_162 = arith.constant 2 : i32
          %add3A_163 = arith.addi %add3A_87, %add3A_162 : i32
          %mul3A_164 = arith.constant 32 : i32
          %mul3A_165 = arith.muli %mul3A_164, %add3A_163 : i32
          %add3A_166 = arith.addi %add3A, %mul3A_165 : i32
          %min3A_167 = arith.constant 4999 : i32
          %min3A_168 = arith.minsi %add3A_166, %min3A_167 : i32
          %mul3A_169 = arith.constant 64 : i32
          %mul3A_170 = arith.muli %min3A_168, %mul3A_169 : i32
          %dma_start3A_171 = tpu.memref_slice %arg2[%mul3A_170] : memref<320000xi32, #tpu.memory_space<hbm>> -> memref<64xi32, #tpu.memory_space<hbm>>
          %dma_start3A_172 = tpu.memref_slice %arg2[%mul3A_170] : memref<320000xi32, #tpu.memory_space<hbm>> -> memref<64xi32, #tpu.memory_space<hbm>>
          tpu.enqueue_dma source(%dma_start3A_172 : memref<64xi32, #tpu.memory_space<hbm>>) target(%arg8 : memref<64xi32, #tpu.memory_space<vmem>>) target_semaphore(%arg20 : memref<!tpu.dma_semaphore, #tpu.memory_space<semaphore_mem>>)
          %dma_start3A_173 = tpu.memref_slice %arg3[%mul3A_170] : memref<320000xi32, #tpu.memory_space<hbm>> -> memref<64xi32, #tpu.memory_space<hbm>>
          %dma_start3A_174 = tpu.memref_slice %arg3[%mul3A_170] : memref<320000xi32, #tpu.memory_space<hbm>> -> memref<64xi32, #tpu.memory_space<hbm>>
          tpu.enqueue_dma source(%dma_start3A_174 : memref<64xi32, #tpu.memory_space<hbm>>) target(%arg10 : memref<64xi32, #tpu.memory_space<vmem>>) target_semaphore(%arg20 : memref<!tpu.dma_semaphore, #tpu.memory_space<semaphore_mem>>)
        } else {
        }
        %dma_wait3A_156 = arith.constant 0 : i32
        %dma_wait3A_157 = arith.constant 0 : i32
        %dma_wait3A_158 = tpu.memref_slice %arg4[%dma_wait3A_156, %dma_wait3A_157] : memref<10000x128xf32, #tpu.memory_space<hbm>> -> memref<10000x128xf32, #tpu.memory_space<hbm>>
        tpu.wait_indirect_dma semaphore(%arg21 : memref<!tpu.dma_semaphore, #tpu.memory_space<semaphore_mem>>) src(%dma_wait3A_158 : memref<10000x128xf32, #tpu.memory_space<hbm>>) dst(%arg13 : memref<64x128xf32, #tpu.memory_space<vmem>>)
        %dma_wait3A_159 = arith.constant 0 : i32
        %dma_wait3A_160 = arith.constant 0 : i32
        %dma_wait3A_161 = tpu.memref_slice %arg5[%dma_wait3A_159, %dma_wait3A_160] : memref<10000x128xf32, #tpu.memory_space<hbm>> -> memref<10000x128xf32, #tpu.memory_space<hbm>>
        tpu.wait_indirect_dma semaphore(%arg21 : memref<!tpu.dma_semaphore, #tpu.memory_space<semaphore_mem>>) src(%dma_wait3A_161 : memref<10000x128xf32, #tpu.memory_space<hbm>>) dst(%arg15 : memref<64x128xf32, #tpu.memory_space<vmem>>)
      } else {
      }
    }
    %scan3A_54 = arith.constant 79 : i32
    %dma_wait3A_55 = arith.constant 0 : i32
    %dma_wait3A_56 = arith.constant 0 : i32
    %dma_wait3A_57 = tpu.memref_slice %arg25[%dma_wait3A_55, %dma_wait3A_56] : memref<10000x128xf32, #tpu.memory_space<vmem_shared>> -> memref<10000x128xf32, #tpu.memory_space<vmem_shared>>
    tpu.wait_indirect_dma semaphore(%arg24 : memref<!tpu.dma_semaphore, #tpu.memory_space<semaphore_mem>>) src(%arg18 : memref<64x128xf32, #tpu.memory_space<vmem>>) dst(%dma_wait3A_57 : memref<10000x128xf32, #tpu.memory_space<vmem_shared>>)
    %add3A_58 = arith.constant 4992 : i32
    %add3A_59 = arith.addi %add3A, %add3A_58 : i32
    %lt3A_60 = arith.constant 5000 : i32
    %lt3A_61 = arith.cmpi slt, %add3A_59, %lt3A_60 : i32
    %convert_element_type3A_62 = arith.extui %lt3A_61 : i1 to i32
    %cond3A_63 = arith.constant 0 : i32
    %cond3A_64 = arith.cmpi ne, %convert_element_type3A_62, %cond3A_63 : i32
    scf.if %cond3A_64 {
      %dma_wait3A_76 = arith.constant 0 : i32
      %dma_wait3A_77 = arith.constant 0 : i32
      %dma_wait3A_78 = tpu.memref_slice %arg25[%dma_wait3A_76, %dma_wait3A_77] : memref<10000x128xf32, #tpu.memory_space<vmem_shared>> -> memref<10000x128xf32, #tpu.memory_space<vmem_shared>>
      tpu.wait_indirect_dma semaphore(%arg23 : memref<!tpu.dma_semaphore, #tpu.memory_space<semaphore_mem>>) src(%arg17 : memref<64x128xf32, #tpu.memory_space<vmem>>) dst(%dma_wait3A_78 : memref<10000x128xf32, #tpu.memory_space<vmem_shared>>)
    } else {
    }
    %barrier3A_65 = arith.constant 0 : index
    tpu.barrier barrier_id(%barrier3A_65)
    %lt3A_66 = arith.constant 15 : i32
    %lt3A_67 = arith.cmpi slt, %arg1, %lt3A_66 : i32
    %convert_element_type3A_68 = arith.extui %lt3A_67 : i1 to i32
    %cond3A_69 = arith.constant 0 : i32
    %cond3A_70 = arith.cmpi ne, %convert_element_type3A_68, %cond3A_69 : i32
    scf.if %cond3A_70 {
      %mul3A_76 = arith.constant 624 : i32
      %mul3A_77 = arith.muli %arg1, %mul3A_76 : i32
      %mul3A_78 = arith.constant 624 : i32
      %mul3A_79 = arith.muli %arg1, %mul3A_78 : i32
      %mul3A_80 = arith.constant 10000 : i32
      %mul3A_81 = arith.muli %arg0, %mul3A_80 : i32
      %add3A_82 = arith.addi %mul3A_81, %mul3A_79 : i32
      "tpu.region"() ({
        %run_scoped3A = tpu.sem_alloc : memref<!tpu.dma_semaphore, #tpu.memory_space<semaphore_mem>>
        %dma_start3A_83 = arith.constant 0 : i32
        %dma_start3A_84 = tpu.memref_slice %arg6[%add3A_82, %dma_start3A_83] : memref<20000x128xf32, #tpu.memory_space<hbm>> -> memref<624x128xf32, #tpu.memory_space<hbm>>
        %dma_start3A_85 = arith.constant 0 : i32
        %dma_start3A_86 = tpu.memref_slice %arg25[%mul3A_77, %dma_start3A_85] : memref<10000x128xf32, #tpu.memory_space<vmem_shared>> -> memref<624x128xf32, #tpu.memory_space<vmem_shared>>
        tpu.enqueue_dma source(%dma_start3A_86 : memref<624x128xf32, #tpu.memory_space<vmem_shared>>) target(%dma_start3A_84 : memref<624x128xf32, #tpu.memory_space<hbm>>) target_semaphore(%run_scoped3A : memref<!tpu.dma_semaphore, #tpu.memory_space<semaphore_mem>>)
        %dma_wait3A_87 = arith.constant 0 : i32
        %dma_wait3A_88 = tpu.memref_slice %arg6[%add3A_82, %dma_wait3A_87] : memref<20000x128xf32, #tpu.memory_space<hbm>> -> memref<624x128xf32, #tpu.memory_space<hbm>>
        %dma_wait3A_89 = arith.constant 0 : i32
        %dma_wait3A_90 = tpu.memref_slice %arg25[%mul3A_77, %dma_wait3A_89] : memref<10000x128xf32, #tpu.memory_space<vmem_shared>> -> memref<624x128xf32, #tpu.memory_space<vmem_shared>>
        tpu.wait_dma2 semaphore(%run_scoped3A : memref<!tpu.dma_semaphore, #tpu.memory_space<semaphore_mem>>) src(%dma_wait3A_90 : memref<624x128xf32, #tpu.memory_space<vmem_shared>>) dst(%dma_wait3A_88 : memref<624x128xf32, #tpu.memory_space<hbm>>)
        tpu.yield
      }) : () -> ()
    } else {
    }
    %eq3A_71 = arith.constant 15 : i32
    %eq3A_72 = arith.cmpi eq, %arg1, %eq3A_71 : i32
    %convert_element_type3A_73 = arith.extui %eq3A_72 : i1 to i32
    %cond3A_74 = arith.constant 0 : i32
    %cond3A_75 = arith.cmpi ne, %convert_element_type3A_73, %cond3A_74 : i32
    scf.if %cond3A_75 {
      %mul3A_76 = arith.constant 10000 : i32
      %mul3A_77 = arith.muli %arg0, %mul3A_76 : i32
      %add3A_78 = arith.constant 9360 : i32
      %add3A_79 = arith.addi %mul3A_77, %add3A_78 : i32
      "tpu.region"() ({
        %run_scoped3A = tpu.sem_alloc : memref<!tpu.dma_semaphore, #tpu.memory_space<semaphore_mem>>
        %dma_start3A_80 = arith.constant 0 : i32
        %dma_start3A_81 = tpu.memref_slice %arg6[%add3A_79, %dma_start3A_80] : memref<20000x128xf32, #tpu.memory_space<hbm>> -> memref<640x128xf32, #tpu.memory_space<hbm>>
        %dma_start3A_82 = arith.constant 9360 : i32
        %dma_start3A_83 = arith.constant 0 : i32
        %dma_start3A_84 = tpu.memref_slice %arg25[%dma_start3A_82, %dma_start3A_83] : memref<10000x128xf32, #tpu.memory_space<vmem_shared>> -> memref<640x128xf32, #tpu.memory_space<vmem_shared>>
        tpu.enqueue_dma source(%dma_start3A_84 : memref<640x128xf32, #tpu.memory_space<vmem_shared>>) target(%dma_start3A_81 : memref<640x128xf32, #tpu.memory_space<hbm>>) target_semaphore(%run_scoped3A : memref<!tpu.dma_semaphore, #tpu.memory_space<semaphore_mem>>)
        %dma_wait3A_85 = arith.constant 0 : i32
        %dma_wait3A_86 = tpu.memref_slice %arg6[%add3A_79, %dma_wait3A_85] : memref<20000x128xf32, #tpu.memory_space<hbm>> -> memref<640x128xf32, #tpu.memory_space<hbm>>
        %dma_wait3A_87 = arith.constant 9360 : i32
        %dma_wait3A_88 = arith.constant 0 : i32
        %dma_wait3A_89 = tpu.memref_slice %arg25[%dma_wait3A_87, %dma_wait3A_88] : memref<10000x128xf32, #tpu.memory_space<vmem_shared>> -> memref<640x128xf32, #tpu.memory_space<vmem_shared>>
        tpu.wait_dma2 semaphore(%run_scoped3A : memref<!tpu.dma_semaphore, #tpu.memory_space<semaphore_mem>>) src(%dma_wait3A_89 : memref<640x128xf32, #tpu.memory_space<vmem_shared>>) dst(%dma_wait3A_86 : memref<640x128xf32, #tpu.memory_space<hbm>>)
        tpu.yield
      }) : () -> ()
    } else {
    }
    return
  }
}

module attributes {stable_mosaic.version = 14 : i64} {
  func.func @_t1_body(%arg0: i32, %arg1: memref<1000x128xf32, #tpu.memory_space<vmem>>, %arg2: memref<128x256xf32, #tpu.memory_space<vmem>>, %arg3: memref<1000x128xf32, #tpu.memory_space<vmem>>, %arg4: memref<1000x128xf32, #tpu.memory_space<vmem>>) attributes {dimension_semantics = [#tpu.dimension_semantics<arbitrary>], iteration_bounds = array<i64: 10>, scalar_prefetch = 0 : i64, scratch_operands = 0 : i64, tpu.core_type = #tpu.core_type<tc>, window_params = [{transform_indices = @transform_0, window_bounds = array<i64: 1000, 128>}, {pipeline_mode = #tpu.pipeline_mode<synchronous>, transform_indices = @transform_1, window_bounds = array<i64: 128, 256>}, {transform_indices = @transform_2, window_bounds = array<i64: 1000, 128>}, {transform_indices = @transform_3, window_bounds = array<i64: 1000, 128>}]} {
    %get3A = arith.constant 0 : index
    %get3A_0 = arith.constant 0 : index
    %get3A_1 = vector.load %arg1[%get3A, %get3A_0] : memref<1000x128xf32, #tpu.memory_space<vmem>>, vector<1000x128xf32>
    %get3A_2 = arith.constant 0 : index
    %get3A_3 = arith.constant 0 : index
    %get3A_4 = vector.load %arg2[%get3A_2, %get3A_3] : memref<128x256xf32, #tpu.memory_space<vmem>>, vector<128x256xf32>
    %dot_general3A = arith.constant dense<0.000000e+00> : vector<1000x256xf32>
    %dot_general3A_5 = tpu.matmul %get3A_1, %get3A_4, %dot_general3A {dimension_numbers = #tpu.dot_dimension_numbers<[1], [0], [0], [1], [0, 0, 1, 1], [], []>, transpose_lhs_hint = false} : vector<1000x128xf32>, vector<128x256xf32>, vector<1000x256xf32> -> vector<1000x256xf32>
    %slice3A = vector.extract_strided_slice %dot_general3A_5 {offsets = [0, 0], sizes = [1000, 128], strides = [1, 1]} : vector<1000x256xf32> to vector<1000x128xf32>
    %swap3A = arith.constant 0 : index
    %swap3A_6 = arith.constant 0 : index
    %swap3A_7 = vector.load %arg3[%swap3A, %swap3A_6] : memref<1000x128xf32, #tpu.memory_space<vmem>>, vector<1000x128xf32>
    tpu.vector_store %arg3[%swap3A, %swap3A_6], %slice3A {strides = array<i32>} : memref<1000x128xf32, #tpu.memory_space<vmem>>, vector<1000x128xf32>,
    %slice3A_8 = vector.extract_strided_slice %dot_general3A_5 {offsets = [0, 128], sizes = [1000, 128], strides = [1, 1]} : vector<1000x256xf32> to vector<1000x128xf32>
    %swap3A_9 = arith.constant 0 : index
    %swap3A_10 = arith.constant 0 : index
    %swap3A_11 = vector.load %arg4[%swap3A_9, %swap3A_10] : memref<1000x128xf32, #tpu.memory_space<vmem>>, vector<1000x128xf32>
    tpu.vector_store %arg4[%swap3A_9, %swap3A_10], %slice3A_8 {strides = array<i32>} : memref<1000x128xf32, #tpu.memory_space<vmem>>, vector<1000x128xf32>,
    return
  }
  func.func @transform_0(%arg0: i32) -> (i32, i32) {
    %c0_i32 = arith.constant 0 : i32
    %c0_i32_0 = arith.constant 0 : i32
    return %arg0, %c0_i32 : i32, i32
  }
  func.func @transform_1(%arg0: i32) -> (i32, i32) {
    %c0_i32 = arith.constant 0 : i32
    %c0_i32_0 = arith.constant 0 : i32
    %c0_i32_1 = arith.constant 0 : i32
    return %c0_i32, %c0_i32_0 : i32, i32
  }
  func.func @transform_2(%arg0: i32) -> (i32, i32) {
    %c0_i32 = arith.constant 0 : i32
    %c0_i32_0 = arith.constant 0 : i32
    return %arg0, %c0_i32 : i32, i32
  }
  func.func @transform_3(%arg0: i32) -> (i32, i32) {
    %c0_i32 = arith.constant 0 : i32
    %c0_i32_0 = arith.constant 0 : i32
    return %arg0, %c0_i32 : i32, i32
  }
}

module attributes {stable_mosaic.version = 14 : i64} {
  func.func @_t2_body(%arg0: i32, %arg1: memref<1000x128xf32, #tpu.memory_space<vmem>>, %arg2: memref<1000x128xf32, #tpu.memory_space<vmem>>, %arg3: memref<1x64xf32, #tpu.memory_space<vmem>>, %arg4: memref<64x256xf32, #tpu.memory_space<vmem>>, %arg5: memref<1000x128xf32, #tpu.memory_space<vmem>>, %arg6: memref<1000x128xf32, #tpu.memory_space<vmem>>) attributes {dimension_semantics = [#tpu.dimension_semantics<arbitrary>], iteration_bounds = array<i64: 10>, scalar_prefetch = 0 : i64, scratch_operands = 0 : i64, tpu.core_type = #tpu.core_type<tc>, window_params = [{transform_indices = @transform_0, window_bounds = array<i64: 1000, 128>}, {transform_indices = @transform_1, window_bounds = array<i64: 1000, 128>}, {pipeline_mode = #tpu.pipeline_mode<synchronous>, transform_indices = @transform_2, window_bounds = array<i64: 1, 64>}, {pipeline_mode = #tpu.pipeline_mode<synchronous>, transform_indices = @transform_3, window_bounds = array<i64: 64, 256>}, {transform_indices = @transform_4, window_bounds = array<i64: 1000, 128>}, {transform_indices = @transform_5, window_bounds = array<i64: 1000, 128>}]} {
    %get3A = arith.constant 0 : index
    %get3A_0 = arith.constant 0 : index
    %get3A_1 = vector.load %arg1[%get3A, %get3A_0] : memref<1000x128xf32, #tpu.memory_space<vmem>>, vector<1000x128xf32>
    %get3A_2 = arith.constant 0 : index
    %get3A_3 = arith.constant 0 : index
    %get3A_4 = vector.load %arg2[%get3A_2, %get3A_3] : memref<1000x128xf32, #tpu.memory_space<vmem>>, vector<1000x128xf32>
    %add3A = arith.addf %get3A_1, %get3A_4 : vector<1000x128xf32>
    %slice3A = vector.extract_strided_slice %add3A {offsets = [0, 0], sizes = [1000, 64], strides = [1, 1]} : vector<1000x128xf32> to vector<1000x64xf32>
    %slice3A_5 = vector.extract_strided_slice %add3A {offsets = [0, 64], sizes = [1000, 64], strides = [1, 1]} : vector<1000x128xf32> to vector<1000x64xf32>
    %add3A_6 = arith.constant 1.000000e-16 : f32
    %add3A_7 = vector.broadcast %add3A_6 : f32 to vector<1000x64xf32>
    %add3A_8 = arith.addf %slice3A_5, %add3A_7 : vector<1000x64xf32>
    %div3A = arith.divf %slice3A, %add3A_8 : vector<1000x64xf32>
    %get3A_9 = arith.constant 0 : index
    %get3A_10 = arith.constant 0 : index
    %get3A_11 = vector.load %arg3[%get3A_9, %get3A_10] : memref<1x64xf32, #tpu.memory_space<vmem>>, vector<1x64xf32>
    %add3A_12 = vector.broadcast %get3A_11 : vector<1x64xf32> to vector<1000x64xf32>
    %add3A_13 = arith.addf %div3A, %add3A_12 : vector<1000x64xf32>
    %gt3A = arith.constant 0.000000e+00 : f32
    %gt3A_14 = vector.broadcast %gt3A : f32 to vector<1000x64xf32>
    %gt3A_15 = arith.cmpf ogt, %add3A_13, %gt3A_14 : vector<1000x64xf32>
    %min3A = arith.constant 0.000000e+00 : f32
    %min3A_16 = vector.broadcast %min3A : f32 to vector<1000x64xf32>
    %min3A_17 = arith.minimumf %add3A_13, %min3A_16 : vector<1000x64xf32>
    %exp3A = math.exp %min3A_17 : vector<1000x64xf32>
    %sub3A = arith.constant 1.000000e+00 : f32
    %sub3A_18 = vector.broadcast %sub3A : f32 to vector<1000x64xf32>
    %sub3A_19 = arith.subf %exp3A, %sub3A_18 : vector<1000x64xf32>
    %select_n3A = arith.select %gt3A_15, %add3A_13, %sub3A_19 : vector<1000x64xi1>, vector<1000x64xf32>
    %get3A_20 = arith.constant 0 : index
    %get3A_21 = arith.constant 0 : index
    %get3A_22 = vector.load %arg4[%get3A_20, %get3A_21] : memref<64x256xf32, #tpu.memory_space<vmem>>, vector<64x256xf32>
    %dot_general3A = arith.constant dense<0.000000e+00> : vector<1000x256xf32>
    %dot_general3A_23 = tpu.matmul %select_n3A, %get3A_22, %dot_general3A {dimension_numbers = #tpu.dot_dimension_numbers<[1], [0], [0], [1], [0, 0, 1, 1], [], []>, transpose_lhs_hint = false} : vector<1000x64xf32>, vector<64x256xf32>, vector<1000x256xf32> -> vector<1000x256xf32>
    %slice3A_24 = vector.extract_strided_slice %dot_general3A_23 {offsets = [0, 0], sizes = [1000, 128], strides = [1, 1]} : vector<1000x256xf32> to vector<1000x128xf32>
    %swap3A = arith.constant 0 : index
    %swap3A_25 = arith.constant 0 : index
    %swap3A_26 = vector.load %arg5[%swap3A, %swap3A_25] : memref<1000x128xf32, #tpu.memory_space<vmem>>, vector<1000x128xf32>
    tpu.vector_store %arg5[%swap3A, %swap3A_25], %slice3A_24 {strides = array<i32>} : memref<1000x128xf32, #tpu.memory_space<vmem>>, vector<1000x128xf32>,
    %slice3A_27 = vector.extract_strided_slice %dot_general3A_23 {offsets = [0, 128], sizes = [1000, 128], strides = [1, 1]} : vector<1000x256xf32> to vector<1000x128xf32>
    %swap3A_28 = arith.constant 0 : index
    %swap3A_29 = arith.constant 0 : index
    %swap3A_30 = vector.load %arg6[%swap3A_28, %swap3A_29] : memref<1000x128xf32, #tpu.memory_space<vmem>>, vector<1000x128xf32>
    tpu.vector_store %arg6[%swap3A_28, %swap3A_29], %slice3A_27 {strides = array<i32>} : memref<1000x128xf32, #tpu.memory_space<vmem>>, vector<1000x128xf32>,
    return
  }
  func.func @transform_0(%arg0: i32) -> (i32, i32) {
    %c0_i32 = arith.constant 0 : i32
    %c0_i32_0 = arith.constant 0 : i32
    return %arg0, %c0_i32 : i32, i32
  }
  func.func @transform_1(%arg0: i32) -> (i32, i32) {
    %add3A = arith.constant 10 : i32
    %add3A_0 = arith.addi %arg0, %add3A : i32
    %c0_i32 = arith.constant 0 : i32
    %c0_i32_1 = arith.constant 0 : i32
    return %add3A_0, %c0_i32 : i32, i32
  }
  func.func @transform_2(%arg0: i32) -> (i32, i32) {
    %c0_i32 = arith.constant 0 : i32
    %c0_i32_0 = arith.constant 0 : i32
    %c0_i32_1 = arith.constant 0 : i32
    return %c0_i32, %c0_i32_0 : i32, i32
  }
  func.func @transform_3(%arg0: i32) -> (i32, i32) {
    %c0_i32 = arith.constant 0 : i32
    %c0_i32_0 = arith.constant 0 : i32
    %c0_i32_1 = arith.constant 0 : i32
    return %c0_i32, %c0_i32_0 : i32, i32
  }
  func.func @transform_4(%arg0: i32) -> (i32, i32) {
    %c0_i32 = arith.constant 0 : i32
    %c0_i32_0 = arith.constant 0 : i32
    return %arg0, %c0_i32 : i32, i32
  }
  func.func @transform_5(%arg0: i32) -> (i32, i32) {
    %c0_i32 = arith.constant 0 : i32
    %c0_i32_0 = arith.constant 0 : i32
    return %arg0, %c0_i32 : i32, i32
  }
}

module attributes {stable_mosaic.version = 14 : i64} {
  func.func @_t4_body(%arg0: i32, %arg1: memref<10000x128xf32, #tpu.memory_space<vmem>>, %arg2: memref<10000x128xf32, #tpu.memory_space<vmem>>, %arg3: memref<10000x1xi32, #tpu.memory_space<vmem>>, %arg4: memref<1x8xf32, #tpu.memory_space<vmem>>, %arg5: memref<8x16xf32, #tpu.memory_space<vmem>>, %arg6: memref<1x16xf32, #tpu.memory_space<vmem>>, %arg7: memref<64x16xf32, #tpu.memory_space<vmem>>) attributes {dimension_semantics = [#tpu.dimension_semantics<arbitrary>], iteration_bounds = array<i64: 1>, scalar_prefetch = 0 : i64, scratch_operands = 0 : i64, tpu.core_type = #tpu.core_type<tc>, window_params = [{transform_indices = @transform_0, window_bounds = array<i64: 10000, 128>}, {transform_indices = @transform_1, window_bounds = array<i64: 10000, 128>}, {pipeline_mode = #tpu.pipeline_mode<synchronous>, transform_indices = @transform_2, window_bounds = array<i64: 10000, 1>}, {pipeline_mode = #tpu.pipeline_mode<synchronous>, transform_indices = @transform_3, window_bounds = array<i64: 1, 8>}, {pipeline_mode = #tpu.pipeline_mode<synchronous>, transform_indices = @transform_4, window_bounds = array<i64: 8, 16>}, {pipeline_mode = #tpu.pipeline_mode<synchronous>, transform_indices = @transform_5, window_bounds = array<i64: 1, 16>}, {pipeline_mode = #tpu.pipeline_mode<synchronous>, transform_indices = @transform_6, window_bounds = array<i64: 64, 16>}]} {
    %get3A = arith.constant 0 : index
    %get3A_0 = arith.constant 0 : index
    %get3A_1 = vector.load %arg1[%get3A, %get3A_0] : memref<10000x128xf32, #tpu.memory_space<vmem>>, vector<10000x128xf32>
    %get3A_2 = arith.constant 0 : index
    %get3A_3 = arith.constant 0 : index
    %get3A_4 = vector.load %arg2[%get3A_2, %get3A_3] : memref<10000x128xf32, #tpu.memory_space<vmem>>, vector<10000x128xf32>
    %add3A = arith.addf %get3A_1, %get3A_4 : vector<10000x128xf32>
    %slice3A = vector.extract_strided_slice %add3A {offsets = [0, 0], sizes = [10000, 8], strides = [1, 1]} : vector<10000x128xf32> to vector<10000x8xf32>
    %slice3A_5 = vector.extract_strided_slice %add3A {offsets = [0, 64], sizes = [10000, 8], strides = [1, 1]} : vector<10000x128xf32> to vector<10000x8xf32>
    %add3A_6 = arith.constant 1.000000e-16 : f32
    %add3A_7 = vector.broadcast %add3A_6 : f32 to vector<10000x8xf32>
    %add3A_8 = arith.addf %slice3A_5, %add3A_7 : vector<10000x8xf32>
    %div3A = arith.divf %slice3A, %add3A_8 : vector<10000x8xf32>
    %get3A_9 = arith.constant 0 : index
    %get3A_10 = arith.constant 0 : index
    %get3A_11 = vector.load %arg4[%get3A_9, %get3A_10] : memref<1x8xf32, #tpu.memory_space<vmem>>, vector<1x8xf32>
    %add3A_12 = vector.broadcast %get3A_11 : vector<1x8xf32> to vector<10000x8xf32>
    %add3A_13 = arith.addf %div3A, %add3A_12 : vector<10000x8xf32>
    %iota3A = tpu.iota {dimensions = array<i32: 1>} : vector<10000x64xi32>
    %get3A_14 = arith.constant 0 : index
    %get3A_15 = arith.constant 0 : index
    %get3A_16 = vector.load %arg3[%get3A_14, %get3A_15] : memref<10000x1xi32, #tpu.memory_space<vmem>>, vector<10000x1xi32>
    %eq3A = vector.broadcast %get3A_16 : vector<10000x1xi32> to vector<10000x64xi32>
    %eq3A_17 = arith.cmpi eq, %eq3A, %iota3A : vector<10000x64xi32>
    %convert_element_type3A = arith.extui %eq3A_17 : vector<10000x64xi1> to vector<10000x64xi32>
    %convert_element_type3A_18 = arith.sitofp %convert_element_type3A : vector<10000x64xi32> to vector<10000x64xf32>
    %dot_general3A = arith.constant dense<0.000000e+00> : vector<64x8xf32>
    %dot_general3A_19 = tpu.matmul %convert_element_type3A_18, %add3A_13, %dot_general3A {dimension_numbers = #tpu.dot_dimension_numbers<[0], [0], [1], [1], [0, 1, 1, 1], [], []>, transpose_lhs_hint = false} : vector<10000x64xf32>, vector<10000x8xf32>, vector<64x8xf32> -> vector<64x8xf32>
    %broadcast_in_dim3A = arith.constant 1.000000e+00 : f32
    %broadcast_in_dim3A_20 = vector.broadcast %broadcast_in_dim3A : f32 to vector<10000x1xf32>
    %dot_general3A_21 = arith.constant dense<0.000000e+00> : vector<64x1xf32>
    %dot_general3A_22 = tpu.matmul %convert_element_type3A_18, %broadcast_in_dim3A_20, %dot_general3A_21 {dimension_numbers = #tpu.dot_dimension_numbers<[0], [0], [1], [1], [0, 1, 1, 1], [], []>, transpose_lhs_hint = false} : vector<10000x64xf32>, vector<10000x1xf32>, vector<64x1xf32> -> vector<64x1xf32>
    %max3A = arith.constant 1.000000e+00 : f32
    %max3A_23 = vector.broadcast %max3A : f32 to vector<64x1xf32>
    %max3A_24 = arith.maximumf %dot_general3A_22, %max3A_23 : vector<64x1xf32>
    %div3A_25 = vector.broadcast %max3A_24 : vector<64x1xf32> to vector<64x8xf32>
    %div3A_26 = arith.divf %dot_general3A_19, %div3A_25 : vector<64x8xf32>
    %get3A_27 = arith.constant 0 : index
    %get3A_28 = arith.constant 0 : index
    %get3A_29 = vector.load %arg5[%get3A_27, %get3A_28] : memref<8x16xf32, #tpu.memory_space<vmem>>, vector<8x16xf32>
    %dot_general3A_30 = arith.constant dense<0.000000e+00> : vector<64x16xf32>
    %dot_general3A_31 = tpu.matmul %div3A_26, %get3A_29, %dot_general3A_30 {dimension_numbers = #tpu.dot_dimension_numbers<[1], [0], [0], [1], [0, 0, 1, 1], [], []>, transpose_lhs_hint = false} : vector<64x8xf32>, vector<8x16xf32>, vector<64x16xf32> -> vector<64x16xf32>
    %get3A_32 = arith.constant 0 : index
    %get3A_33 = arith.constant 0 : index
    %get3A_34 = vector.load %arg6[%get3A_32, %get3A_33] : memref<1x16xf32, #tpu.memory_space<vmem>>, vector<1x16xf32>
    %add3A_35 = vector.broadcast %get3A_34 : vector<1x16xf32> to vector<64x16xf32>
    %add3A_36 = arith.addf %dot_general3A_31, %add3A_35 : vector<64x16xf32>
    %reduce_max3A = arith.constant dense<0xFF800000> : vector<64xf32>
    %reduce_max3A_37 = vector.multi_reduction <maximumf>, %add3A_36, %reduce_max3A [1] : vector<64x16xf32> to vector<64xf32>
    %broadcast_in_dim3A_38 = vector.shape_cast %reduce_max3A_37 : vector<64xf32> to vector<64x1xf32>
    %sub3A = vector.broadcast %broadcast_in_dim3A_38 : vector<64x1xf32> to vector<64x16xf32>
    %sub3A_39 = arith.subf %add3A_36, %sub3A : vector<64x16xf32>
    %exp3A = math.exp %sub3A_39 : vector<64x16xf32>
    %reduce_sum3A = arith.constant dense<0.000000e+00> : vector<64xf32>
    %reduce_sum3A_40 = vector.multi_reduction <add>, %exp3A, %reduce_sum3A [1] : vector<64x16xf32> to vector<64xf32>
    %broadcast_in_dim3A_41 = vector.shape_cast %reduce_sum3A_40 : vector<64xf32> to vector<64x1xf32>
    %log3A = math.log %broadcast_in_dim3A_41 : vector<64x1xf32>
    %add3A_42 = arith.addf %broadcast_in_dim3A_38, %log3A : vector<64x1xf32>
    %sub3A_43 = vector.broadcast %add3A_42 : vector<64x1xf32> to vector<64x16xf32>
    %sub3A_44 = arith.subf %add3A_36, %sub3A_43 : vector<64x16xf32>
    %swap3A = arith.constant 0 : index
    %swap3A_45 = arith.constant 0 : index
    %swap3A_46 = vector.load %arg7[%swap3A, %swap3A_45] : memref<64x16xf32, #tpu.memory_space<vmem>>, vector<64x16xf32>
    tpu.vector_store %arg7[%swap3A, %swap3A_45], %sub3A_44 {strides = array<i32>} : memref<64x16xf32, #tpu.memory_space<vmem>>, vector<64x16xf32>,
    return
  }
  func.func @transform_0(%arg0: i32) -> (i32, i32) {
    %c0_i32 = arith.constant 0 : i32
    %c0_i32_0 = arith.constant 0 : i32
    %c0_i32_1 = arith.constant 0 : i32
    return %c0_i32, %c0_i32_0 : i32, i32
  }
  func.func @transform_1(%arg0: i32) -> (i32, i32) {
    %c1_i32 = arith.constant 1 : i32
    %c0_i32 = arith.constant 0 : i32
    %c0_i32_0 = arith.constant 0 : i32
    return %c1_i32, %c0_i32 : i32, i32
  }
  func.func @transform_2(%arg0: i32) -> (i32, i32) {
    %c0_i32 = arith.constant 0 : i32
    %c0_i32_0 = arith.constant 0 : i32
    %c0_i32_1 = arith.constant 0 : i32
    return %c0_i32, %c0_i32_0 : i32, i32
  }
  func.func @transform_3(%arg0: i32) -> (i32, i32) {
    %c0_i32 = arith.constant 0 : i32
    %c0_i32_0 = arith.constant 0 : i32
    %c0_i32_1 = arith.constant 0 : i32
    return %c0_i32, %c0_i32_0 : i32, i32
  }
  func.func @transform_4(%arg0: i32) -> (i32, i32) {
    %c0_i32 = arith.constant 0 : i32
    %c0_i32_0 = arith.constant 0 : i32
    %c0_i32_1 = arith.constant 0 : i32
    return %c0_i32, %c0_i32_0 : i32, i32
  }
  func.func @transform_5(%arg0: i32) -> (i32, i32) {
    %c0_i32 = arith.constant 0 : i32
    %c0_i32_0 = arith.constant 0 : i32
    %c0_i32_1 = arith.constant 0 : i32
    return %c0_i32, %c0_i32_0 : i32, i32
  }
  func.func @transform_6(%arg0: i32) -> (i32, i32) {
    %c0_i32 = arith.constant 0 : i32
    %c0_i32_0 = arith.constant 0 : i32
    %c0_i32_1 = arith.constant 0 : i32
    return %c0_i32, %c0_i32_0 : i32, i32
  }
}

</mosaic_0001>

<sc_bundles>
// kernel: kernel.12.cloned.1.call-start
scs
__scs_entry_jumppad:
0x0: {  	(pc) =	sbr.rel $0x88, $3  }
0x1: {  	(tag) =	ssettag $0x0;
	lr =	simm.s32 $0x1  }
0x2: {  	[smem:$0x3F90] =	sst lr;
	_ =	strace $0xD0000000  }
0x3: {  	_ = 	snop  }
0x4: {  	_ = 	snop  }
0x5: {  	_ = 	snop  }
0x6: {  	_ = 	snop  }
0x7: {  	_ = 	snop  }
__scs_overlays_trampoline_lowered:
0x8: {  	[smem:$0x3F9F] =	sst s0  }
0x9: {  	[smem:$0x3FA0] =	sst s1  }
0xa: {  	[smem:$0x3FA1] =	sst s2  }
0xb: {  	[smem:$0x3FA2] =	sst s3  }
0xc: {  	[smem:$0x3FA3] =	sst s4  }
0xd: {  	[smem:$0x3FA4] =	sst s5  }
0xe: {  	[smem:$0x3FA5] =	sst s6  }
0xf: {  	[smem:$0x3FA6] =	sst s7  }
0x10: {  	[smem:$0x3FA7] =	sst s8  }
0x11: {  	[smem:$0x3FA8] =	sst s9;
	s0 =	simm.s32 @!p0 $0x0  }
0x12: {  	s1 =	sld [smem:$0x3F8E];
	s0 =	simm.s32 @p0 $0x1  }
0x13: {  	[smem:$0x3FA9] =	sst s0;
	s0 =	simm.s32 @!p1 $0x0  }
0x14: {  	s2 =	sld [smem:$0x3F8D];
	s0 =	simm.s32 @p1 $0x1  }
0x15: {  	[smem:$0x3FAA] =	sst s0;
	s0 =	simm.s32 @!p2 $0x0  }
0x16: {  	s3 =	sld [smem:$0x3FDB];
	s0 =	simm.s32 @p2 $0x1  }
0x17: {  	s4 =	simm.s32 $0x1BF5;
	[smem:$0x3FAC] =	sst s0  }
0x18: {  	s0 =	sld [smem:$0x3F8F];
	_ =	swait.ge [sflag:s4], $0x0  }
0x19: {  	s7 =	sld [smem:$0x3F90]  }
0x1a: {  	s8 =	sadd.s32 $0xFFFFE003, lr  }
0x1b: {  	s9 =	sadd.s32 $0xFFFFFEF7, lr;
	s5 =	simm.s32 $0xFFFFFFFF;
	p2 =	slt.u32 s8, $0xFFFFF086  }
0x1c: {  	p1 =	slt.u32 s9, $0xF7A;
	s5 =	simm.s32 @!p2 $0x0  }
0x1d: {  	s5 =	simm.s32 @p1 $0x1;
	p0 =	seq.s32 s7, s2  }
0x1e: {  	s7 =	smul.u32 @!p0 $0xF7A, s2;
	p2 =	seq.s32 @!p0 s5, $0x0  }
0x1f: {  	s9 =	smul.u32 $0xF7A, s1;
	s8 =	simm.s32 @!p0 $0x1BF5;
	p2 =	por !p2, p0  }
0x20: {  	[sflag:s8] =	ssyncset.s32 @!p0 $0xFFFFF086;
	s6 =	sadd.s32 @!p0 s3, s7;
	s7 =	simm.s32 @!p0 $0x108  }
0x21: {  	s3 =	sadd.s32 s3, s9;
	s6 =	sadd.s32 @!p0 $0x88, s6;
	s7 =	simm.s32 @p2 $0x1082  }
0x22: {  	[simem:s7], [sflag:s8] =	dma.local @!p0 [hbm:s6], $0xF7A  }
0x23: {  	s9 =	sor.u32 $0xD0000000, s2;
	s6 =	simm.s32 $0x108;
	_ =	swait.ge @!p0 [sflag:s8], $0x0  }
0x24: {  	s3 =	sadd.s32 $0x88, s3;
	s6 =	simm.s32 @!p1 $0x1082;
	[sflag:s4] =	ssyncset.s32 $0xFFFFF086  }
0x25: {  	[simem:s6], [sflag:s4] =	dma.local [hbm:s3], $0xF7A  }
0x26: {  	[smem:$0x3F90] =	sst s1;
	(tag) =	ssettag s2;
	_ =	strace s9  }
0x27: {  	s1 =	sld [smem:$0x3FA0]  }
0x28: {  	s2 =	sld [smem:$0x3FA1]  }
0x29: {  	s4 =	sld [smem:$0x3FA3]  }
0x2a: {  	p0 =	seq.s32 s5, $0x0;
	s5 =	sld [smem:$0x3FA4]  }
0x2b: {  	s6 =	sld [smem:$0x3FA5]  }
0x2c: {  	s7 =	sld [smem:$0x3FA6]  }
0x2d: {  	s3 =	simm.s32 $0x108;
	s8 =	sld [smem:$0x3FA7]  }
0x2e: {  	s3 =	simm.s32 @!p0 $0x1082;
	s9 =	sld [smem:$0x3FA8]  }
0x2f: {  	lr =	sadd.s32 s0, s3;
	s0 =	sld [smem:$0x3F9F]  }
0x30: {  	s3 =	sld [smem:$0x3FA2]  }
0x31: {  	[smem:$0x3FAB] =	sst s10  }
0x32: {  	s10 =	sld [smem:$0x3FA9];
	_ =	sdelay $0x3  }
0x33: {  	p0 =	seq.s32 s10, $0x1;
	s10 =	sld [smem:$0x3FAB];
	_ =	sdelay $0x3  }
0x34: {  	[smem:$0x3FAB] =	sst s10  }
0x35: {  	s10 =	sld [smem:$0x3FAA];
	_ =	sdelay $0x3  }
0x36: {  	p1 =	seq.s32 s10, $0x1;
	s10 =	sld [smem:$0x3FAB];
	_ =	sdelay $0x3  }
0x37: {  	[smem:$0x3FAB] =	sst s10  }
0x38: {  	s10 =	sld [smem:$0x3FAC]  }
0x39: {  	_ = 	snop;
	(pc) =	sbr.ind lr, $3  }
0x3a: {  	_ = 	snop  }
0x3b: {  	_ = 	snop  }
0x3c: {  	p2 =	seq.s32 s10, $0x1;
	s10 =	sld [smem:$0x3FAB]  }
0x3d: {  	_ =	shalt  }
0x3e: {  	_ =	shalt  }
0x3f: {  	_ =	shalt  }
0x40: {  	_ =	shalt  }
0x41: {  	_ =	shalt  }
0x42: {  	_ =	shalt  }
0x43: {  	_ =	shalt  }
0x44: {  	_ =	shalt  }
0x45: {  	_ =	shalt  }
0x46: {  	_ =	shalt  }
0x47: {  	_ =	shalt  }
0x48: {  	_ =	shalt  }
0x49: {  	_ =	shalt  }
0x4a: {  	_ =	shalt  }
0x4b: {  	_ =	shalt  }
0x4c: {  	_ =	shalt  }
0x4d: {  	_ =	shalt  }
0x4e: {  	_ =	shalt  }
0x4f: {  	_ =	shalt  }
0x50: {  	_ =	shalt  }
0x51: {  	_ =	shalt  }
0x52: {  	_ =	shalt  }
0x53: {  	_ =	shalt  }
0x54: {  	_ =	shalt  }
0x55: {  	_ =	shalt  }
0x56: {  	_ =	shalt  }
0x57: {  	_ =	shalt  }
0x58: {  	_ =	shalt  }
0x59: {  	_ =	shalt  }
0x5a: {  	_ =	shalt  }
0x5b: {  	_ =	shalt  }
0x5c: {  	_ =	shalt  }
0x5d: {  	_ =	shalt  }
0x5e: {  	_ =	shalt  }
0x5f: {  	_ =	shalt  }
0x60: {  	_ =	shalt  }
0x61: {  	_ =	shalt  }
0x62: {  	_ =	shalt  }
0x63: {  	_ =	shalt  }
0x64: {  	_ =	shalt  }
0x65: {  	_ =	shalt  }
0x66: {  	_ =	shalt  }
0x67: {  	_ =	shalt  }
0x68: {  	_ =	shalt  }
0x69: {  	_ =	shalt  }
0x6a: {  	_ =	shalt  }
0x6b: {  	_ =	shalt  }
0x6c: {  	_ =	shalt  }
0x6d: {  	_ =	shalt  }
0x6e: {  	_ =	shalt  }
0x6f: {  	_ =	shalt  }
0x70: {  	_ =	shalt  }
0x71: {  	_ =	shalt  }
0x72: {  	_ =	shalt  }
0x73: {  	_ =	shalt  }
0x74: {  	_ =	shalt  }
0x75: {  	_ =	shalt  }
0x76: {  	_ =	shalt  }
0x77: {  	_ =	shalt  }
0x78: {  	_ =	shalt  }
0x79: {  	_ =	shalt  }
0x7a: {  	_ =	shalt  }
0x7b: {  	_ =	shalt  }
0x7c: {  	_ =	shalt  }
0x7d: {  	_ =	shalt  }
0x7e: {  	_ =	shalt  }
0x7f: {  	_ =	shalt  }
0x80: {  	_ =	shalt  }
0x81: {  	_ =	shalt  }
0x82: {  	_ =	shalt  }
0x83: {  	_ =	shalt  }
0x84: {  	_ =	shalt  }
0x85: {  	_ =	shalt  }
0x86: {  	_ =	shalt  }
0x87: {  	_ =	shalt  }
.Lfunc_end0:
.L_simem_size_0:
called_computation.1_lowered:
.L_overlay_start_0:
0x88: {  	s2 =	sld [smem:$0x3FD9]  }
0x89: {  	s3 =	sld [smem:$0x3FFE];
	_ =	sdelay $0x1  }
0x8a: {  	s1 =	srdreg.scid  }
0x8b: {  	s0 =	sand.u32 $0x1, s1  }
0x8c: {  	s16 =	sshll.u32 s0, $0xA;
	s2 =	sadd.s32 s3, s2  }
0x8d: {  	s2 =	sadd.s32 s2, s16  }
0x8e: {  	[smem:$0x3FB7] =	sst s2  }
0x8f: {  	_ = 	snop  }
0x90: {  	(tm) =	ssettm $0x1  }
0x91: {  	s17 =	sld [smem:$0x3FFB];
	_ =	sdelay $0x3  }
0x92: {  	_ =	strace s17  }
0x93: {  	s2 =	sld [smem:$0x3FFC];
	_ =	sdelay $0x3  }
0x94: {  	_ =	strace s2  }
0x95: {  	s2 =	sld [smem:$0x3FFD];
	_ =	sdelay $0x3  }
0x96: {  	_ =	strace s2  }
0x97: {  	_ =	strace $0x8FFFFFFF  }
0x98: {  	s18 =	sld [smem:$0x3FDB];
	_ =	sdelay $0x1  }
0x99: {  	s19 =	simm.s32 $_scs_section_size  }
0x9a: {  	s4 =	simm.s32 $_size__tile_overlayer_lowered;
	s5 =	simm.s32 $_tile_overlayer_lowered  }
0x9b: {  	s22 =	simm.s32 $0x1BFF;
	s21 =	sshll.u32 s5, $0x1;
	s2 =	sadd.s32 s19, s18  }
0x9c: {  	s6 =	simm.s32 $0x0;
	s20 =	sshll.u32 s4, $0x1;
	s4 =	sadd.s32 s21, s2  }
0x9d: {  	[timem:s6], [sflag:s22] =	dma.local [hbm:s4], s20  }
0x9e: {  	_ =	swait.ge [sflag:s22], s20  }
0x9f: {  	s3 =	ssub.s32 $0x0, s20;
	[sflag:s22] =	ssyncset.done $0x0  }
0xa0: {  	[sflag:s22] =	ssyncadd.s32 s3;
	_ =	sdelay $0x1  }
0xa1: {  	s23 =	simm.s32 $0x1B8B  }
0xa2: {  	_ =	swait.ge [sflag:s23], $0x1  }
0xa3: {  	[sflag:s23] =	ssyncset.done $0x0  }
0xa4: {  	s25 =	simm.s32 $0x1B8E;
	s24 =	sld [smem:$0x3FFE];
	[sflag:s23] =	ssyncadd.s32 $0xFFFFFFFF  }
0xa5: {  	s26 =	simm.s32 $execute0_lowered;
	[smem:$0x3FD2] =	sst s25  }
0xa6: {  	s4 =	sshll.u32 s26, $0x1;
	_ =	strace $0x80000049;
	[dreg:$0x1] =	wrdreg $0xFFFFFFFF  }
0xa7: {  	s28 =	simm.s32 $_size_execute0_lowered;
	s2 =	sadd.s32 s2, s4;
	[dreg:$0x0] =	wrdreg $0x0  }
0xa8: {  	s4 =	sshll.u32 s28, $0x1;
	[dreg:$0x2] =	wrdreg s2  }
0xa9: {  	[dreg:$0x3] =	wrdreg s4  }
0xaa: {  	[dreg:$0x4] =	wrdreg $0xC0  }
0xab: {  	_ =	task [dreg:s6], $0x5FFFF  }
0xac: {  	[dreg:$0x1] =	wrdreg $0xFFFFFFFF  }
0xad: {  	[dreg:$0x0] =	wrdreg $0x60  }
0xae: {  	[dreg:$0x2] =	wrdreg s24  }
0xaf: {  	[dreg:$0x3] =	wrdreg $0xC3000  }
0xb0: {  	[dreg:$0x4] =	wrdreg $0x9  }
0xb1: {  	_ =	task.clear_ibuf [dreg:s6], $0x5FFFF;
	_ =	strace $0x90000049  }
0xb2: {  	s29 =	simm.s32 $0x9;
	_ =	strace $0x8000004B  }
0xb3: {  	_ =	swait.ge [sflag:s29], $0x1  }
0xb4: {  	[sflag:s29] =	ssyncadd.s32 $0xFFFFFFFF  }
0xb5: {  	_ =	strace $0x9000004B  }
0xb6: {  	_ =	sfence  }
0xb7: {  	s30 =	sld [smem:$0x0];
	_ =	sdelay $0x2  }
0xb8: {  	s31 =	sshll.u32 s1, $0xD;
	s1 =	sshrl.u32 s1, $0x2  }
0xb9: {  	s3 =	sand.u32 $0x4000, s31;
	s1 =	sadd.s32 s1, s30  }
0xba: {  	s0 =	sor.u32 s3, s0;
	s1 =	sshll.u32 s1, $0x11  }
0xbb: {  	s0 =	sor.u32 s1, s0  }
0xbc: {  	s0 =	sadd.s32 $0x8F2B, s0  }
0xbd: {  	[sflag:s0] =	ssyncadd.remote.s32 $0x1  }
0xbe: {  	_ =	sfence.sel $0xFFFF  }
0xbf: {  	[dreg:$0x0] =	wrdreg $0xFFFFFFFF;
	(pc) =	sbr.abs _section_cstart, $3  }
0xc0: {  	[dreg:$0x1] =	wrdreg $0xFFFFFFFF  }
0xc1: {  	_ =	task.clear_ibuf [dreg:s6], $0x2FFFF;
	_ =	strace $0x9FFFFFFF  }
0xc2: {  	(tm) =	ssettm $0x7FFFFFFF  }
0xc3: {  	_ =	shalt  }
tec
execute0_lowered:
.L_overlay_start_1:
0x0: {  	(tag) =	ssettag $0x1  }
0x1: {  	s0 =	rddreg [dreg:$0x0]  }
0x2: {  	s1 =	rddreg [dreg:$0x1]  }
0x3: {  	s2 =	simm.s32 $0x0;
	s3 =	srdreg.scid;
	s15 =	stileid.u32  }
0x4: {  	s28 =	simm.s32 $0x4;
	[smem:$0x7FF] =	sst s2;
	s4 =	sadd.s32 $0xD800, s0  }
0x5: {  	s5 =	sadd.s32 $0x3A00, s0;
	s3 =	sand.u32 $0x1, s3;
	s8 =	smul.u32 $0x4E000, s15  }
0x6: {  	s6 =	sadd.s32 $0x17600, s0;
	s7 =	sadd.s32 $0x3E800, s0;
	s0 =	sadd.s32 $0x65A00, s0  }
0x7: {  	s22 =	smul.u32 $0x2700, s15;
	p0 =	seq.s32 s15, $0xF;
	s8 =	sshrl.u32 s8, $0x2  }
0x8: {  	p1 =	sgt.u32 s15, $0x3;
	_ =	strace $0x8000004A;
	s8 =	sadd.s32 s8, s1  }
0x9: {  	s9 =	ssub.s32 $0x2, s3;
	s20 =	smul.u32 $0x27100, s3;
	s12 =	sadd.s32 $0x2000, s8  }
0xa: {  	s10 =	sshrl.u32 s9, $0x1;
	s17 =	sadd.s32 $0x4000, s8;
	[dreg:$0x3] =	wrdreg s12  }
0xb: {  	s9 =	ssub.s32 s9, s10;
	s18 =	sadd.s32 $0x6000, s8;
	[dreg:$0x4] =	wrdreg s17  }
0xc: {  	s10 =	sshll.u32 s15, $0x1;
	s19 =	sadd.s32 $0x8000, s8;
	[dreg:$0x5] =	wrdreg s18  }
0xd: {  	s15 =	simm.s32 $0x1;
	s13 =	sadd.s32 $0xA000, s8;
	[dreg:$0x6] =	wrdreg s19  }
0xe: {  	s11 =	sor.u32 s3, s10;
	s21 =	sadd.s32 $0xC000, s8;
	[dreg:$0x7] =	wrdreg s13  }
0xf: {  	s14 =	sadd.s32 $0xE000, s8;
	s3 =	smul.u32 $0x138800, s3;
	[dreg:$0x8] =	wrdreg s21  }
0x10: {  	s16 =	sadd.s32 $0x10000, s8;
	[dreg:$0x9] =	wrdreg s14;
	s23 =	sshll.u32 s11, $0x3  }
0x11: {  	[dreg:$0xa] =	wrdreg s16;
	s12 =	sadd.s32 s22, s20;
	s14 =	sadd.s32 $0x12000, s8  }
0x12: {  	s22 =	ssub.s32 $0x1388, s10;
	s16 =	sadd.s32 $0x124800, s1;
	[dreg:$0x11] =	wrdreg s14  }
0x13: {  	s17 =	sadd.s32 $0x126800, s1;
	s18 =	sadd.s32 $0x128800, s1;
	[dreg:$0x12] =	wrdreg s16  }
0x14: {  	s29 =	sor.u32 $0x40, s11;
	s30 =	sor.u32 $0x60, s11;
	[dreg:$0x13] =	wrdreg s17  }
0x15: {  	s19 =	sadd.s32 $0x12A800, s1;
	s20 =	sadd.s32 $0x12C800, s1;
	[dreg:$0x14] =	wrdreg s18  }
0x16: {  	s21 =	smax.u32 s9, $0x1;
	s24 =	sadd.s32 s4, s23;
	[dreg:$0x15] =	wrdreg s19  }
0x17: {  	s25 =	sadd.s32 s5, s23;
	s26 =	sor.u32 $0x100, s23;
	[dreg:$0x16] =	wrdreg s20  }
0x18: {  	s3 =	sshrl.u32 s3, $0x3;
	[dreg:$0x17] =	wrdreg s21;
	s23 =	sadd.s32 $0x12E800, s1  }
0x19: {  	s14 =	simm.s32 $0x180;
	s16 =	simm.s32 $0x40;
	[dreg:$0xb] =	wrdreg s24  }
0x1a: {  	s17 =	simm.s32 $0x300;
	s18 =	simm.s32 $0x4300;
	[dreg:$0xc] =	wrdreg s25  }
0x1b: {  	s3 =	sadd.s32 s0, s3;
	s0 =	sadd.s32 s0, s12;
	[dreg:$0x18] =	wrdreg s23  }
0x1c: {  	s20 =	simm.s32 $0x3;
	s31 =	sadd.s32 s4, s26;
	[dreg:$0xd] =	wrdreg s0  }
0x1d: {  	s21 =	simm.s32 $0x2;
	s12 =	sadd.s32 s5, s26;
	[dreg:$0xe] =	wrdreg s31  }
0x1e: {  	s24 =	sadd.s32 $0x130800, s1;
	s25 =	sadd.s32 $0x132800, s1;
	[dreg:$0xf] =	wrdreg s12  }
.Ltmp0:
0x1f: {  	s26 =	sadd.s32 $0x134800, s1;
	[dreg:$0x19] =	wrdreg s24;
	(pc) =	sbr.rel .LBB2_1-.Ltmp0, $4  }
0x20: {  	s23 =	simm.s32 $0x0;
	s13 =	sadd.s32 $0x24900, s3;
	[dreg:$0x1a] =	wrdreg s25  }
0x21: {  	[dreg:$0x1b] =	wrdreg s26;
	s31 =	sadd.s32 $0x136800, s1;
	s12 =	simm.s32 $0x100  }
0x22: {  	s24 =	simm.s32 $0x2300;
	s26 =	simm.s32 $0x6300;
	[dreg:$0x10] =	wrdreg s13  }
0x23: {  	v0 =	vimm.f32 $0.0e+00;
	s0 =	simm.s32 $0x7;
	[dreg:$0x1c] =	wrdreg s31;
	s13 =	simm.s32 $0x80  }
.LBB2_15:
0x24: {  	s3 =	rddreg [dreg:$0x12]  }
0x25: {  	s9 =	rddreg [dreg:$0x10];
	s10 =	simm.s32 $0x1FC7;
	s3 =	sshrl.u32 s3, $0x3  }
0x26: {  	[hbm:s9], [sflag:s10] =	dma.local [spmem:s3], $0x2800  }
0x27: {  	_ =	swait.ge [sflag:s0], $0x2800  }
0x28: {  	[sflag:s0] =	ssyncset.done $0x0  }
0x29: {  	[sflag:s0] =	ssyncadd.s32 $0xFFFFD800  }
.LBB2_16:
0x2a: {  	s23 =	sadd.s32 $0x1, s23;
	s3 =	rddreg [dreg:$0x17]  }
0x2b: {  	p2 =	sne.s32 s23, s3  }
.Ltmp1:
0x2c: {  	_ = 	snop;
	(pc) =	sbr.rel @!p2 .LBB2_17-.Ltmp1, $1  }
0x2d: {  	_ =	sdelay $0x3  }
.LBB2_1:
0x2e: {  	s3 =	simm.s32 $0x0;
	s9 =	simm.s32 $0x200  }
.LBB2_2:
0x2f: {  	p2 =	sne.s32 s9, $0x7E00;
	[tilespmem:s3+$0x8370] =	vst v0  }
0x30: {  	[tilespmem:s3+$0x8300] =	vst v0  }
0x31: {  	[tilespmem:s3+$0x8310] =	vst v0  }
.Ltmp2:
0x32: {  	[tilespmem:s3+$0x8320] =	vst v0;
	(pc) =	sbr.rel @p2 .LBB2_2-.Ltmp2, $4  }
0x33: {  	[tilespmem:s3+$0x8330] =	vst v0  }
0x34: {  	[tilespmem:s3+$0x8340] =	vst v0  }
0x35: {  	[tilespmem:s3+$0x8350] =	vst v0  }
0x36: {  	[tilespmem:s3+$0x8360] =	vst v0;
	s3 =	sshra.s32 s9, $0x2;
	s9 =	sadd.s32 $0x200, s9  }
0x37: {  	[tilespmem:s3+$0x8370] =	vst v0  }
0x38: {  	[tilespmem:s3+$0x8300] =	vst v0  }
0x39: {  	[tilespmem:s3+$0x8310] =	vst v0  }
0x3a: {  	[tilespmem:s3+$0x8320] =	vst v0  }
0x3b: {  	[tilespmem:s3+$0x8330] =	vst v0  }
0x3c: {  	[tilespmem:s3+$0x8340] =	vst v0  }
0x3d: {  	[tilespmem:s3+$0x8350] =	vst v0  }
0x3e: {  	[tilespmem:s3+$0x8360] =	vst v0;
	s3 =	simm.s32 @p0 $0x8300;
	s9 =	rddreg [dreg:$0x12]  }
0x3f: {  	[spmem:s9] =	stream.linear.scatter @p0 [tilespmem:s3], [sflag:$0x7], $0x2000, $0x38;
	[tilespmem:$0x1FB80] =	vst v63  }
0x40: {  	s9 =	simm.s32 @p0 $0x7  }
0x41: {  	_ =	swait.ge @p0 [sflag:s9], $0x2000  }
0x42: {  	[sflag:s9] =	ssyncset.done @p0 $0x0  }
0x43: {  	s10 =	rddreg [dreg:$0x13];
	[sflag:s9] =	ssyncadd.s32 @p0 $0xFFFFE000  }
0x44: {  	[spmem:s10] =	stream.linear.scatter @p0 [tilespmem:s3], [sflag:$0x7], $0x2000, $0x38;
	[tilespmem:$0x1FB80] =	vst v63  }
0x45: {  	_ =	swait.ge @p0 [sflag:s9], $0x2000  }
0x46: {  	[sflag:s9] =	ssyncset.done @p0 $0x0  }
0x47: {  	s10 =	rddreg [dreg:$0x14];
	[sflag:s9] =	ssyncadd.s32 @p0 $0xFFFFE000  }
0x48: {  	[spmem:s10] =	stream.linear.scatter @p0 [tilespmem:s3], [sflag:$0x7], $0x2000, $0x38;
	[tilespmem:$0x1FB80] =	vst v63  }
0x49: {  	_ =	swait.ge @p0 [sflag:s9], $0x2000  }
0x4a: {  	[sflag:s9] =	ssyncset.done @p0 $0x0  }
0x4b: {  	s10 =	rddreg [dreg:$0x15];
	[sflag:s9] =	ssyncadd.s32 @p0 $0xFFFFE000  }
0x4c: {  	[spmem:s10] =	stream.linear.scatter @p0 [tilespmem:s3], [sflag:$0x7], $0x2000, $0x38;
	[tilespmem:$0x1FB80] =	vst v63  }
0x4d: {  	_ =	swait.ge @p0 [sflag:s9], $0x2000  }
0x4e: {  	[sflag:s9] =	ssyncset.done @p0 $0x0  }
0x4f: {  	s10 =	rddreg [dreg:$0x16];
	[sflag:s9] =	ssyncadd.s32 @p0 $0xFFFFE000  }
0x50: {  	[spmem:s10] =	stream.linear.scatter @p0 [tilespmem:s3], [sflag:$0x7], $0x2000, $0x38;
	[tilespmem:$0x1FB80] =	vst v63  }
0x51: {  	_ =	swait.ge @p0 [sflag:s9], $0x2000  }
0x52: {  	[sflag:s9] =	ssyncset.done @p0 $0x0  }
0x53: {  	s10 =	rddreg [dreg:$0x18];
	[sflag:s9] =	ssyncadd.s32 @p0 $0xFFFFE000  }
0x54: {  	[spmem:s10] =	stream.linear.scatter @p0 [tilespmem:s3], [sflag:$0x7], $0x2000, $0x38;
	[tilespmem:$0x1FB80] =	vst v63  }
0x55: {  	_ =	swait.ge @p0 [sflag:s9], $0x2000  }
0x56: {  	[sflag:s9] =	ssyncset.done @p0 $0x0  }
0x57: {  	s10 =	rddreg [dreg:$0x19];
	[sflag:s9] =	ssyncadd.s32 @p0 $0xFFFFE000  }
0x58: {  	[spmem:s10] =	stream.linear.scatter @p0 [tilespmem:s3], [sflag:$0x7], $0x2000, $0x38;
	[tilespmem:$0x1FB80] =	vst v63  }
0x59: {  	_ =	swait.ge @p0 [sflag:s9], $0x2000  }
0x5a: {  	[sflag:s9] =	ssyncset.done @p0 $0x0  }
0x5b: {  	s10 =	rddreg [dreg:$0x1a];
	[sflag:s9] =	ssyncadd.s32 @p0 $0xFFFFE000  }
0x5c: {  	[spmem:s10] =	stream.linear.scatter @p0 [tilespmem:s3], [sflag:$0x7], $0x2000, $0x38;
	[tilespmem:$0x1FB80] =	vst v63  }
0x5d: {  	_ =	swait.ge @p0 [sflag:s9], $0x2000  }
0x5e: {  	[sflag:s9] =	ssyncset.done @p0 $0x0  }
0x5f: {  	s10 =	rddreg [dreg:$0x1b];
	[sflag:s9] =	ssyncadd.s32 @p0 $0xFFFFE000  }
0x60: {  	[spmem:s10] =	stream.linear.scatter @p0 [tilespmem:s3], [sflag:$0x7], $0x2000, $0x38;
	[tilespmem:$0x1FB80] =	vst v63  }
0x61: {  	_ =	swait.ge @p0 [sflag:s9], $0x2000  }
0x62: {  	[sflag:s9] =	ssyncset.done @p0 $0x0  }
0x63: {  	s10 =	rddreg [dreg:$0x1c];
	[sflag:s9] =	ssyncadd.s32 @p0 $0xFFFFE000  }
0x64: {  	[spmem:s10] =	stream.linear.scatter @p0 [tilespmem:s3], [sflag:$0x7], $0x2000, $0x38;
	[tilespmem:$0x1FB80] =	vst v63  }
0x65: {  	_ =	swait.ge @p0 [sflag:s9], $0x2000  }
0x66: {  	[sflag:s9] =	ssyncset.done @p0 $0x0  }
0x67: {  	s3 =	simm.s32 @!p0 $0x8300;
	[sflag:s9] =	ssyncadd.s32 @p0 $0xFFFFE000;
	s9 =	simm.s32 @!p0 $0x7  }
0x68: {  	[spmem:s8] =	stream.linear.scatter @!p0 [tilespmem:s3], [sflag:$0x7], $0x2000, $0x38;
	[tilespmem:$0x1FB80] =	vst v63  }
0x69: {  	_ =	swait.ge @!p0 [sflag:s9], $0x2000  }
0x6a: {  	[sflag:s9] =	ssyncset.done @!p0 $0x0  }
0x6b: {  	s10 =	rddreg [dreg:$0x3];
	[sflag:s9] =	ssyncadd.s32 @!p0 $0xFFFFE000  }
0x6c: {  	[spmem:s10] =	stream.linear.scatter @!p0 [tilespmem:s3], [sflag:$0x7], $0x2000, $0x38;
	[tilespmem:$0x1FB80] =	vst v63  }
0x6d: {  	_ =	swait.ge @!p0 [sflag:s9], $0x2000  }
0x6e: {  	[sflag:s9] =	ssyncset.done @!p0 $0x0  }
0x6f: {  	s10 =	rddreg [dreg:$0x4];
	[sflag:s9] =	ssyncadd.s32 @!p0 $0xFFFFE000  }
0x70: {  	[spmem:s10] =	stream.linear.scatter @!p0 [tilespmem:s3], [sflag:$0x7], $0x2000, $0x38;
	[tilespmem:$0x1FB80] =	vst v63  }
0x71: {  	_ =	swait.ge @!p0 [sflag:s9], $0x2000  }
0x72: {  	[sflag:s9] =	ssyncset.done @!p0 $0x0  }
0x73: {  	s10 =	rddreg [dreg:$0x5];
	[sflag:s9] =	ssyncadd.s32 @!p0 $0xFFFFE000  }
0x74: {  	[spmem:s10] =	stream.linear.scatter @!p0 [tilespmem:s3], [sflag:$0x7], $0x2000, $0x38;
	[tilespmem:$0x1FB80] =	vst v63  }
0x75: {  	_ =	swait.ge @!p0 [sflag:s9], $0x2000  }
0x76: {  	[sflag:s9] =	ssyncset.done @!p0 $0x0  }
0x77: {  	s10 =	rddreg [dreg:$0x6];
	[sflag:s9] =	ssyncadd.s32 @!p0 $0xFFFFE000  }
0x78: {  	[spmem:s10] =	stream.linear.scatter @!p0 [tilespmem:s3], [sflag:$0x7], $0x2000, $0x38;
	[tilespmem:$0x1FB80] =	vst v63  }
0x79: {  	_ =	swait.ge @!p0 [sflag:s9], $0x2000  }
0x7a: {  	[sflag:s9] =	ssyncset.done @!p0 $0x0  }
0x7b: {  	s10 =	rddreg [dreg:$0x7];
	[sflag:s9] =	ssyncadd.s32 @!p0 $0xFFFFE000  }
0x7c: {  	[spmem:s10] =	stream.linear.scatter @!p0 [tilespmem:s3], [sflag:$0x7], $0x2000, $0x38;
	[tilespmem:$0x1FB80] =	vst v63  }
0x7d: {  	_ =	swait.ge @!p0 [sflag:s9], $0x2000  }
0x7e: {  	[sflag:s9] =	ssyncset.done @!p0 $0x0  }
0x7f: {  	s10 =	rddreg [dreg:$0x8];
	[sflag:s9] =	ssyncadd.s32 @!p0 $0xFFFFE000  }
0x80: {  	[spmem:s10] =	stream.linear.scatter @!p0 [tilespmem:s3], [sflag:$0x7], $0x2000, $0x38;
	[tilespmem:$0x1FB80] =	vst v63  }
0x81: {  	_ =	swait.ge @!p0 [sflag:s9], $0x2000  }
0x82: {  	[sflag:s9] =	ssyncset.done @!p0 $0x0  }
0x83: {  	s10 =	rddreg [dreg:$0x9];
	[sflag:s9] =	ssyncadd.s32 @!p0 $0xFFFFE000  }
0x84: {  	[spmem:s10] =	stream.linear.scatter @!p0 [tilespmem:s3], [sflag:$0x7], $0x2000, $0x38;
	[tilespmem:$0x1FB80] =	vst v63  }
0x85: {  	_ =	swait.ge @!p0 [sflag:s9], $0x2000  }
0x86: {  	[sflag:s9] =	ssyncset.done @!p0 $0x0  }
0x87: {  	s10 =	rddreg [dreg:$0xa];
	[sflag:s9] =	ssyncadd.s32 @!p0 $0xFFFFE000  }
0x88: {  	[spmem:s10] =	stream.linear.scatter @!p0 [tilespmem:s3], [sflag:$0x7], $0x2000, $0x38;
	[tilespmem:$0x1FB80] =	vst v63  }
0x89: {  	_ =	swait.ge @!p0 [sflag:s9], $0x2000  }
0x8a: {  	[sflag:s9] =	ssyncset.done @!p0 $0x0  }
0x8b: {  	s10 =	rddreg [dreg:$0x11];
	[sflag:s9] =	ssyncadd.s32 @!p0 $0xFFFFE000  }
0x8c: {  	[spmem:s10] =	stream.linear.scatter @!p0 [tilespmem:s3], [sflag:$0x7], $0x1800, $0x38;
	[tilespmem:$0x1FB80] =	vst v63  }
0x8d: {  	_ =	swait.ge @!p0 [sflag:s9], $0x1800  }
0x8e: {  	[sflag:s9] =	ssyncset.done @!p0 $0x0  }
0x8f: {  	[sflag:s9] =	ssyncadd.s32 @!p0 $0xFFFFE800  }
0x90: {  	[bflag:$0x0] =	sbarrier.arrive $0xFFFF  }
0x91: {  	s3 =	simm.s32 $0x0;
	s11 =	rddreg [dreg:$0xb]  }
0x92: {  	[tilespmem:s3], [sflag:$0x1] =	stream.linear.gather [hbm4b:s11+s3], $0x40, $0x38;
	[tilespmem:$0x1FB80] =	vst v63  }
0x93: {  	s19 =	rddreg [dreg:$0xc]  }
0x94: {  	[tilespmem:s12], [sflag:$0x1] =	stream.linear.gather [hbm4b:s19+s3], $0x40, $0x38;
	[tilespmem:$0x1FB80] =	vst v63  }
0x95: {  	s25 =	rddreg [dreg:$0xe]  }
0x96: {  	[tilespmem:s13], [sflag:$0x2] =	stream.linear.gather [hbm4b:s25+s3], $0x40, $0x38;
	[tilespmem:$0x1FB80] =	vst v63  }
0x97: {  	s31 =	rddreg [dreg:$0xf]  }
0x98: {  	[tilespmem:s14], [sflag:$0x2] =	stream.linear.gather [hbm4b:s31+s3], $0x40, $0x38;
	[tilespmem:$0x1FB80] =	vst v63  }
0x99: {  	_ =	swait.ge [sflag:s15], $0x40  }
0x9a: {  	[sflag:s15] =	ssyncset.done $0x0  }
0x9b: {  	[sflag:s15] =	ssyncadd.s32 $0xFFFFFFC0  }
0x9c: {  	_ =	swait.ge [sflag:s15], $0x40  }
0x9d: {  	[sflag:s15] =	ssyncset.done $0x0  }
0x9e: {  	[sflag:s15] =	ssyncadd.s32 $0xFFFFFFC0  }
0x9f: {  	[tilespmem:s17], [sflag:$0x3] =	stream.indirect.gather [hbm4b:s6+s16], $0x80, s3, s16, $0xb8;
	[tilespmem:$0x1FB80] =	vst v63  }
0xa0: {  	_ = 	snop  }
0xa1: {  	[tilespmem:s18], [sflag:$0x3] =	stream.indirect.gather [hbm4b:s7+s16], $0x80, s12, s16, $0xb8;
	[tilespmem:$0x1FB80] =	vst v63  }
0xa2: {  	_ =	swait.ge [sflag:s20], $0x2000  }
.Ltmp3:
0xa3: {  	[sflag:s20] =	ssyncset.done $0x0;
	(pc) =	sbr.rel .LBB2_4-.Ltmp3, $4  }
0xa4: {  	[sflag:s20] =	ssyncadd.s32 $0xFFFFE000  }
0xa5: {  	_ =	swait.ge [sflag:s20], $0x2000  }
0xa6: {  	[sflag:s20] =	ssyncset.done $0x0  }
0xa7: {  	[sflag:s20] =	ssyncadd.s32 $0xFFFFE000  }
.LBB2_10:
0xa8: {  	s3 =	sadd.s32 $0x1, s3  }
0xa9: {  	p2 =	sne.s32 s3, $0x4F  }
.Ltmp4:
0xaa: {  	_ = 	snop;
	(pc) =	sbr.rel @!p2 .LBB2_11-.Ltmp4, $1  }
0xab: {  	_ =	sdelay $0x3  }
.LBB2_4:
0xac: {  	_ =	swait.ge [sflag:s21], $0x40  }
0xad: {  	[sflag:s21] =	ssyncset.done $0x0  }
0xae: {  	[sflag:s21] =	ssyncadd.s32 $0xFFFFFFC0  }
0xaf: {  	_ =	swait.ge [sflag:s21], $0x40  }
0xb0: {  	[sflag:s21] =	ssyncset.done $0x0  }
0xb1: {  	p2 =	seq.s32 s3, $0x0;
	[sflag:s21] =	ssyncadd.s32 $0xFFFFFFC0  }
0xb2: {  	[tilespmem:s24], [sflag:$0x4] =	stream.indirect.gather [hbm4b:s6+s16], $0x80, s13, s16, $0xb8;
	[tilespmem:$0x1FB80] =	vst v63  }
0xb3: {  	s9 =	simm.s32 @!p2 $0x5  }
0xb4: {  	[tilespmem:s26], [sflag:$0x4] =	stream.indirect.gather [hbm4b:s7+s16], $0x80, s14, s16, $0xb8;
	[tilespmem:$0x1FB80] =	vst v63  }
0xb5: {  	_ =	swait.ge @!p2 [sflag:s9], $0x2000  }
0xb6: {  	[sflag:s9] =	ssyncset.done @!p2 $0x0  }
0xb7: {  	s10 =	simm.s32 $0x0;
	[sflag:s9] =	ssyncadd.s32 @!p2 $0xFFFFE000  }
0xb8: {  	v1 =	vld [tilespmem:s10+$0x370]  }
0xb9: {  	v2 =	vld [tilespmem:s10+$0x4330];
	_ =	sdelay $0x2  }
0xba: {  	v3 =	vld [tilespmem:s10+$0x340]  }
0xbb: {  	v5 =	vld [tilespmem:s10+$0x4300]  }
0xbc: {  	v6 =	vld [tilespmem:s10+$0x350];
	v1 =	vadd.f32 v2, v1  }
0xbd: {  	v7 =	vld [tilespmem:s10+$0x4310]  }
0xbe: {  	v10 =	vmul.f32 $2.000000030e-01, v1  }
0xbf: {  	v8 =	vld [tilespmem:s10+$0x360]  }
0xc0: {  	s19 =	simm.s32 $0x80;
	v9 =	vld [tilespmem:s10+$0x4320];
	v10 =	vmax.f32 v1, v10  }
0xc1: {  	v11 =	vld [tilespmem:s19+$0x370];
	v3 =	vadd.f32 v5, v3;
	v10 =	vmul.f32 $1.442695020e+00, v10  }
0xc2: {  	v5 =	vld [tilespmem:s19+$0x4330];
	v6 =	vadd.f32 v7, v6  }
0xc3: {  	v4 =	vld [tilespmem:s10+$0x300];
	v12 =	vmul.f32 $2.000000030e-01, v3;
	(erf) = vpow2.f32 v10  }
0xc4: {  	v13 =	vld [tilespmem:s19+$0x4300];
	v7 =	vmul.f32 $2.000000030e-01, v6  }
0xc5: {  	v14 =	vld [tilespmem:s19+$0x350];
	v9 =	vadd.f32 v9, v8;
	v3 =	vmax.f32 v3, v12  }
0xc6: {  	v12 =	vld [tilespmem:s19+$0x4310];
	v6 =	vmax.f32 v6, v7;
	v3 =	vmul.f32 $1.442695020e+00, v3  }
0xc7: {  	v16 =	vmul.f32 $2.000000030e-01, v9;
	v11 =	vadd.f32 v5, v11;
	v5 =	vmul.f32 $1.442695020e+00, v6;
	v10 =	vld [tilespmem:s19+$0x340]  }
0xc8: {  	v15 =	vld [tilespmem:s10+$0x330];
	(erf) = vpow2.f32 v3  }
0xc9: {  	v2 =	vld [tilespmem:s10+$0x310];
	v3 =	vmax.f32 v9, v16;
	(erf) = vpow2.f32 v5  }
0xca: {  	v8 =	vld [tilespmem:s19+$0x4320];
	v16 =	vmul.f32 $1.442695020e+00, v3  }
0xcb: {  	v1 =	vld [tilespmem:s10+$0x320];
	v9 =	vmul.f32 $2.000000030e-01, v11  }
0xcc: {  	v7 =	vld [tilespmem:s19+$0x360];
	v13 =	vadd.f32 v13, v10;
	v10 =	vadd.f32 v12, v14;
	v12 =	vpop (erf);
	(erf) = vpow2.f32 v16  }
0xcd: {  	v6 =	vld [tilespmem:s19+$0x300]  }
0xce: {  	v5 =	vld [tilespmem:s19+$0x310];
	v9 =	vmax.f32 v11, v9;
	v17 =	vmul.f32 $2.000000030e-01, v13  }
0xcf: {  	s11 =	simm.s32 $0x100;
	v3 =	vld [tilespmem:s19+$0x320];
	v11 =	vmul.f32 $1.442695020e+00, v9;
	[tilespmem:s10+$0x8370] =	vst v12;
	v14 =	vmul.f32 v12, v15  }
0xd0: {  	s25 =	simm.s32 $0x600;
	s9 =	sshll.u32 s3, $0x1;
	v13 =	vmax.f32 v13, v17;
	v12 =	vmul.f32 $2.000000030e-01, v10;
	v9 =	vld [tilespmem:s11+$0x370]  }
.LBB2_5:
0xd1: {  	p3 =	sne.s32 s25, $0x7E00;
	v15 =	vld [tilespmem:s11+$0x4330];
	v13 =	vmul.f32 $1.442695020e+00, v13;
	v7 =	vadd.f32 v8, v7;
	(erf) = vpow2.f32 v11;
	[tilespmem:s10+$0x8330] =	vst v14;
	v8 =	vpop (erf)  }
0xd2: {  	v11 =	vld [tilespmem:s11+$0x340];
	v10 =	vmax.f32 v10, v12;
	v12 =	vmul.f32 v8, v4;
	[tilespmem:s10+$0x8340] =	vst v8;
	v8 =	vpop (erf);
	v4 =	vmov v6  }
0xd3: {  	v6 =	vld [tilespmem:s11+$0x4300];
	v17 =	vmul.f32 $1.442695020e+00, v10;
	v14 =	vmul.f32 $2.000000030e-01, v7;
	[tilespmem:s10+$0x8350] =	vst v8  }
0xd4: {  	v8 =	vmul.f32 v8, v2;
	v2 =	vmov v5;
	v16 =	vld [tilespmem:s11+$0x350];
	(erf) = vpow2.f32 v13;
	[tilespmem:s10+$0x8300] =	vst v12  }
0xd5: {  	v5 =	vld [tilespmem:s11+$0x4310];
	v7 =	vmax.f32 v7, v14;
	(erf) = vpow2.f32 v17;
	v10 =	vpop (erf)  }
0xd6: {  	v9 =	vadd.f32 v15, v9;
	v12 =	vmul.f32 $1.442695020e+00, v7;
	v13 =	vld [tilespmem:s19+$0x330];
	[tilespmem:s10+$0x8310] =	vst v8;
	v14 =	vmul.f32 v10, v1;
	v1 =	vmovc v3  }
0xd7: {  	v7 =	vld [tilespmem:s11+$0x360];
	[tilespmem:s10+$0x8360] =	vst v10  }
.Ltmp5:
0xd8: {  	v15 =	vadd.f32 v6, v11;
	v8 =	vld [tilespmem:s11+$0x4320];
	v3 =	vmul.f32 $2.000000030e-01, v9;
	(erf) = vpow2.f32 v12;
	[tilespmem:s10+$0x8320] =	vst v14;
	s10 =	smov.u32 s19;
	s19 =	smov.u32 s11;
	(pc) =	sbr.rel @p3 .LBB2_5-.Ltmp5, $4  }
0xd9: {  	v6 =	vld [tilespmem:s19+$0x300]  }
0xda: {  	v12 =	vmul.f32 $2.000000030e-01, v15;
	v10 =	vadd.f32 v5, v16;
	v5 =	vld [tilespmem:s19+$0x310];
	v9 =	vmax.f32 v9, v3;
	v16 =	vpop (erf)  }
0xdb: {  	s11 =	sshra.s32 s25, $0x2;
	v3 =	vld [tilespmem:s19+$0x320];
	v11 =	vmul.f32 $1.442695020e+00, v9;
	v14 =	vmul.f32 v16, v13;
	[tilespmem:s10+$0x8370] =	vst v16  }
0xdc: {  	s25 =	sadd.s32 $0x200, s25;
	v9 =	vld [tilespmem:s11+$0x370];
	v13 =	vmax.f32 v15, v12;
	v12 =	vmul.f32 $2.000000030e-01, v10  }
0xdd: {  	v15 =	vld [tilespmem:s11+$0x4330];
	[tilespmem:s10+$0x8330] =	vst v14;
	v41 =	vpop (erf)  }
0xde: {  	v16 =	vld [tilespmem:s11+$0x340];
	[tilespmem:s10+$0x8340] =	vst v41;
	v17 =	vpop (erf);
	v4 =	vmul.f32 v41, v4  }
0xdf: {  	v18 =	vld [tilespmem:s11+$0x4300];
	[tilespmem:s10+$0x8350] =	vst v17  }
0xe0: {  	(erf) = vpow2.f32 v11;
	v7 =	vadd.f32 v8, v7;
	v2 =	vmul.f32 v17, v2;
	v42 =	vld [tilespmem:s11+$0x350];
	[tilespmem:s10+$0x8300] =	vst v4  }
0xe1: {  	v43 =	vmul.f32 $1.442695020e+00, v13;
	v4 =	vld [tilespmem:s11+$0x4310]  }
0xe2: {  	v44 =	vmax.f32 v10, v12;
	v45 =	vld [tilespmem:s19+$0x330];
	[tilespmem:s10+$0x8310] =	vst v2;
	v2 =	vmul.f32 $2.000000030e-01, v7;
	v46 =	vpop (erf)  }
0xe3: {  	v8 =	vmul.f32 $1.442695020e+00, v44;
	(erf) = vpow2.f32 v43;
	v47 =	vld [tilespmem:s11+$0x360];
	[tilespmem:s10+$0x8360] =	vst v46  }
0xe4: {  	v2 =	vmax.f32 v7, v2;
	v49 =	vld [tilespmem:s11+$0x4320]  }
0xe5: {  	(erf) = vpow2.f32 v8;
	v48 =	vadd.f32 v15, v9;
	v2 =	vmul.f32 $1.442695020e+00, v2  }
0xe6: {  	v1 =	vmul.f32 v46, v1;
	v50 =	vadd.f32 v18, v16  }
0xe7: {  	v9 =	vmul.f32 $2.000000030e-01, v48;
	(erf) = vpow2.f32 v2;
	v2 =	vadd.f32 v4, v42  }
0xe8: {  	v52 =	vmul.f32 $2.000000030e-01, v50  }
0xe9: {  	[tilespmem:s10+$0x8320] =	vst v1;
	v51 =	vmax.f32 v48, v9;
	v54 =	vpop (erf);
	v56 =	vmul.f32 $2.000000030e-01, v2;
	v7 =	vadd.f32 v49, v47  }
0xea: {  	v1 =	vld [tilespmem:s11+$0x300];
	v4 =	vmul.f32 $1.442695020e+00, v51;
	v10 =	vmul.f32 v54, v45;
	v8 =	vmax.f32 v50, v52  }
0xeb: {  	v53 =	vld [tilespmem:s11+$0x310];
	v57 =	vmul.f32 $1.442695020e+00, v8;
	v2 =	vmax.f32 v2, v56;
	v59 =	vmul.f32 $2.000000030e-01, v7  }
0xec: {  	v55 =	vld [tilespmem:s11+$0x320];
	[tilespmem:s19+$0x8370] =	vst v54;
	v58 =	vpop (erf);
	(erf) = vpow2.f32 v4;
	v2 =	vmul.f32 $1.442695020e+00, v2  }
0xed: {  	[tilespmem:s19+$0x8330] =	vst v10;
	v6 =	vmul.f32 v58, v6;
	(erf) = vpow2.f32 v57;
	v61 =	vmax.f32 v7, v59  }
0xee: {  	[tilespmem:s19+$0x8340] =	vst v58;
	v60 =	vpop (erf);
	(erf) = vpow2.f32 v2;
	v2 =	vmul.f32 $1.442695020e+00, v61  }
0xef: {  	[tilespmem:s19+$0x8350] =	vst v60  }
0xf0: {  	[tilespmem:s19+$0x8300] =	vst v6  }
0xf1: {  	v5 =	vmul.f32 v60, v5;
	v62 =	vld [tilespmem:s11+$0x330]  }
0xf2: {  	(erf) = vpow2.f32 v2;
	v2 =	vpop (erf)  }
0xf3: {  	[tilespmem:s19+$0x8310] =	vst v5;
	v3 =	vmul.f32 v2, v3  }
0xf4: {  	[tilespmem:s19+$0x8360] =	vst v2  }
0xf5: {  	v2 =	vpop (erf);
	[tilespmem:s19+$0x8320] =	vst v3  }
0xf6: {  	v3 =	vmul.f32 v2, v62;
	[tilespmem:s11+$0x8370] =	vst v2;
	v2 =	vpop (erf)  }
0xf7: {  	v1 =	vmul.f32 v2, v1  }
0xf8: {  	[tilespmem:s11+$0x8330] =	vst v3  }
0xf9: {  	[tilespmem:s11+$0x8340] =	vst v2;
	v2 =	vpop (erf)  }
0xfa: {  	[tilespmem:s11+$0x8350] =	vst v2;
	v2 =	vmul.f32 v2, v53  }
0xfb: {  	[tilespmem:s11+$0x8300] =	vst v1;
	v1 =	vpop (erf)  }
0xfc: {  	[tilespmem:s11+$0x8310] =	vst v2;
	v2 =	vmul.f32 v1, v55  }
0xfd: {  	[tilespmem:s11+$0x8360] =	vst v1  }
0xfe: {  	[tilespmem:s11+$0x8320] =	vst v2  }
0xff: {  	v1 =	vld [tilespmem:$0x100]  }
0x100: {  	v2 =	vld [tilespmem:$0x110]  }
0x101: {  	v3 =	vld [tilespmem:$0x120]  }
0x102: {  	v63 =	vld [tilespmem:$0x130];
	_ =	sdelay $0x1  }
0x103: {  	[tilespmem:$0x200] =	vst v1  }
0x104: {  	s19 =	sshll.u32 s3, $0x6;
	[tilespmem:$0x210] =	vst v2  }
0x105: {  	p3 =	sge.u32 s19, s22;
	[tilespmem:$0x220] =	vst v3  }
0x106: {  	s10 =	simm.s32 @!p3 $0x40;
	s25 =	simm.s32 @!p3 $0x8300;
	s11 =	simm.s32 @!p3 $0x200;
	[tilespmem:$0x230] =	vst v63  }
0x107: {  	[spmem:s1] =	stream.indirect.scatter.add.f32 @!p3 [tilespmem:s25], [sflag:$0x5], $0x80, s11, s10, $0xb8;
	[tilespmem:$0x1FB80] =	vst v63  }
0x108: {  	p3 =	seq.s32 s3, $0x4E  }
0x109: {  	s10 =	sadd.s32 @!p3 s29, s19  }
0x10a: {  	s10 =	smin.u32 @!p3 s10, $0x1387  }
0x10b: {  	s10 =	sshll.u32 @!p3 s10, $0x3  }
0x10c: {  	s25 =	simm.s32 @!p3 $0x0;
	s11 =	sadd.s32 @!p3 s4, s10  }
0x10d: {  	[tilespmem:s25], [sflag:$0x1] =	stream.linear.gather @!p3 [hbm4b:s11+s25], $0x40, $0x38;
	[tilespmem:$0x1FB80] =	vst v63  }
0x10e: {  	s9 =	sor.u32 $0x1, s9;
	s10 =	sadd.s32 @!p3 s5, s10;
	s11 =	simm.s32 @!p3 $0x100  }
0x10f: {  	[tilespmem:s11], [sflag:$0x1] =	stream.linear.gather @!p3 [hbm4b:s10+s25], $0x40, $0x38;
	[tilespmem:$0x1FB80] =	vst v63  }
0x110: {  	p3 =	sgt.u32 s9, $0x9C;
	_ =	swait.ge [sflag:s28], $0x2000  }
.Ltmp6:
0x111: {  	[sflag:s28] =	ssyncset.done $0x0;
	(pc) =	sbr.rel @p3 .LBB2_10-.Ltmp6, $4  }
0x112: {  	[sflag:s28] =	ssyncadd.s32 $0xFFFFE000  }
0x113: {  	_ =	swait.ge [sflag:s28], $0x2000  }
0x114: {  	[sflag:s28] =	ssyncset.done $0x0  }
0x115: {  	[sflag:s28] =	ssyncadd.s32 $0xFFFFE000  }
0x116: {  	_ =	swait.ge [sflag:s15], $0x40  }
0x117: {  	[sflag:s15] =	ssyncset.done $0x0  }
0x118: {  	[sflag:s15] =	ssyncadd.s32 $0xFFFFFFC0  }
0x119: {  	_ =	swait.ge [sflag:s15], $0x40  }
0x11a: {  	[sflag:s15] =	ssyncset.done $0x0  }
0x11b: {  	[sflag:s15] =	ssyncadd.s32 $0xFFFFFFC0  }
0x11c: {  	[tilespmem:s17], [sflag:$0x3] =	stream.indirect.gather [hbm4b:s6+s16], $0x80, s2, s16, $0xb8;
	[tilespmem:$0x1FB80] =	vst v63  }
0x11d: {  	s10 =	simm.s32 @!p2 $0x6  }
0x11e: {  	[tilespmem:s18], [sflag:$0x3] =	stream.indirect.gather [hbm4b:s7+s16], $0x80, s12, s16, $0xb8;
	[tilespmem:$0x1FB80] =	vst v63  }
0x11f: {  	_ =	swait.ge @!p2 [sflag:s10], $0x2000  }
0x120: {  	[sflag:s10] =	ssyncset.done @!p2 $0x0  }
0x121: {  	s11 =	simm.s32 $0x0;
	[sflag:s10] =	ssyncadd.s32 @!p2 $0xFFFFE000  }
0x122: {  	v1 =	vld [tilespmem:s11+$0x2370]  }
0x123: {  	v2 =	vld [tilespmem:s11+$0x6330];
	_ =	sdelay $0x2  }
0x124: {  	v3 =	vld [tilespmem:s11+$0x2340]  }
0x125: {  	v5 =	vld [tilespmem:s11+$0x6300]  }
0x126: {  	v6 =	vld [tilespmem:s11+$0x2350];
	v1 =	vadd.f32 v2, v1  }
0x127: {  	v7 =	vld [tilespmem:s11+$0x6310]  }
0x128: {  	v10 =	vmul.f32 $2.000000030e-01, v1  }
0x129: {  	v8 =	vld [tilespmem:s11+$0x2360]  }
0x12a: {  	s10 =	simm.s32 $0x80;
	v9 =	vld [tilespmem:s11+$0x6320];
	v10 =	vmax.f32 v1, v10  }
0x12b: {  	v11 =	vld [tilespmem:s10+$0x2370];
	v3 =	vadd.f32 v5, v3;
	v10 =	vmul.f32 $1.442695020e+00, v10  }
0x12c: {  	v5 =	vld [tilespmem:s10+$0x6330];
	v6 =	vadd.f32 v7, v6  }
0x12d: {  	v4 =	vld [tilespmem:s11+$0x2300];
	v12 =	vmul.f32 $2.000000030e-01, v3;
	(erf) = vpow2.f32 v10  }
0x12e: {  	v13 =	vld [tilespmem:s10+$0x6300];
	v7 =	vmul.f32 $2.000000030e-01, v6  }
0x12f: {  	v14 =	vld [tilespmem:s10+$0x2350];
	v9 =	vadd.f32 v9, v8;
	v3 =	vmax.f32 v3, v12  }
0x130: {  	v12 =	vld [tilespmem:s10+$0x6310];
	v6 =	vmax.f32 v6, v7;
	v3 =	vmul.f32 $1.442695020e+00, v3  }
0x131: {  	v16 =	vmul.f32 $2.000000030e-01, v9;
	v11 =	vadd.f32 v5, v11;
	v5 =	vmul.f32 $1.442695020e+00, v6;
	v10 =	vld [tilespmem:s10+$0x2340]  }
0x132: {  	v15 =	vld [tilespmem:s11+$0x2330];
	(erf) = vpow2.f32 v3  }
0x133: {  	v2 =	vld [tilespmem:s11+$0x2310];
	v3 =	vmax.f32 v9, v16;
	(erf) = vpow2.f32 v5  }
0x134: {  	v8 =	vld [tilespmem:s10+$0x6320];
	v16 =	vmul.f32 $1.442695020e+00, v3  }
0x135: {  	v1 =	vld [tilespmem:s11+$0x2320];
	v9 =	vmul.f32 $2.000000030e-01, v11  }
0x136: {  	v7 =	vld [tilespmem:s10+$0x2360];
	v13 =	vadd.f32 v13, v10;
	v10 =	vadd.f32 v12, v14;
	v12 =	vpop (erf);
	(erf) = vpow2.f32 v16  }
0x137: {  	v6 =	vld [tilespmem:s10+$0x2300]  }
0x138: {  	v5 =	vld [tilespmem:s10+$0x2310];
	v9 =	vmax.f32 v11, v9;
	v17 =	vmul.f32 $2.000000030e-01, v13  }
0x139: {  	s25 =	simm.s32 $0x100;
	v3 =	vld [tilespmem:s10+$0x2320];
	v11 =	vmul.f32 $1.442695020e+00, v9;
	[tilespmem:s11+$0xA370] =	vst v12;
	v14 =	vmul.f32 v12, v15  }
0x13a: {  	s31 =	simm.s32 $0x600;
	v13 =	vmax.f32 v13, v17;
	v12 =	vmul.f32 $2.000000030e-01, v10;
	v9 =	vld [tilespmem:s25+$0x2370]  }
.LBB2_8:
0x13b: {  	p2 =	sne.s32 s31, $0x7E00;
	v15 =	vld [tilespmem:s25+$0x6330];
	v13 =	vmul.f32 $1.442695020e+00, v13;
	v7 =	vadd.f32 v8, v7;
	(erf) = vpow2.f32 v11;
	[tilespmem:s11+$0xA330] =	vst v14;
	v8 =	vpop (erf)  }
0x13c: {  	v11 =	vld [tilespmem:s25+$0x2340];
	v10 =	vmax.f32 v10, v12;
	v12 =	vmul.f32 v8, v4;
	[tilespmem:s11+$0xA340] =	vst v8;
	v8 =	vpop (erf);
	v4 =	vmov v6  }
0x13d: {  	v6 =	vld [tilespmem:s25+$0x6300];
	v17 =	vmul.f32 $1.442695020e+00, v10;
	v14 =	vmul.f32 $2.000000030e-01, v7;
	[tilespmem:s11+$0xA350] =	vst v8  }
0x13e: {  	v8 =	vmul.f32 v8, v2;
	v2 =	vmov v5;
	v16 =	vld [tilespmem:s25+$0x2350];
	(erf) = vpow2.f32 v13;
	[tilespmem:s11+$0xA300] =	vst v12  }
0x13f: {  	v5 =	vld [tilespmem:s25+$0x6310];
	v7 =	vmax.f32 v7, v14;
	(erf) = vpow2.f32 v17;
	v10 =	vpop (erf)  }
0x140: {  	v9 =	vadd.f32 v15, v9;
	v12 =	vmul.f32 $1.442695020e+00, v7;
	v13 =	vld [tilespmem:s10+$0x2330];
	[tilespmem:s11+$0xA310] =	vst v8;
	v14 =	vmul.f32 v10, v1;
	v1 =	vmovc v3  }
0x141: {  	v7 =	vld [tilespmem:s25+$0x2360];
	[tilespmem:s11+$0xA360] =	vst v10  }
.Ltmp7:
0x142: {  	v15 =	vadd.f32 v6, v11;
	v8 =	vld [tilespmem:s25+$0x6320];
	v3 =	vmul.f32 $2.000000030e-01, v9;
	(erf) = vpow2.f32 v12;
	[tilespmem:s11+$0xA320] =	vst v14;
	s11 =	smov.u32 s10;
	s10 =	smov.u32 s25;
	(pc) =	sbr.rel @p2 .LBB2_8-.Ltmp7, $4  }
0x143: {  	v6 =	vld [tilespmem:s10+$0x2300]  }
0x144: {  	v12 =	vmul.f32 $2.000000030e-01, v15;
	v10 =	vadd.f32 v5, v16;
	v5 =	vld [tilespmem:s10+$0x2310];
	v9 =	vmax.f32 v9, v3;
	v16 =	vpop (erf)  }
0x145: {  	s25 =	sshra.s32 s31, $0x2;
	v3 =	vld [tilespmem:s10+$0x2320];
	v11 =	vmul.f32 $1.442695020e+00, v9;
	v14 =	vmul.f32 v16, v13;
	[tilespmem:s11+$0xA370] =	vst v16  }
0x146: {  	s31 =	sadd.s32 $0x200, s31;
	v9 =	vld [tilespmem:s25+$0x2370];
	v13 =	vmax.f32 v15, v12;
	v12 =	vmul.f32 $2.000000030e-01, v10  }
0x147: {  	v15 =	vld [tilespmem:s25+$0x6330];
	[tilespmem:s11+$0xA330] =	vst v14;
	v41 =	vpop (erf)  }
0x148: {  	v16 =	vld [tilespmem:s25+$0x2340];
	[tilespmem:s11+$0xA340] =	vst v41;
	v17 =	vpop (erf);
	v4 =	vmul.f32 v41, v4  }
0x149: {  	v18 =	vld [tilespmem:s25+$0x6300];
	[tilespmem:s11+$0xA350] =	vst v17  }
0x14a: {  	(erf) = vpow2.f32 v11;
	v7 =	vadd.f32 v8, v7;
	v2 =	vmul.f32 v17, v2;
	v42 =	vld [tilespmem:s25+$0x2350];
	[tilespmem:s11+$0xA300] =	vst v4  }
0x14b: {  	v43 =	vmul.f32 $1.442695020e+00, v13;
	v4 =	vld [tilespmem:s25+$0x6310]  }
0x14c: {  	v44 =	vmax.f32 v10, v12;
	v45 =	vld [tilespmem:s10+$0x2330];
	[tilespmem:s11+$0xA310] =	vst v2;
	v2 =	vmul.f32 $2.000000030e-01, v7;
	v46 =	vpop (erf)  }
0x14d: {  	v8 =	vmul.f32 $1.442695020e+00, v44;
	(erf) = vpow2.f32 v43;
	v47 =	vld [tilespmem:s25+$0x2360];
	[tilespmem:s11+$0xA360] =	vst v46  }
0x14e: {  	v2 =	vmax.f32 v7, v2;
	v49 =	vld [tilespmem:s25+$0x6320]  }
0x14f: {  	(erf) = vpow2.f32 v8;
	v48 =	vadd.f32 v15, v9;
	v2 =	vmul.f32 $1.442695020e+00, v2  }
0x150: {  	v1 =	vmul.f32 v46, v1;
	v50 =	vadd.f32 v18, v16  }
0x151: {  	v9 =	vmul.f32 $2.000000030e-01, v48;
	(erf) = vpow2.f32 v2;
	v2 =	vadd.f32 v4, v42  }
0x152: {  	v52 =	vmul.f32 $2.000000030e-01, v50  }
0x153: {  	[tilespmem:s11+$0xA320] =	vst v1;
	v51 =	vmax.f32 v48, v9;
	v54 =	vpop (erf);
	v56 =	vmul.f32 $2.000000030e-01, v2;
	v7 =	vadd.f32 v49, v47  }
0x154: {  	v1 =	vld [tilespmem:s25+$0x2300];
	v4 =	vmul.f32 $1.442695020e+00, v51;
	v10 =	vmul.f32 v54, v45;
	v8 =	vmax.f32 v50, v52  }
0x155: {  	v53 =	vld [tilespmem:s25+$0x2310];
	v57 =	vmul.f32 $1.442695020e+00, v8;
	v2 =	vmax.f32 v2, v56;
	v59 =	vmul.f32 $2.000000030e-01, v7  }
0x156: {  	v55 =	vld [tilespmem:s25+$0x2320];
	[tilespmem:s10+$0xA370] =	vst v54;
	v58 =	vpop (erf);
	(erf) = vpow2.f32 v4;
	v2 =	vmul.f32 $1.442695020e+00, v2  }
0x157: {  	[tilespmem:s10+$0xA330] =	vst v10;
	v6 =	vmul.f32 v58, v6;
	(erf) = vpow2.f32 v57;
	v61 =	vmax.f32 v7, v59  }
0x158: {  	[tilespmem:s10+$0xA340] =	vst v58;
	v60 =	vpop (erf);
	(erf) = vpow2.f32 v2;
	v2 =	vmul.f32 $1.442695020e+00, v61  }
0x159: {  	[tilespmem:s10+$0xA350] =	vst v60  }
0x15a: {  	[tilespmem:s10+$0xA300] =	vst v6  }
0x15b: {  	v5 =	vmul.f32 v60, v5;
	v62 =	vld [tilespmem:s25+$0x2330]  }
0x15c: {  	(erf) = vpow2.f32 v2;
	v2 =	vpop (erf)  }
0x15d: {  	[tilespmem:s10+$0xA310] =	vst v5;
	v3 =	vmul.f32 v2, v3  }
0x15e: {  	[tilespmem:s10+$0xA360] =	vst v2  }
0x15f: {  	v2 =	vpop (erf);
	[tilespmem:s10+$0xA320] =	vst v3  }
0x160: {  	v3 =	vmul.f32 v2, v62;
	[tilespmem:s25+$0xA370] =	vst v2;
	v2 =	vpop (erf)  }
0x161: {  	v1 =	vmul.f32 v2, v1  }
0x162: {  	[tilespmem:s25+$0xA330] =	vst v3  }
0x163: {  	[tilespmem:s25+$0xA340] =	vst v2;
	v2 =	vpop (erf)  }
0x164: {  	[tilespmem:s25+$0xA350] =	vst v2;
	v2 =	vmul.f32 v2, v53  }
0x165: {  	[tilespmem:s25+$0xA300] =	vst v1;
	v1 =	vpop (erf)  }
0x166: {  	[tilespmem:s25+$0xA310] =	vst v2;
	v2 =	vmul.f32 v1, v55  }
0x167: {  	[tilespmem:s25+$0xA360] =	vst v1  }
0x168: {  	[tilespmem:s25+$0xA320] =	vst v2  }
0x169: {  	v1 =	vld [tilespmem:$0x180]  }
0x16a: {  	v2 =	vld [tilespmem:$0x190]  }
0x16b: {  	v3 =	vld [tilespmem:$0x1A0]  }
0x16c: {  	v63 =	vld [tilespmem:$0x1B0];
	_ =	sdelay $0x1  }
0x16d: {  	s9 =	sshll.u32 s9, $0x5;
	[tilespmem:$0x280] =	vst v1  }
0x16e: {  	p2 =	sge.u32 s9, s22;
	[tilespmem:$0x290] =	vst v2  }
0x16f: {  	s9 =	simm.s32 @!p2 $0x40;
	[tilespmem:$0x2A0] =	vst v3  }
0x170: {  	s11 =	simm.s32 @!p2 $0xA300;
	s10 =	simm.s32 @!p2 $0x280;
	s25 =	sadd.s32 s30, s19;
	[tilespmem:$0x2B0] =	vst v63  }
0x171: {  	[spmem:s1] =	stream.indirect.scatter.add.f32 @!p2 [tilespmem:s11], [sflag:$0x6], $0x80, s10, s9, $0xb8;
	[tilespmem:$0x1FB80] =	vst v63  }
0x172: {  	s9 =	smin.u32 s25, $0x1387  }
0x173: {  	s9 =	sshll.u32 s9, $0x3  }
0x174: {  	s31 =	sadd.s32 s4, s9  }
0x175: {  	[tilespmem:s13], [sflag:$0x2] =	stream.linear.gather [hbm4b:s31+s2], $0x40, $0x38;
	[tilespmem:$0x1FB80] =	vst v63  }
0x176: {  	s9 =	sadd.s32 s5, s9  }
0x177: {  	[tilespmem:s14], [sflag:$0x2] =	stream.linear.gather [hbm4b:s9+s2], $0x40, $0x38;
	[tilespmem:$0x1FB80] =	vst v63  }
0x178: {  	_ =	swait.ge [sflag:s20], $0x2000  }
.Ltmp8:
0x179: {  	[sflag:s20] =	ssyncset.done $0x0;
	(pc) =	sbr.rel .LBB2_10-.Ltmp8, $4  }
0x17a: {  	[sflag:s20] =	ssyncadd.s32 $0xFFFFE000  }
0x17b: {  	_ =	swait.ge [sflag:s20], $0x2000  }
0x17c: {  	[sflag:s20] =	ssyncset.done $0x0  }
0x17d: {  	[sflag:s20] =	ssyncadd.s32 $0xFFFFE000  }
.LBB2_11:
.Ltmp9:
0x17e: {  	(pc) =	sbr.rel @p1 .LBB2_13-.Ltmp9, $4  }
0x17f: {  	s3 =	simm.s32 $0x6  }
0x180: {  	_ =	swait.ge [sflag:s3], $0x2000  }
0x181: {  	[sflag:s3] =	ssyncset.done $0x0  }
0x182: {  	[sflag:s3] =	ssyncadd.s32 $0xFFFFE000  }
0x183: {  	s3 =	simm.s32 $0x5  }
.Ltmp10:
0x184: {  	_ =	swait.ge [sflag:s3], $0x2000;
	(pc) =	sbr.rel .LBB2_14-.Ltmp10, $3  }
0x185: {  	[sflag:s3] =	ssyncset.done $0x0  }
0x186: {  	[sflag:s3] =	ssyncadd.s32 $0xFFFFE000  }
0x187: {  	[bflag:$0x0] =	sbarrier.arrive $0xFFFF;
	_ =	sdelay $0x1  }
.LBB2_13:
.Ltmp11:
0x188: {  	(pc) =	sbr.rel @p0 .LBB2_15-.Ltmp11, $2  }
0x189: {  	_ =	sdelay $0x1  }
0x18a: {  	[bflag:$0x0] =	sbarrier.arrive $0xFFFF;
	_ =	sdelay $0x1  }
.LBB2_14:
0x18b: {  	s3 =	stileid.u32  }
0x18c: {  	s9 =	sshrl.u32 s8, $0x3;
	s3 =	sshll.u32 s3, $0x6  }
.Ltmp12:
0x18d: {  	s10 =	rddreg [dreg:$0xd];
	s3 =	sor.u32 $0x1C07, s3;
	(pc) =	sbr.rel .LBB2_16-.Ltmp12, $4  }
0x18e: {  	[hbm:s10], [sflag:s3] =	dma.local [spmem:s9], $0x2700  }
0x18f: {  	_ =	swait.ge [sflag:s0], $0x2700  }
0x190: {  	[sflag:s0] =	ssyncset.done $0x0  }
0x191: {  	[sflag:s0] =	ssyncadd.s32 $0xFFFFD900  }
.LBB2_17:
0x192: {  	_ =	sfence.sel $0x180000  }
0x193: {  	[bflag:$0x0] =	sbarrier.arrive $0xFFFF  }
0x194: {  	_ =	strace $0x9000004A  }
0x195: {  	s0 =	stileid.u32;
	[bflag:$0x2] =	sbarrier.arrive $0xFFFF  }
0x196: {  	p0 =	sne.s32 s0, $0x0;
	s0 =	rddreg [dreg:$0x2]  }
0x197: {  	s0 =	sadd.s32 @!p0 $0x100000, s0  }
0x198: {  	[sflag:s0] =	ssyncadd.tile.s32 @!p0 $0x1;
	_ =	shalt  }
.Lfunc_end2:
_tile_overlayer_lowered:
.L_overlay_start_2:
0x199: {  	(tag) =	ssettag $0x2  }
0x19a: {  	s0 =	rddreg [dreg:$0x0];
	s2 =	stileid.u32  }
0x19b: {  	s1 =	rddreg [dreg:$0x1];
	p0 =	sne.s32 s2, $0x0  }
0x19c: {  	s3 =	rddreg [dreg:$0x2];
	[bflag:$0x3] =	sbarrier.arrive $0xFFFF;
	s2 =	simm.s32 @!p0 $0x1C07  }
0x19d: {  	[timem:s3], [sflag:s2] =	dma.local @!p0 [hbm:s0], s1  }
0x19e: {  	s0 =	simm.s32 @!p0 $0x7  }
0x19f: {  	_ =	swait.ge @!p0 [sflag:s0], s1  }
0x1a0: {  	s1 =	ssub.s32 @!p0 $0x0, s1;
	[sflag:s0] =	ssyncset.done @!p0 $0x0  }
0x1a1: {  	[sflag:s0] =	ssyncadd.s32 @!p0 s1  }
0x1a2: {  	[bflag:$0x3] =	sbarrier.arrive $0xFFFF  }
0x1a3: {  	_ =	shalt  }

// kernel: kernel.15.cloned.1.call-start
scs
__scs_entry_jumppad:
0x0: {  	(pc) =	sbr.rel $0x88, $3  }
0x1: {  	(tag) =	ssettag $0x0;
	lr =	simm.s32 $0x1  }
0x2: {  	[smem:$0x3F90] =	sst lr;
	_ =	strace $0xD0000000  }
0x3: {  	_ = 	snop  }
0x4: {  	_ = 	snop  }
0x5: {  	_ = 	snop  }
0x6: {  	_ = 	snop  }
0x7: {  	_ = 	snop  }
__scs_overlays_trampoline_lowered:
0x8: {  	[smem:$0x3F9F] =	sst s0  }
0x9: {  	[smem:$0x3FA0] =	sst s1  }
0xa: {  	[smem:$0x3FA1] =	sst s2  }
0xb: {  	[smem:$0x3FA2] =	sst s3  }
0xc: {  	[smem:$0x3FA3] =	sst s4  }
0xd: {  	[smem:$0x3FA4] =	sst s5  }
0xe: {  	[smem:$0x3FA5] =	sst s6  }
0xf: {  	[smem:$0x3FA6] =	sst s7  }
0x10: {  	[smem:$0x3FA7] =	sst s8  }
0x11: {  	[smem:$0x3FA8] =	sst s9;
	s0 =	simm.s32 @!p0 $0x0  }
0x12: {  	s1 =	sld [smem:$0x3F8E];
	s0 =	simm.s32 @p0 $0x1  }
0x13: {  	[smem:$0x3FA9] =	sst s0;
	s0 =	simm.s32 @!p1 $0x0  }
0x14: {  	s2 =	sld [smem:$0x3F8D];
	s0 =	simm.s32 @p1 $0x1  }
0x15: {  	[smem:$0x3FAA] =	sst s0;
	s0 =	simm.s32 @!p2 $0x0  }
0x16: {  	s3 =	sld [smem:$0x3FDB];
	s0 =	simm.s32 @p2 $0x1  }
0x17: {  	s4 =	simm.s32 $0x1BF5;
	[smem:$0x3FAC] =	sst s0  }
0x18: {  	s0 =	sld [smem:$0x3F8F];
	_ =	swait.ge [sflag:s4], $0x0  }
0x19: {  	s7 =	sld [smem:$0x3F90]  }
0x1a: {  	s8 =	sadd.s32 $0xFFFFE003, lr  }
0x1b: {  	s9 =	sadd.s32 $0xFFFFFEF7, lr;
	s5 =	simm.s32 $0xFFFFFFFF;
	p2 =	slt.u32 s8, $0xFFFFF086  }
0x1c: {  	p1 =	slt.u32 s9, $0xF7A;
	s5 =	simm.s32 @!p2 $0x0  }
0x1d: {  	s5 =	simm.s32 @p1 $0x1;
	p0 =	seq.s32 s7, s2  }
0x1e: {  	s7 =	smul.u32 @!p0 $0xF7A, s2;
	p2 =	seq.s32 @!p0 s5, $0x0  }
0x1f: {  	s9 =	smul.u32 $0xF7A, s1;
	s8 =	simm.s32 @!p0 $0x1BF5;
	p2 =	por !p2, p0  }
0x20: {  	[sflag:s8] =	ssyncset.s32 @!p0 $0xFFFFF086;
	s6 =	sadd.s32 @!p0 s3, s7;
	s7 =	simm.s32 @!p0 $0x108  }
0x21: {  	s3 =	sadd.s32 s3, s9;
	s6 =	sadd.s32 @!p0 $0x88, s6;
	s7 =	simm.s32 @p2 $0x1082  }
0x22: {  	[simem:s7], [sflag:s8] =	dma.local @!p0 [hbm:s6], $0xF7A  }
0x23: {  	s9 =	sor.u32 $0xD0000000, s2;
	s6 =	simm.s32 $0x108;
	_ =	swait.ge @!p0 [sflag:s8], $0x0  }
0x24: {  	s3 =	sadd.s32 $0x88, s3;
	s6 =	simm.s32 @!p1 $0x1082;
	[sflag:s4] =	ssyncset.s32 $0xFFFFF086  }
0x25: {  	[simem:s6], [sflag:s4] =	dma.local [hbm:s3], $0xF7A  }
0x26: {  	[smem:$0x3F90] =	sst s1;
	(tag) =	ssettag s2;
	_ =	strace s9  }
0x27: {  	s1 =	sld [smem:$0x3FA0]  }
0x28: {  	s2 =	sld [smem:$0x3FA1]  }
0x29: {  	s4 =	sld [smem:$0x3FA3]  }
0x2a: {  	p0 =	seq.s32 s5, $0x0;
	s5 =	sld [smem:$0x3FA4]  }
0x2b: {  	s6 =	sld [smem:$0x3FA5]  }
0x2c: {  	s7 =	sld [smem:$0x3FA6]  }
0x2d: {  	s3 =	simm.s32 $0x108;
	s8 =	sld [smem:$0x3FA7]  }
0x2e: {  	s3 =	simm.s32 @!p0 $0x1082;
	s9 =	sld [smem:$0x3FA8]  }
0x2f: {  	lr =	sadd.s32 s0, s3;
	s0 =	sld [smem:$0x3F9F]  }
0x30: {  	s3 =	sld [smem:$0x3FA2]  }
0x31: {  	[smem:$0x3FAB] =	sst s10  }
0x32: {  	s10 =	sld [smem:$0x3FA9];
	_ =	sdelay $0x3  }
0x33: {  	p0 =	seq.s32 s10, $0x1;
	s10 =	sld [smem:$0x3FAB];
	_ =	sdelay $0x3  }
0x34: {  	[smem:$0x3FAB] =	sst s10  }
0x35: {  	s10 =	sld [smem:$0x3FAA];
	_ =	sdelay $0x3  }
0x36: {  	p1 =	seq.s32 s10, $0x1;
	s10 =	sld [smem:$0x3FAB];
	_ =	sdelay $0x3  }
0x37: {  	[smem:$0x3FAB] =	sst s10  }
0x38: {  	s10 =	sld [smem:$0x3FAC]  }
0x39: {  	_ = 	snop;
	(pc) =	sbr.ind lr, $3  }
0x3a: {  	_ = 	snop  }
0x3b: {  	_ = 	snop  }
0x3c: {  	p2 =	seq.s32 s10, $0x1;
	s10 =	sld [smem:$0x3FAB]  }
0x3d: {  	_ =	shalt  }
0x3e: {  	_ =	shalt  }
0x3f: {  	_ =	shalt  }
0x40: {  	_ =	shalt  }
0x41: {  	_ =	shalt  }
0x42: {  	_ =	shalt  }
0x43: {  	_ =	shalt  }
0x44: {  	_ =	shalt  }
0x45: {  	_ =	shalt  }
0x46: {  	_ =	shalt  }
0x47: {  	_ =	shalt  }
0x48: {  	_ =	shalt  }
0x49: {  	_ =	shalt  }
0x4a: {  	_ =	shalt  }
0x4b: {  	_ =	shalt  }
0x4c: {  	_ =	shalt  }
0x4d: {  	_ =	shalt  }
0x4e: {  	_ =	shalt  }
0x4f: {  	_ =	shalt  }
0x50: {  	_ =	shalt  }
0x51: {  	_ =	shalt  }
0x52: {  	_ =	shalt  }
0x53: {  	_ =	shalt  }
0x54: {  	_ =	shalt  }
0x55: {  	_ =	shalt  }
0x56: {  	_ =	shalt  }
0x57: {  	_ =	shalt  }
0x58: {  	_ =	shalt  }
0x59: {  	_ =	shalt  }
0x5a: {  	_ =	shalt  }
0x5b: {  	_ =	shalt  }
0x5c: {  	_ =	shalt  }
0x5d: {  	_ =	shalt  }
0x5e: {  	_ =	shalt  }
0x5f: {  	_ =	shalt  }
0x60: {  	_ =	shalt  }
0x61: {  	_ =	shalt  }
0x62: {  	_ =	shalt  }
0x63: {  	_ =	shalt  }
0x64: {  	_ =	shalt  }
0x65: {  	_ =	shalt  }
0x66: {  	_ =	shalt  }
0x67: {  	_ =	shalt  }
0x68: {  	_ =	shalt  }
0x69: {  	_ =	shalt  }
0x6a: {  	_ =	shalt  }
0x6b: {  	_ =	shalt  }
0x6c: {  	_ =	shalt  }
0x6d: {  	_ =	shalt  }
0x6e: {  	_ =	shalt  }
0x6f: {  	_ =	shalt  }
0x70: {  	_ =	shalt  }
0x71: {  	_ =	shalt  }
0x72: {  	_ =	shalt  }
0x73: {  	_ =	shalt  }
0x74: {  	_ =	shalt  }
0x75: {  	_ =	shalt  }
0x76: {  	_ =	shalt  }
0x77: {  	_ =	shalt  }
0x78: {  	_ =	shalt  }
0x79: {  	_ =	shalt  }
0x7a: {  	_ =	shalt  }
0x7b: {  	_ =	shalt  }
0x7c: {  	_ =	shalt  }
0x7d: {  	_ =	shalt  }
0x7e: {  	_ =	shalt  }
0x7f: {  	_ =	shalt  }
0x80: {  	_ =	shalt  }
0x81: {  	_ =	shalt  }
0x82: {  	_ =	shalt  }
0x83: {  	_ =	shalt  }
0x84: {  	_ =	shalt  }
0x85: {  	_ =	shalt  }
0x86: {  	_ =	shalt  }
0x87: {  	_ =	shalt  }
.Lfunc_end0:
.L_simem_size_0:
called_computation.2_lowered:
.L_overlay_start_0:
0x88: {  	s2 =	sld [smem:$0x3FD9]  }
0x89: {  	s3 =	sld [smem:$0x3FFE];
	_ =	sdelay $0x1  }
0x8a: {  	s1 =	srdreg.scid  }
0x8b: {  	s0 =	sand.u32 $0x1, s1  }
0x8c: {  	s16 =	sshll.u32 s0, $0xA;
	s2 =	sadd.s32 s3, s2  }
0x8d: {  	s2 =	sadd.s32 s2, s16  }
0x8e: {  	[smem:$0x3FB7] =	sst s2  }
0x8f: {  	_ = 	snop  }
0x90: {  	(tm) =	ssettm $0x1  }
0x91: {  	s17 =	sld [smem:$0x3FFB];
	_ =	sdelay $0x3  }
0x92: {  	_ =	strace s17  }
0x93: {  	s2 =	sld [smem:$0x3FFC];
	_ =	sdelay $0x3  }
0x94: {  	_ =	strace s2  }
0x95: {  	s2 =	sld [smem:$0x3FFD];
	_ =	sdelay $0x3  }
0x96: {  	_ =	strace s2  }
0x97: {  	_ =	strace $0x8FFFFFFF  }
0x98: {  	s18 =	sld [smem:$0x3FDB];
	_ =	sdelay $0x1  }
0x99: {  	s19 =	simm.s32 $_scs_section_size  }
0x9a: {  	s4 =	simm.s32 $_size__tile_overlayer_lowered;
	s5 =	simm.s32 $_tile_overlayer_lowered  }
0x9b: {  	s22 =	simm.s32 $0x1BFF;
	s21 =	sshll.u32 s5, $0x1;
	s2 =	sadd.s32 s19, s18  }
0x9c: {  	s6 =	simm.s32 $0x0;
	s20 =	sshll.u32 s4, $0x1;
	s4 =	sadd.s32 s21, s2  }
0x9d: {  	[timem:s6], [sflag:s22] =	dma.local [hbm:s4], s20  }
0x9e: {  	_ =	swait.ge [sflag:s22], s20  }
0x9f: {  	s3 =	ssub.s32 $0x0, s20;
	[sflag:s22] =	ssyncset.done $0x0  }
0xa0: {  	[sflag:s22] =	ssyncadd.s32 s3;
	_ =	sdelay $0x1  }
0xa1: {  	s23 =	simm.s32 $0x1B8B  }
0xa2: {  	_ =	swait.ge [sflag:s23], $0x1  }
0xa3: {  	[sflag:s23] =	ssyncset.done $0x0  }
0xa4: {  	s25 =	simm.s32 $0x1B8E;
	s24 =	sld [smem:$0x3FFE];
	[sflag:s23] =	ssyncadd.s32 $0xFFFFFFFF  }
0xa5: {  	s26 =	simm.s32 $execute0_lowered;
	[smem:$0x3FD2] =	sst s25  }
0xa6: {  	s4 =	sshll.u32 s26, $0x1;
	_ =	strace $0x8000004C;
	[dreg:$0x1] =	wrdreg $0xFFFFFFFF  }
0xa7: {  	s28 =	simm.s32 $_size_execute0_lowered;
	s2 =	sadd.s32 s2, s4;
	[dreg:$0x0] =	wrdreg $0x0  }
0xa8: {  	s4 =	sshll.u32 s28, $0x1;
	[dreg:$0x2] =	wrdreg s2  }
0xa9: {  	[dreg:$0x3] =	wrdreg s4  }
0xaa: {  	[dreg:$0x4] =	wrdreg $0xC0  }
0xab: {  	_ =	task [dreg:s6], $0x5FFFF  }
0xac: {  	[dreg:$0x1] =	wrdreg $0xFFFFFFFF  }
0xad: {  	[dreg:$0x0] =	wrdreg $0x60  }
0xae: {  	[dreg:$0x2] =	wrdreg s24  }
0xaf: {  	[dreg:$0x3] =	wrdreg $0xC3000  }
0xb0: {  	[dreg:$0x4] =	wrdreg $0x9  }
0xb1: {  	_ =	task.clear_ibuf [dreg:s6], $0x5FFFF;
	_ =	strace $0x9000004C  }
0xb2: {  	s29 =	simm.s32 $0x9;
	_ =	strace $0x8000004E  }
0xb3: {  	_ =	swait.ge [sflag:s29], $0x1  }
0xb4: {  	[sflag:s29] =	ssyncadd.s32 $0xFFFFFFFF  }
0xb5: {  	_ =	strace $0x9000004E  }
0xb6: {  	_ =	sfence  }
0xb7: {  	s30 =	sld [smem:$0x0];
	_ =	sdelay $0x2  }
0xb8: {  	s31 =	sshll.u32 s1, $0xD;
	s1 =	sshrl.u32 s1, $0x2  }
0xb9: {  	s3 =	sand.u32 $0x4000, s31;
	s1 =	sadd.s32 s1, s30  }
0xba: {  	s0 =	sor.u32 s3, s0;
	s1 =	sshll.u32 s1, $0x11  }
0xbb: {  	s0 =	sor.u32 s1, s0  }
0xbc: {  	s0 =	sadd.s32 $0x8F2B, s0  }
0xbd: {  	[sflag:s0] =	ssyncadd.remote.s32 $0x1  }
0xbe: {  	_ =	sfence.sel $0xFFFF  }
0xbf: {  	[dreg:$0x0] =	wrdreg $0xFFFFFFFF;
	(pc) =	sbr.abs _section_cstart, $3  }
0xc0: {  	[dreg:$0x1] =	wrdreg $0xFFFFFFFF  }
0xc1: {  	_ =	task.clear_ibuf [dreg:s6], $0x2FFFF;
	_ =	strace $0x9FFFFFFF  }
0xc2: {  	(tm) =	ssettm $0x7FFFFFFF  }
0xc3: {  	_ =	shalt  }
tec
execute0_lowered:
.L_overlay_start_1:
0x0: {  	(tag) =	ssettag $0x1  }
0x1: {  	s0 =	rddreg [dreg:$0x0]  }
0x2: {  	s1 =	rddreg [dreg:$0x1]  }
0x3: {  	s2 =	simm.s32 $0x0;
	s3 =	srdreg.scid;
	s15 =	stileid.u32  }
0x4: {  	s28 =	simm.s32 $0x4;
	[smem:$0x7FF] =	sst s2;
	s4 =	sadd.s32 $0xD800, s0  }
0x5: {  	s5 =	sadd.s32 $0x3A00, s0;
	s3 =	sand.u32 $0x1, s3;
	s8 =	smul.u32 $0x4E000, s15  }
0x6: {  	s6 =	sadd.s32 $0x17600, s0;
	s7 =	sadd.s32 $0x3E800, s0;
	s0 =	sadd.s32 $0x65A00, s0  }
0x7: {  	s22 =	smul.u32 $0x2700, s15;
	p0 =	seq.s32 s15, $0xF;
	s8 =	sshrl.u32 s8, $0x2  }
0x8: {  	p1 =	sgt.u32 s15, $0x3;
	_ =	strace $0x8000004D;
	s8 =	sadd.s32 s8, s1  }
0x9: {  	s9 =	ssub.s32 $0x2, s3;
	s20 =	smul.u32 $0x27100, s3;
	s12 =	sadd.s32 $0x2000, s8  }
0xa: {  	s10 =	sshrl.u32 s9, $0x1;
	s17 =	sadd.s32 $0x4000, s8;
	[dreg:$0x3] =	wrdreg s12  }
0xb: {  	s9 =	ssub.s32 s9, s10;
	s18 =	sadd.s32 $0x6000, s8;
	[dreg:$0x4] =	wrdreg s17  }
0xc: {  	s10 =	sshll.u32 s15, $0x1;
	s19 =	sadd.s32 $0x8000, s8;
	[dreg:$0x5] =	wrdreg s18  }
0xd: {  	s15 =	simm.s32 $0x1;
	s13 =	sadd.s32 $0xA000, s8;
	[dreg:$0x6] =	wrdreg s19  }
0xe: {  	s11 =	sor.u32 s3, s10;
	s21 =	sadd.s32 $0xC000, s8;
	[dreg:$0x7] =	wrdreg s13  }
0xf: {  	s14 =	sadd.s32 $0xE000, s8;
	s3 =	smul.u32 $0x138800, s3;
	[dreg:$0x8] =	wrdreg s21  }
0x10: {  	s16 =	sadd.s32 $0x10000, s8;
	[dreg:$0x9] =	wrdreg s14;
	s23 =	sshll.u32 s11, $0x3  }
0x11: {  	[dreg:$0xa] =	wrdreg s16;
	s12 =	sadd.s32 s22, s20;
	s14 =	sadd.s32 $0x12000, s8  }
0x12: {  	s22 =	ssub.s32 $0x1388, s10;
	s16 =	sadd.s32 $0x124800, s1;
	[dreg:$0x11] =	wrdreg s14  }
0x13: {  	s17 =	sadd.s32 $0x126800, s1;
	s18 =	sadd.s32 $0x128800, s1;
	[dreg:$0x12] =	wrdreg s16  }
0x14: {  	s29 =	sor.u32 $0x40, s11;
	s30 =	sor.u32 $0x60, s11;
	[dreg:$0x13] =	wrdreg s17  }
0x15: {  	s19 =	sadd.s32 $0x12A800, s1;
	s20 =	sadd.s32 $0x12C800, s1;
	[dreg:$0x14] =	wrdreg s18  }
0x16: {  	s21 =	smax.u32 s9, $0x1;
	s24 =	sadd.s32 s4, s23;
	[dreg:$0x15] =	wrdreg s19  }
0x17: {  	s25 =	sadd.s32 s5, s23;
	s26 =	sor.u32 $0x100, s23;
	[dreg:$0x16] =	wrdreg s20  }
0x18: {  	s3 =	sshrl.u32 s3, $0x3;
	[dreg:$0x17] =	wrdreg s21;
	s23 =	sadd.s32 $0x12E800, s1  }
0x19: {  	s14 =	simm.s32 $0x180;
	s16 =	simm.s32 $0x40;
	[dreg:$0xb] =	wrdreg s24  }
0x1a: {  	s17 =	simm.s32 $0x300;
	s18 =	simm.s32 $0x4300;
	[dreg:$0xc] =	wrdreg s25  }
0x1b: {  	s3 =	sadd.s32 s0, s3;
	s0 =	sadd.s32 s0, s12;
	[dreg:$0x18] =	wrdreg s23  }
0x1c: {  	s20 =	simm.s32 $0x3;
	s31 =	sadd.s32 s4, s26;
	[dreg:$0xd] =	wrdreg s0  }
0x1d: {  	s21 =	simm.s32 $0x2;
	s12 =	sadd.s32 s5, s26;
	[dreg:$0xe] =	wrdreg s31  }
0x1e: {  	s24 =	sadd.s32 $0x130800, s1;
	s25 =	sadd.s32 $0x132800, s1;
	[dreg:$0xf] =	wrdreg s12  }
.Ltmp0:
0x1f: {  	s26 =	sadd.s32 $0x134800, s1;
	[dreg:$0x19] =	wrdreg s24;
	(pc) =	sbr.rel .LBB2_1-.Ltmp0, $4  }
0x20: {  	s23 =	simm.s32 $0x0;
	s13 =	sadd.s32 $0x24900, s3;
	[dreg:$0x1a] =	wrdreg s25  }
0x21: {  	[dreg:$0x1b] =	wrdreg s26;
	s31 =	sadd.s32 $0x136800, s1;
	s12 =	simm.s32 $0x100  }
0x22: {  	s24 =	simm.s32 $0x2300;
	s26 =	simm.s32 $0x6300;
	[dreg:$0x10] =	wrdreg s13  }
0x23: {  	v0 =	vimm.f32 $0.0e+00;
	s0 =	simm.s32 $0x7;
	[dreg:$0x1c] =	wrdreg s31;
	s13 =	simm.s32 $0x80  }
.LBB2_15:
0x24: {  	s3 =	rddreg [dreg:$0x12]  }
0x25: {  	s9 =	rddreg [dreg:$0x10];
	s10 =	simm.s32 $0x1FC7;
	s3 =	sshrl.u32 s3, $0x3  }
0x26: {  	[hbm:s9], [sflag:s10] =	dma.local [spmem:s3], $0x2800  }
0x27: {  	_ =	swait.ge [sflag:s0], $0x2800  }
0x28: {  	[sflag:s0] =	ssyncset.done $0x0  }
0x29: {  	[sflag:s0] =	ssyncadd.s32 $0xFFFFD800  }
.LBB2_16:
0x2a: {  	s23 =	sadd.s32 $0x1, s23;
	s3 =	rddreg [dreg:$0x17]  }
0x2b: {  	p2 =	sne.s32 s23, s3  }
.Ltmp1:
0x2c: {  	_ = 	snop;
	(pc) =	sbr.rel @!p2 .LBB2_17-.Ltmp1, $1  }
0x2d: {  	_ =	sdelay $0x3  }
.LBB2_1:
0x2e: {  	s3 =	simm.s32 $0x0;
	s9 =	simm.s32 $0x200  }
.LBB2_2:
0x2f: {  	p2 =	sne.s32 s9, $0x7E00;
	[tilespmem:s3+$0x8370] =	vst v0  }
0x30: {  	[tilespmem:s3+$0x8300] =	vst v0  }
0x31: {  	[tilespmem:s3+$0x8310] =	vst v0  }
.Ltmp2:
0x32: {  	[tilespmem:s3+$0x8320] =	vst v0;
	(pc) =	sbr.rel @p2 .LBB2_2-.Ltmp2, $4  }
0x33: {  	[tilespmem:s3+$0x8330] =	vst v0  }
0x34: {  	[tilespmem:s3+$0x8340] =	vst v0  }
0x35: {  	[tilespmem:s3+$0x8350] =	vst v0  }
0x36: {  	[tilespmem:s3+$0x8360] =	vst v0;
	s3 =	sshra.s32 s9, $0x2;
	s9 =	sadd.s32 $0x200, s9  }
0x37: {  	[tilespmem:s3+$0x8370] =	vst v0  }
0x38: {  	[tilespmem:s3+$0x8300] =	vst v0  }
0x39: {  	[tilespmem:s3+$0x8310] =	vst v0  }
0x3a: {  	[tilespmem:s3+$0x8320] =	vst v0  }
0x3b: {  	[tilespmem:s3+$0x8330] =	vst v0  }
0x3c: {  	[tilespmem:s3+$0x8340] =	vst v0  }
0x3d: {  	[tilespmem:s3+$0x8350] =	vst v0  }
0x3e: {  	[tilespmem:s3+$0x8360] =	vst v0;
	s3 =	simm.s32 @p0 $0x8300;
	s9 =	rddreg [dreg:$0x12]  }
0x3f: {  	[spmem:s9] =	stream.linear.scatter @p0 [tilespmem:s3], [sflag:$0x7], $0x2000, $0x38;
	[tilespmem:$0x1FB80] =	vst v63  }
0x40: {  	s9 =	simm.s32 @p0 $0x7  }
0x41: {  	_ =	swait.ge @p0 [sflag:s9], $0x2000  }
0x42: {  	[sflag:s9] =	ssyncset.done @p0 $0x0  }
0x43: {  	s10 =	rddreg [dreg:$0x13];
	[sflag:s9] =	ssyncadd.s32 @p0 $0xFFFFE000  }
0x44: {  	[spmem:s10] =	stream.linear.scatter @p0 [tilespmem:s3], [sflag:$0x7], $0x2000, $0x38;
	[tilespmem:$0x1FB80] =	vst v63  }
0x45: {  	_ =	swait.ge @p0 [sflag:s9], $0x2000  }
0x46: {  	[sflag:s9] =	ssyncset.done @p0 $0x0  }
0x47: {  	s10 =	rddreg [dreg:$0x14];
	[sflag:s9] =	ssyncadd.s32 @p0 $0xFFFFE000  }
0x48: {  	[spmem:s10] =	stream.linear.scatter @p0 [tilespmem:s3], [sflag:$0x7], $0x2000, $0x38;
	[tilespmem:$0x1FB80] =	vst v63  }
0x49: {  	_ =	swait.ge @p0 [sflag:s9], $0x2000  }
0x4a: {  	[sflag:s9] =	ssyncset.done @p0 $0x0  }
0x4b: {  	s10 =	rddreg [dreg:$0x15];
	[sflag:s9] =	ssyncadd.s32 @p0 $0xFFFFE000  }
0x4c: {  	[spmem:s10] =	stream.linear.scatter @p0 [tilespmem:s3], [sflag:$0x7], $0x2000, $0x38;
	[tilespmem:$0x1FB80] =	vst v63  }
0x4d: {  	_ =	swait.ge @p0 [sflag:s9], $0x2000  }
0x4e: {  	[sflag:s9] =	ssyncset.done @p0 $0x0  }
0x4f: {  	s10 =	rddreg [dreg:$0x16];
	[sflag:s9] =	ssyncadd.s32 @p0 $0xFFFFE000  }
0x50: {  	[spmem:s10] =	stream.linear.scatter @p0 [tilespmem:s3], [sflag:$0x7], $0x2000, $0x38;
	[tilespmem:$0x1FB80] =	vst v63  }
0x51: {  	_ =	swait.ge @p0 [sflag:s9], $0x2000  }
0x52: {  	[sflag:s9] =	ssyncset.done @p0 $0x0  }
0x53: {  	s10 =	rddreg [dreg:$0x18];
	[sflag:s9] =	ssyncadd.s32 @p0 $0xFFFFE000  }
0x54: {  	[spmem:s10] =	stream.linear.scatter @p0 [tilespmem:s3], [sflag:$0x7], $0x2000, $0x38;
	[tilespmem:$0x1FB80] =	vst v63  }
0x55: {  	_ =	swait.ge @p0 [sflag:s9], $0x2000  }
0x56: {  	[sflag:s9] =	ssyncset.done @p0 $0x0  }
0x57: {  	s10 =	rddreg [dreg:$0x19];
	[sflag:s9] =	ssyncadd.s32 @p0 $0xFFFFE000  }
0x58: {  	[spmem:s10] =	stream.linear.scatter @p0 [tilespmem:s3], [sflag:$0x7], $0x2000, $0x38;
	[tilespmem:$0x1FB80] =	vst v63  }
0x59: {  	_ =	swait.ge @p0 [sflag:s9], $0x2000  }
0x5a: {  	[sflag:s9] =	ssyncset.done @p0 $0x0  }
0x5b: {  	s10 =	rddreg [dreg:$0x1a];
	[sflag:s9] =	ssyncadd.s32 @p0 $0xFFFFE000  }
0x5c: {  	[spmem:s10] =	stream.linear.scatter @p0 [tilespmem:s3], [sflag:$0x7], $0x2000, $0x38;
	[tilespmem:$0x1FB80] =	vst v63  }
0x5d: {  	_ =	swait.ge @p0 [sflag:s9], $0x2000  }
0x5e: {  	[sflag:s9] =	ssyncset.done @p0 $0x0  }
0x5f: {  	s10 =	rddreg [dreg:$0x1b];
	[sflag:s9] =	ssyncadd.s32 @p0 $0xFFFFE000  }
0x60: {  	[spmem:s10] =	stream.linear.scatter @p0 [tilespmem:s3], [sflag:$0x7], $0x2000, $0x38;
	[tilespmem:$0x1FB80] =	vst v63  }
0x61: {  	_ =	swait.ge @p0 [sflag:s9], $0x2000  }
0x62: {  	[sflag:s9] =	ssyncset.done @p0 $0x0  }
0x63: {  	s10 =	rddreg [dreg:$0x1c];
	[sflag:s9] =	ssyncadd.s32 @p0 $0xFFFFE000  }
0x64: {  	[spmem:s10] =	stream.linear.scatter @p0 [tilespmem:s3], [sflag:$0x7], $0x2000, $0x38;
	[tilespmem:$0x1FB80] =	vst v63  }
0x65: {  	_ =	swait.ge @p0 [sflag:s9], $0x2000  }
0x66: {  	[sflag:s9] =	ssyncset.done @p0 $0x0  }
0x67: {  	s3 =	simm.s32 @!p0 $0x8300;
	[sflag:s9] =	ssyncadd.s32 @p0 $0xFFFFE000;
	s9 =	simm.s32 @!p0 $0x7  }
0x68: {  	[spmem:s8] =	stream.linear.scatter @!p0 [tilespmem:s3], [sflag:$0x7], $0x2000, $0x38;
	[tilespmem:$0x1FB80] =	vst v63  }
0x69: {  	_ =	swait.ge @!p0 [sflag:s9], $0x2000  }
0x6a: {  	[sflag:s9] =	ssyncset.done @!p0 $0x0  }
0x6b: {  	s10 =	rddreg [dreg:$0x3];
	[sflag:s9] =	ssyncadd.s32 @!p0 $0xFFFFE000  }
0x6c: {  	[spmem:s10] =	stream.linear.scatter @!p0 [tilespmem:s3], [sflag:$0x7], $0x2000, $0x38;
	[tilespmem:$0x1FB80] =	vst v63  }
0x6d: {  	_ =	swait.ge @!p0 [sflag:s9], $0x2000  }
0x6e: {  	[sflag:s9] =	ssyncset.done @!p0 $0x0  }
0x6f: {  	s10 =	rddreg [dreg:$0x4];
	[sflag:s9] =	ssyncadd.s32 @!p0 $0xFFFFE000  }
0x70: {  	[spmem:s10] =	stream.linear.scatter @!p0 [tilespmem:s3], [sflag:$0x7], $0x2000, $0x38;
	[tilespmem:$0x1FB80] =	vst v63  }
0x71: {  	_ =	swait.ge @!p0 [sflag:s9], $0x2000  }
0x72: {  	[sflag:s9] =	ssyncset.done @!p0 $0x0  }
0x73: {  	s10 =	rddreg [dreg:$0x5];
	[sflag:s9] =	ssyncadd.s32 @!p0 $0xFFFFE000  }
0x74: {  	[spmem:s10] =	stream.linear.scatter @!p0 [tilespmem:s3], [sflag:$0x7], $0x2000, $0x38;
	[tilespmem:$0x1FB80] =	vst v63  }
0x75: {  	_ =	swait.ge @!p0 [sflag:s9], $0x2000  }
0x76: {  	[sflag:s9] =	ssyncset.done @!p0 $0x0  }
0x77: {  	s10 =	rddreg [dreg:$0x6];
	[sflag:s9] =	ssyncadd.s32 @!p0 $0xFFFFE000  }
0x78: {  	[spmem:s10] =	stream.linear.scatter @!p0 [tilespmem:s3], [sflag:$0x7], $0x2000, $0x38;
	[tilespmem:$0x1FB80] =	vst v63  }
0x79: {  	_ =	swait.ge @!p0 [sflag:s9], $0x2000  }
0x7a: {  	[sflag:s9] =	ssyncset.done @!p0 $0x0  }
0x7b: {  	s10 =	rddreg [dreg:$0x7];
	[sflag:s9] =	ssyncadd.s32 @!p0 $0xFFFFE000  }
0x7c: {  	[spmem:s10] =	stream.linear.scatter @!p0 [tilespmem:s3], [sflag:$0x7], $0x2000, $0x38;
	[tilespmem:$0x1FB80] =	vst v63  }
0x7d: {  	_ =	swait.ge @!p0 [sflag:s9], $0x2000  }
0x7e: {  	[sflag:s9] =	ssyncset.done @!p0 $0x0  }
0x7f: {  	s10 =	rddreg [dreg:$0x8];
	[sflag:s9] =	ssyncadd.s32 @!p0 $0xFFFFE000  }
0x80: {  	[spmem:s10] =	stream.linear.scatter @!p0 [tilespmem:s3], [sflag:$0x7], $0x2000, $0x38;
	[tilespmem:$0x1FB80] =	vst v63  }
0x81: {  	_ =	swait.ge @!p0 [sflag:s9], $0x2000  }
0x82: {  	[sflag:s9] =	ssyncset.done @!p0 $0x0  }
0x83: {  	s10 =	rddreg [dreg:$0x9];
	[sflag:s9] =	ssyncadd.s32 @!p0 $0xFFFFE000  }
0x84: {  	[spmem:s10] =	stream.linear.scatter @!p0 [tilespmem:s3], [sflag:$0x7], $0x2000, $0x38;
	[tilespmem:$0x1FB80] =	vst v63  }
0x85: {  	_ =	swait.ge @!p0 [sflag:s9], $0x2000  }
0x86: {  	[sflag:s9] =	ssyncset.done @!p0 $0x0  }
0x87: {  	s10 =	rddreg [dreg:$0xa];
	[sflag:s9] =	ssyncadd.s32 @!p0 $0xFFFFE000  }
0x88: {  	[spmem:s10] =	stream.linear.scatter @!p0 [tilespmem:s3], [sflag:$0x7], $0x2000, $0x38;
	[tilespmem:$0x1FB80] =	vst v63  }
0x89: {  	_ =	swait.ge @!p0 [sflag:s9], $0x2000  }
0x8a: {  	[sflag:s9] =	ssyncset.done @!p0 $0x0  }
0x8b: {  	s10 =	rddreg [dreg:$0x11];
	[sflag:s9] =	ssyncadd.s32 @!p0 $0xFFFFE000  }
0x8c: {  	[spmem:s10] =	stream.linear.scatter @!p0 [tilespmem:s3], [sflag:$0x7], $0x1800, $0x38;
	[tilespmem:$0x1FB80] =	vst v63  }
0x8d: {  	_ =	swait.ge @!p0 [sflag:s9], $0x1800  }
0x8e: {  	[sflag:s9] =	ssyncset.done @!p0 $0x0  }
0x8f: {  	[sflag:s9] =	ssyncadd.s32 @!p0 $0xFFFFE800  }
0x90: {  	[bflag:$0x0] =	sbarrier.arrive $0xFFFF  }
0x91: {  	s3 =	simm.s32 $0x0;
	s11 =	rddreg [dreg:$0xb]  }
0x92: {  	[tilespmem:s3], [sflag:$0x1] =	stream.linear.gather [hbm4b:s11+s3], $0x40, $0x38;
	[tilespmem:$0x1FB80] =	vst v63  }
0x93: {  	s19 =	rddreg [dreg:$0xc]  }
0x94: {  	[tilespmem:s12], [sflag:$0x1] =	stream.linear.gather [hbm4b:s19+s3], $0x40, $0x38;
	[tilespmem:$0x1FB80] =	vst v63  }
0x95: {  	s25 =	rddreg [dreg:$0xe]  }
0x96: {  	[tilespmem:s13], [sflag:$0x2] =	stream.linear.gather [hbm4b:s25+s3], $0x40, $0x38;
	[tilespmem:$0x1FB80] =	vst v63  }
0x97: {  	s31 =	rddreg [dreg:$0xf]  }
0x98: {  	[tilespmem:s14], [sflag:$0x2] =	stream.linear.gather [hbm4b:s31+s3], $0x40, $0x38;
	[tilespmem:$0x1FB80] =	vst v63  }
0x99: {  	_ =	swait.ge [sflag:s15], $0x40  }
0x9a: {  	[sflag:s15] =	ssyncset.done $0x0  }
0x9b: {  	[sflag:s15] =	ssyncadd.s32 $0xFFFFFFC0  }
0x9c: {  	_ =	swait.ge [sflag:s15], $0x40  }
0x9d: {  	[sflag:s15] =	ssyncset.done $0x0  }
0x9e: {  	[sflag:s15] =	ssyncadd.s32 $0xFFFFFFC0  }
0x9f: {  	[tilespmem:s17], [sflag:$0x3] =	stream.indirect.gather [hbm4b:s6+s16], $0x80, s3, s16, $0xb8;
	[tilespmem:$0x1FB80] =	vst v63  }
0xa0: {  	_ = 	snop  }
0xa1: {  	[tilespmem:s18], [sflag:$0x3] =	stream.indirect.gather [hbm4b:s7+s16], $0x80, s12, s16, $0xb8;
	[tilespmem:$0x1FB80] =	vst v63  }
0xa2: {  	_ =	swait.ge [sflag:s20], $0x2000  }
.Ltmp3:
0xa3: {  	[sflag:s20] =	ssyncset.done $0x0;
	(pc) =	sbr.rel .LBB2_4-.Ltmp3, $4  }
0xa4: {  	[sflag:s20] =	ssyncadd.s32 $0xFFFFE000  }
0xa5: {  	_ =	swait.ge [sflag:s20], $0x2000  }
0xa6: {  	[sflag:s20] =	ssyncset.done $0x0  }
0xa7: {  	[sflag:s20] =	ssyncadd.s32 $0xFFFFE000  }
.LBB2_10:
0xa8: {  	s3 =	sadd.s32 $0x1, s3  }
0xa9: {  	p2 =	sne.s32 s3, $0x4F  }
.Ltmp4:
0xaa: {  	_ = 	snop;
	(pc) =	sbr.rel @!p2 .LBB2_11-.Ltmp4, $1  }
0xab: {  	_ =	sdelay $0x3  }
.LBB2_4:
0xac: {  	_ =	swait.ge [sflag:s21], $0x40  }
0xad: {  	[sflag:s21] =	ssyncset.done $0x0  }
0xae: {  	[sflag:s21] =	ssyncadd.s32 $0xFFFFFFC0  }
0xaf: {  	_ =	swait.ge [sflag:s21], $0x40  }
0xb0: {  	[sflag:s21] =	ssyncset.done $0x0  }
0xb1: {  	p2 =	seq.s32 s3, $0x0;
	[sflag:s21] =	ssyncadd.s32 $0xFFFFFFC0  }
0xb2: {  	[tilespmem:s24], [sflag:$0x4] =	stream.indirect.gather [hbm4b:s6+s16], $0x80, s13, s16, $0xb8;
	[tilespmem:$0x1FB80] =	vst v63  }
0xb3: {  	s9 =	simm.s32 @!p2 $0x5  }
0xb4: {  	[tilespmem:s26], [sflag:$0x4] =	stream.indirect.gather [hbm4b:s7+s16], $0x80, s14, s16, $0xb8;
	[tilespmem:$0x1FB80] =	vst v63  }
0xb5: {  	_ =	swait.ge @!p2 [sflag:s9], $0x2000  }
0xb6: {  	[sflag:s9] =	ssyncset.done @!p2 $0x0  }
0xb7: {  	s10 =	simm.s32 $0x0;
	[sflag:s9] =	ssyncadd.s32 @!p2 $0xFFFFE000  }
0xb8: {  	v1 =	vld [tilespmem:s10+$0x370]  }
0xb9: {  	v2 =	vld [tilespmem:s10+$0x4330];
	_ =	sdelay $0x2  }
0xba: {  	v3 =	vld [tilespmem:s10+$0x340]  }
0xbb: {  	v5 =	vld [tilespmem:s10+$0x4300]  }
0xbc: {  	v6 =	vld [tilespmem:s10+$0x350];
	v1 =	vadd.f32 v2, v1  }
0xbd: {  	v7 =	vld [tilespmem:s10+$0x4310]  }
0xbe: {  	v10 =	vmul.f32 $2.000000030e-01, v1  }
0xbf: {  	v8 =	vld [tilespmem:s10+$0x360]  }
0xc0: {  	s19 =	simm.s32 $0x80;
	v9 =	vld [tilespmem:s10+$0x4320];
	v10 =	vmax.f32 v1, v10  }
0xc1: {  	v11 =	vld [tilespmem:s19+$0x370];
	v3 =	vadd.f32 v5, v3;
	v10 =	vmul.f32 $1.442695020e+00, v10  }
0xc2: {  	v5 =	vld [tilespmem:s19+$0x4330];
	v6 =	vadd.f32 v7, v6  }
0xc3: {  	v4 =	vld [tilespmem:s10+$0x300];
	v12 =	vmul.f32 $2.000000030e-01, v3;
	(erf) = vpow2.f32 v10  }
0xc4: {  	v13 =	vld [tilespmem:s19+$0x4300];
	v7 =	vmul.f32 $2.000000030e-01, v6  }
0xc5: {  	v14 =	vld [tilespmem:s19+$0x350];
	v9 =	vadd.f32 v9, v8;
	v3 =	vmax.f32 v3, v12  }
0xc6: {  	v12 =	vld [tilespmem:s19+$0x4310];
	v6 =	vmax.f32 v6, v7;
	v3 =	vmul.f32 $1.442695020e+00, v3  }
0xc7: {  	v16 =	vmul.f32 $2.000000030e-01, v9;
	v11 =	vadd.f32 v5, v11;
	v5 =	vmul.f32 $1.442695020e+00, v6;
	v10 =	vld [tilespmem:s19+$0x340]  }
0xc8: {  	v15 =	vld [tilespmem:s10+$0x330];
	(erf) = vpow2.f32 v3  }
0xc9: {  	v2 =	vld [tilespmem:s10+$0x310];
	v3 =	vmax.f32 v9, v16;
	(erf) = vpow2.f32 v5  }
0xca: {  	v8 =	vld [tilespmem:s19+$0x4320];
	v16 =	vmul.f32 $1.442695020e+00, v3  }
0xcb: {  	v1 =	vld [tilespmem:s10+$0x320];
	v9 =	vmul.f32 $2.000000030e-01, v11  }
0xcc: {  	v7 =	vld [tilespmem:s19+$0x360];
	v13 =	vadd.f32 v13, v10;
	v10 =	vadd.f32 v12, v14;
	v12 =	vpop (erf);
	(erf) = vpow2.f32 v16  }
0xcd: {  	v6 =	vld [tilespmem:s19+$0x300]  }
0xce: {  	v5 =	vld [tilespmem:s19+$0x310];
	v9 =	vmax.f32 v11, v9;
	v17 =	vmul.f32 $2.000000030e-01, v13  }
0xcf: {  	s11 =	simm.s32 $0x100;
	v3 =	vld [tilespmem:s19+$0x320];
	v11 =	vmul.f32 $1.442695020e+00, v9;
	[tilespmem:s10+$0x8370] =	vst v12;
	v14 =	vmul.f32 v12, v15  }
0xd0: {  	s25 =	simm.s32 $0x600;
	s9 =	sshll.u32 s3, $0x1;
	v13 =	vmax.f32 v13, v17;
	v12 =	vmul.f32 $2.000000030e-01, v10;
	v9 =	vld [tilespmem:s11+$0x370]  }
.LBB2_5:
0xd1: {  	p3 =	sne.s32 s25, $0x7E00;
	v15 =	vld [tilespmem:s11+$0x4330];
	v13 =	vmul.f32 $1.442695020e+00, v13;
	v7 =	vadd.f32 v8, v7;
	(erf) = vpow2.f32 v11;
	[tilespmem:s10+$0x8330] =	vst v14;
	v8 =	vpop (erf)  }
0xd2: {  	v11 =	vld [tilespmem:s11+$0x340];
	v10 =	vmax.f32 v10, v12;
	v12 =	vmul.f32 v8, v4;
	[tilespmem:s10+$0x8340] =	vst v8;
	v8 =	vpop (erf);
	v4 =	vmov v6  }
0xd3: {  	v6 =	vld [tilespmem:s11+$0x4300];
	v17 =	vmul.f32 $1.442695020e+00, v10;
	v14 =	vmul.f32 $2.000000030e-01, v7;
	[tilespmem:s10+$0x8350] =	vst v8  }
0xd4: {  	v8 =	vmul.f32 v8, v2;
	v2 =	vmov v5;
	v16 =	vld [tilespmem:s11+$0x350];
	(erf) = vpow2.f32 v13;
	[tilespmem:s10+$0x8300] =	vst v12  }
0xd5: {  	v5 =	vld [tilespmem:s11+$0x4310];
	v7 =	vmax.f32 v7, v14;
	(erf) = vpow2.f32 v17;
	v10 =	vpop (erf)  }
0xd6: {  	v9 =	vadd.f32 v15, v9;
	v12 =	vmul.f32 $1.442695020e+00, v7;
	v13 =	vld [tilespmem:s19+$0x330];
	[tilespmem:s10+$0x8310] =	vst v8;
	v14 =	vmul.f32 v10, v1;
	v1 =	vmovc v3  }
0xd7: {  	v7 =	vld [tilespmem:s11+$0x360];
	[tilespmem:s10+$0x8360] =	vst v10  }
.Ltmp5:
0xd8: {  	v15 =	vadd.f32 v6, v11;
	v8 =	vld [tilespmem:s11+$0x4320];
	v3 =	vmul.f32 $2.000000030e-01, v9;
	(erf) = vpow2.f32 v12;
	[tilespmem:s10+$0x8320] =	vst v14;
	s10 =	smov.u32 s19;
	s19 =	smov.u32 s11;
	(pc) =	sbr.rel @p3 .LBB2_5-.Ltmp5, $4  }
0xd9: {  	v6 =	vld [tilespmem:s19+$0x300]  }
0xda: {  	v12 =	vmul.f32 $2.000000030e-01, v15;
	v10 =	vadd.f32 v5, v16;
	v5 =	vld [tilespmem:s19+$0x310];
	v9 =	vmax.f32 v9, v3;
	v16 =	vpop (erf)  }
0xdb: {  	s11 =	sshra.s32 s25, $0x2;
	v3 =	vld [tilespmem:s19+$0x320];
	v11 =	vmul.f32 $1.442695020e+00, v9;
	v14 =	vmul.f32 v16, v13;
	[tilespmem:s10+$0x8370] =	vst v16  }
0xdc: {  	s25 =	sadd.s32 $0x200, s25;
	v9 =	vld [tilespmem:s11+$0x370];
	v13 =	vmax.f32 v15, v12;
	v12 =	vmul.f32 $2.000000030e-01, v10  }
0xdd: {  	v15 =	vld [tilespmem:s11+$0x4330];
	[tilespmem:s10+$0x8330] =	vst v14;
	v41 =	vpop (erf)  }
0xde: {  	v16 =	vld [tilespmem:s11+$0x340];
	[tilespmem:s10+$0x8340] =	vst v41;
	v17 =	vpop (erf);
	v4 =	vmul.f32 v41, v4  }
0xdf: {  	v18 =	vld [tilespmem:s11+$0x4300];
	[tilespmem:s10+$0x8350] =	vst v17  }
0xe0: {  	(erf) = vpow2.f32 v11;
	v7 =	vadd.f32 v8, v7;
	v2 =	vmul.f32 v17, v2;
	v42 =	vld [tilespmem:s11+$0x350];
	[tilespmem:s10+$0x8300] =	vst v4  }
0xe1: {  	v43 =	vmul.f32 $1.442695020e+00, v13;
	v4 =	vld [tilespmem:s11+$0x4310]  }
0xe2: {  	v44 =	vmax.f32 v10, v12;
	v45 =	vld [tilespmem:s19+$0x330];
	[tilespmem:s10+$0x8310] =	vst v2;
	v2 =	vmul.f32 $2.000000030e-01, v7;
	v46 =	vpop (erf)  }
0xe3: {  	v8 =	vmul.f32 $1.442695020e+00, v44;
	(erf) = vpow2.f32 v43;
	v47 =	vld [tilespmem:s11+$0x360];
	[tilespmem:s10+$0x8360] =	vst v46  }
0xe4: {  	v2 =	vmax.f32 v7, v2;
	v49 =	vld [tilespmem:s11+$0x4320]  }
0xe5: {  	(erf) = vpow2.f32 v8;
	v48 =	vadd.f32 v15, v9;
	v2 =	vmul.f32 $1.442695020e+00, v2  }
0xe6: {  	v1 =	vmul.f32 v46, v1;
	v50 =	vadd.f32 v18, v16  }
0xe7: {  	v9 =	vmul.f32 $2.000000030e-01, v48;
	(erf) = vpow2.f32 v2;
	v2 =	vadd.f32 v4, v42  }
0xe8: {  	v52 =	vmul.f32 $2.000000030e-01, v50  }
0xe9: {  	[tilespmem:s10+$0x8320] =	vst v1;
	v51 =	vmax.f32 v48, v9;
	v54 =	vpop (erf);
	v56 =	vmul.f32 $2.000000030e-01, v2;
	v7 =	vadd.f32 v49, v47  }
0xea: {  	v1 =	vld [tilespmem:s11+$0x300];
	v4 =	vmul.f32 $1.442695020e+00, v51;
	v10 =	vmul.f32 v54, v45;
	v8 =	vmax.f32 v50, v52  }
0xeb: {  	v53 =	vld [tilespmem:s11+$0x310];
	v57 =	vmul.f32 $1.442695020e+00, v8;
	v2 =	vmax.f32 v2, v56;
	v59 =	vmul.f32 $2.000000030e-01, v7  }
0xec: {  	v55 =	vld [tilespmem:s11+$0x320];
	[tilespmem:s19+$0x8370] =	vst v54;
	v58 =	vpop (erf);
	(erf) = vpow2.f32 v4;
	v2 =	vmul.f32 $1.442695020e+00, v2  }
0xed: {  	[tilespmem:s19+$0x8330] =	vst v10;
	v6 =	vmul.f32 v58, v6;
	(erf) = vpow2.f32 v57;
	v61 =	vmax.f32 v7, v59  }
0xee: {  	[tilespmem:s19+$0x8340] =	vst v58;
	v60 =	vpop (erf);
	(erf) = vpow2.f32 v2;
	v2 =	vmul.f32 $1.442695020e+00, v61  }
0xef: {  	[tilespmem:s19+$0x8350] =	vst v60  }
0xf0: {  	[tilespmem:s19+$0x8300] =	vst v6  }
0xf1: {  	v5 =	vmul.f32 v60, v5;
	v62 =	vld [tilespmem:s11+$0x330]  }
0xf2: {  	(erf) = vpow2.f32 v2;
	v2 =	vpop (erf)  }
0xf3: {  	[tilespmem:s19+$0x8310] =	vst v5;
	v3 =	vmul.f32 v2, v3  }
0xf4: {  	[tilespmem:s19+$0x8360] =	vst v2  }
0xf5: {  	v2 =	vpop (erf);
	[tilespmem:s19+$0x8320] =	vst v3  }
0xf6: {  	v3 =	vmul.f32 v2, v62;
	[tilespmem:s11+$0x8370] =	vst v2;
	v2 =	vpop (erf)  }
0xf7: {  	v1 =	vmul.f32 v2, v1  }
0xf8: {  	[tilespmem:s11+$0x8330] =	vst v3  }
0xf9: {  	[tilespmem:s11+$0x8340] =	vst v2;
	v2 =	vpop (erf)  }
0xfa: {  	[tilespmem:s11+$0x8350] =	vst v2;
	v2 =	vmul.f32 v2, v53  }
0xfb: {  	[tilespmem:s11+$0x8300] =	vst v1;
	v1 =	vpop (erf)  }
0xfc: {  	[tilespmem:s11+$0x8310] =	vst v2;
	v2 =	vmul.f32 v1, v55  }
0xfd: {  	[tilespmem:s11+$0x8360] =	vst v1  }
0xfe: {  	[tilespmem:s11+$0x8320] =	vst v2  }
0xff: {  	v1 =	vld [tilespmem:$0x100]  }
0x100: {  	v2 =	vld [tilespmem:$0x110]  }
0x101: {  	v3 =	vld [tilespmem:$0x120]  }
0x102: {  	v63 =	vld [tilespmem:$0x130];
	_ =	sdelay $0x1  }
0x103: {  	[tilespmem:$0x200] =	vst v1  }
0x104: {  	s19 =	sshll.u32 s3, $0x6;
	[tilespmem:$0x210] =	vst v2  }
0x105: {  	p3 =	sge.u32 s19, s22;
	[tilespmem:$0x220] =	vst v3  }
0x106: {  	s10 =	simm.s32 @!p3 $0x40;
	s25 =	simm.s32 @!p3 $0x8300;
	s11 =	simm.s32 @!p3 $0x200;
	[tilespmem:$0x230] =	vst v63  }
0x107: {  	[spmem:s1] =	stream.indirect.scatter.add.f32 @!p3 [tilespmem:s25], [sflag:$0x5], $0x80, s11, s10, $0xb8;
	[tilespmem:$0x1FB80] =	vst v63  }
0x108: {  	p3 =	seq.s32 s3, $0x4E  }
0x109: {  	s10 =	sadd.s32 @!p3 s29, s19  }
0x10a: {  	s10 =	smin.u32 @!p3 s10, $0x1387  }
0x10b: {  	s10 =	sshll.u32 @!p3 s10, $0x3  }
0x10c: {  	s25 =	simm.s32 @!p3 $0x0;
	s11 =	sadd.s32 @!p3 s4, s10  }
0x10d: {  	[tilespmem:s25], [sflag:$0x1] =	stream.linear.gather @!p3 [hbm4b:s11+s25], $0x40, $0x38;
	[tilespmem:$0x1FB80] =	vst v63  }
0x10e: {  	s9 =	sor.u32 $0x1, s9;
	s10 =	sadd.s32 @!p3 s5, s10;
	s11 =	simm.s32 @!p3 $0x100  }
0x10f: {  	[tilespmem:s11], [sflag:$0x1] =	stream.linear.gather @!p3 [hbm4b:s10+s25], $0x40, $0x38;
	[tilespmem:$0x1FB80] =	vst v63  }
0x110: {  	p3 =	sgt.u32 s9, $0x9C;
	_ =	swait.ge [sflag:s28], $0x2000  }
.Ltmp6:
0x111: {  	[sflag:s28] =	ssyncset.done $0x0;
	(pc) =	sbr.rel @p3 .LBB2_10-.Ltmp6, $4  }
0x112: {  	[sflag:s28] =	ssyncadd.s32 $0xFFFFE000  }
0x113: {  	_ =	swait.ge [sflag:s28], $0x2000  }
0x114: {  	[sflag:s28] =	ssyncset.done $0x0  }
0x115: {  	[sflag:s28] =	ssyncadd.s32 $0xFFFFE000  }
0x116: {  	_ =	swait.ge [sflag:s15], $0x40  }
0x117: {  	[sflag:s15] =	ssyncset.done $0x0  }
0x118: {  	[sflag:s15] =	ssyncadd.s32 $0xFFFFFFC0  }
0x119: {  	_ =	swait.ge [sflag:s15], $0x40  }
0x11a: {  	[sflag:s15] =	ssyncset.done $0x0  }
0x11b: {  	[sflag:s15] =	ssyncadd.s32 $0xFFFFFFC0  }
0x11c: {  	[tilespmem:s17], [sflag:$0x3] =	stream.indirect.gather [hbm4b:s6+s16], $0x80, s2, s16, $0xb8;
	[tilespmem:$0x1FB80] =	vst v63  }
0x11d: {  	s10 =	simm.s32 @!p2 $0x6  }
0x11e: {  	[tilespmem:s18], [sflag:$0x3] =	stream.indirect.gather [hbm4b:s7+s16], $0x80, s12, s16, $0xb8;
	[tilespmem:$0x1FB80] =	vst v63  }
0x11f: {  	_ =	swait.ge @!p2 [sflag:s10], $0x2000  }
0x120: {  	[sflag:s10] =	ssyncset.done @!p2 $0x0  }
0x121: {  	s11 =	simm.s32 $0x0;
	[sflag:s10] =	ssyncadd.s32 @!p2 $0xFFFFE000  }
0x122: {  	v1 =	vld [tilespmem:s11+$0x2370]  }
0x123: {  	v2 =	vld [tilespmem:s11+$0x6330];
	_ =	sdelay $0x2  }
0x124: {  	v3 =	vld [tilespmem:s11+$0x2340]  }
0x125: {  	v5 =	vld [tilespmem:s11+$0x6300]  }
0x126: {  	v6 =	vld [tilespmem:s11+$0x2350];
	v1 =	vadd.f32 v2, v1  }
0x127: {  	v7 =	vld [tilespmem:s11+$0x6310]  }
0x128: {  	v10 =	vmul.f32 $2.000000030e-01, v1  }
0x129: {  	v8 =	vld [tilespmem:s11+$0x2360]  }
0x12a: {  	s10 =	simm.s32 $0x80;
	v9 =	vld [tilespmem:s11+$0x6320];
	v10 =	vmax.f32 v1, v10  }
0x12b: {  	v11 =	vld [tilespmem:s10+$0x2370];
	v3 =	vadd.f32 v5, v3;
	v10 =	vmul.f32 $1.442695020e+00, v10  }
0x12c: {  	v5 =	vld [tilespmem:s10+$0x6330];
	v6 =	vadd.f32 v7, v6  }
0x12d: {  	v4 =	vld [tilespmem:s11+$0x2300];
	v12 =	vmul.f32 $2.000000030e-01, v3;
	(erf) = vpow2.f32 v10  }
0x12e: {  	v13 =	vld [tilespmem:s10+$0x6300];
	v7 =	vmul.f32 $2.000000030e-01, v6  }
0x12f: {  	v14 =	vld [tilespmem:s10+$0x2350];
	v9 =	vadd.f32 v9, v8;
	v3 =	vmax.f32 v3, v12  }
0x130: {  	v12 =	vld [tilespmem:s10+$0x6310];
	v6 =	vmax.f32 v6, v7;
	v3 =	vmul.f32 $1.442695020e+00, v3  }
0x131: {  	v16 =	vmul.f32 $2.000000030e-01, v9;
	v11 =	vadd.f32 v5, v11;
	v5 =	vmul.f32 $1.442695020e+00, v6;
	v10 =	vld [tilespmem:s10+$0x2340]  }
0x132: {  	v15 =	vld [tilespmem:s11+$0x2330];
	(erf) = vpow2.f32 v3  }
0x133: {  	v2 =	vld [tilespmem:s11+$0x2310];
	v3 =	vmax.f32 v9, v16;
	(erf) = vpow2.f32 v5  }
0x134: {  	v8 =	vld [tilespmem:s10+$0x6320];
	v16 =	vmul.f32 $1.442695020e+00, v3  }
0x135: {  	v1 =	vld [tilespmem:s11+$0x2320];
	v9 =	vmul.f32 $2.000000030e-01, v11  }
0x136: {  	v7 =	vld [tilespmem:s10+$0x2360];
	v13 =	vadd.f32 v13, v10;
	v10 =	vadd.f32 v12, v14;
	v12 =	vpop (erf);
	(erf) = vpow2.f32 v16  }
0x137: {  	v6 =	vld [tilespmem:s10+$0x2300]  }
0x138: {  	v5 =	vld [tilespmem:s10+$0x2310];
	v9 =	vmax.f32 v11, v9;
	v17 =	vmul.f32 $2.000000030e-01, v13  }
0x139: {  	s25 =	simm.s32 $0x100;
	v3 =	vld [tilespmem:s10+$0x2320];
	v11 =	vmul.f32 $1.442695020e+00, v9;
	[tilespmem:s11+$0xA370] =	vst v12;
	v14 =	vmul.f32 v12, v15  }
0x13a: {  	s31 =	simm.s32 $0x600;
	v13 =	vmax.f32 v13, v17;
	v12 =	vmul.f32 $2.000000030e-01, v10;
	v9 =	vld [tilespmem:s25+$0x2370]  }
.LBB2_8:
0x13b: {  	p2 =	sne.s32 s31, $0x7E00;
	v15 =	vld [tilespmem:s25+$0x6330];
	v13 =	vmul.f32 $1.442695020e+00, v13;
	v7 =	vadd.f32 v8, v7;
	(erf) = vpow2.f32 v11;
	[tilespmem:s11+$0xA330] =	vst v14;
	v8 =	vpop (erf)  }
0x13c: {  	v11 =	vld [tilespmem:s25+$0x2340];
	v10 =	vmax.f32 v10, v12;
	v12 =	vmul.f32 v8, v4;
	[tilespmem:s11+$0xA340] =	vst v8;
	v8 =	vpop (erf);
	v4 =	vmov v6  }
0x13d: {  	v6 =	vld [tilespmem:s25+$0x6300];
	v17 =	vmul.f32 $1.442695020e+00, v10;
	v14 =	vmul.f32 $2.000000030e-01, v7;
	[tilespmem:s11+$0xA350] =	vst v8  }
0x13e: {  	v8 =	vmul.f32 v8, v2;
	v2 =	vmov v5;
	v16 =	vld [tilespmem:s25+$0x2350];
	(erf) = vpow2.f32 v13;
	[tilespmem:s11+$0xA300] =	vst v12  }
0x13f: {  	v5 =	vld [tilespmem:s25+$0x6310];
	v7 =	vmax.f32 v7, v14;
	(erf) = vpow2.f32 v17;
	v10 =	vpop (erf)  }
0x140: {  	v9 =	vadd.f32 v15, v9;
	v12 =	vmul.f32 $1.442695020e+00, v7;
	v13 =	vld [tilespmem:s10+$0x2330];
	[tilespmem:s11+$0xA310] =	vst v8;
	v14 =	vmul.f32 v10, v1;
	v1 =	vmovc v3  }
0x141: {  	v7 =	vld [tilespmem:s25+$0x2360];
	[tilespmem:s11+$0xA360] =	vst v10  }
.Ltmp7:
0x142: {  	v15 =	vadd.f32 v6, v11;
	v8 =	vld [tilespmem:s25+$0x6320];
	v3 =	vmul.f32 $2.000000030e-01, v9;
	(erf) = vpow2.f32 v12;
	[tilespmem:s11+$0xA320] =	vst v14;
	s11 =	smov.u32 s10;
	s10 =	smov.u32 s25;
	(pc) =	sbr.rel @p2 .LBB2_8-.Ltmp7, $4  }
0x143: {  	v6 =	vld [tilespmem:s10+$0x2300]  }
0x144: {  	v12 =	vmul.f32 $2.000000030e-01, v15;
	v10 =	vadd.f32 v5, v16;
	v5 =	vld [tilespmem:s10+$0x2310];
	v9 =	vmax.f32 v9, v3;
	v16 =	vpop (erf)  }
0x145: {  	s25 =	sshra.s32 s31, $0x2;
	v3 =	vld [tilespmem:s10+$0x2320];
	v11 =	vmul.f32 $1.442695020e+00, v9;
	v14 =	vmul.f32 v16, v13;
	[tilespmem:s11+$0xA370] =	vst v16  }
0x146: {  	s31 =	sadd.s32 $0x200, s31;
	v9 =	vld [tilespmem:s25+$0x2370];
	v13 =	vmax.f32 v15, v12;
	v12 =	vmul.f32 $2.000000030e-01, v10  }
0x147: {  	v15 =	vld [tilespmem:s25+$0x6330];
	[tilespmem:s11+$0xA330] =	vst v14;
	v41 =	vpop (erf)  }
0x148: {  	v16 =	vld [tilespmem:s25+$0x2340];
	[tilespmem:s11+$0xA340] =	vst v41;
	v17 =	vpop (erf);
	v4 =	vmul.f32 v41, v4  }
0x149: {  	v18 =	vld [tilespmem:s25+$0x6300];
	[tilespmem:s11+$0xA350] =	vst v17  }
0x14a: {  	(erf) = vpow2.f32 v11;
	v7 =	vadd.f32 v8, v7;
	v2 =	vmul.f32 v17, v2;
	v42 =	vld [tilespmem:s25+$0x2350];
	[tilespmem:s11+$0xA300] =	vst v4  }
0x14b: {  	v43 =	vmul.f32 $1.442695020e+00, v13;
	v4 =	vld [tilespmem:s25+$0x6310]  }
0x14c: {  	v44 =	vmax.f32 v10, v12;
	v45 =	vld [tilespmem:s10+$0x2330];
	[tilespmem:s11+$0xA310] =	vst v2;
	v2 =	vmul.f32 $2.000000030e-01, v7;
	v46 =	vpop (erf)  }
0x14d: {  	v8 =	vmul.f32 $1.442695020e+00, v44;
	(erf) = vpow2.f32 v43;
	v47 =	vld [tilespmem:s25+$0x2360];
	[tilespmem:s11+$0xA360] =	vst v46  }
0x14e: {  	v2 =	vmax.f32 v7, v2;
	v49 =	vld [tilespmem:s25+$0x6320]  }
0x14f: {  	(erf) = vpow2.f32 v8;
	v48 =	vadd.f32 v15, v9;
	v2 =	vmul.f32 $1.442695020e+00, v2  }
0x150: {  	v1 =	vmul.f32 v46, v1;
	v50 =	vadd.f32 v18, v16  }
0x151: {  	v9 =	vmul.f32 $2.000000030e-01, v48;
	(erf) = vpow2.f32 v2;
	v2 =	vadd.f32 v4, v42  }
0x152: {  	v52 =	vmul.f32 $2.000000030e-01, v50  }
0x153: {  	[tilespmem:s11+$0xA320] =	vst v1;
	v51 =	vmax.f32 v48, v9;
	v54 =	vpop (erf);
	v56 =	vmul.f32 $2.000000030e-01, v2;
	v7 =	vadd.f32 v49, v47  }
0x154: {  	v1 =	vld [tilespmem:s25+$0x2300];
	v4 =	vmul.f32 $1.442695020e+00, v51;
	v10 =	vmul.f32 v54, v45;
	v8 =	vmax.f32 v50, v52  }
0x155: {  	v53 =	vld [tilespmem:s25+$0x2310];
	v57 =	vmul.f32 $1.442695020e+00, v8;
	v2 =	vmax.f32 v2, v56;
	v59 =	vmul.f32 $2.000000030e-01, v7  }
0x156: {  	v55 =	vld [tilespmem:s25+$0x2320];
	[tilespmem:s10+$0xA370] =	vst v54;
	v58 =	vpop (erf);
	(erf) = vpow2.f32 v4;
	v2 =	vmul.f32 $1.442695020e+00, v2  }
0x157: {  	[tilespmem:s10+$0xA330] =	vst v10;
	v6 =	vmul.f32 v58, v6;
	(erf) = vpow2.f32 v57;
	v61 =	vmax.f32 v7, v59  }
0x158: {  	[tilespmem:s10+$0xA340] =	vst v58;
	v60 =	vpop (erf);
	(erf) = vpow2.f32 v2;
	v2 =	vmul.f32 $1.442695020e+00, v61  }
0x159: {  	[tilespmem:s10+$0xA350] =	vst v60  }
0x15a: {  	[tilespmem:s10+$0xA300] =	vst v6  }
0x15b: {  	v5 =	vmul.f32 v60, v5;
	v62 =	vld [tilespmem:s25+$0x2330]  }
0x15c: {  	(erf) = vpow2.f32 v2;
	v2 =	vpop (erf)  }
0x15d: {  	[tilespmem:s10+$0xA310] =	vst v5;
	v3 =	vmul.f32 v2, v3  }
0x15e: {  	[tilespmem:s10+$0xA360] =	vst v2  }
0x15f: {  	v2 =	vpop (erf);
	[tilespmem:s10+$0xA320] =	vst v3  }
0x160: {  	v3 =	vmul.f32 v2, v62;
	[tilespmem:s25+$0xA370] =	vst v2;
	v2 =	vpop (erf)  }
0x161: {  	v1 =	vmul.f32 v2, v1  }
0x162: {  	[tilespmem:s25+$0xA330] =	vst v3  }
0x163: {  	[tilespmem:s25+$0xA340] =	vst v2;
	v2 =	vpop (erf)  }
0x164: {  	[tilespmem:s25+$0xA350] =	vst v2;
	v2 =	vmul.f32 v2, v53  }
0x165: {  	[tilespmem:s25+$0xA300] =	vst v1;
	v1 =	vpop (erf)  }
0x166: {  	[tilespmem:s25+$0xA310] =	vst v2;
	v2 =	vmul.f32 v1, v55  }
0x167: {  	[tilespmem:s25+$0xA360] =	vst v1  }
0x168: {  	[tilespmem:s25+$0xA320] =	vst v2  }
0x169: {  	v1 =	vld [tilespmem:$0x180]  }
0x16a: {  	v2 =	vld [tilespmem:$0x190]  }
0x16b: {  	v3 =	vld [tilespmem:$0x1A0]  }
0x16c: {  	v63 =	vld [tilespmem:$0x1B0];
	_ =	sdelay $0x1  }
0x16d: {  	s9 =	sshll.u32 s9, $0x5;
	[tilespmem:$0x280] =	vst v1  }
0x16e: {  	p2 =	sge.u32 s9, s22;
	[tilespmem:$0x290] =	vst v2  }
0x16f: {  	s9 =	simm.s32 @!p2 $0x40;
	[tilespmem:$0x2A0] =	vst v3  }
0x170: {  	s11 =	simm.s32 @!p2 $0xA300;
	s10 =	simm.s32 @!p2 $0x280;
	s25 =	sadd.s32 s30, s19;
	[tilespmem:$0x2B0] =	vst v63  }
0x171: {  	[spmem:s1] =	stream.indirect.scatter.add.f32 @!p2 [tilespmem:s11], [sflag:$0x6], $0x80, s10, s9, $0xb8;
	[tilespmem:$0x1FB80] =	vst v63  }
0x172: {  	s9 =	smin.u32 s25, $0x1387  }
0x173: {  	s9 =	sshll.u32 s9, $0x3  }
0x174: {  	s31 =	sadd.s32 s4, s9  }
0x175: {  	[tilespmem:s13], [sflag:$0x2] =	stream.linear.gather [hbm4b:s31+s2], $0x40, $0x38;
	[tilespmem:$0x1FB80] =	vst v63  }
0x176: {  	s9 =	sadd.s32 s5, s9  }
0x177: {  	[tilespmem:s14], [sflag:$0x2] =	stream.linear.gather [hbm4b:s9+s2], $0x40, $0x38;
	[tilespmem:$0x1FB80] =	vst v63  }
0x178: {  	_ =	swait.ge [sflag:s20], $0x2000  }
.Ltmp8:
0x179: {  	[sflag:s20] =	ssyncset.done $0x0;
	(pc) =	sbr.rel .LBB2_10-.Ltmp8, $4  }
0x17a: {  	[sflag:s20] =	ssyncadd.s32 $0xFFFFE000  }
0x17b: {  	_ =	swait.ge [sflag:s20], $0x2000  }
0x17c: {  	[sflag:s20] =	ssyncset.done $0x0  }
0x17d: {  	[sflag:s20] =	ssyncadd.s32 $0xFFFFE000  }
.LBB2_11:
.Ltmp9:
0x17e: {  	(pc) =	sbr.rel @p1 .LBB2_13-.Ltmp9, $4  }
0x17f: {  	s3 =	simm.s32 $0x6  }
0x180: {  	_ =	swait.ge [sflag:s3], $0x2000  }
0x181: {  	[sflag:s3] =	ssyncset.done $0x0  }
0x182: {  	[sflag:s3] =	ssyncadd.s32 $0xFFFFE000  }
0x183: {  	s3 =	simm.s32 $0x5  }
.Ltmp10:
0x184: {  	_ =	swait.ge [sflag:s3], $0x2000;
	(pc) =	sbr.rel .LBB2_14-.Ltmp10, $3  }
0x185: {  	[sflag:s3] =	ssyncset.done $0x0  }
0x186: {  	[sflag:s3] =	ssyncadd.s32 $0xFFFFE000  }
0x187: {  	[bflag:$0x0] =	sbarrier.arrive $0xFFFF;
	_ =	sdelay $0x1  }
.LBB2_13:
.Ltmp11:
0x188: {  	(pc) =	sbr.rel @p0 .LBB2_15-.Ltmp11, $2  }
0x189: {  	_ =	sdelay $0x1  }
0x18a: {  	[bflag:$0x0] =	sbarrier.arrive $0xFFFF;
	_ =	sdelay $0x1  }
.LBB2_14:
0x18b: {  	s3 =	stileid.u32  }
0x18c: {  	s9 =	sshrl.u32 s8, $0x3;
	s3 =	sshll.u32 s3, $0x6  }
.Ltmp12:
0x18d: {  	s10 =	rddreg [dreg:$0xd];
	s3 =	sor.u32 $0x1C07, s3;
	(pc) =	sbr.rel .LBB2_16-.Ltmp12, $4  }
0x18e: {  	[hbm:s10], [sflag:s3] =	dma.local [spmem:s9], $0x2700  }
0x18f: {  	_ =	swait.ge [sflag:s0], $0x2700  }
0x190: {  	[sflag:s0] =	ssyncset.done $0x0  }
0x191: {  	[sflag:s0] =	ssyncadd.s32 $0xFFFFD900  }
.LBB2_17:
0x192: {  	_ =	sfence.sel $0x180000  }
0x193: {  	[bflag:$0x0] =	sbarrier.arrive $0xFFFF  }
0x194: {  	_ =	strace $0x9000004D  }
0x195: {  	s0 =	stileid.u32;
	[bflag:$0x2] =	sbarrier.arrive $0xFFFF  }
0x196: {  	p0 =	sne.s32 s0, $0x0;
	s0 =	rddreg [dreg:$0x2]  }
0x197: {  	s0 =	sadd.s32 @!p0 $0x100000, s0  }
0x198: {  	[sflag:s0] =	ssyncadd.tile.s32 @!p0 $0x1;
	_ =	shalt  }
.Lfunc_end2:
_tile_overlayer_lowered:
.L_overlay_start_2:
0x199: {  	(tag) =	ssettag $0x2  }
0x19a: {  	s0 =	rddreg [dreg:$0x0];
	s2 =	stileid.u32  }
0x19b: {  	s1 =	rddreg [dreg:$0x1];
	p0 =	sne.s32 s2, $0x0  }
0x19c: {  	s3 =	rddreg [dreg:$0x2];
	[bflag:$0x3] =	sbarrier.arrive $0xFFFF;
	s2 =	simm.s32 @!p0 $0x1C07  }
0x19d: {  	[timem:s3], [sflag:s2] =	dma.local @!p0 [hbm:s0], s1  }
0x19e: {  	s0 =	simm.s32 @!p0 $0x7  }
0x19f: {  	_ =	swait.ge @!p0 [sflag:s0], s1  }
0x1a0: {  	s1 =	ssub.s32 @!p0 $0x0, s1;
	[sflag:s0] =	ssyncset.done @!p0 $0x0  }
0x1a1: {  	[sflag:s0] =	ssyncadd.s32 @!p0 s1  }
0x1a2: {  	[bflag:$0x3] =	sbarrier.arrive $0xFFFF  }
0x1a3: {  	_ =	shalt  }

// kernel: kernel.9.cloned.1.call-start
scs
__scs_entry_jumppad:
0x0: {  	(pc) =	sbr.rel $0x88, $3  }
0x1: {  	(tag) =	ssettag $0x0;
	lr =	simm.s32 $0x1  }
0x2: {  	[smem:$0x3F90] =	sst lr;
	_ =	strace $0xD0000000  }
0x3: {  	_ = 	snop  }
0x4: {  	_ = 	snop  }
0x5: {  	_ = 	snop  }
0x6: {  	_ = 	snop  }
0x7: {  	_ = 	snop  }
__scs_overlays_trampoline_lowered:
0x8: {  	[smem:$0x3F9F] =	sst s0  }
0x9: {  	[smem:$0x3FA0] =	sst s1  }
0xa: {  	[smem:$0x3FA1] =	sst s2  }
0xb: {  	[smem:$0x3FA2] =	sst s3  }
0xc: {  	[smem:$0x3FA3] =	sst s4  }
0xd: {  	[smem:$0x3FA4] =	sst s5  }
0xe: {  	[smem:$0x3FA5] =	sst s6  }
0xf: {  	[smem:$0x3FA6] =	sst s7  }
0x10: {  	[smem:$0x3FA7] =	sst s8  }
0x11: {  	[smem:$0x3FA8] =	sst s9;
	s0 =	simm.s32 @!p0 $0x0  }
0x12: {  	s1 =	sld [smem:$0x3F8E];
	s0 =	simm.s32 @p0 $0x1  }
0x13: {  	[smem:$0x3FA9] =	sst s0;
	s0 =	simm.s32 @!p1 $0x0  }
0x14: {  	s2 =	sld [smem:$0x3F8D];
	s0 =	simm.s32 @p1 $0x1  }
0x15: {  	[smem:$0x3FAA] =	sst s0;
	s0 =	simm.s32 @!p2 $0x0  }
0x16: {  	s3 =	sld [smem:$0x3FDB];
	s0 =	simm.s32 @p2 $0x1  }
0x17: {  	s4 =	simm.s32 $0x1BF5;
	[smem:$0x3FAC] =	sst s0  }
0x18: {  	s0 =	sld [smem:$0x3F8F];
	_ =	swait.ge [sflag:s4], $0x0  }
0x19: {  	s7 =	sld [smem:$0x3F90]  }
0x1a: {  	s8 =	sadd.s32 $0xFFFFE003, lr  }
0x1b: {  	s9 =	sadd.s32 $0xFFFFFEF7, lr;
	s5 =	simm.s32 $0xFFFFFFFF;
	p2 =	slt.u32 s8, $0xFFFFF086  }
0x1c: {  	p1 =	slt.u32 s9, $0xF7A;
	s5 =	simm.s32 @!p2 $0x0  }
0x1d: {  	s5 =	simm.s32 @p1 $0x1;
	p0 =	seq.s32 s7, s2  }
0x1e: {  	s7 =	smul.u32 @!p0 $0xF7A, s2;
	p2 =	seq.s32 @!p0 s5, $0x0  }
0x1f: {  	s9 =	smul.u32 $0xF7A, s1;
	s8 =	simm.s32 @!p0 $0x1BF5;
	p2 =	por !p2, p0  }
0x20: {  	[sflag:s8] =	ssyncset.s32 @!p0 $0xFFFFF086;
	s6 =	sadd.s32 @!p0 s3, s7;
	s7 =	simm.s32 @!p0 $0x108  }
0x21: {  	s3 =	sadd.s32 s3, s9;
	s6 =	sadd.s32 @!p0 $0x88, s6;
	s7 =	simm.s32 @p2 $0x1082  }
0x22: {  	[simem:s7], [sflag:s8] =	dma.local @!p0 [hbm:s6], $0xF7A  }
0x23: {  	s9 =	sor.u32 $0xD0000000, s2;
	s6 =	simm.s32 $0x108;
	_ =	swait.ge @!p0 [sflag:s8], $0x0  }
0x24: {  	s3 =	sadd.s32 $0x88, s3;
	s6 =	simm.s32 @!p1 $0x1082;
	[sflag:s4] =	ssyncset.s32 $0xFFFFF086  }
0x25: {  	[simem:s6], [sflag:s4] =	dma.local [hbm:s3], $0xF7A  }
0x26: {  	[smem:$0x3F90] =	sst s1;
	(tag) =	ssettag s2;
	_ =	strace s9  }
0x27: {  	s1 =	sld [smem:$0x3FA0]  }
0x28: {  	s2 =	sld [smem:$0x3FA1]  }
0x29: {  	s4 =	sld [smem:$0x3FA3]  }
0x2a: {  	p0 =	seq.s32 s5, $0x0;
	s5 =	sld [smem:$0x3FA4]  }
0x2b: {  	s6 =	sld [smem:$0x3FA5]  }
0x2c: {  	s7 =	sld [smem:$0x3FA6]  }
0x2d: {  	s3 =	simm.s32 $0x108;
	s8 =	sld [smem:$0x3FA7]  }
0x2e: {  	s3 =	simm.s32 @!p0 $0x1082;
	s9 =	sld [smem:$0x3FA8]  }
0x2f: {  	lr =	sadd.s32 s0, s3;
	s0 =	sld [smem:$0x3F9F]  }
0x30: {  	s3 =	sld [smem:$0x3FA2]  }
0x31: {  	[smem:$0x3FAB] =	sst s10  }
0x32: {  	s10 =	sld [smem:$0x3FA9];
	_ =	sdelay $0x3  }
0x33: {  	p0 =	seq.s32 s10, $0x1;
	s10 =	sld [smem:$0x3FAB];
	_ =	sdelay $0x3  }
0x34: {  	[smem:$0x3FAB] =	sst s10  }
0x35: {  	s10 =	sld [smem:$0x3FAA];
	_ =	sdelay $0x3  }
0x36: {  	p1 =	seq.s32 s10, $0x1;
	s10 =	sld [smem:$0x3FAB];
	_ =	sdelay $0x3  }
0x37: {  	[smem:$0x3FAB] =	sst s10  }
0x38: {  	s10 =	sld [smem:$0x3FAC]  }
0x39: {  	_ = 	snop;
	(pc) =	sbr.ind lr, $3  }
0x3a: {  	_ = 	snop  }
0x3b: {  	_ = 	snop  }
0x3c: {  	p2 =	seq.s32 s10, $0x1;
	s10 =	sld [smem:$0x3FAB]  }
0x3d: {  	_ =	shalt  }
0x3e: {  	_ =	shalt  }
0x3f: {  	_ =	shalt  }
0x40: {  	_ =	shalt  }
0x41: {  	_ =	shalt  }
0x42: {  	_ =	shalt  }
0x43: {  	_ =	shalt  }
0x44: {  	_ =	shalt  }
0x45: {  	_ =	shalt  }
0x46: {  	_ =	shalt  }
0x47: {  	_ =	shalt  }
0x48: {  	_ =	shalt  }
0x49: {  	_ =	shalt  }
0x4a: {  	_ =	shalt  }
0x4b: {  	_ =	shalt  }
0x4c: {  	_ =	shalt  }
0x4d: {  	_ =	shalt  }
0x4e: {  	_ =	shalt  }
0x4f: {  	_ =	shalt  }
0x50: {  	_ =	shalt  }
0x51: {  	_ =	shalt  }
0x52: {  	_ =	shalt  }
0x53: {  	_ =	shalt  }
0x54: {  	_ =	shalt  }
0x55: {  	_ =	shalt  }
0x56: {  	_ =	shalt  }
0x57: {  	_ =	shalt  }
0x58: {  	_ =	shalt  }
0x59: {  	_ =	shalt  }
0x5a: {  	_ =	shalt  }
0x5b: {  	_ =	shalt  }
0x5c: {  	_ =	shalt  }
0x5d: {  	_ =	shalt  }
0x5e: {  	_ =	shalt  }
0x5f: {  	_ =	shalt  }
0x60: {  	_ =	shalt  }
0x61: {  	_ =	shalt  }
0x62: {  	_ =	shalt  }
0x63: {  	_ =	shalt  }
0x64: {  	_ =	shalt  }
0x65: {  	_ =	shalt  }
0x66: {  	_ =	shalt  }
0x67: {  	_ =	shalt  }
0x68: {  	_ =	shalt  }
0x69: {  	_ =	shalt  }
0x6a: {  	_ =	shalt  }
0x6b: {  	_ =	shalt  }
0x6c: {  	_ =	shalt  }
0x6d: {  	_ =	shalt  }
0x6e: {  	_ =	shalt  }
0x6f: {  	_ =	shalt  }
0x70: {  	_ =	shalt  }
0x71: {  	_ =	shalt  }
0x72: {  	_ =	shalt  }
0x73: {  	_ =	shalt  }
0x74: {  	_ =	shalt  }
0x75: {  	_ =	shalt  }
0x76: {  	_ =	shalt  }
0x77: {  	_ =	shalt  }
0x78: {  	_ =	shalt  }
0x79: {  	_ =	shalt  }
0x7a: {  	_ =	shalt  }
0x7b: {  	_ =	shalt  }
0x7c: {  	_ =	shalt  }
0x7d: {  	_ =	shalt  }
0x7e: {  	_ =	shalt  }
0x7f: {  	_ =	shalt  }
0x80: {  	_ =	shalt  }
0x81: {  	_ =	shalt  }
0x82: {  	_ =	shalt  }
0x83: {  	_ =	shalt  }
0x84: {  	_ =	shalt  }
0x85: {  	_ =	shalt  }
0x86: {  	_ =	shalt  }
0x87: {  	_ =	shalt  }
.Lfunc_end0:
.L_simem_size_0:
called_computation_lowered:
.L_overlay_start_0:
0x88: {  	s2 =	sld [smem:$0x3FD9]  }
0x89: {  	s3 =	sld [smem:$0x3FFE];
	_ =	sdelay $0x1  }
0x8a: {  	s1 =	srdreg.scid  }
0x8b: {  	s0 =	sand.u32 $0x1, s1  }
0x8c: {  	s16 =	sshll.u32 s0, $0xA;
	s2 =	sadd.s32 s3, s2  }
0x8d: {  	s2 =	sadd.s32 s2, s16  }
0x8e: {  	[smem:$0x3FB7] =	sst s2  }
0x8f: {  	_ = 	snop  }
0x90: {  	(tm) =	ssettm $0x1  }
0x91: {  	s17 =	sld [smem:$0x3FFB];
	_ =	sdelay $0x3  }
0x92: {  	_ =	strace s17  }
0x93: {  	s2 =	sld [smem:$0x3FFC];
	_ =	sdelay $0x3  }
0x94: {  	_ =	strace s2  }
0x95: {  	s2 =	sld [smem:$0x3FFD];
	_ =	sdelay $0x3  }
0x96: {  	_ =	strace s2  }
0x97: {  	_ =	strace $0x8FFFFFFF  }
0x98: {  	s18 =	sld [smem:$0x3FDB];
	_ =	sdelay $0x1  }
0x99: {  	s19 =	simm.s32 $_scs_section_size  }
0x9a: {  	s4 =	simm.s32 $_size__tile_overlayer_lowered;
	s5 =	simm.s32 $_tile_overlayer_lowered  }
0x9b: {  	s22 =	simm.s32 $0x1BFF;
	s21 =	sshll.u32 s5, $0x1;
	s2 =	sadd.s32 s19, s18  }
0x9c: {  	s6 =	simm.s32 $0x0;
	s20 =	sshll.u32 s4, $0x1;
	s4 =	sadd.s32 s21, s2  }
0x9d: {  	[timem:s6], [sflag:s22] =	dma.local [hbm:s4], s20  }
0x9e: {  	_ =	swait.ge [sflag:s22], s20  }
0x9f: {  	s3 =	ssub.s32 $0x0, s20;
	[sflag:s22] =	ssyncset.done $0x0  }
0xa0: {  	[sflag:s22] =	ssyncadd.s32 s3;
	_ =	sdelay $0x1  }
0xa1: {  	s23 =	simm.s32 $0x1B8B  }
0xa2: {  	_ =	swait.ge [sflag:s23], $0x1  }
0xa3: {  	[sflag:s23] =	ssyncset.done $0x0  }
0xa4: {  	s25 =	simm.s32 $0x1B8E;
	s24 =	sld [smem:$0x3FFE];
	[sflag:s23] =	ssyncadd.s32 $0xFFFFFFFF  }
0xa5: {  	s26 =	simm.s32 $execute0_lowered;
	[smem:$0x3FD2] =	sst s25  }
0xa6: {  	s4 =	sshll.u32 s26, $0x1;
	_ =	strace $0x80000046;
	[dreg:$0x1] =	wrdreg $0xFFFFFFFF  }
0xa7: {  	s28 =	simm.s32 $_size_execute0_lowered;
	s2 =	sadd.s32 s2, s4;
	[dreg:$0x0] =	wrdreg $0x0  }
0xa8: {  	s4 =	sshll.u32 s28, $0x1;
	[dreg:$0x2] =	wrdreg s2  }
0xa9: {  	[dreg:$0x3] =	wrdreg s4  }
0xaa: {  	[dreg:$0x4] =	wrdreg $0xC0  }
0xab: {  	_ =	task [dreg:s6], $0x5FFFF  }
0xac: {  	[dreg:$0x1] =	wrdreg $0xFFFFFFFF  }
0xad: {  	[dreg:$0x0] =	wrdreg $0x60  }
0xae: {  	[dreg:$0x2] =	wrdreg s24  }
0xaf: {  	[dreg:$0x3] =	wrdreg $0xC3000  }
0xb0: {  	[dreg:$0x4] =	wrdreg $0x9  }
0xb1: {  	_ =	task.clear_ibuf [dreg:s6], $0x5FFFF;
	_ =	strace $0x90000046  }
0xb2: {  	s29 =	simm.s32 $0x9;
	_ =	strace $0x80000048  }
0xb3: {  	_ =	swait.ge [sflag:s29], $0x1  }
0xb4: {  	[sflag:s29] =	ssyncadd.s32 $0xFFFFFFFF  }
0xb5: {  	_ =	strace $0x90000048  }
0xb6: {  	_ =	sfence  }
0xb7: {  	s30 =	sld [smem:$0x0];
	_ =	sdelay $0x2  }
0xb8: {  	s31 =	sshll.u32 s1, $0xD;
	s1 =	sshrl.u32 s1, $0x2  }
0xb9: {  	s3 =	sand.u32 $0x4000, s31;
	s1 =	sadd.s32 s1, s30  }
0xba: {  	s0 =	sor.u32 s3, s0;
	s1 =	sshll.u32 s1, $0x11  }
0xbb: {  	s0 =	sor.u32 s1, s0  }
0xbc: {  	s0 =	sadd.s32 $0x8F2B, s0  }
0xbd: {  	[sflag:s0] =	ssyncadd.remote.s32 $0x1  }
0xbe: {  	_ =	sfence.sel $0xFFFF  }
0xbf: {  	[dreg:$0x0] =	wrdreg $0xFFFFFFFF;
	(pc) =	sbr.abs _section_cstart, $3  }
0xc0: {  	[dreg:$0x1] =	wrdreg $0xFFFFFFFF  }
0xc1: {  	_ =	task.clear_ibuf [dreg:s6], $0x2FFFF;
	_ =	strace $0x9FFFFFFF  }
0xc2: {  	(tm) =	ssettm $0x7FFFFFFF  }
0xc3: {  	_ =	shalt  }
tec
execute0_lowered:
.L_overlay_start_1:
0x0: {  	(tag) =	ssettag $0x1  }
0x1: {  	s0 =	rddreg [dreg:$0x0]  }
0x2: {  	s1 =	rddreg [dreg:$0x1]  }
0x3: {  	s2 =	simm.s32 $0x0;
	s3 =	srdreg.scid;
	s15 =	stileid.u32  }
0x4: {  	s28 =	simm.s32 $0x4;
	[smem:$0x7FF] =	sst s2;
	s4 =	sadd.s32 $0xD800, s0  }
0x5: {  	s5 =	sadd.s32 $0x3A00, s0;
	s3 =	sand.u32 $0x1, s3;
	s8 =	smul.u32 $0x4E000, s15  }
0x6: {  	s6 =	sadd.s32 $0x17600, s0;
	s7 =	sadd.s32 $0x3E800, s0;
	s0 =	sadd.s32 $0x65A00, s0  }
0x7: {  	s22 =	smul.u32 $0x2700, s15;
	p0 =	seq.s32 s15, $0xF;
	s8 =	sshrl.u32 s8, $0x2  }
0x8: {  	p1 =	sgt.u32 s15, $0x3;
	_ =	strace $0x80000047;
	s8 =	sadd.s32 s8, s1  }
0x9: {  	s9 =	ssub.s32 $0x2, s3;
	s20 =	smul.u32 $0x27100, s3;
	s12 =	sadd.s32 $0x2000, s8  }
0xa: {  	s10 =	sshrl.u32 s9, $0x1;
	s17 =	sadd.s32 $0x4000, s8;
	[dreg:$0x3] =	wrdreg s12  }
0xb: {  	s9 =	ssub.s32 s9, s10;
	s18 =	sadd.s32 $0x6000, s8;
	[dreg:$0x4] =	wrdreg s17  }
0xc: {  	s10 =	sshll.u32 s15, $0x1;
	s19 =	sadd.s32 $0x8000, s8;
	[dreg:$0x5] =	wrdreg s18  }
0xd: {  	s15 =	simm.s32 $0x1;
	s13 =	sadd.s32 $0xA000, s8;
	[dreg:$0x6] =	wrdreg s19  }
0xe: {  	s11 =	sor.u32 s3, s10;
	s21 =	sadd.s32 $0xC000, s8;
	[dreg:$0x7] =	wrdreg s13  }
0xf: {  	s14 =	sadd.s32 $0xE000, s8;
	s3 =	smul.u32 $0x138800, s3;
	[dreg:$0x8] =	wrdreg s21  }
0x10: {  	s16 =	sadd.s32 $0x10000, s8;
	[dreg:$0x9] =	wrdreg s14;
	s23 =	sshll.u32 s11, $0x3  }
0x11: {  	[dreg:$0xa] =	wrdreg s16;
	s12 =	sadd.s32 s22, s20;
	s14 =	sadd.s32 $0x12000, s8  }
0x12: {  	s22 =	ssub.s32 $0x1388, s10;
	s16 =	sadd.s32 $0x124800, s1;
	[dreg:$0x11] =	wrdreg s14  }
0x13: {  	s17 =	sadd.s32 $0x126800, s1;
	s18 =	sadd.s32 $0x128800, s1;
	[dreg:$0x12] =	wrdreg s16  }
0x14: {  	s29 =	sor.u32 $0x40, s11;
	s30 =	sor.u32 $0x60, s11;
	[dreg:$0x13] =	wrdreg s17  }
0x15: {  	s19 =	sadd.s32 $0x12A800, s1;
	s20 =	sadd.s32 $0x12C800, s1;
	[dreg:$0x14] =	wrdreg s18  }
0x16: {  	s21 =	smax.u32 s9, $0x1;
	s24 =	sadd.s32 s4, s23;
	[dreg:$0x15] =	wrdreg s19  }
0x17: {  	s25 =	sadd.s32 s5, s23;
	s26 =	sor.u32 $0x100, s23;
	[dreg:$0x16] =	wrdreg s20  }
0x18: {  	s3 =	sshrl.u32 s3, $0x3;
	[dreg:$0x17] =	wrdreg s21;
	s23 =	sadd.s32 $0x12E800, s1  }
0x19: {  	s14 =	simm.s32 $0x180;
	s16 =	simm.s32 $0x40;
	[dreg:$0xb] =	wrdreg s24  }
0x1a: {  	s17 =	simm.s32 $0x300;
	s18 =	simm.s32 $0x4300;
	[dreg:$0xc] =	wrdreg s25  }
0x1b: {  	s3 =	sadd.s32 s0, s3;
	s0 =	sadd.s32 s0, s12;
	[dreg:$0x18] =	wrdreg s23  }
0x1c: {  	s20 =	simm.s32 $0x3;
	s31 =	sadd.s32 s4, s26;
	[dreg:$0xd] =	wrdreg s0  }
0x1d: {  	s21 =	simm.s32 $0x2;
	s12 =	sadd.s32 s5, s26;
	[dreg:$0xe] =	wrdreg s31  }
0x1e: {  	s24 =	sadd.s32 $0x130800, s1;
	s25 =	sadd.s32 $0x132800, s1;
	[dreg:$0xf] =	wrdreg s12  }
.Ltmp0:
0x1f: {  	s26 =	sadd.s32 $0x134800, s1;
	[dreg:$0x19] =	wrdreg s24;
	(pc) =	sbr.rel .LBB2_1-.Ltmp0, $4  }
0x20: {  	s23 =	simm.s32 $0x0;
	s13 =	sadd.s32 $0x24900, s3;
	[dreg:$0x1a] =	wrdreg s25  }
0x21: {  	[dreg:$0x1b] =	wrdreg s26;
	s31 =	sadd.s32 $0x136800, s1;
	s12 =	simm.s32 $0x100  }
0x22: {  	s24 =	simm.s32 $0x2300;
	s26 =	simm.s32 $0x6300;
	[dreg:$0x10] =	wrdreg s13  }
0x23: {  	v0 =	vimm.f32 $0.0e+00;
	s0 =	simm.s32 $0x7;
	[dreg:$0x1c] =	wrdreg s31;
	s13 =	simm.s32 $0x80  }
.LBB2_15:
0x24: {  	s3 =	rddreg [dreg:$0x12]  }
0x25: {  	s9 =	rddreg [dreg:$0x10];
	s10 =	simm.s32 $0x1FC7;
	s3 =	sshrl.u32 s3, $0x3  }
0x26: {  	[hbm:s9], [sflag:s10] =	dma.local [spmem:s3], $0x2800  }
0x27: {  	_ =	swait.ge [sflag:s0], $0x2800  }
0x28: {  	[sflag:s0] =	ssyncset.done $0x0  }
0x29: {  	[sflag:s0] =	ssyncadd.s32 $0xFFFFD800  }
.LBB2_16:
0x2a: {  	s23 =	sadd.s32 $0x1, s23;
	s3 =	rddreg [dreg:$0x17]  }
0x2b: {  	p2 =	sne.s32 s23, s3  }
.Ltmp1:
0x2c: {  	_ = 	snop;
	(pc) =	sbr.rel @!p2 .LBB2_17-.Ltmp1, $1  }
0x2d: {  	_ =	sdelay $0x3  }
.LBB2_1:
0x2e: {  	s3 =	simm.s32 $0x0;
	s9 =	simm.s32 $0x200  }
.LBB2_2:
0x2f: {  	p2 =	sne.s32 s9, $0x7E00;
	[tilespmem:s3+$0x8370] =	vst v0  }
0x30: {  	[tilespmem:s3+$0x8300] =	vst v0  }
0x31: {  	[tilespmem:s3+$0x8310] =	vst v0  }
.Ltmp2:
0x32: {  	[tilespmem:s3+$0x8320] =	vst v0;
	(pc) =	sbr.rel @p2 .LBB2_2-.Ltmp2, $4  }
0x33: {  	[tilespmem:s3+$0x8330] =	vst v0  }
0x34: {  	[tilespmem:s3+$0x8340] =	vst v0  }
0x35: {  	[tilespmem:s3+$0x8350] =	vst v0  }
0x36: {  	[tilespmem:s3+$0x8360] =	vst v0;
	s3 =	sshra.s32 s9, $0x2;
	s9 =	sadd.s32 $0x200, s9  }
0x37: {  	[tilespmem:s3+$0x8370] =	vst v0  }
0x38: {  	[tilespmem:s3+$0x8300] =	vst v0  }
0x39: {  	[tilespmem:s3+$0x8310] =	vst v0  }
0x3a: {  	[tilespmem:s3+$0x8320] =	vst v0  }
0x3b: {  	[tilespmem:s3+$0x8330] =	vst v0  }
0x3c: {  	[tilespmem:s3+$0x8340] =	vst v0  }
0x3d: {  	[tilespmem:s3+$0x8350] =	vst v0  }
0x3e: {  	[tilespmem:s3+$0x8360] =	vst v0;
	s3 =	simm.s32 @p0 $0x8300;
	s9 =	rddreg [dreg:$0x12]  }
0x3f: {  	[spmem:s9] =	stream.linear.scatter @p0 [tilespmem:s3], [sflag:$0x7], $0x2000, $0x38;
	[tilespmem:$0x1FB80] =	vst v63  }
0x40: {  	s9 =	simm.s32 @p0 $0x7  }
0x41: {  	_ =	swait.ge @p0 [sflag:s9], $0x2000  }
0x42: {  	[sflag:s9] =	ssyncset.done @p0 $0x0  }
0x43: {  	s10 =	rddreg [dreg:$0x13];
	[sflag:s9] =	ssyncadd.s32 @p0 $0xFFFFE000  }
0x44: {  	[spmem:s10] =	stream.linear.scatter @p0 [tilespmem:s3], [sflag:$0x7], $0x2000, $0x38;
	[tilespmem:$0x1FB80] =	vst v63  }
0x45: {  	_ =	swait.ge @p0 [sflag:s9], $0x2000  }
0x46: {  	[sflag:s9] =	ssyncset.done @p0 $0x0  }
0x47: {  	s10 =	rddreg [dreg:$0x14];
	[sflag:s9] =	ssyncadd.s32 @p0 $0xFFFFE000  }
0x48: {  	[spmem:s10] =	stream.linear.scatter @p0 [tilespmem:s3], [sflag:$0x7], $0x2000, $0x38;
	[tilespmem:$0x1FB80] =	vst v63  }
0x49: {  	_ =	swait.ge @p0 [sflag:s9], $0x2000  }
0x4a: {  	[sflag:s9] =	ssyncset.done @p0 $0x0  }
0x4b: {  	s10 =	rddreg [dreg:$0x15];
	[sflag:s9] =	ssyncadd.s32 @p0 $0xFFFFE000  }
0x4c: {  	[spmem:s10] =	stream.linear.scatter @p0 [tilespmem:s3], [sflag:$0x7], $0x2000, $0x38;
	[tilespmem:$0x1FB80] =	vst v63  }
0x4d: {  	_ =	swait.ge @p0 [sflag:s9], $0x2000  }
0x4e: {  	[sflag:s9] =	ssyncset.done @p0 $0x0  }
0x4f: {  	s10 =	rddreg [dreg:$0x16];
	[sflag:s9] =	ssyncadd.s32 @p0 $0xFFFFE000  }
0x50: {  	[spmem:s10] =	stream.linear.scatter @p0 [tilespmem:s3], [sflag:$0x7], $0x2000, $0x38;
	[tilespmem:$0x1FB80] =	vst v63  }
0x51: {  	_ =	swait.ge @p0 [sflag:s9], $0x2000  }
0x52: {  	[sflag:s9] =	ssyncset.done @p0 $0x0  }
0x53: {  	s10 =	rddreg [dreg:$0x18];
	[sflag:s9] =	ssyncadd.s32 @p0 $0xFFFFE000  }
0x54: {  	[spmem:s10] =	stream.linear.scatter @p0 [tilespmem:s3], [sflag:$0x7], $0x2000, $0x38;
	[tilespmem:$0x1FB80] =	vst v63  }
0x55: {  	_ =	swait.ge @p0 [sflag:s9], $0x2000  }
0x56: {  	[sflag:s9] =	ssyncset.done @p0 $0x0  }
0x57: {  	s10 =	rddreg [dreg:$0x19];
	[sflag:s9] =	ssyncadd.s32 @p0 $0xFFFFE000  }
0x58: {  	[spmem:s10] =	stream.linear.scatter @p0 [tilespmem:s3], [sflag:$0x7], $0x2000, $0x38;
	[tilespmem:$0x1FB80] =	vst v63  }
0x59: {  	_ =	swait.ge @p0 [sflag:s9], $0x2000  }
0x5a: {  	[sflag:s9] =	ssyncset.done @p0 $0x0  }
0x5b: {  	s10 =	rddreg [dreg:$0x1a];
	[sflag:s9] =	ssyncadd.s32 @p0 $0xFFFFE000  }
0x5c: {  	[spmem:s10] =	stream.linear.scatter @p0 [tilespmem:s3], [sflag:$0x7], $0x2000, $0x38;
	[tilespmem:$0x1FB80] =	vst v63  }
0x5d: {  	_ =	swait.ge @p0 [sflag:s9], $0x2000  }
0x5e: {  	[sflag:s9] =	ssyncset.done @p0 $0x0  }
0x5f: {  	s10 =	rddreg [dreg:$0x1b];
	[sflag:s9] =	ssyncadd.s32 @p0 $0xFFFFE000  }
0x60: {  	[spmem:s10] =	stream.linear.scatter @p0 [tilespmem:s3], [sflag:$0x7], $0x2000, $0x38;
	[tilespmem:$0x1FB80] =	vst v63  }
0x61: {  	_ =	swait.ge @p0 [sflag:s9], $0x2000  }
0x62: {  	[sflag:s9] =	ssyncset.done @p0 $0x0  }
0x63: {  	s10 =	rddreg [dreg:$0x1c];
	[sflag:s9] =	ssyncadd.s32 @p0 $0xFFFFE000  }
0x64: {  	[spmem:s10] =	stream.linear.scatter @p0 [tilespmem:s3], [sflag:$0x7], $0x2000, $0x38;
	[tilespmem:$0x1FB80] =	vst v63  }
0x65: {  	_ =	swait.ge @p0 [sflag:s9], $0x2000  }
0x66: {  	[sflag:s9] =	ssyncset.done @p0 $0x0  }
0x67: {  	s3 =	simm.s32 @!p0 $0x8300;
	[sflag:s9] =	ssyncadd.s32 @p0 $0xFFFFE000;
	s9 =	simm.s32 @!p0 $0x7  }
0x68: {  	[spmem:s8] =	stream.linear.scatter @!p0 [tilespmem:s3], [sflag:$0x7], $0x2000, $0x38;
	[tilespmem:$0x1FB80] =	vst v63  }
0x69: {  	_ =	swait.ge @!p0 [sflag:s9], $0x2000  }
0x6a: {  	[sflag:s9] =	ssyncset.done @!p0 $0x0  }
0x6b: {  	s10 =	rddreg [dreg:$0x3];
	[sflag:s9] =	ssyncadd.s32 @!p0 $0xFFFFE000  }
0x6c: {  	[spmem:s10] =	stream.linear.scatter @!p0 [tilespmem:s3], [sflag:$0x7], $0x2000, $0x38;
	[tilespmem:$0x1FB80] =	vst v63  }
0x6d: {  	_ =	swait.ge @!p0 [sflag:s9], $0x2000  }
0x6e: {  	[sflag:s9] =	ssyncset.done @!p0 $0x0  }
0x6f: {  	s10 =	rddreg [dreg:$0x4];
	[sflag:s9] =	ssyncadd.s32 @!p0 $0xFFFFE000  }
0x70: {  	[spmem:s10] =	stream.linear.scatter @!p0 [tilespmem:s3], [sflag:$0x7], $0x2000, $0x38;
	[tilespmem:$0x1FB80] =	vst v63  }
0x71: {  	_ =	swait.ge @!p0 [sflag:s9], $0x2000  }
0x72: {  	[sflag:s9] =	ssyncset.done @!p0 $0x0  }
0x73: {  	s10 =	rddreg [dreg:$0x5];
	[sflag:s9] =	ssyncadd.s32 @!p0 $0xFFFFE000  }
0x74: {  	[spmem:s10] =	stream.linear.scatter @!p0 [tilespmem:s3], [sflag:$0x7], $0x2000, $0x38;
	[tilespmem:$0x1FB80] =	vst v63  }
0x75: {  	_ =	swait.ge @!p0 [sflag:s9], $0x2000  }
0x76: {  	[sflag:s9] =	ssyncset.done @!p0 $0x0  }
0x77: {  	s10 =	rddreg [dreg:$0x6];
	[sflag:s9] =	ssyncadd.s32 @!p0 $0xFFFFE000  }
0x78: {  	[spmem:s10] =	stream.linear.scatter @!p0 [tilespmem:s3], [sflag:$0x7], $0x2000, $0x38;
	[tilespmem:$0x1FB80] =	vst v63  }
0x79: {  	_ =	swait.ge @!p0 [sflag:s9], $0x2000  }
0x7a: {  	[sflag:s9] =	ssyncset.done @!p0 $0x0  }
0x7b: {  	s10 =	rddreg [dreg:$0x7];
	[sflag:s9] =	ssyncadd.s32 @!p0 $0xFFFFE000  }
0x7c: {  	[spmem:s10] =	stream.linear.scatter @!p0 [tilespmem:s3], [sflag:$0x7], $0x2000, $0x38;
	[tilespmem:$0x1FB80] =	vst v63  }
0x7d: {  	_ =	swait.ge @!p0 [sflag:s9], $0x2000  }
0x7e: {  	[sflag:s9] =	ssyncset.done @!p0 $0x0  }
0x7f: {  	s10 =	rddreg [dreg:$0x8];
	[sflag:s9] =	ssyncadd.s32 @!p0 $0xFFFFE000  }
0x80: {  	[spmem:s10] =	stream.linear.scatter @!p0 [tilespmem:s3], [sflag:$0x7], $0x2000, $0x38;
	[tilespmem:$0x1FB80] =	vst v63  }
0x81: {  	_ =	swait.ge @!p0 [sflag:s9], $0x2000  }
0x82: {  	[sflag:s9] =	ssyncset.done @!p0 $0x0  }
0x83: {  	s10 =	rddreg [dreg:$0x9];
	[sflag:s9] =	ssyncadd.s32 @!p0 $0xFFFFE000  }
0x84: {  	[spmem:s10] =	stream.linear.scatter @!p0 [tilespmem:s3], [sflag:$0x7], $0x2000, $0x38;
	[tilespmem:$0x1FB80] =	vst v63  }
0x85: {  	_ =	swait.ge @!p0 [sflag:s9], $0x2000  }
0x86: {  	[sflag:s9] =	ssyncset.done @!p0 $0x0  }
0x87: {  	s10 =	rddreg [dreg:$0xa];
	[sflag:s9] =	ssyncadd.s32 @!p0 $0xFFFFE000  }
0x88: {  	[spmem:s10] =	stream.linear.scatter @!p0 [tilespmem:s3], [sflag:$0x7], $0x2000, $0x38;
	[tilespmem:$0x1FB80] =	vst v63  }
0x89: {  	_ =	swait.ge @!p0 [sflag:s9], $0x2000  }
0x8a: {  	[sflag:s9] =	ssyncset.done @!p0 $0x0  }
0x8b: {  	s10 =	rddreg [dreg:$0x11];
	[sflag:s9] =	ssyncadd.s32 @!p0 $0xFFFFE000  }
0x8c: {  	[spmem:s10] =	stream.linear.scatter @!p0 [tilespmem:s3], [sflag:$0x7], $0x1800, $0x38;
	[tilespmem:$0x1FB80] =	vst v63  }
0x8d: {  	_ =	swait.ge @!p0 [sflag:s9], $0x1800  }
0x8e: {  	[sflag:s9] =	ssyncset.done @!p0 $0x0  }
0x8f: {  	[sflag:s9] =	ssyncadd.s32 @!p0 $0xFFFFE800  }
0x90: {  	[bflag:$0x0] =	sbarrier.arrive $0xFFFF  }
0x91: {  	s3 =	simm.s32 $0x0;
	s11 =	rddreg [dreg:$0xb]  }
0x92: {  	[tilespmem:s3], [sflag:$0x1] =	stream.linear.gather [hbm4b:s11+s3], $0x40, $0x38;
	[tilespmem:$0x1FB80] =	vst v63  }
0x93: {  	s19 =	rddreg [dreg:$0xc]  }
0x94: {  	[tilespmem:s12], [sflag:$0x1] =	stream.linear.gather [hbm4b:s19+s3], $0x40, $0x38;
	[tilespmem:$0x1FB80] =	vst v63  }
0x95: {  	s25 =	rddreg [dreg:$0xe]  }
0x96: {  	[tilespmem:s13], [sflag:$0x2] =	stream.linear.gather [hbm4b:s25+s3], $0x40, $0x38;
	[tilespmem:$0x1FB80] =	vst v63  }
0x97: {  	s31 =	rddreg [dreg:$0xf]  }
0x98: {  	[tilespmem:s14], [sflag:$0x2] =	stream.linear.gather [hbm4b:s31+s3], $0x40, $0x38;
	[tilespmem:$0x1FB80] =	vst v63  }
0x99: {  	_ =	swait.ge [sflag:s15], $0x40  }
0x9a: {  	[sflag:s15] =	ssyncset.done $0x0  }
0x9b: {  	[sflag:s15] =	ssyncadd.s32 $0xFFFFFFC0  }
0x9c: {  	_ =	swait.ge [sflag:s15], $0x40  }
0x9d: {  	[sflag:s15] =	ssyncset.done $0x0  }
0x9e: {  	[sflag:s15] =	ssyncadd.s32 $0xFFFFFFC0  }
0x9f: {  	[tilespmem:s17], [sflag:$0x3] =	stream.indirect.gather [hbm4b:s6+s16], $0x80, s3, s16, $0xb8;
	[tilespmem:$0x1FB80] =	vst v63  }
0xa0: {  	_ = 	snop  }
0xa1: {  	[tilespmem:s18], [sflag:$0x3] =	stream.indirect.gather [hbm4b:s7+s16], $0x80, s12, s16, $0xb8;
	[tilespmem:$0x1FB80] =	vst v63  }
0xa2: {  	_ =	swait.ge [sflag:s20], $0x2000  }
.Ltmp3:
0xa3: {  	[sflag:s20] =	ssyncset.done $0x0;
	(pc) =	sbr.rel .LBB2_4-.Ltmp3, $4  }
0xa4: {  	[sflag:s20] =	ssyncadd.s32 $0xFFFFE000  }
0xa5: {  	_ =	swait.ge [sflag:s20], $0x2000  }
0xa6: {  	[sflag:s20] =	ssyncset.done $0x0  }
0xa7: {  	[sflag:s20] =	ssyncadd.s32 $0xFFFFE000  }
.LBB2_10:
0xa8: {  	s3 =	sadd.s32 $0x1, s3  }
0xa9: {  	p2 =	sne.s32 s3, $0x4F  }
.Ltmp4:
0xaa: {  	_ = 	snop;
	(pc) =	sbr.rel @!p2 .LBB2_11-.Ltmp4, $1  }
0xab: {  	_ =	sdelay $0x3  }
.LBB2_4:
0xac: {  	_ =	swait.ge [sflag:s21], $0x40  }
0xad: {  	[sflag:s21] =	ssyncset.done $0x0  }
0xae: {  	[sflag:s21] =	ssyncadd.s32 $0xFFFFFFC0  }
0xaf: {  	_ =	swait.ge [sflag:s21], $0x40  }
0xb0: {  	[sflag:s21] =	ssyncset.done $0x0  }
0xb1: {  	p2 =	seq.s32 s3, $0x0;
	[sflag:s21] =	ssyncadd.s32 $0xFFFFFFC0  }
0xb2: {  	[tilespmem:s24], [sflag:$0x4] =	stream.indirect.gather [hbm4b:s6+s16], $0x80, s13, s16, $0xb8;
	[tilespmem:$0x1FB80] =	vst v63  }
0xb3: {  	s9 =	simm.s32 @!p2 $0x5  }
0xb4: {  	[tilespmem:s26], [sflag:$0x4] =	stream.indirect.gather [hbm4b:s7+s16], $0x80, s14, s16, $0xb8;
	[tilespmem:$0x1FB80] =	vst v63  }
0xb5: {  	_ =	swait.ge @!p2 [sflag:s9], $0x2000  }
0xb6: {  	[sflag:s9] =	ssyncset.done @!p2 $0x0  }
0xb7: {  	s10 =	simm.s32 $0x0;
	[sflag:s9] =	ssyncadd.s32 @!p2 $0xFFFFE000  }
0xb8: {  	v1 =	vld [tilespmem:s10+$0x370]  }
0xb9: {  	v2 =	vld [tilespmem:s10+$0x4330];
	_ =	sdelay $0x2  }
0xba: {  	v3 =	vld [tilespmem:s10+$0x340]  }
0xbb: {  	v5 =	vld [tilespmem:s10+$0x4300]  }
0xbc: {  	v6 =	vld [tilespmem:s10+$0x350];
	v1 =	vadd.f32 v2, v1  }
0xbd: {  	v7 =	vld [tilespmem:s10+$0x4310]  }
0xbe: {  	v10 =	vmul.f32 $2.000000030e-01, v1  }
0xbf: {  	v8 =	vld [tilespmem:s10+$0x360]  }
0xc0: {  	s19 =	simm.s32 $0x80;
	v9 =	vld [tilespmem:s10+$0x4320];
	v10 =	vmax.f32 v1, v10  }
0xc1: {  	v11 =	vld [tilespmem:s19+$0x370];
	v3 =	vadd.f32 v5, v3;
	v10 =	vmul.f32 $1.442695020e+00, v10  }
0xc2: {  	v5 =	vld [tilespmem:s19+$0x4330];
	v6 =	vadd.f32 v7, v6  }
0xc3: {  	v4 =	vld [tilespmem:s10+$0x300];
	v12 =	vmul.f32 $2.000000030e-01, v3;
	(erf) = vpow2.f32 v10  }
0xc4: {  	v13 =	vld [tilespmem:s19+$0x4300];
	v7 =	vmul.f32 $2.000000030e-01, v6  }
0xc5: {  	v14 =	vld [tilespmem:s19+$0x350];
	v9 =	vadd.f32 v9, v8;
	v3 =	vmax.f32 v3, v12  }
0xc6: {  	v12 =	vld [tilespmem:s19+$0x4310];
	v6 =	vmax.f32 v6, v7;
	v3 =	vmul.f32 $1.442695020e+00, v3  }
0xc7: {  	v16 =	vmul.f32 $2.000000030e-01, v9;
	v11 =	vadd.f32 v5, v11;
	v5 =	vmul.f32 $1.442695020e+00, v6;
	v10 =	vld [tilespmem:s19+$0x340]  }
0xc8: {  	v15 =	vld [tilespmem:s10+$0x330];
	(erf) = vpow2.f32 v3  }
0xc9: {  	v2 =	vld [tilespmem:s10+$0x310];
	v3 =	vmax.f32 v9, v16;
	(erf) = vpow2.f32 v5  }
0xca: {  	v8 =	vld [tilespmem:s19+$0x4320];
	v16 =	vmul.f32 $1.442695020e+00, v3  }
0xcb: {  	v1 =	vld [tilespmem:s10+$0x320];
	v9 =	vmul.f32 $2.000000030e-01, v11  }
0xcc: {  	v7 =	vld [tilespmem:s19+$0x360];
	v13 =	vadd.f32 v13, v10;
	v10 =	vadd.f32 v12, v14;
	v12 =	vpop (erf);
	(erf) = vpow2.f32 v16  }
0xcd: {  	v6 =	vld [tilespmem:s19+$0x300]  }
0xce: {  	v5 =	vld [tilespmem:s19+$0x310];
	v9 =	vmax.f32 v11, v9;
	v17 =	vmul.f32 $2.000000030e-01, v13  }
0xcf: {  	s11 =	simm.s32 $0x100;
	v3 =	vld [tilespmem:s19+$0x320];
	v11 =	vmul.f32 $1.442695020e+00, v9;
	[tilespmem:s10+$0x8370] =	vst v12;
	v14 =	vmul.f32 v12, v15  }
0xd0: {  	s25 =	simm.s32 $0x600;
	s9 =	sshll.u32 s3, $0x1;
	v13 =	vmax.f32 v13, v17;
	v12 =	vmul.f32 $2.000000030e-01, v10;
	v9 =	vld [tilespmem:s11+$0x370]  }
.LBB2_5:
0xd1: {  	p3 =	sne.s32 s25, $0x7E00;
	v15 =	vld [tilespmem:s11+$0x4330];
	v13 =	vmul.f32 $1.442695020e+00, v13;
	v7 =	vadd.f32 v8, v7;
	(erf) = vpow2.f32 v11;
	[tilespmem:s10+$0x8330] =	vst v14;
	v8 =	vpop (erf)  }
0xd2: {  	v11 =	vld [tilespmem:s11+$0x340];
	v10 =	vmax.f32 v10, v12;
	v12 =	vmul.f32 v8, v4;
	[tilespmem:s10+$0x8340] =	vst v8;
	v8 =	vpop (erf);
	v4 =	vmov v6  }
0xd3: {  	v6 =	vld [tilespmem:s11+$0x4300];
	v17 =	vmul.f32 $1.442695020e+00, v10;
	v14 =	vmul.f32 $2.000000030e-01, v7;
	[tilespmem:s10+$0x8350] =	vst v8  }
0xd4: {  	v8 =	vmul.f32 v8, v2;
	v2 =	vmov v5;
	v16 =	vld [tilespmem:s11+$0x350];
	(erf) = vpow2.f32 v13;
	[tilespmem:s10+$0x8300] =	vst v12  }
0xd5: {  	v5 =	vld [tilespmem:s11+$0x4310];
	v7 =	vmax.f32 v7, v14;
	(erf) = vpow2.f32 v17;
	v10 =	vpop (erf)  }
0xd6: {  	v9 =	vadd.f32 v15, v9;
	v12 =	vmul.f32 $1.442695020e+00, v7;
	v13 =	vld [tilespmem:s19+$0x330];
	[tilespmem:s10+$0x8310] =	vst v8;
	v14 =	vmul.f32 v10, v1;
	v1 =	vmovc v3  }
0xd7: {  	v7 =	vld [tilespmem:s11+$0x360];
	[tilespmem:s10+$0x8360] =	vst v10  }
.Ltmp5:
0xd8: {  	v15 =	vadd.f32 v6, v11;
	v8 =	vld [tilespmem:s11+$0x4320];
	v3 =	vmul.f32 $2.000000030e-01, v9;
	(erf) = vpow2.f32 v12;
	[tilespmem:s10+$0x8320] =	vst v14;
	s10 =	smov.u32 s19;
	s19 =	smov.u32 s11;
	(pc) =	sbr.rel @p3 .LBB2_5-.Ltmp5, $4  }
0xd9: {  	v6 =	vld [tilespmem:s19+$0x300]  }
0xda: {  	v12 =	vmul.f32 $2.000000030e-01, v15;
	v10 =	vadd.f32 v5, v16;
	v5 =	vld [tilespmem:s19+$0x310];
	v9 =	vmax.f32 v9, v3;
	v16 =	vpop (erf)  }
0xdb: {  	s11 =	sshra.s32 s25, $0x2;
	v3 =	vld [tilespmem:s19+$0x320];
	v11 =	vmul.f32 $1.442695020e+00, v9;
	v14 =	vmul.f32 v16, v13;
	[tilespmem:s10+$0x8370] =	vst v16  }
0xdc: {  	s25 =	sadd.s32 $0x200, s25;
	v9 =	vld [tilespmem:s11+$0x370];
	v13 =	vmax.f32 v15, v12;
	v12 =	vmul.f32 $2.000000030e-01, v10  }
0xdd: {  	v15 =	vld [tilespmem:s11+$0x4330];
	[tilespmem:s10+$0x8330] =	vst v14;
	v41 =	vpop (erf)  }
0xde: {  	v16 =	vld [tilespmem:s11+$0x340];
	[tilespmem:s10+$0x8340] =	vst v41;
	v17 =	vpop (erf);
	v4 =	vmul.f32 v41, v4  }
0xdf: {  	v18 =	vld [tilespmem:s11+$0x4300];
	[tilespmem:s10+$0x8350] =	vst v17  }
0xe0: {  	(erf) = vpow2.f32 v11;
	v7 =	vadd.f32 v8, v7;
	v2 =	vmul.f32 v17, v2;
	v42 =	vld [tilespmem:s11+$0x350];
	[tilespmem:s10+$0x8300] =	vst v4  }
0xe1: {  	v43 =	vmul.f32 $1.442695020e+00, v13;
	v4 =	vld [tilespmem:s11+$0x4310]  }
0xe2: {  	v44 =	vmax.f32 v10, v12;
	v45 =	vld [tilespmem:s19+$0x330];
	[tilespmem:s10+$0x8310] =	vst v2;
	v2 =	vmul.f32 $2.000000030e-01, v7;
	v46 =	vpop (erf)  }
0xe3: {  	v8 =	vmul.f32 $1.442695020e+00, v44;
	(erf) = vpow2.f32 v43;
	v47 =	vld [tilespmem:s11+$0x360];
	[tilespmem:s10+$0x8360] =	vst v46  }
0xe4: {  	v2 =	vmax.f32 v7, v2;
	v49 =	vld [tilespmem:s11+$0x4320]  }
0xe5: {  	(erf) = vpow2.f32 v8;
	v48 =	vadd.f32 v15, v9;
	v2 =	vmul.f32 $1.442695020e+00, v2  }
0xe6: {  	v1 =	vmul.f32 v46, v1;
	v50 =	vadd.f32 v18, v16  }
0xe7: {  	v9 =	vmul.f32 $2.000000030e-01, v48;
	(erf) = vpow2.f32 v2;
	v2 =	vadd.f32 v4, v42  }
0xe8: {  	v52 =	vmul.f32 $2.000000030e-01, v50  }
0xe9: {  	[tilespmem:s10+$0x8320] =	vst v1;
	v51 =	vmax.f32 v48, v9;
	v54 =	vpop (erf);
	v56 =	vmul.f32 $2.000000030e-01, v2;
	v7 =	vadd.f32 v49, v47  }
0xea: {  	v1 =	vld [tilespmem:s11+$0x300];
	v4 =	vmul.f32 $1.442695020e+00, v51;
	v10 =	vmul.f32 v54, v45;
	v8 =	vmax.f32 v50, v52  }
0xeb: {  	v53 =	vld [tilespmem:s11+$0x310];
	v57 =	vmul.f32 $1.442695020e+00, v8;
	v2 =	vmax.f32 v2, v56;
	v59 =	vmul.f32 $2.000000030e-01, v7  }
0xec: {  	v55 =	vld [tilespmem:s11+$0x320];
	[tilespmem:s19+$0x8370] =	vst v54;
	v58 =	vpop (erf);
	(erf) = vpow2.f32 v4;
	v2 =	vmul.f32 $1.442695020e+00, v2  }
0xed: {  	[tilespmem:s19+$0x8330] =	vst v10;
	v6 =	vmul.f32 v58, v6;
	(erf) = vpow2.f32 v57;
	v61 =	vmax.f32 v7, v59  }
0xee: {  	[tilespmem:s19+$0x8340] =	vst v58;
	v60 =	vpop (erf);
	(erf) = vpow2.f32 v2;
	v2 =	vmul.f32 $1.442695020e+00, v61  }
0xef: {  	[tilespmem:s19+$0x8350] =	vst v60  }
0xf0: {  	[tilespmem:s19+$0x8300] =	vst v6  }
0xf1: {  	v5 =	vmul.f32 v60, v5;
	v62 =	vld [tilespmem:s11+$0x330]  }
0xf2: {  	(erf) = vpow2.f32 v2;
	v2 =	vpop (erf)  }
0xf3: {  	[tilespmem:s19+$0x8310] =	vst v5;
	v3 =	vmul.f32 v2, v3  }
0xf4: {  	[tilespmem:s19+$0x8360] =	vst v2  }
0xf5: {  	v2 =	vpop (erf);
	[tilespmem:s19+$0x8320] =	vst v3  }
0xf6: {  	v3 =	vmul.f32 v2, v62;
	[tilespmem:s11+$0x8370] =	vst v2;
	v2 =	vpop (erf)  }
0xf7: {  	v1 =	vmul.f32 v2, v1  }
0xf8: {  	[tilespmem:s11+$0x8330] =	vst v3  }
0xf9: {  	[tilespmem:s11+$0x8340] =	vst v2;
	v2 =	vpop (erf)  }
0xfa: {  	[tilespmem:s11+$0x8350] =	vst v2;
	v2 =	vmul.f32 v2, v53  }
0xfb: {  	[tilespmem:s11+$0x8300] =	vst v1;
	v1 =	vpop (erf)  }
0xfc: {  	[tilespmem:s11+$0x8310] =	vst v2;
	v2 =	vmul.f32 v1, v55  }
0xfd: {  	[tilespmem:s11+$0x8360] =	vst v1  }
0xfe: {  	[tilespmem:s11+$0x8320] =	vst v2  }
0xff: {  	v1 =	vld [tilespmem:$0x100]  }
0x100: {  	v2 =	vld [tilespmem:$0x110]  }
0x101: {  	v3 =	vld [tilespmem:$0x120]  }
0x102: {  	v63 =	vld [tilespmem:$0x130];
	_ =	sdelay $0x1  }
0x103: {  	[tilespmem:$0x200] =	vst v1  }
0x104: {  	s19 =	sshll.u32 s3, $0x6;
	[tilespmem:$0x210] =	vst v2  }
0x105: {  	p3 =	sge.u32 s19, s22;
	[tilespmem:$0x220] =	vst v3  }
0x106: {  	s10 =	simm.s32 @!p3 $0x40;
	s25 =	simm.s32 @!p3 $0x8300;
	s11 =	simm.s32 @!p3 $0x200;
	[tilespmem:$0x230] =	vst v63  }
0x107: {  	[spmem:s1] =	stream.indirect.scatter.add.f32 @!p3 [tilespmem:s25], [sflag:$0x5], $0x80, s11, s10, $0xb8;
	[tilespmem:$0x1FB80] =	vst v63  }
0x108: {  	p3 =	seq.s32 s3, $0x4E  }
0x109: {  	s10 =	sadd.s32 @!p3 s29, s19  }
0x10a: {  	s10 =	smin.u32 @!p3 s10, $0x1387  }
0x10b: {  	s10 =	sshll.u32 @!p3 s10, $0x3  }
0x10c: {  	s25 =	simm.s32 @!p3 $0x0;
	s11 =	sadd.s32 @!p3 s4, s10  }
0x10d: {  	[tilespmem:s25], [sflag:$0x1] =	stream.linear.gather @!p3 [hbm4b:s11+s25], $0x40, $0x38;
	[tilespmem:$0x1FB80] =	vst v63  }
0x10e: {  	s9 =	sor.u32 $0x1, s9;
	s10 =	sadd.s32 @!p3 s5, s10;
	s11 =	simm.s32 @!p3 $0x100  }
0x10f: {  	[tilespmem:s11], [sflag:$0x1] =	stream.linear.gather @!p3 [hbm4b:s10+s25], $0x40, $0x38;
	[tilespmem:$0x1FB80] =	vst v63  }
0x110: {  	p3 =	sgt.u32 s9, $0x9C;
	_ =	swait.ge [sflag:s28], $0x2000  }
.Ltmp6:
0x111: {  	[sflag:s28] =	ssyncset.done $0x0;
	(pc) =	sbr.rel @p3 .LBB2_10-.Ltmp6, $4  }
0x112: {  	[sflag:s28] =	ssyncadd.s32 $0xFFFFE000  }
0x113: {  	_ =	swait.ge [sflag:s28], $0x2000  }
0x114: {  	[sflag:s28] =	ssyncset.done $0x0  }
0x115: {  	[sflag:s28] =	ssyncadd.s32 $0xFFFFE000  }
0x116: {  	_ =	swait.ge [sflag:s15], $0x40  }
0x117: {  	[sflag:s15] =	ssyncset.done $0x0  }
0x118: {  	[sflag:s15] =	ssyncadd.s32 $0xFFFFFFC0  }
0x119: {  	_ =	swait.ge [sflag:s15], $0x40  }
0x11a: {  	[sflag:s15] =	ssyncset.done $0x0  }
0x11b: {  	[sflag:s15] =	ssyncadd.s32 $0xFFFFFFC0  }
0x11c: {  	[tilespmem:s17], [sflag:$0x3] =	stream.indirect.gather [hbm4b:s6+s16], $0x80, s2, s16, $0xb8;
	[tilespmem:$0x1FB80] =	vst v63  }
0x11d: {  	s10 =	simm.s32 @!p2 $0x6  }
0x11e: {  	[tilespmem:s18], [sflag:$0x3] =	stream.indirect.gather [hbm4b:s7+s16], $0x80, s12, s16, $0xb8;
	[tilespmem:$0x1FB80] =	vst v63  }
0x11f: {  	_ =	swait.ge @!p2 [sflag:s10], $0x2000  }
0x120: {  	[sflag:s10] =	ssyncset.done @!p2 $0x0  }
0x121: {  	s11 =	simm.s32 $0x0;
	[sflag:s10] =	ssyncadd.s32 @!p2 $0xFFFFE000  }
0x122: {  	v1 =	vld [tilespmem:s11+$0x2370]  }
0x123: {  	v2 =	vld [tilespmem:s11+$0x6330];
	_ =	sdelay $0x2  }
0x124: {  	v3 =	vld [tilespmem:s11+$0x2340]  }
0x125: {  	v5 =	vld [tilespmem:s11+$0x6300]  }
0x126: {  	v6 =	vld [tilespmem:s11+$0x2350];
	v1 =	vadd.f32 v2, v1  }
0x127: {  	v7 =	vld [tilespmem:s11+$0x6310]  }
0x128: {  	v10 =	vmul.f32 $2.000000030e-01, v1  }
0x129: {  	v8 =	vld [tilespmem:s11+$0x2360]  }
0x12a: {  	s10 =	simm.s32 $0x80;
	v9 =	vld [tilespmem:s11+$0x6320];
	v10 =	vmax.f32 v1, v10  }
0x12b: {  	v11 =	vld [tilespmem:s10+$0x2370];
	v3 =	vadd.f32 v5, v3;
	v10 =	vmul.f32 $1.442695020e+00, v10  }
0x12c: {  	v5 =	vld [tilespmem:s10+$0x6330];
	v6 =	vadd.f32 v7, v6  }
0x12d: {  	v4 =	vld [tilespmem:s11+$0x2300];
	v12 =	vmul.f32 $2.000000030e-01, v3;
	(erf) = vpow2.f32 v10  }
0x12e: {  	v13 =	vld [tilespmem:s10+$0x6300];
	v7 =	vmul.f32 $2.000000030e-01, v6  }
0x12f: {  	v14 =	vld [tilespmem:s10+$0x2350];
	v9 =	vadd.f32 v9, v8;
	v3 =	vmax.f32 v3, v12  }
0x130: {  	v12 =	vld [tilespmem:s10+$0x6310];
	v6 =	vmax.f32 v6, v7;
	v3 =	vmul.f32 $1.442695020e+00, v3  }
0x131: {  	v16 =	vmul.f32 $2.000000030e-01, v9;
	v11 =	vadd.f32 v5, v11;
	v5 =	vmul.f32 $1.442695020e+00, v6;
	v10 =	vld [tilespmem:s10+$0x2340]  }
0x132: {  	v15 =	vld [tilespmem:s11+$0x2330];
	(erf) = vpow2.f32 v3  }
0x133: {  	v2 =	vld [tilespmem:s11+$0x2310];
	v3 =	vmax.f32 v9, v16;
	(erf) = vpow2.f32 v5  }
0x134: {  	v8 =	vld [tilespmem:s10+$0x6320];
	v16 =	vmul.f32 $1.442695020e+00, v3  }
0x135: {  	v1 =	vld [tilespmem:s11+$0x2320];
	v9 =	vmul.f32 $2.000000030e-01, v11  }
0x136: {  	v7 =	vld [tilespmem:s10+$0x2360];
	v13 =	vadd.f32 v13, v10;
	v10 =	vadd.f32 v12, v14;
	v12 =	vpop (erf);
	(erf) = vpow2.f32 v16  }
0x137: {  	v6 =	vld [tilespmem:s10+$0x2300]  }
0x138: {  	v5 =	vld [tilespmem:s10+$0x2310];
	v9 =	vmax.f32 v11, v9;
	v17 =	vmul.f32 $2.000000030e-01, v13  }
0x139: {  	s25 =	simm.s32 $0x100;
	v3 =	vld [tilespmem:s10+$0x2320];
	v11 =	vmul.f32 $1.442695020e+00, v9;
	[tilespmem:s11+$0xA370] =	vst v12;
	v14 =	vmul.f32 v12, v15  }
0x13a: {  	s31 =	simm.s32 $0x600;
	v13 =	vmax.f32 v13, v17;
	v12 =	vmul.f32 $2.000000030e-01, v10;
	v9 =	vld [tilespmem:s25+$0x2370]  }
.LBB2_8:
0x13b: {  	p2 =	sne.s32 s31, $0x7E00;
	v15 =	vld [tilespmem:s25+$0x6330];
	v13 =	vmul.f32 $1.442695020e+00, v13;
	v7 =	vadd.f32 v8, v7;
	(erf) = vpow2.f32 v11;
	[tilespmem:s11+$0xA330] =	vst v14;
	v8 =	vpop (erf)  }
0x13c: {  	v11 =	vld [tilespmem:s25+$0x2340];
	v10 =	vmax.f32 v10, v12;
	v12 =	vmul.f32 v8, v4;
	[tilespmem:s11+$0xA340] =	vst v8;
	v8 =	vpop (erf);
	v4 =	vmov v6  }
0x13d: {  	v6 =	vld [tilespmem:s25+$0x6300];
	v17 =	vmul.f32 $1.442695020e+00, v10;
	v14 =	vmul.f32 $2.000000030e-01, v7;
	[tilespmem:s11+$0xA350] =	vst v8  }
0x13e: {  	v8 =	vmul.f32 v8, v2;
	v2 =	vmov v5;
	v16 =	vld [tilespmem:s25+$0x2350];
	(erf) = vpow2.f32 v13;
	[tilespmem:s11+$0xA300] =	vst v12  }
0x13f: {  	v5 =	vld [tilespmem:s25+$0x6310];
	v7 =	vmax.f32 v7, v14;
	(erf) = vpow2.f32 v17;
	v10 =	vpop (erf)  }
0x140: {  	v9 =	vadd.f32 v15, v9;
	v12 =	vmul.f32 $1.442695020e+00, v7;
	v13 =	vld [tilespmem:s10+$0x2330];
	[tilespmem:s11+$0xA310] =	vst v8;
	v14 =	vmul.f32 v10, v1;
	v1 =	vmovc v3  }
0x141: {  	v7 =	vld [tilespmem:s25+$0x2360];
	[tilespmem:s11+$0xA360] =	vst v10  }
.Ltmp7:
0x142: {  	v15 =	vadd.f32 v6, v11;
	v8 =	vld [tilespmem:s25+$0x6320];
	v3 =	vmul.f32 $2.000000030e-01, v9;
	(erf) = vpow2.f32 v12;
	[tilespmem:s11+$0xA320] =	vst v14;
	s11 =	smov.u32 s10;
	s10 =	smov.u32 s25;
	(pc) =	sbr.rel @p2 .LBB2_8-.Ltmp7, $4  }
0x143: {  	v6 =	vld [tilespmem:s10+$0x2300]  }
0x144: {  	v12 =	vmul.f32 $2.000000030e-01, v15;
	v10 =	vadd.f32 v5, v16;
	v5 =	vld [tilespmem:s10+$0x2310];
	v9 =	vmax.f32 v9, v3;
	v16 =	vpop (erf)  }
0x145: {  	s25 =	sshra.s32 s31, $0x2;
	v3 =	vld [tilespmem:s10+$0x2320];
	v11 =	vmul.f32 $1.442695020e+00, v9;
	v14 =	vmul.f32 v16, v13;
	[tilespmem:s11+$0xA370] =	vst v16  }
0x146: {  	s31 =	sadd.s32 $0x200, s31;
	v9 =	vld [tilespmem:s25+$0x2370];
	v13 =	vmax.f32 v15, v12;
	v12 =	vmul.f32 $2.000000030e-01, v10  }
0x147: {  	v15 =	vld [tilespmem:s25+$0x6330];
	[tilespmem:s11+$0xA330] =	vst v14;
	v41 =	vpop (erf)  }
0x148: {  	v16 =	vld [tilespmem:s25+$0x2340];
	[tilespmem:s11+$0xA340] =	vst v41;
	v17 =	vpop (erf);
	v4 =	vmul.f32 v41, v4  }
0x149: {  	v18 =	vld [tilespmem:s25+$0x6300];
	[tilespmem:s11+$0xA350] =	vst v17  }
0x14a: {  	(erf) = vpow2.f32 v11;
	v7 =	vadd.f32 v8, v7;
	v2 =	vmul.f32 v17, v2;
	v42 =	vld [tilespmem:s25+$0x2350];
	[tilespmem:s11+$0xA300] =	vst v4  }
0x14b: {  	v43 =	vmul.f32 $1.442695020e+00, v13;
	v4 =	vld [tilespmem:s25+$0x6310]  }
0x14c: {  	v44 =	vmax.f32 v10, v12;
	v45 =	vld [tilespmem:s10+$0x2330];
	[tilespmem:s11+$0xA310] =	vst v2;
	v2 =	vmul.f32 $2.000000030e-01, v7;
	v46 =	vpop (erf)  }
0x14d: {  	v8 =	vmul.f32 $1.442695020e+00, v44;
	(erf) = vpow2.f32 v43;
	v47 =	vld [tilespmem:s25+$0x2360];
	[tilespmem:s11+$0xA360] =	vst v46  }
0x14e: {  	v2 =	vmax.f32 v7, v2;
	v49 =	vld [tilespmem:s25+$0x6320]  }
0x14f: {  	(erf) = vpow2.f32 v8;
	v48 =	vadd.f32 v15, v9;
	v2 =	vmul.f32 $1.442695020e+00, v2  }
0x150: {  	v1 =	vmul.f32 v46, v1;
	v50 =	vadd.f32 v18, v16  }
0x151: {  	v9 =	vmul.f32 $2.000000030e-01, v48;
	(erf) = vpow2.f32 v2;
	v2 =	vadd.f32 v4, v42  }
0x152: {  	v52 =	vmul.f32 $2.000000030e-01, v50  }
0x153: {  	[tilespmem:s11+$0xA320] =	vst v1;
	v51 =	vmax.f32 v48, v9;
	v54 =	vpop (erf);
	v56 =	vmul.f32 $2.000000030e-01, v2;
	v7 =	vadd.f32 v49, v47  }
0x154: {  	v1 =	vld [tilespmem:s25+$0x2300];
	v4 =	vmul.f32 $1.442695020e+00, v51;
	v10 =	vmul.f32 v54, v45;
	v8 =	vmax.f32 v50, v52  }
0x155: {  	v53 =	vld [tilespmem:s25+$0x2310];
	v57 =	vmul.f32 $1.442695020e+00, v8;
	v2 =	vmax.f32 v2, v56;
	v59 =	vmul.f32 $2.000000030e-01, v7  }
0x156: {  	v55 =	vld [tilespmem:s25+$0x2320];
	[tilespmem:s10+$0xA370] =	vst v54;
	v58 =	vpop (erf);
	(erf) = vpow2.f32 v4;
	v2 =	vmul.f32 $1.442695020e+00, v2  }
0x157: {  	[tilespmem:s10+$0xA330] =	vst v10;
	v6 =	vmul.f32 v58, v6;
	(erf) = vpow2.f32 v57;
	v61 =	vmax.f32 v7, v59  }
0x158: {  	[tilespmem:s10+$0xA340] =	vst v58;
	v60 =	vpop (erf);
	(erf) = vpow2.f32 v2;
	v2 =	vmul.f32 $1.442695020e+00, v61  }
0x159: {  	[tilespmem:s10+$0xA350] =	vst v60  }
0x15a: {  	[tilespmem:s10+$0xA300] =	vst v6  }
0x15b: {  	v5 =	vmul.f32 v60, v5;
	v62 =	vld [tilespmem:s25+$0x2330]  }
0x15c: {  	(erf) = vpow2.f32 v2;
	v2 =	vpop (erf)  }
0x15d: {  	[tilespmem:s10+$0xA310] =	vst v5;
	v3 =	vmul.f32 v2, v3  }
0x15e: {  	[tilespmem:s10+$0xA360] =	vst v2  }
0x15f: {  	v2 =	vpop (erf);
	[tilespmem:s10+$0xA320] =	vst v3  }
0x160: {  	v3 =	vmul.f32 v2, v62;
	[tilespmem:s25+$0xA370] =	vst v2;
	v2 =	vpop (erf)  }
0x161: {  	v1 =	vmul.f32 v2, v1  }
0x162: {  	[tilespmem:s25+$0xA330] =	vst v3  }
0x163: {  	[tilespmem:s25+$0xA340] =	vst v2;
	v2 =	vpop (erf)  }
0x164: {  	[tilespmem:s25+$0xA350] =	vst v2;
	v2 =	vmul.f32 v2, v53  }
0x165: {  	[tilespmem:s25+$0xA300] =	vst v1;
	v1 =	vpop (erf)  }
0x166: {  	[tilespmem:s25+$0xA310] =	vst v2;
	v2 =	vmul.f32 v1, v55  }
0x167: {  	[tilespmem:s25+$0xA360] =	vst v1  }
0x168: {  	[tilespmem:s25+$0xA320] =	vst v2  }
0x169: {  	v1 =	vld [tilespmem:$0x180]  }
0x16a: {  	v2 =	vld [tilespmem:$0x190]  }
0x16b: {  	v3 =	vld [tilespmem:$0x1A0]  }
0x16c: {  	v63 =	vld [tilespmem:$0x1B0];
	_ =	sdelay $0x1  }
0x16d: {  	s9 =	sshll.u32 s9, $0x5;
	[tilespmem:$0x280] =	vst v1  }
0x16e: {  	p2 =	sge.u32 s9, s22;
	[tilespmem:$0x290] =	vst v2  }
0x16f: {  	s9 =	simm.s32 @!p2 $0x40;
	[tilespmem:$0x2A0] =	vst v3  }
0x170: {  	s11 =	simm.s32 @!p2 $0xA300;
	s10 =	simm.s32 @!p2 $0x280;
	s25 =	sadd.s32 s30, s19;
	[tilespmem:$0x2B0] =	vst v63  }
0x171: {  	[spmem:s1] =	stream.indirect.scatter.add.f32 @!p2 [tilespmem:s11], [sflag:$0x6], $0x80, s10, s9, $0xb8;
	[tilespmem:$0x1FB80] =	vst v63  }
0x172: {  	s9 =	smin.u32 s25, $0x1387  }
0x173: {  	s9 =	sshll.u32 s9, $0x3  }
0x174: {  	s31 =	sadd.s32 s4, s9  }
0x175: {  	[tilespmem:s13], [sflag:$0x2] =	stream.linear.gather [hbm4b:s31+s2], $0x40, $0x38;
	[tilespmem:$0x1FB80] =	vst v63  }
0x176: {  	s9 =	sadd.s32 s5, s9  }
0x177: {  	[tilespmem:s14], [sflag:$0x2] =	stream.linear.gather [hbm4b:s9+s2], $0x40, $0x38;
	[tilespmem:$0x1FB80] =	vst v63  }
0x178: {  	_ =	swait.ge [sflag:s20], $0x2000  }
.Ltmp8:
0x179: {  	[sflag:s20] =	ssyncset.done $0x0;
	(pc) =	sbr.rel .LBB2_10-.Ltmp8, $4  }
0x17a: {  	[sflag:s20] =	ssyncadd.s32 $0xFFFFE000  }
0x17b: {  	_ =	swait.ge [sflag:s20], $0x2000  }
0x17c: {  	[sflag:s20] =	ssyncset.done $0x0  }
0x17d: {  	[sflag:s20] =	ssyncadd.s32 $0xFFFFE000  }
.LBB2_11:
.Ltmp9:
0x17e: {  	(pc) =	sbr.rel @p1 .LBB2_13-.Ltmp9, $4  }
0x17f: {  	s3 =	simm.s32 $0x6  }
0x180: {  	_ =	swait.ge [sflag:s3], $0x2000  }
0x181: {  	[sflag:s3] =	ssyncset.done $0x0  }
0x182: {  	[sflag:s3] =	ssyncadd.s32 $0xFFFFE000  }
0x183: {  	s3 =	simm.s32 $0x5  }
.Ltmp10:
0x184: {  	_ =	swait.ge [sflag:s3], $0x2000;
	(pc) =	sbr.rel .LBB2_14-.Ltmp10, $3  }
0x185: {  	[sflag:s3] =	ssyncset.done $0x0  }
0x186: {  	[sflag:s3] =	ssyncadd.s32 $0xFFFFE000  }
0x187: {  	[bflag:$0x0] =	sbarrier.arrive $0xFFFF;
	_ =	sdelay $0x1  }
.LBB2_13:
.Ltmp11:
0x188: {  	(pc) =	sbr.rel @p0 .LBB2_15-.Ltmp11, $2  }
0x189: {  	_ =	sdelay $0x1  }
0x18a: {  	[bflag:$0x0] =	sbarrier.arrive $0xFFFF;
	_ =	sdelay $0x1  }
.LBB2_14:
0x18b: {  	s3 =	stileid.u32  }
0x18c: {  	s9 =	sshrl.u32 s8, $0x3;
	s3 =	sshll.u32 s3, $0x6  }
.Ltmp12:
0x18d: {  	s10 =	rddreg [dreg:$0xd];
	s3 =	sor.u32 $0x1C07, s3;
	(pc) =	sbr.rel .LBB2_16-.Ltmp12, $4  }
0x18e: {  	[hbm:s10], [sflag:s3] =	dma.local [spmem:s9], $0x2700  }
0x18f: {  	_ =	swait.ge [sflag:s0], $0x2700  }
0x190: {  	[sflag:s0] =	ssyncset.done $0x0  }
0x191: {  	[sflag:s0] =	ssyncadd.s32 $0xFFFFD900  }
.LBB2_17:
0x192: {  	_ =	sfence.sel $0x180000  }
0x193: {  	[bflag:$0x0] =	sbarrier.arrive $0xFFFF  }
0x194: {  	_ =	strace $0x90000047  }
0x195: {  	s0 =	stileid.u32;
	[bflag:$0x2] =	sbarrier.arrive $0xFFFF  }
0x196: {  	p0 =	sne.s32 s0, $0x0;
	s0 =	rddreg [dreg:$0x2]  }
0x197: {  	s0 =	sadd.s32 @!p0 $0x100000, s0  }
0x198: {  	[sflag:s0] =	ssyncadd.tile.s32 @!p0 $0x1;
	_ =	shalt  }
.Lfunc_end2:
_tile_overlayer_lowered:
.L_overlay_start_2:
0x199: {  	(tag) =	ssettag $0x2  }
0x19a: {  	s0 =	rddreg [dreg:$0x0];
	s2 =	stileid.u32  }
0x19b: {  	s1 =	rddreg [dreg:$0x1];
	p0 =	sne.s32 s2, $0x0  }
0x19c: {  	s3 =	rddreg [dreg:$0x2];
	[bflag:$0x3] =	sbarrier.arrive $0xFFFF;
	s2 =	simm.s32 @!p0 $0x1C07  }
0x19d: {  	[timem:s3], [sflag:s2] =	dma.local @!p0 [hbm:s0], s1  }
0x19e: {  	s0 =	simm.s32 @!p0 $0x7  }
0x19f: {  	_ =	swait.ge @!p0 [sflag:s0], s1  }
0x1a0: {  	s1 =	ssub.s32 @!p0 $0x0, s1;
	[sflag:s0] =	ssyncset.done @!p0 $0x0  }
0x1a1: {  	[sflag:s0] =	ssyncadd.s32 @!p0 s1  }
0x1a2: {  	[bflag:$0x3] =	sbarrier.arrive $0xFFFF  }
0x1a3: {  	_ =	shalt  }

</sc_bundles>
